<compile_context>
chip_gen: v7x
topology: tpu7x:2x2x1
jax: 0.10.2.dev20260603
libtpu: 0.0.44.dev20260713+nightly
codegen_flags: <defaults>
</compile_context>

<pallas_src>
import functools

import jax
import jax.numpy as jnp
from jax import lax
from jax.experimental import pallas as pl
from jax.experimental.pallas import tpu as pltpu
from jax.experimental.pallas import tpu_sc as plsc

K_NN = 12
S_PTS = 32
_EPS = 1e-5
_BIG = 3.4e38

_SC_CORES = 2
_SC_SUBCORES = 16
_SC_WORKERS = _SC_CORES * _SC_SUBCORES


def _fps_knn_body(n, bsz, xyzt_ref, xyzs_ref, idx_ref, d3_ref):
    ns = n // 128
    q_cloud = S_PTS * bsz
    q_tot = 2 * q_cloud

    xt, yt, zt = xyzt_ref[0], xyzt_ref[1], xyzt_ref[2]
    xs, ys, zs = xyzs_ref[0], xyzs_ref[1], xyzs_ref[2]

    si = lax.broadcasted_iota(jnp.int32, (bsz, ns, 128), 1)
    li = lax.broadcasted_iota(jnp.int32, (bsz, ns, 128), 2)
    fi = si * 128 + li

    def red2(a, op):
        return op(op(a, axis=2, keepdims=True), axis=1, keepdims=True)

    dist = jnp.full((bsz, ns, 128), 1e10, dtype=jnp.float32)
    far = jnp.zeros((bsz, 1, 1), dtype=jnp.int32)
    centroids = []
    for qi in range(S_PTS):
        oh = fi == far
        cx = red2(jnp.where(oh, xt, 0.0), jnp.sum)
        cy = red2(jnp.where(oh, yt, 0.0), jnp.sum)
        cz = red2(jnp.where(oh, zt, 0.0), jnp.sum)
        centroids.append((cx, cy, cz))
        dx, dy, dz = xt - cx, yt - cy, zt - cz
        d = dx * dx + dy * dy + dz * dz
        d3_ref[0, qi * bsz : (qi + 1) * bsz] = d
        dist = jnp.minimum(dist, d)
        m = red2(dist, jnp.max)
        far = red2(jnp.where(dist == m, fi, n), jnp.min)

    for qi, (cx, cy, cz) in enumerate(centroids):
        dx, dy, dz = xs - cx, ys - cy, zs - cz
        d3_ref[1, qi * bsz : (qi + 1) * bsz] = dx * dx + dy * dy + dz * dz

    li2 = lax.broadcasted_iota(jnp.int32, (q_tot, 128), 1)
    si2 = lax.broadcasted_iota(jnp.int32, (q_tot, ns), 1)

    cm = jnp.concatenate(
        [jnp.min(d3_ref[0], axis=1), jnp.min(d3_ref[1], axis=1)], axis=0)
    cnt = jnp.zeros((q_tot, 128), dtype=jnp.int32)
    cols = []
    for _ in range(K_NN):
        m = jnp.min(cm, axis=1, keepdims=True)
        lane = jnp.min(jnp.where(cm == m, li2, 128), axis=1, keepdims=True)
        oh2 = li2 == lane
        col = jnp.concatenate([
            jnp.min(jnp.where(
                oh2[c * q_cloud : (c + 1) * q_cloud][:, None, :],
                d3_ref[c], _BIG), axis=2)
            for c in range(2)], axis=0)
        csel = jnp.sum(jnp.where(li2 == lane, cnt, 0), axis=1, keepdims=True)
        less = jnp.sum((col < m).astype(jnp.int32), axis=1, keepdims=True)
        e1 = csel - less + 1
        elig = col == m
        cs = elig.astype(jnp.int32)
        sh = 1
        while sh < ns:
            cs = cs + jnp.concatenate(
                [jnp.zeros((q_tot, sh), jnp.int32), cs[:, : ns - sh]], axis=1)
            sh *= 2
        sstar = jnp.min(jnp.where(elig & (cs == e1), si2, ns),
                        axis=1, keepdims=True)
        cols.append(sstar * 128 + lane)
        total = jnp.sum(elig.astype(jnp.int32), axis=1, keepdims=True)
        m1 = jnp.min(jnp.where(col > m, col, _BIG), axis=1, keepdims=True)
        newmin = jnp.where(total - e1 > 0, m, m1)
        cm = jnp.where(li2 == lane, newmin, cm)
        cnt = jnp.where(li2 == lane, cnt + 1, cnt)

    idx = jnp.concatenate(cols, axis=1)
    ri = lax.broadcasted_iota(jnp.int32, (q_tot, K_NN), 0)
    idx_ref[...] = idx + (ri % bsz) * n


def _fps_knn(xyzt4, xyzs4):
    _, bsz, ns, _ = xyzt4.shape
    n = ns * 128
    q_tot = 2 * S_PTS * bsz
    return pl.pallas_call(
        functools.partial(_fps_knn_body, n, bsz),
        out_shape=jax.ShapeDtypeStruct((q_tot, K_NN), jnp.int32),
        scratch_shapes=[pltpu.VMEM((2, S_PTS * bsz, ns, 128), jnp.float32)],
    )(xyzt4, xyzs4)


def _gather_rows(tbl_s, flat_s, tbl_t, flat_t):
    n_rows = flat_s.shape[0]
    per = n_rows // _SC_WORKERS
    cs = tbl_s.shape[1]
    ct = tbl_t.shape[1]
    mesh = plsc.VectorSubcoreMesh(
        core_axis_name="c",
        subcore_axis_name="s",
        num_cores=_SC_CORES,
        num_subcores=_SC_SUBCORES,
    )

    @functools.partial(
        pl.kernel,
        mesh=mesh,
        out_type=[
            jax.ShapeDtypeStruct((n_rows, cs), jnp.float32),
            jax.ShapeDtypeStruct((n_rows, ct), jnp.float32),
        ],
        scratch_types=[
            pltpu.VMEM((per,), jnp.int32),
            pltpu.VMEM((per, cs), jnp.float32),
            pltpu.VMEM((per,), jnp.int32),
            pltpu.VMEM((per, ct), jnp.float32),
            pltpu.SemaphoreType.DMA,
            pltpu.SemaphoreType.DMA,
        ],
    )
    def gather_k(tbls, idxs, tblt, idxt, out_s, out_t,
                 idxv_s, rows_s, idxv_t, rows_t, sem_s, sem_t):
        wid = lax.axis_index("s") * _SC_CORES + lax.axis_index("c")
        base = wid * per
        pltpu.sync_copy(idxs.at[pl.ds(base, per)], idxv_s)
        pltpu.sync_copy(idxt.at[pl.ds(base, per)], idxv_t)
        cp_s = pltpu.async_copy(tbls.at[idxv_s], rows_s, sem_s)
        cp_t = pltpu.async_copy(tblt.at[idxv_t], rows_t, sem_t)
        cp_s.wait()
        pltpu.sync_copy(rows_s, out_s.at[pl.ds(base, per)])
        cp_t.wait()
        pltpu.sync_copy(rows_t, out_t.at[pl.ds(base, per)])

    return gather_k(tbl_s, flat_s, tbl_t, flat_t)


def _dense_body(gs_ref, gt_ref, ws_ref, wt_ref, ps_ref, pt_ref,
                outs_ref, outt_ref):
    def branch(g, w, p, out_ref):
        y = lax.dot_general(g.astype(jnp.bfloat16), w.astype(jnp.bfloat16),
                            (((1,), (1,)), ((), ())),
                            preferred_element_type=jnp.float32)
        y = y + p[0:1, :]
        mean = jnp.mean(y, axis=0, keepdims=True)
        c = y - mean
        var = jnp.mean(c * c, axis=0, keepdims=True)
        z = p[1:2, :] * (c / jnp.sqrt(var + _EPS)) + p[2:3, :]
        z = jnp.maximum(z, 0.0)
        nrow = out_ref.shape[0]
        acc = z[0:nrow, :]
        for k in range(1, K_NN):
            acc = jnp.maximum(acc, z[k * nrow : (k + 1) * nrow, :])
        out_ref[...] = acc

    branch(gs_ref[...], ws_ref[...], ps_ref[...], outs_ref)
    branch(gt_ref[...], wt_ref[...], pt_ref[...], outt_ref)


def _dense(g_s, g_t, Ws, Wt, ps, pt, n_groups):
    n_rows, cs = g_s.shape
    ct = g_t.shape[1]
    o = Ws.shape[0]
    ch = 256
    grid = o // ch
    return pl.pallas_call(
        _dense_body,
        grid=(grid,),
        in_specs=[
            pl.BlockSpec((n_rows, cs), lambda j: (0, 0)),
            pl.BlockSpec((n_rows, ct), lambda j: (0, 0)),
            pl.BlockSpec((ch, cs), lambda j: (j, 0)),
            pl.BlockSpec((ch, ct), lambda j: (j, 0)),
            pl.BlockSpec((3, ch), lambda j: (0, j)),
            pl.BlockSpec((3, ch), lambda j: (0, j)),
        ],
        out_specs=[
            pl.BlockSpec((n_groups, ch), lambda j: (0, j)),
            pl.BlockSpec((n_groups, ch), lambda j: (0, j)),
        ],
        out_shape=[
            jax.ShapeDtypeStruct((n_groups, o), jnp.float32),
            jax.ShapeDtypeStruct((n_groups, o), jnp.float32),
        ],
    )(g_s, g_t, Ws, Wt, ps, pt)


def kernel(feature_s, xyz_s, feature_t, xyz_t,
           Ws, bs, gamma_s, beta_s, Wt, bt, gamma_t, beta_t):
    bsz, n, cs = feature_s.shape
    ct = feature_t.shape[2]
    o = Ws.shape[0]

    xyzt4 = jnp.transpose(xyz_t, (2, 0, 1)).reshape(3, bsz, n // 128, 128)
    xyzs4 = jnp.transpose(xyz_s, (2, 0, 1)).reshape(3, bsz, n // 128, 128)
    idx = _fps_knn(xyzt4, xyzs4)

    idxc = idx.reshape(2, S_PTS, bsz, K_NN)
    perm = jnp.transpose(idxc, (0, 3, 2, 1))
    flat_t = perm[0].reshape(-1)
    flat_s = perm[1].reshape(-1)

    g_s, g_t = _gather_rows(
        feature_s.reshape(bsz * n, cs), flat_s,
        feature_t.reshape(bsz * n, ct), flat_t,
    )

    ps = jnp.stack([bs, gamma_s, beta_s])
    pt = jnp.stack([bt, gamma_t, beta_t])
    n_groups = bsz * S_PTS
    out_s, out_t = _dense(g_s, g_t, Ws, Wt, ps, pt, n_groups)
    return (out_s.reshape(bsz, S_PTS, o), out_t.reshape(bsz, S_PTS, o))

# --- scband reference (transcript-rebuilt; emitter-appended) ---
"""Pipeline reference for scband-relation-cos-11364483465329 (READ-ONLY COPY).

The authoritative reference and input builder live on the scoring server;
editing this copy changes nothing except your own understanding.
"""

import jax, jax.numpy as jnp
import numpy as np

K_NN = 12
SAMPLE_POINT = 32


def index_points(points, idx):
    # points: [B, N, C], idx: [B, ...] -> [B, ..., C]
    B = points.shape[0]
    batch = jnp.arange(B).reshape((B,) + (1,) * (idx.ndim - 1))
    return points[batch, idx]


def furthest_point_sample(xyz, npoint):
    # xyz: [B, N, 3] -> idx [B, npoint]
    B, N, _ = xyz.shape
    dist = jnp.full((B, N), 1e10, dtype=xyz.dtype)
    farthest = jnp.zeros((B,), dtype=jnp.int32)
    batch = jnp.arange(B)
    idxs = []
    for _ in range(npoint):
        idxs.append(farthest)
        centroid = xyz[batch, farthest]  # [B, 3]
        d = jnp.sum((xyz - centroid[:, None, :]) ** 2, axis=-1)
        dist = jnp.minimum(dist, d)
        farthest = jnp.argmax(dist, axis=-1).astype(jnp.int32)
    return jnp.stack(idxs, axis=1)


def knn_point(k, xyz, new_xyz):
    # xyz: [B, N, 3], new_xyz: [B, S, 3] -> idx [B, S, k] (k nearest)
    sqrdists = jnp.sum((new_xyz[:, :, None, :] - xyz[:, None, :, :]) ** 2, axis=-1)
    _, idx = jax.lax.top_k(-sqrdists, k)
    return idx


def conv_bn_relu_1d(x, W, b, gamma, beta, eps=1e-5):
    # x: [M, Cin, S]; Conv1d kernel-size 1 -> BatchNorm1d (batch stats) -> ReLU
    y = jnp.einsum('oc,mcs->mos', W, x) + b[None, :, None]
    mean = y.mean(axis=(0, 2))
    var = y.var(axis=(0, 2))
    y = (y - mean[None, :, None]) / jnp.sqrt(var[None, :, None] + eps)
    y = gamma[None, :, None] * y + beta[None, :, None]
    return jax.nn.relu(y)


def graph_operation(grouped_points, W, b, gamma, beta):
    bb, n, s, d = grouped_points.shape
    x = jnp.transpose(grouped_points, (0, 1, 3, 2)).reshape(-1, d, s)
    x = conv_bn_relu_1d(x, W, b, gamma, beta)
    x = jnp.max(x, axis=-1)  # adaptive_max_pool1d(x, 1)
    return x.reshape(bb, n, -1)


def setup_inputs(seed: int = 0):
    key = jax.random.key(seed)
    ks = jax.random.split(key, 8)
    B, N, Cs, Ct = 4, 8192, 256, 1024
    feature_s = jax.random.normal(ks[0], (B, N, Cs), dtype=jnp.float32)
    xyz_s = jax.random.uniform(ks[1], (B, N, 3), dtype=jnp.float32)
    feature_t = jax.random.normal(ks[2], (B, N, Ct), dtype=jnp.float32)
    xyz_t = jax.random.uniform(ks[3], (B, N, 3), dtype=jnp.float32)
    Ws = jax.random.normal(ks[4], (1024, 256), dtype=jnp.float32) * 0.05
    bs = jnp.zeros((1024,), dtype=jnp.float32)
    gamma_s = jnp.ones((1024,), dtype=jnp.float32)
    beta_s = jnp.zeros((1024,), dtype=jnp.float32)
    Wt = jax.random.normal(ks[5], (1024, 1024), dtype=jnp.float32) * 0.02
    bt = jnp.zeros((1024,), dtype=jnp.float32)
    gamma_t = jnp.ones((1024,), dtype=jnp.float32)
    beta_t = jnp.zeros((1024,), dtype=jnp.float32)
    return {"feature_s": feature_s, "xyz_s": xyz_s, "feature_t": feature_t, "xyz_t": xyz_t,
            "Ws": Ws, "bs": bs, "gamma_s": gamma_s, "beta_s": beta_s,
            "Wt": Wt, "bt": bt, "gamma_t": gamma_t, "beta_t": beta_t}


def reference(feature_s, xyz_s, feature_t, xyz_t, Ws, bs, gamma_s, beta_s, Wt, bt, gamma_t, beta_t):
    total_xyz = xyz_t  # total_xyz is None -> xyz_t
    fps_idx_t = furthest_point_sample(total_xyz, SAMPLE_POINT)
    new_xyz_total = index_points(total_xyz, fps_idx_t)
    idx_t = knn_point(K_NN, xyz_t, new_xyz_total)
    grouped_points_t = index_points(feature_t, idx_t)
    idx_s = knn_point(K_NN, xyz_s, new_xyz_total)
    grouped_points_s = index_points(feature_s, idx_s)
    out_point_s = graph_operation(grouped_points_s, Ws, bs, gamma_s, beta_s)
    out_point_t = graph_operation(grouped_points_t, Wt, bt, gamma_t, beta_t)
    return (out_point_s, out_point_t)

if __name__ == "__main__":
    import jax
    _d = setup_inputs()
    print(jax.jit(kernel)(*tuple(_d.values())))

</pallas_src>

<mosaic_0001>
#map = affine_map<(d0, d1) -> (0, 0)>
#map1 = affine_map<(d0, d1) -> (0)>
module attributes {stable_mosaic.version = 14 : i64} {
  func.func @gather_k(%arg0: i32, %arg1: i32, %arg2: memref<32768x256xf32, #tpu.memory_space<hbm>>, %arg3: memref<1536xi32, #tpu.memory_space<hbm>>, %arg4: memref<32768x1024xf32, #tpu.memory_space<hbm>>, %arg5: memref<1536xi32, #tpu.memory_space<hbm>>, %arg6: memref<1536x256xf32, #tpu.memory_space<hbm>>, %arg7: memref<1536x1024xf32, #tpu.memory_space<hbm>>, %arg8: memref<48xi32, #tpu.memory_space<vmem>>, %arg9: memref<48x256xf32, #tpu.memory_space<vmem>>, %arg10: memref<48xi32, #tpu.memory_space<vmem>>, %arg11: memref<48x1024xf32, #tpu.memory_space<vmem>>, %arg12: memref<!tpu.dma_semaphore, #tpu.memory_space<semaphore_mem>>, %arg13: memref<!tpu.dma_semaphore, #tpu.memory_space<semaphore_mem>>) attributes {dimension_semantics = [#tpu.dimension_semantics<core_parallel>, #tpu.dimension_semantics<subcore_parallel>], iteration_bounds = array<i64: 2, 16>, scalar_prefetch = 0 : i64, scratch_operands = 6 : i64, tpu.core_type = #tpu.core_type<sc_vector_subcore>, window_params = [{transform_indices = #map}, {transform_indices = #map1}, {transform_indices = #map}, {transform_indices = #map1}, {transform_indices = #map}, {transform_indices = #map}]} {
    %mul3A = arith.constant 2 : i32
    %mul3A_0 = arith.muli %arg1, %mul3A : i32
    %add3A = arith.addi %mul3A_0, %arg0 : i32
    %mul3A_1 = arith.constant 48 : i32
    %mul3A_2 = arith.muli %add3A, %mul3A_1 : i32
    "tpu.region"() ({
      %run_scoped3A = tpu.sem_alloc : memref<!tpu.dma_semaphore, #tpu.memory_space<semaphore_mem>>
      %dma_start3A_13 = tpu.memref_slice %arg3[%mul3A_2] : memref<1536xi32, #tpu.memory_space<hbm>> -> memref<48xi32, #tpu.memory_space<hbm>>
      %dma_start3A_14 = tpu.memref_slice %arg3[%mul3A_2] : memref<1536xi32, #tpu.memory_space<hbm>> -> memref<48xi32, #tpu.memory_space<hbm>>
      tpu.enqueue_dma source(%dma_start3A_14 : memref<48xi32, #tpu.memory_space<hbm>>) target(%arg8 : memref<48xi32, #tpu.memory_space<vmem>>) target_semaphore(%run_scoped3A : memref<!tpu.dma_semaphore, #tpu.memory_space<semaphore_mem>>)
      %dma_wait3A_15 = tpu.memref_slice %arg3[%mul3A_2] : memref<1536xi32, #tpu.memory_space<hbm>> -> memref<48xi32, #tpu.memory_space<hbm>>
      %dma_wait3A_16 = tpu.memref_slice %arg3[%mul3A_2] : memref<1536xi32, #tpu.memory_space<hbm>> -> memref<48xi32, #tpu.memory_space<hbm>>
      tpu.wait_dma2 semaphore(%run_scoped3A : memref<!tpu.dma_semaphore, #tpu.memory_space<semaphore_mem>>) src(%dma_wait3A_16 : memref<48xi32, #tpu.memory_space<hbm>>) dst(%arg8 : memref<48xi32, #tpu.memory_space<vmem>>)
      tpu.yield
    }) : () -> ()
    "tpu.region"() ({
      %run_scoped3A = tpu.sem_alloc : memref<!tpu.dma_semaphore, #tpu.memory_space<semaphore_mem>>
      %dma_start3A_13 = tpu.memref_slice %arg5[%mul3A_2] : memref<1536xi32, #tpu.memory_space<hbm>> -> memref<48xi32, #tpu.memory_space<hbm>>
      %dma_start3A_14 = tpu.memref_slice %arg5[%mul3A_2] : memref<1536xi32, #tpu.memory_space<hbm>> -> memref<48xi32, #tpu.memory_space<hbm>>
      tpu.enqueue_dma source(%dma_start3A_14 : memref<48xi32, #tpu.memory_space<hbm>>) target(%arg10 : memref<48xi32, #tpu.memory_space<vmem>>) target_semaphore(%run_scoped3A : memref<!tpu.dma_semaphore, #tpu.memory_space<semaphore_mem>>)
      %dma_wait3A_15 = tpu.memref_slice %arg5[%mul3A_2] : memref<1536xi32, #tpu.memory_space<hbm>> -> memref<48xi32, #tpu.memory_space<hbm>>
      %dma_wait3A_16 = tpu.memref_slice %arg5[%mul3A_2] : memref<1536xi32, #tpu.memory_space<hbm>> -> memref<48xi32, #tpu.memory_space<hbm>>
      tpu.wait_dma2 semaphore(%run_scoped3A : memref<!tpu.dma_semaphore, #tpu.memory_space<semaphore_mem>>) src(%dma_wait3A_16 : memref<48xi32, #tpu.memory_space<hbm>>) dst(%arg10 : memref<48xi32, #tpu.memory_space<vmem>>)
      tpu.yield
    }) : () -> ()
    %dma_start3A = arith.constant 0 : i32
    %dma_start3A_3 = arith.constant 0 : i32
    %dma_start3A_4 = tpu.memref_slice %arg2[%dma_start3A, %dma_start3A_3] : memref<32768x256xf32, #tpu.memory_space<hbm>> -> memref<32768x256xf32, #tpu.memory_space<hbm>>
    tpu.enqueue_indirect_dma source(%dma_start3A_4 : memref<32768x256xf32, #tpu.memory_space<hbm>>) target(%arg9 : memref<48x256xf32, #tpu.memory_space<vmem>>) offsets(%arg8 : memref<48xi32, #tpu.memory_space<vmem>>) semaphore(%arg12 : memref<!tpu.dma_semaphore, #tpu.memory_space<semaphore_mem>>)
    %dma_start3A_5 = arith.constant 0 : i32
    %dma_start3A_6 = arith.constant 0 : i32
    %dma_start3A_7 = tpu.memref_slice %arg4[%dma_start3A_5, %dma_start3A_6] : memref<32768x1024xf32, #tpu.memory_space<hbm>> -> memref<32768x1024xf32, #tpu.memory_space<hbm>>
    tpu.enqueue_indirect_dma source(%dma_start3A_7 : memref<32768x1024xf32, #tpu.memory_space<hbm>>) target(%arg11 : memref<48x1024xf32, #tpu.memory_space<vmem>>) offsets(%arg10 : memref<48xi32, #tpu.memory_space<vmem>>) semaphore(%arg13 : memref<!tpu.dma_semaphore, #tpu.memory_space<semaphore_mem>>)
    %dma_wait3A = arith.constant 0 : i32
    %dma_wait3A_8 = arith.constant 0 : i32
    %dma_wait3A_9 = tpu.memref_slice %arg2[%dma_wait3A, %dma_wait3A_8] : memref<32768x256xf32, #tpu.memory_space<hbm>> -> memref<32768x256xf32, #tpu.memory_space<hbm>>
    tpu.wait_indirect_dma semaphore(%arg12 : memref<!tpu.dma_semaphore, #tpu.memory_space<semaphore_mem>>) src(%dma_wait3A_9 : memref<32768x256xf32, #tpu.memory_space<hbm>>) dst(%arg9 : memref<48x256xf32, #tpu.memory_space<vmem>>)
    "tpu.region"() ({
      %run_scoped3A = tpu.sem_alloc : memref<!tpu.dma_semaphore, #tpu.memory_space<semaphore_mem>>
      %dma_start3A_13 = arith.constant 0 : i32
      %dma_start3A_14 = tpu.memref_slice %arg6[%mul3A_2, %dma_start3A_13] : memref<1536x256xf32, #tpu.memory_space<hbm>> -> memref<48x256xf32, #tpu.memory_space<hbm>>
      %dma_start3A_15 = arith.constant 0 : i32
      %dma_start3A_16 = tpu.memref_slice %arg6[%mul3A_2, %dma_start3A_15] : memref<1536x256xf32, #tpu.memory_space<hbm>> -> memref<48x256xf32, #tpu.memory_space<hbm>>
      tpu.enqueue_dma source(%arg9 : memref<48x256xf32, #tpu.memory_space<vmem>>) target(%dma_start3A_16 : memref<48x256xf32, #tpu.memory_space<hbm>>) target_semaphore(%run_scoped3A : memref<!tpu.dma_semaphore, #tpu.memory_space<semaphore_mem>>)
      %dma_wait3A_17 = arith.constant 0 : i32
      %dma_wait3A_18 = tpu.memref_slice %arg6[%mul3A_2, %dma_wait3A_17] : memref<1536x256xf32, #tpu.memory_space<hbm>> -> memref<48x256xf32, #tpu.memory_space<hbm>>
      %dma_wait3A_19 = arith.constant 0 : i32
      %dma_wait3A_20 = tpu.memref_slice %arg6[%mul3A_2, %dma_wait3A_19] : memref<1536x256xf32, #tpu.memory_space<hbm>> -> memref<48x256xf32, #tpu.memory_space<hbm>>
      tpu.wait_dma2 semaphore(%run_scoped3A : memref<!tpu.dma_semaphore, #tpu.memory_space<semaphore_mem>>) src(%arg9 : memref<48x256xf32, #tpu.memory_space<vmem>>) dst(%dma_wait3A_20 : memref<48x256xf32, #tpu.memory_space<hbm>>)
      tpu.yield
    }) : () -> ()
    %dma_wait3A_10 = arith.constant 0 : i32
    %dma_wait3A_11 = arith.constant 0 : i32
    %dma_wait3A_12 = tpu.memref_slice %arg4[%dma_wait3A_10, %dma_wait3A_11] : memref<32768x1024xf32, #tpu.memory_space<hbm>> -> memref<32768x1024xf32, #tpu.memory_space<hbm>>
    tpu.wait_indirect_dma semaphore(%arg13 : memref<!tpu.dma_semaphore, #tpu.memory_space<semaphore_mem>>) src(%dma_wait3A_12 : memref<32768x1024xf32, #tpu.memory_space<hbm>>) dst(%arg11 : memref<48x1024xf32, #tpu.memory_space<vmem>>)
    "tpu.region"() ({
      %run_scoped3A = tpu.sem_alloc : memref<!tpu.dma_semaphore, #tpu.memory_space<semaphore_mem>>
      %dma_start3A_13 = arith.constant 0 : i32
      %dma_start3A_14 = tpu.memref_slice %arg7[%mul3A_2, %dma_start3A_13] : memref<1536x1024xf32, #tpu.memory_space<hbm>> -> memref<48x1024xf32, #tpu.memory_space<hbm>>
      %dma_start3A_15 = arith.constant 0 : i32
      %dma_start3A_16 = tpu.memref_slice %arg7[%mul3A_2, %dma_start3A_15] : memref<1536x1024xf32, #tpu.memory_space<hbm>> -> memref<48x1024xf32, #tpu.memory_space<hbm>>
      tpu.enqueue_dma source(%arg11 : memref<48x1024xf32, #tpu.memory_space<vmem>>) target(%dma_start3A_16 : memref<48x1024xf32, #tpu.memory_space<hbm>>) target_semaphore(%run_scoped3A : memref<!tpu.dma_semaphore, #tpu.memory_space<semaphore_mem>>)
      %dma_wait3A_17 = arith.constant 0 : i32
      %dma_wait3A_18 = tpu.memref_slice %arg7[%mul3A_2, %dma_wait3A_17] : memref<1536x1024xf32, #tpu.memory_space<hbm>> -> memref<48x1024xf32, #tpu.memory_space<hbm>>
      %dma_wait3A_19 = arith.constant 0 : i32
      %dma_wait3A_20 = tpu.memref_slice %arg7[%mul3A_2, %dma_wait3A_19] : memref<1536x1024xf32, #tpu.memory_space<hbm>> -> memref<48x1024xf32, #tpu.memory_space<hbm>>
      tpu.wait_dma2 semaphore(%run_scoped3A : memref<!tpu.dma_semaphore, #tpu.memory_space<semaphore_mem>>) src(%arg11 : memref<48x1024xf32, #tpu.memory_space<vmem>>) dst(%dma_wait3A_20 : memref<48x1024xf32, #tpu.memory_space<hbm>>)
      tpu.yield
    }) : () -> ()
    return
  }
}

module attributes {stable_mosaic.version = 14 : i64} {
  func.func @_dense_body(%arg0: i32, %arg1: memref<1536x256xf32, #tpu.memory_space<vmem>>, %arg2: memref<1536x1024xf32, #tpu.memory_space<vmem>>, %arg3: memref<256x256xf32, #tpu.memory_space<vmem>>, %arg4: memref<256x1024xf32, #tpu.memory_space<vmem>>, %arg5: memref<3x256xf32, #tpu.memory_space<vmem>>, %arg6: memref<3x256xf32, #tpu.memory_space<vmem>>, %arg7: memref<128x256xf32, #tpu.memory_space<vmem>>, %arg8: memref<128x256xf32, #tpu.memory_space<vmem>>) attributes {dimension_semantics = [#tpu.dimension_semantics<arbitrary>], iteration_bounds = array<i64: 4>, scalar_prefetch = 0 : i64, scratch_operands = 0 : i64, tpu.core_type = #tpu.core_type<tc>, window_params = [{pipeline_mode = #tpu.pipeline_mode<synchronous>, transform_indices = @transform_0, window_bounds = array<i64: 1536, 256>}, {pipeline_mode = #tpu.pipeline_mode<synchronous>, transform_indices = @transform_1, window_bounds = array<i64: 1536, 1024>}, {transform_indices = @transform_2, window_bounds = array<i64: 256, 256>}, {transform_indices = @transform_3, window_bounds = array<i64: 256, 1024>}, {transform_indices = @transform_4, window_bounds = array<i64: 3, 256>}, {transform_indices = @transform_5, window_bounds = array<i64: 3, 256>}, {transform_indices = @transform_6, window_bounds = array<i64: 128, 256>}, {transform_indices = @transform_7, window_bounds = array<i64: 128, 256>}]} {
    %get3A = arith.constant 0 : index
    %get3A_0 = arith.constant 0 : index
    %get3A_1 = vector.load %arg1[%get3A, %get3A_0] : memref<1536x256xf32, #tpu.memory_space<vmem>>, vector<1536x256xf32>
    %get3A_2 = arith.constant 0 : index
    %get3A_3 = arith.constant 0 : index
    %get3A_4 = vector.load %arg3[%get3A_2, %get3A_3] : memref<256x256xf32, #tpu.memory_space<vmem>>, vector<256x256xf32>
    %get3A_5 = arith.constant 0 : index
    %get3A_6 = arith.constant 0 : index
    %get3A_7 = vector.load %arg5[%get3A_5, %get3A_6] : memref<3x256xf32, #tpu.memory_space<vmem>>, vector<3x256xf32>
    %convert_element_type3A = arith.truncf %get3A_1 : vector<1536x256xf32> to vector<1536x256xbf16>
    %convert_element_type3A_8 = arith.truncf %get3A_4 : vector<256x256xf32> to vector<256x256xbf16>
    %dot_general3A = arith.constant dense<0.000000e+00> : vector<1536x256xf32>
    %dot_general3A_9 = tpu.matmul %convert_element_type3A, %convert_element_type3A_8, %dot_general3A {dimension_numbers = #tpu.dot_dimension_numbers<[1], [1], [0], [0], [0, 0, 1, 0], [], []>, transpose_lhs_hint = false} : vector<1536x256xbf16>, vector<256x256xbf16>, vector<1536x256xf32> -> vector<1536x256xf32>
    %slice3A = vector.extract_strided_slice %get3A_7 {offsets = [0, 0], sizes = [1, 256], strides = [1, 1]} : vector<3x256xf32> to vector<1x256xf32>
    %add3A = vector.broadcast %slice3A : vector<1x256xf32> to vector<1536x256xf32>
    %add3A_10 = arith.addf %dot_general3A_9, %add3A : vector<1536x256xf32>
    %reduce_sum3A = arith.constant dense<0.000000e+00> : vector<256xf32>
    %reduce_sum3A_11 = vector.multi_reduction <add>, %add3A_10, %reduce_sum3A [0] : vector<1536x256xf32> to vector<256xf32>
    %broadcast_in_dim3A = vector.shape_cast %reduce_sum3A_11 : vector<256xf32> to vector<1x256xf32>
    %div3A = arith.constant 1.536000e+03 : f32
    %div3A_12 = vector.broadcast %div3A : f32 to vector<1x256xf32>
    %div3A_13 = arith.divf %broadcast_in_dim3A, %div3A_12 : vector<1x256xf32>
    %sub3A = vector.broadcast %div3A_13 : vector<1x256xf32> to vector<1536x256xf32>
    %sub3A_14 = arith.subf %add3A_10, %sub3A : vector<1536x256xf32>
    %mul3A = arith.mulf %sub3A_14, %sub3A_14 : vector<1536x256xf32>
    %reduce_sum3A_15 = arith.constant dense<0.000000e+00> : vector<256xf32>
    %reduce_sum3A_16 = vector.multi_reduction <add>, %mul3A, %reduce_sum3A_15 [0] : vector<1536x256xf32> to vector<256xf32>
    %broadcast_in_dim3A_17 = vector.shape_cast %reduce_sum3A_16 : vector<256xf32> to vector<1x256xf32>
    %div3A_18 = arith.constant 1.536000e+03 : f32
    %div3A_19 = vector.broadcast %div3A_18 : f32 to vector<1x256xf32>
    %div3A_20 = arith.divf %broadcast_in_dim3A_17, %div3A_19 : vector<1x256xf32>
    %slice3A_21 = vector.extract_strided_slice %get3A_7 {offsets = [1, 0], sizes = [1, 256], strides = [1, 1]} : vector<3x256xf32> to vector<1x256xf32>
    %add3A_22 = arith.constant 9.99999974E-6 : f32
    %add3A_23 = vector.broadcast %add3A_22 : f32 to vector<1x256xf32>
    %add3A_24 = arith.addf %div3A_20, %add3A_23 : vector<1x256xf32>
    %sqrt3A = math.sqrt %add3A_24 : vector<1x256xf32>
    %div3A_25 = vector.broadcast %sqrt3A : vector<1x256xf32> to vector<1536x256xf32>
    %div3A_26 = arith.divf %sub3A_14, %div3A_25 : vector<1536x256xf32>
    %mul3A_27 = vector.broadcast %slice3A_21 : vector<1x256xf32> to vector<1536x256xf32>
    %mul3A_28 = arith.mulf %mul3A_27, %div3A_26 : vector<1536x256xf32>
    %slice3A_29 = vector.extract_strided_slice %get3A_7 {offsets = [2, 0], sizes = [1, 256], strides = [1, 1]} : vector<3x256xf32> to vector<1x256xf32>
    %add3A_30 = vector.broadcast %slice3A_29 : vector<1x256xf32> to vector<1536x256xf32>
    %add3A_31 = arith.addf %mul3A_28, %add3A_30 : vector<1536x256xf32>
    %max3A = arith.constant 0.000000e+00 : f32
    %max3A_32 = vector.broadcast %max3A : f32 to vector<1536x256xf32>
    %max3A_33 = arith.maximumf %add3A_31, %max3A_32 : vector<1536x256xf32>
    %slice3A_34 = vector.extract_strided_slice %max3A_33 {offsets = [0, 0], sizes = [128, 256], strides = [1, 1]} : vector<1536x256xf32> to vector<128x256xf32>
    %slice3A_35 = vector.extract_strided_slice %max3A_33 {offsets = [128, 0], sizes = [128, 256], strides = [1, 1]} : vector<1536x256xf32> to vector<128x256xf32>
    %max3A_36 = arith.maximumf %slice3A_34, %slice3A_35 : vector<128x256xf32>
    %slice3A_37 = vector.extract_strided_slice %max3A_33 {offsets = [256, 0], sizes = [128, 256], strides = [1, 1]} : vector<1536x256xf32> to vector<128x256xf32>
    %max3A_38 = arith.maximumf %max3A_36, %slice3A_37 : vector<128x256xf32>
    %slice3A_39 = vector.extract_strided_slice %max3A_33 {offsets = [384, 0], sizes = [128, 256], strides = [1, 1]} : vector<1536x256xf32> to vector<128x256xf32>
    %max3A_40 = arith.maximumf %max3A_38, %slice3A_39 : vector<128x256xf32>
    %slice3A_41 = vector.extract_strided_slice %max3A_33 {offsets = [512, 0], sizes = [128, 256], strides = [1, 1]} : vector<1536x256xf32> to vector<128x256xf32>
    %max3A_42 = arith.maximumf %max3A_40, %slice3A_41 : vector<128x256xf32>
    %slice3A_43 = vector.extract_strided_slice %max3A_33 {offsets = [640, 0], sizes = [128, 256], strides = [1, 1]} : vector<1536x256xf32> to vector<128x256xf32>
    %max3A_44 = arith.maximumf %max3A_42, %slice3A_43 : vector<128x256xf32>
    %slice3A_45 = vector.extract_strided_slice %max3A_33 {offsets = [768, 0], sizes = [128, 256], strides = [1, 1]} : vector<1536x256xf32> to vector<128x256xf32>
    %max3A_46 = arith.maximumf %max3A_44, %slice3A_45 : vector<128x256xf32>
    %slice3A_47 = vector.extract_strided_slice %max3A_33 {offsets = [896, 0], sizes = [128, 256], strides = [1, 1]} : vector<1536x256xf32> to vector<128x256xf32>
    %max3A_48 = arith.maximumf %max3A_46, %slice3A_47 : vector<128x256xf32>
    %slice3A_49 = vector.extract_strided_slice %max3A_33 {offsets = [1024, 0], sizes = [128, 256], strides = [1, 1]} : vector<1536x256xf32> to vector<128x256xf32>
    %max3A_50 = arith.maximumf %max3A_48, %slice3A_49 : vector<128x256xf32>
    %slice3A_51 = vector.extract_strided_slice %max3A_33 {offsets = [1152, 0], sizes = [128, 256], strides = [1, 1]} : vector<1536x256xf32> to vector<128x256xf32>
    %max3A_52 = arith.maximumf %max3A_50, %slice3A_51 : vector<128x256xf32>
    %slice3A_53 = vector.extract_strided_slice %max3A_33 {offsets = [1280, 0], sizes = [128, 256], strides = [1, 1]} : vector<1536x256xf32> to vector<128x256xf32>
    %max3A_54 = arith.maximumf %max3A_52, %slice3A_53 : vector<128x256xf32>
    %slice3A_55 = vector.extract_strided_slice %max3A_33 {offsets = [1408, 0], sizes = [128, 256], strides = [1, 1]} : vector<1536x256xf32> to vector<128x256xf32>
    %max3A_56 = arith.maximumf %max3A_54, %slice3A_55 : vector<128x256xf32>
    %swap3A = arith.constant 0 : index
    %swap3A_57 = arith.constant 0 : index
    %swap3A_58 = vector.load %arg7[%swap3A, %swap3A_57] : memref<128x256xf32, #tpu.memory_space<vmem>>, vector<128x256xf32>
    tpu.vector_store %arg7[%swap3A, %swap3A_57], %max3A_56 {strides = array<i32>} : memref<128x256xf32, #tpu.memory_space<vmem>>, vector<128x256xf32>,
    %get3A_59 = arith.constant 0 : index
    %get3A_60 = arith.constant 0 : index
    %get3A_61 = vector.load %arg2[%get3A_59, %get3A_60] : memref<1536x1024xf32, #tpu.memory_space<vmem>>, vector<1536x1024xf32>
    %get3A_62 = arith.constant 0 : index
    %get3A_63 = arith.constant 0 : index
    %get3A_64 = vector.load %arg4[%get3A_62, %get3A_63] : memref<256x1024xf32, #tpu.memory_space<vmem>>, vector<256x1024xf32>
    %get3A_65 = arith.constant 0 : index
    %get3A_66 = arith.constant 0 : index
    %get3A_67 = vector.load %arg6[%get3A_65, %get3A_66] : memref<3x256xf32, #tpu.memory_space<vmem>>, vector<3x256xf32>
    %convert_element_type3A_68 = arith.truncf %get3A_61 : vector<1536x1024xf32> to vector<1536x1024xbf16>
    %convert_element_type3A_69 = arith.truncf %get3A_64 : vector<256x1024xf32> to vector<256x1024xbf16>
    %dot_general3A_70 = arith.constant dense<0.000000e+00> : vector<1536x256xf32>
    %dot_general3A_71 = tpu.matmul %convert_element_type3A_68, %convert_element_type3A_69, %dot_general3A_70 {dimension_numbers = #tpu.dot_dimension_numbers<[1], [1], [0], [0], [0, 0, 1, 0], [], []>, transpose_lhs_hint = false} : vector<1536x1024xbf16>, vector<256x1024xbf16>, vector<1536x256xf32> -> vector<1536x256xf32>
    %slice3A_72 = vector.extract_strided_slice %get3A_67 {offsets = [0, 0], sizes = [1, 256], strides = [1, 1]} : vector<3x256xf32> to vector<1x256xf32>
    %add3A_73 = vector.broadcast %slice3A_72 : vector<1x256xf32> to vector<1536x256xf32>
    %add3A_74 = arith.addf %dot_general3A_71, %add3A_73 : vector<1536x256xf32>
    %reduce_sum3A_75 = arith.constant dense<0.000000e+00> : vector<256xf32>
    %reduce_sum3A_76 = vector.multi_reduction <add>, %add3A_74, %reduce_sum3A_75 [0] : vector<1536x256xf32> to vector<256xf32>
    %broadcast_in_dim3A_77 = vector.shape_cast %reduce_sum3A_76 : vector<256xf32> to vector<1x256xf32>
    %div3A_78 = arith.constant 1.536000e+03 : f32
    %div3A_79 = vector.broadcast %div3A_78 : f32 to vector<1x256xf32>
    %div3A_80 = arith.divf %broadcast_in_dim3A_77, %div3A_79 : vector<1x256xf32>
    %sub3A_81 = vector.broadcast %div3A_80 : vector<1x256xf32> to vector<1536x256xf32>
    %sub3A_82 = arith.subf %add3A_74, %sub3A_81 : vector<1536x256xf32>
    %mul3A_83 = arith.mulf %sub3A_82, %sub3A_82 : vector<1536x256xf32>
    %reduce_sum3A_84 = arith.constant dense<0.000000e+00> : vector<256xf32>
    %reduce_sum3A_85 = vector.multi_reduction <add>, %mul3A_83, %reduce_sum3A_84 [0] : vector<1536x256xf32> to vector<256xf32>
    %broadcast_in_dim3A_86 = vector.shape_cast %reduce_sum3A_85 : vector<256xf32> to vector<1x256xf32>
    %div3A_87 = arith.constant 1.536000e+03 : f32
    %div3A_88 = vector.broadcast %div3A_87 : f32 to vector<1x256xf32>
    %div3A_89 = arith.divf %broadcast_in_dim3A_86, %div3A_88 : vector<1x256xf32>
    %slice3A_90 = vector.extract_strided_slice %get3A_67 {offsets = [1, 0], sizes = [1, 256], strides = [1, 1]} : vector<3x256xf32> to vector<1x256xf32>
    %add3A_91 = arith.constant 9.99999974E-6 : f32
    %add3A_92 = vector.broadcast %add3A_91 : f32 to vector<1x256xf32>
    %add3A_93 = arith.addf %div3A_89, %add3A_92 : vector<1x256xf32>
    %sqrt3A_94 = math.sqrt %add3A_93 : vector<1x256xf32>
    %div3A_95 = vector.broadcast %sqrt3A_94 : vector<1x256xf32> to vector<1536x256xf32>
    %div3A_96 = arith.divf %sub3A_82, %div3A_95 : vector<1536x256xf32>
    %mul3A_97 = vector.broadcast %slice3A_90 : vector<1x256xf32> to vector<1536x256xf32>
    %mul3A_98 = arith.mulf %mul3A_97, %div3A_96 : vector<1536x256xf32>
    %slice3A_99 = vector.extract_strided_slice %get3A_67 {offsets = [2, 0], sizes = [1, 256], strides = [1, 1]} : vector<3x256xf32> to vector<1x256xf32>
    %add3A_100 = vector.broadcast %slice3A_99 : vector<1x256xf32> to vector<1536x256xf32>
    %add3A_101 = arith.addf %mul3A_98, %add3A_100 : vector<1536x256xf32>
    %max3A_102 = arith.constant 0.000000e+00 : f32
    %max3A_103 = vector.broadcast %max3A_102 : f32 to vector<1536x256xf32>
    %max3A_104 = arith.maximumf %add3A_101, %max3A_103 : vector<1536x256xf32>
    %slice3A_105 = vector.extract_strided_slice %max3A_104 {offsets = [0, 0], sizes = [128, 256], strides = [1, 1]} : vector<1536x256xf32> to vector<128x256xf32>
    %slice3A_106 = vector.extract_strided_slice %max3A_104 {offsets = [128, 0], sizes = [128, 256], strides = [1, 1]} : vector<1536x256xf32> to vector<128x256xf32>
    %max3A_107 = arith.maximumf %slice3A_105, %slice3A_106 : vector<128x256xf32>
    %slice3A_108 = vector.extract_strided_slice %max3A_104 {offsets = [256, 0], sizes = [128, 256], strides = [1, 1]} : vector<1536x256xf32> to vector<128x256xf32>
    %max3A_109 = arith.maximumf %max3A_107, %slice3A_108 : vector<128x256xf32>
    %slice3A_110 = vector.extract_strided_slice %max3A_104 {offsets = [384, 0], sizes = [128, 256], strides = [1, 1]} : vector<1536x256xf32> to vector<128x256xf32>
    %max3A_111 = arith.maximumf %max3A_109, %slice3A_110 : vector<128x256xf32>
    %slice3A_112 = vector.extract_strided_slice %max3A_104 {offsets = [512, 0], sizes = [128, 256], strides = [1, 1]} : vector<1536x256xf32> to vector<128x256xf32>
    %max3A_113 = arith.maximumf %max3A_111, %slice3A_112 : vector<128x256xf32>
    %slice3A_114 = vector.extract_strided_slice %max3A_104 {offsets = [640, 0], sizes = [128, 256], strides = [1, 1]} : vector<1536x256xf32> to vector<128x256xf32>
    %max3A_115 = arith.maximumf %max3A_113, %slice3A_114 : vector<128x256xf32>
    %slice3A_116 = vector.extract_strided_slice %max3A_104 {offsets = [768, 0], sizes = [128, 256], strides = [1, 1]} : vector<1536x256xf32> to vector<128x256xf32>
    %max3A_117 = arith.maximumf %max3A_115, %slice3A_116 : vector<128x256xf32>
    %slice3A_118 = vector.extract_strided_slice %max3A_104 {offsets = [896, 0], sizes = [128, 256], strides = [1, 1]} : vector<1536x256xf32> to vector<128x256xf32>
    %max3A_119 = arith.maximumf %max3A_117, %slice3A_118 : vector<128x256xf32>
    %slice3A_120 = vector.extract_strided_slice %max3A_104 {offsets = [1024, 0], sizes = [128, 256], strides = [1, 1]} : vector<1536x256xf32> to vector<128x256xf32>
    %max3A_121 = arith.maximumf %max3A_119, %slice3A_120 : vector<128x256xf32>
    %slice3A_122 = vector.extract_strided_slice %max3A_104 {offsets = [1152, 0], sizes = [128, 256], strides = [1, 1]} : vector<1536x256xf32> to vector<128x256xf32>
    %max3A_123 = arith.maximumf %max3A_121, %slice3A_122 : vector<128x256xf32>
    %slice3A_124 = vector.extract_strided_slice %max3A_104 {offsets = [1280, 0], sizes = [128, 256], strides = [1, 1]} : vector<1536x256xf32> to vector<128x256xf32>
    %max3A_125 = arith.maximumf %max3A_123, %slice3A_124 : vector<128x256xf32>
    %slice3A_126 = vector.extract_strided_slice %max3A_104 {offsets = [1408, 0], sizes = [128, 256], strides = [1, 1]} : vector<1536x256xf32> to vector<128x256xf32>
    %max3A_127 = arith.maximumf %max3A_125, %slice3A_126 : vector<128x256xf32>
    %swap3A_128 = arith.constant 0 : index
    %swap3A_129 = arith.constant 0 : index
    %swap3A_130 = vector.load %arg8[%swap3A_128, %swap3A_129] : memref<128x256xf32, #tpu.memory_space<vmem>>, vector<128x256xf32>
    tpu.vector_store %arg8[%swap3A_128, %swap3A_129], %max3A_127 {strides = array<i32>} : memref<128x256xf32, #tpu.memory_space<vmem>>, vector<128x256xf32>,
    return
  }
  func.func @transform_0(%arg0: i32) -> (i32, i32) {
    %c0_i32 = arith.constant 0 : i32
    %c0_i32_0 = arith.constant 0 : i32
    %c0_i32_1 = arith.constant 0 : i32
    return %c0_i32, %c0_i32_0 : i32, i32
  }
  func.func @transform_1(%arg0: i32) -> (i32, i32) {
    %c0_i32 = arith.constant 0 : i32
    %c0_i32_0 = arith.constant 0 : i32
    %c0_i32_1 = arith.constant 0 : i32
    return %c0_i32, %c0_i32_0 : i32, i32
  }
  func.func @transform_2(%arg0: i32) -> (i32, i32) {
    %c0_i32 = arith.constant 0 : i32
    %c0_i32_0 = arith.constant 0 : i32
    return %arg0, %c0_i32 : i32, i32
  }
  func.func @transform_3(%arg0: i32) -> (i32, i32) {
    %c0_i32 = arith.constant 0 : i32
    %c0_i32_0 = arith.constant 0 : i32
    return %arg0, %c0_i32 : i32, i32
  }
  func.func @transform_4(%arg0: i32) -> (i32, i32) {
    %c0_i32 = arith.constant 0 : i32
    %c0_i32_0 = arith.constant 0 : i32
    return %c0_i32, %arg0 : i32, i32
  }
  func.func @transform_5(%arg0: i32) -> (i32, i32) {
    %c0_i32 = arith.constant 0 : i32
    %c0_i32_0 = arith.constant 0 : i32
    return %c0_i32, %arg0 : i32, i32
  }
  func.func @transform_6(%arg0: i32) -> (i32, i32) {
    %c0_i32 = arith.constant 0 : i32
    %c0_i32_0 = arith.constant 0 : i32
    return %c0_i32, %arg0 : i32, i32
  }
  func.func @transform_7(%arg0: i32) -> (i32, i32) {
    %c0_i32 = arith.constant 0 : i32
    %c0_i32_0 = arith.constant 0 : i32
    return %c0_i32, %arg0 : i32, i32
  }
}

module attributes {stable_mosaic.version = 14 : i64} {
  func.func @_fps_knn_body(%arg0: memref<3x4x64x128xf32, #tpu.memory_space<vmem>>, %arg1: memref<3x4x64x128xf32, #tpu.memory_space<vmem>>, %arg2: memref<256x12xi32, #tpu.memory_space<vmem>>, %arg3: memref<2x128x64x128xf32, #tpu.memory_space<vmem>>) attributes {dimension_semantics = [], scalar_prefetch = 0 : i64, scratch_operands = 1 : i64, tpu.core_type = #tpu.core_type<tc>} {
    %get3A = arith.constant 0 : index
    %get3A_0 = arith.constant 0 : index
    %get3A_1 = arith.constant 0 : index
    %get3A_2 = arith.constant 0 : index
    %get3A_3 = vector.load %arg0[%get3A, %get3A_0, %get3A_1, %get3A_2] : memref<3x4x64x128xf32, #tpu.memory_space<vmem>>, vector<1x4x64x128xf32>
    %get3A_4 = vector.shape_cast %get3A_3 : vector<1x4x64x128xf32> to vector<4x64x128xf32>
    %get3A_5 = arith.constant 1 : index
    %get3A_6 = arith.constant 0 : index
    %get3A_7 = arith.constant 0 : index
    %get3A_8 = arith.constant 0 : index
    %get3A_9 = vector.load %arg0[%get3A_5, %get3A_6, %get3A_7, %get3A_8] : memref<3x4x64x128xf32, #tpu.memory_space<vmem>>, vector<1x4x64x128xf32>
    %get3A_10 = vector.shape_cast %get3A_9 : vector<1x4x64x128xf32> to vector<4x64x128xf32>
    %get3A_11 = arith.constant 2 : index
    %get3A_12 = arith.constant 0 : index
    %get3A_13 = arith.constant 0 : index
    %get3A_14 = arith.constant 0 : index
    %get3A_15 = vector.load %arg0[%get3A_11, %get3A_12, %get3A_13, %get3A_14] : memref<3x4x64x128xf32, #tpu.memory_space<vmem>>, vector<1x4x64x128xf32>
    %get3A_16 = vector.shape_cast %get3A_15 : vector<1x4x64x128xf32> to vector<4x64x128xf32>
    %get3A_17 = arith.constant 0 : index
    %get3A_18 = arith.constant 0 : index
    %get3A_19 = arith.constant 0 : index
    %get3A_20 = arith.constant 0 : index
    %get3A_21 = vector.load %arg1[%get3A_17, %get3A_18, %get3A_19, %get3A_20] : memref<3x4x64x128xf32, #tpu.memory_space<vmem>>, vector<1x4x64x128xf32>
    %get3A_22 = vector.shape_cast %get3A_21 : vector<1x4x64x128xf32> to vector<4x64x128xf32>
    %get3A_23 = arith.constant 1 : index
    %get3A_24 = arith.constant 0 : index
    %get3A_25 = arith.constant 0 : index
    %get3A_26 = arith.constant 0 : index
    %get3A_27 = vector.load %arg1[%get3A_23, %get3A_24, %get3A_25, %get3A_26] : memref<3x4x64x128xf32, #tpu.memory_space<vmem>>, vector<1x4x64x128xf32>
    %get3A_28 = vector.shape_cast %get3A_27 : vector<1x4x64x128xf32> to vector<4x64x128xf32>
    %get3A_29 = arith.constant 2 : index
    %get3A_30 = arith.constant 0 : index
    %get3A_31 = arith.constant 0 : index
    %get3A_32 = arith.constant 0 : index
    %get3A_33 = vector.load %arg1[%get3A_29, %get3A_30, %get3A_31, %get3A_32] : memref<3x4x64x128xf32, #tpu.memory_space<vmem>>, vector<1x4x64x128xf32>
    %get3A_34 = vector.shape_cast %get3A_33 : vector<1x4x64x128xf32> to vector<4x64x128xf32>
    %iota3A = tpu.iota {dimensions = array<i32: 1>} : vector<4x64x128xi32>
    %iota3A_35 = tpu.iota {dimensions = array<i32: 2>} : vector<4x64x128xi32>
    %mul3A = arith.constant 128 : i32
    %mul3A_36 = vector.broadcast %mul3A : i32 to vector<4x64x128xi32>
    %mul3A_37 = arith.muli %iota3A, %mul3A_36 : vector<4x64x128xi32>
    %add3A = arith.addi %mul3A_37, %iota3A_35 : vector<4x64x128xi32>
    %broadcast_in_dim3A = arith.constant 1.000000e+10 : f32
    %broadcast_in_dim3A_38 = vector.broadcast %broadcast_in_dim3A : f32 to vector<4x64x128xf32>
    %broadcast_in_dim3A_39 = arith.constant 0 : i32
    %broadcast_in_dim3A_40 = vector.broadcast %broadcast_in_dim3A_39 : i32 to vector<4x1x1xi32>
    %eq3A = vector.broadcast %broadcast_in_dim3A_40 : vector<4x1x1xi32> to vector<4x64x128xi32>
    %eq3A_41 = arith.cmpi eq, %add3A, %eq3A : vector<4x64x128xi32>
    %jit3A = arith.constant 0.000000e+00 : f32
    %broadcast_in_dim3A_42 = vector.broadcast %jit3A : f32 to vector<4x64x128xf32>
    %select_n3A = arith.select %eq3A_41, %get3A_4, %broadcast_in_dim3A_42 : vector<4x64x128xi1>, vector<4x64x128xf32>
    %reduce_sum3A = arith.constant dense<0.000000e+00> : vector<4x64xf32>
    %reduce_sum3A_43 = vector.multi_reduction <add>, %select_n3A, %reduce_sum3A [2] : vector<4x64x128xf32> to vector<4x64xf32>
    %broadcast_in_dim3A_44 = vector.shape_cast %reduce_sum3A_43 : vector<4x64xf32> to vector<4x64x1xf32>
    %reduce_sum3A_45 = arith.constant dense<0.000000e+00> : vector<4x1xf32>
    %reduce_sum3A_46 = vector.multi_reduction <add>, %broadcast_in_dim3A_44, %reduce_sum3A_45 [1] : vector<4x64x1xf32> to vector<4x1xf32>
    %broadcast_in_dim3A_47 = vector.shape_cast %reduce_sum3A_46 : vector<4x1xf32> to vector<4x1x1xf32>
    %jit3A_48 = arith.constant 0.000000e+00 : f32
    %broadcast_in_dim3A_49 = vector.broadcast %jit3A_48 : f32 to vector<4x64x128xf32>
    %select_n3A_50 = arith.select %eq3A_41, %get3A_10, %broadcast_in_dim3A_49 : vector<4x64x128xi1>, vector<4x64x128xf32>
    %reduce_sum3A_51 = arith.constant dense<0.000000e+00> : vector<4x64xf32>
    %reduce_sum3A_52 = vector.multi_reduction <add>, %select_n3A_50, %reduce_sum3A_51 [2] : vector<4x64x128xf32> to vector<4x64xf32>
    %broadcast_in_dim3A_53 = vector.shape_cast %reduce_sum3A_52 : vector<4x64xf32> to vector<4x64x1xf32>
    %reduce_sum3A_54 = arith.constant dense<0.000000e+00> : vector<4x1xf32>
    %reduce_sum3A_55 = vector.multi_reduction <add>, %broadcast_in_dim3A_53, %reduce_sum3A_54 [1] : vector<4x64x1xf32> to vector<4x1xf32>
    %broadcast_in_dim3A_56 = vector.shape_cast %reduce_sum3A_55 : vector<4x1xf32> to vector<4x1x1xf32>
    %jit3A_57 = arith.constant 0.000000e+00 : f32
    %broadcast_in_dim3A_58 = vector.broadcast %jit3A_57 : f32 to vector<4x64x128xf32>
    %select_n3A_59 = arith.select %eq3A_41, %get3A_16, %broadcast_in_dim3A_58 : vector<4x64x128xi1>, vector<4x64x128xf32>
    %reduce_sum3A_60 = arith.constant dense<0.000000e+00> : vector<4x64xf32>
    %reduce_sum3A_61 = vector.multi_reduction <add>, %select_n3A_59, %reduce_sum3A_60 [2] : vector<4x64x128xf32> to vector<4x64xf32>
    %broadcast_in_dim3A_62 = vector.shape_cast %reduce_sum3A_61 : vector<4x64xf32> to vector<4x64x1xf32>
    %reduce_sum3A_63 = arith.constant dense<0.000000e+00> : vector<4x1xf32>
    %reduce_sum3A_64 = vector.multi_reduction <add>, %broadcast_in_dim3A_62, %reduce_sum3A_63 [1] : vector<4x64x1xf32> to vector<4x1xf32>
    %broadcast_in_dim3A_65 = vector.shape_cast %reduce_sum3A_64 : vector<4x1xf32> to vector<4x1x1xf32>
    %sub3A = vector.broadcast %broadcast_in_dim3A_47 : vector<4x1x1xf32> to vector<4x64x128xf32>
    %sub3A_66 = arith.subf %get3A_4, %sub3A : vector<4x64x128xf32>
    %sub3A_67 = vector.broadcast %broadcast_in_dim3A_56 : vector<4x1x1xf32> to vector<4x64x128xf32>
    %sub3A_68 = arith.subf %get3A_10, %sub3A_67 : vector<4x64x128xf32>
    %sub3A_69 = vector.broadcast %broadcast_in_dim3A_65 : vector<4x1x1xf32> to vector<4x64x128xf32>
    %sub3A_70 = arith.subf %get3A_16, %sub3A_69 : vector<4x64x128xf32>
    %mul3A_71 = arith.mulf %sub3A_66, %sub3A_66 : vector<4x64x128xf32>
    %mul3A_72 = arith.mulf %sub3A_68, %sub3A_68 : vector<4x64x128xf32>
    %add3A_73 = arith.addf %mul3A_71, %mul3A_72 : vector<4x64x128xf32>
    %mul3A_74 = arith.mulf %sub3A_70, %sub3A_70 : vector<4x64x128xf32>
    %add3A_75 = arith.addf %add3A_73, %mul3A_74 : vector<4x64x128xf32>
    %swap3A = arith.constant 0 : index
    %swap3A_76 = arith.constant 0 : index
    %swap3A_77 = arith.constant 0 : index
    %swap3A_78 = arith.constant 0 : index
    %swap3A_79 = vector.load %arg3[%swap3A, %swap3A_76, %swap3A_77, %swap3A_78] : memref<2x128x64x128xf32, #tpu.memory_space<vmem>>, vector<1x4x64x128xf32>
    %swap3A_80 = vector.shape_cast %swap3A_79 : vector<1x4x64x128xf32> to vector<4x64x128xf32>
    %swap3A_81 = vector.shape_cast %add3A_75 : vector<4x64x128xf32> to vector<1x4x64x128xf32>
    tpu.vector_store %arg3[%swap3A, %swap3A_76, %swap3A_77, %swap3A_78], %swap3A_81 {strides = array<i32>} : memref<2x128x64x128xf32, #tpu.memory_space<vmem>>, vector<1x4x64x128xf32>,
    %min3A = arith.minimumf %broadcast_in_dim3A_38, %add3A_75 : vector<4x64x128xf32>
    %reduce_max3A = arith.constant dense<0xFF800000> : vector<4x64xf32>
    %reduce_max3A_82 = vector.multi_reduction <maximumf>, %min3A, %reduce_max3A [2] : vector<4x64x128xf32> to vector<4x64xf32>
    %broadcast_in_dim3A_83 = vector.shape_cast %reduce_max3A_82 : vector<4x64xf32> to vector<4x64x1xf32>
    %reduce_max3A_84 = arith.constant dense<0xFF800000> : vector<4x1xf32>
    %reduce_max3A_85 = vector.multi_reduction <maximumf>, %broadcast_in_dim3A_83, %reduce_max3A_84 [1] : vector<4x64x1xf32> to vector<4x1xf32>
    %broadcast_in_dim3A_86 = vector.shape_cast %reduce_max3A_85 : vector<4x1xf32> to vector<4x1x1xf32>
    %eq3A_87 = vector.broadcast %broadcast_in_dim3A_86 : vector<4x1x1xf32> to vector<4x64x128xf32>
    %eq3A_88 = arith.cmpf oeq, %min3A, %eq3A_87 : vector<4x64x128xf32>
    %jit3A_89 = arith.constant 8192 : i32
    %broadcast_in_dim3A_90 = vector.broadcast %jit3A_89 : i32 to vector<4x64x128xi32>
    %select_n3A_91 = arith.select %eq3A_88, %add3A, %broadcast_in_dim3A_90 : vector<4x64x128xi1>, vector<4x64x128xi32>
    %reduce_min3A = arith.constant dense<2147483647> : vector<4x64xi32>
    %reduce_min3A_92 = vector.multi_reduction <minsi>, %select_n3A_91, %reduce_min3A [2] : vector<4x64x128xi32> to vector<4x64xi32>
    %broadcast_in_dim3A_93 = vector.shape_cast %reduce_min3A_92 : vector<4x64xi32> to vector<4x64x1xi32>
    %reduce_min3A_94 = arith.constant dense<2147483647> : vector<4x1xi32>
    %reduce_min3A_95 = vector.multi_reduction <minsi>, %broadcast_in_dim3A_93, %reduce_min3A_94 [1] : vector<4x64x1xi32> to vector<4x1xi32>
    %broadcast_in_dim3A_96 = vector.shape_cast %reduce_min3A_95 : vector<4x1xi32> to vector<4x1x1xi32>
    %eq3A_97 = vector.broadcast %broadcast_in_dim3A_96 : vector<4x1x1xi32> to vector<4x64x128xi32>
    %eq3A_98 = arith.cmpi eq, %add3A, %eq3A_97 : vector<4x64x128xi32>
    %jit3A_99 = arith.constant 0.000000e+00 : f32
    %broadcast_in_dim3A_100 = vector.broadcast %jit3A_99 : f32 to vector<4x64x128xf32>
    %select_n3A_101 = arith.select %eq3A_98, %get3A_4, %broadcast_in_dim3A_100 : vector<4x64x128xi1>, vector<4x64x128xf32>
    %reduce_sum3A_102 = arith.constant dense<0.000000e+00> : vector<4x64xf32>
    %reduce_sum3A_103 = vector.multi_reduction <add>, %select_n3A_101, %reduce_sum3A_102 [2] : vector<4x64x128xf32> to vector<4x64xf32>
    %broadcast_in_dim3A_104 = vector.shape_cast %reduce_sum3A_103 : vector<4x64xf32> to vector<4x64x1xf32>
    %reduce_sum3A_105 = arith.constant dense<0.000000e+00> : vector<4x1xf32>
    %reduce_sum3A_106 = vector.multi_reduction <add>, %broadcast_in_dim3A_104, %reduce_sum3A_105 [1] : vector<4x64x1xf32> to vector<4x1xf32>
    %broadcast_in_dim3A_107 = vector.shape_cast %reduce_sum3A_106 : vector<4x1xf32> to vector<4x1x1xf32>
    %jit3A_108 = arith.constant 0.000000e+00 : f32
    %broadcast_in_dim3A_109 = vector.broadcast %jit3A_108 : f32 to vector<4x64x128xf32>
    %select_n3A_110 = arith.select %eq3A_98, %get3A_10, %broadcast_in_dim3A_109 : vector<4x64x128xi1>, vector<4x64x128xf32>
    %reduce_sum3A_111 = arith.constant dense<0.000000e+00> : vector<4x64xf32>
    %reduce_sum3A_112 = vector.multi_reduction <add>, %select_n3A_110, %reduce_sum3A_111 [2] : vector<4x64x128xf32> to vector<4x64xf32>
    %broadcast_in_dim3A_113 = vector.shape_cast %reduce_sum3A_112 : vector<4x64xf32> to vector<4x64x1xf32>
    %reduce_sum3A_114 = arith.constant dense<0.000000e+00> : vector<4x1xf32>
    %reduce_sum3A_115 = vector.multi_reduction <add>, %broadcast_in_dim3A_113, %reduce_sum3A_114 [1] : vector<4x64x1xf32> to vector<4x1xf32>
    %broadcast_in_dim3A_116 = vector.shape_cast %reduce_sum3A_115 : vector<4x1xf32> to vector<4x1x1xf32>
    %jit3A_117 = arith.constant 0.000000e+00 : f32
    %broadcast_in_dim3A_118 = vector.broadcast %jit3A_117 : f32 to vector<4x64x128xf32>
    %select_n3A_119 = arith.select %eq3A_98, %get3A_16, %broadcast_in_dim3A_118 : vector<4x64x128xi1>, vector<4x64x128xf32>
    %reduce_sum3A_120 = arith.constant dense<0.000000e+00> : vector<4x64xf32>
    %reduce_sum3A_121 = vector.multi_reduction <add>, %select_n3A_119, %reduce_sum3A_120 [2] : vector<4x64x128xf32> to vector<4x64xf32>
    %broadcast_in_dim3A_122 = vector.shape_cast %reduce_sum3A_121 : vector<4x64xf32> to vector<4x64x1xf32>
    %reduce_sum3A_123 = arith.constant dense<0.000000e+00> : vector<4x1xf32>
    %reduce_sum3A_124 = vector.multi_reduction <add>, %broadcast_in_dim3A_122, %reduce_sum3A_123 [1] : vector<4x64x1xf32> to vector<4x1xf32>
    %broadcast_in_dim3A_125 = vector.shape_cast %reduce_sum3A_124 : vector<4x1xf32> to vector<4x1x1xf32>
    %sub3A_126 = vector.broadcast %broadcast_in_dim3A_107 : vector<4x1x1xf32> to vector<4x64x128xf32>
    %sub3A_127 = arith.subf %get3A_4, %sub3A_126 : vector<4x64x128xf32>
    %sub3A_128 = vector.broadcast %broadcast_in_dim3A_116 : vector<4x1x1xf32> to vector<4x64x128xf32>
    %sub3A_129 = arith.subf %get3A_10, %sub3A_128 : vector<4x64x128xf32>
    %sub3A_130 = vector.broadcast %broadcast_in_dim3A_125 : vector<4x1x1xf32> to vector<4x64x128xf32>
    %sub3A_131 = arith.subf %get3A_16, %sub3A_130 : vector<4x64x128xf32>
    %mul3A_132 = arith.mulf %sub3A_127, %sub3A_127 : vector<4x64x128xf32>
    %mul3A_133 = arith.mulf %sub3A_129, %sub3A_129 : vector<4x64x128xf32>
    %add3A_134 = arith.addf %mul3A_132, %mul3A_133 : vector<4x64x128xf32>
    %mul3A_135 = arith.mulf %sub3A_131, %sub3A_131 : vector<4x64x128xf32>
    %add3A_136 = arith.addf %add3A_134, %mul3A_135 : vector<4x64x128xf32>
    %swap3A_137 = arith.constant 0 : index
    %swap3A_138 = arith.constant 4 : index
    %swap3A_139 = arith.constant 0 : index
    %swap3A_140 = arith.constant 0 : index
    %swap3A_141 = vector.load %arg3[%swap3A_137, %swap3A_138, %swap3A_139, %swap3A_140] : memref<2x128x64x128xf32, #tpu.memory_space<vmem>>, vector<1x4x64x128xf32>
    %swap3A_142 = vector.shape_cast %swap3A_141 : vector<1x4x64x128xf32> to vector<4x64x128xf32>
    %swap3A_143 = vector.shape_cast %add3A_136 : vector<4x64x128xf32> to vector<1x4x64x128xf32>
    tpu.vector_store %arg3[%swap3A_137, %swap3A_138, %swap3A_139, %swap3A_140], %swap3A_143 {strides = array<i32>} : memref<2x128x64x128xf32, #tpu.memory_space<vmem>>, vector<1x4x64x128xf32>,
    %min3A_144 = arith.minimumf %min3A, %add3A_136 : vector<4x64x128xf32>
    %reduce_max3A_145 = arith.constant dense<0xFF800000> : vector<4x64xf32>
    %reduce_max3A_146 = vector.multi_reduction <maximumf>, %min3A_144, %reduce_max3A_145 [2] : vector<4x64x128xf32> to vector<4x64xf32>
    %broadcast_in_dim3A_147 = vector.shape_cast %reduce_max3A_146 : vector<4x64xf32> to vector<4x64x1xf32>
    %reduce_max3A_148 = arith.constant dense<0xFF800000> : vector<4x1xf32>
    %reduce_max3A_149 = vector.multi_reduction <maximumf>, %broadcast_in_dim3A_147, %reduce_max3A_148 [1] : vector<4x64x1xf32> to vector<4x1xf32>
    %broadcast_in_dim3A_150 = vector.shape_cast %reduce_max3A_149 : vector<4x1xf32> to vector<4x1x1xf32>
    %eq3A_151 = vector.broadcast %broadcast_in_dim3A_150 : vector<4x1x1xf32> to vector<4x64x128xf32>
    %eq3A_152 = arith.cmpf oeq, %min3A_144, %eq3A_151 : vector<4x64x128xf32>
    %jit3A_153 = arith.constant 8192 : i32
    %broadcast_in_dim3A_154 = vector.broadcast %jit3A_153 : i32 to vector<4x64x128xi32>
    %select_n3A_155 = arith.select %eq3A_152, %add3A, %broadcast_in_dim3A_154 : vector<4x64x128xi1>, vector<4x64x128xi32>
    %reduce_min3A_156 = arith.constant dense<2147483647> : vector<4x64xi32>
    %reduce_min3A_157 = vector.multi_reduction <minsi>, %select_n3A_155, %reduce_min3A_156 [2] : vector<4x64x128xi32> to vector<4x64xi32>
    %broadcast_in_dim3A_158 = vector.shape_cast %reduce_min3A_157 : vector<4x64xi32> to vector<4x64x1xi32>
    %reduce_min3A_159 = arith.constant dense<2147483647> : vector<4x1xi32>
    %reduce_min3A_160 = vector.multi_reduction <minsi>, %broadcast_in_dim3A_158, %reduce_min3A_159 [1] : vector<4x64x1xi32> to vector<4x1xi32>
    %broadcast_in_dim3A_161 = vector.shape_cast %reduce_min3A_160 : vector<4x1xi32> to vector<4x1x1xi32>
    %eq3A_162 = vector.broadcast %broadcast_in_dim3A_161 : vector<4x1x1xi32> to vector<4x64x128xi32>
    %eq3A_163 = arith.cmpi eq, %add3A, %eq3A_162 : vector<4x64x128xi32>
    %jit3A_164 = arith.constant 0.000000e+00 : f32
    %broadcast_in_dim3A_165 = vector.broadcast %jit3A_164 : f32 to vector<4x64x128xf32>
    %select_n3A_166 = arith.select %eq3A_163, %get3A_4, %broadcast_in_dim3A_165 : vector<4x64x128xi1>, vector<4x64x128xf32>
    %reduce_sum3A_167 = arith.constant dense<0.000000e+00> : vector<4x64xf32>
    %reduce_sum3A_168 = vector.multi_reduction <add>, %select_n3A_166, %reduce_sum3A_167 [2] : vector<4x64x128xf32> to vector<4x64xf32>
    %broadcast_in_dim3A_169 = vector.shape_cast %reduce_sum3A_168 : vector<4x64xf32> to vector<4x64x1xf32>
    %reduce_sum3A_170 = arith.constant dense<0.000000e+00> : vector<4x1xf32>
    %reduce_sum3A_171 = vector.multi_reduction <add>, %broadcast_in_dim3A_169, %reduce_sum3A_170 [1] : vector<4x64x1xf32> to vector<4x1xf32>
    %broadcast_in_dim3A_172 = vector.shape_cast %reduce_sum3A_171 : vector<4x1xf32> to vector<4x1x1xf32>
    %jit3A_173 = arith.constant 0.000000e+00 : f32
    %broadcast_in_dim3A_174 = vector.broadcast %jit3A_173 : f32 to vector<4x64x128xf32>
    %select_n3A_175 = arith.select %eq3A_163, %get3A_10, %broadcast_in_dim3A_174 : vector<4x64x128xi1>, vector<4x64x128xf32>
    %reduce_sum3A_176 = arith.constant dense<0.000000e+00> : vector<4x64xf32>
    %reduce_sum3A_177 = vector.multi_reduction <add>, %select_n3A_175, %reduce_sum3A_176 [2] : vector<4x64x128xf32> to vector<4x64xf32>
    %broadcast_in_dim3A_178 = vector.shape_cast %reduce_sum3A_177 : vector<4x64xf32> to vector<4x64x1xf32>
    %reduce_sum3A_179 = arith.constant dense<0.000000e+00> : vector<4x1xf32>
    %reduce_sum3A_180 = vector.multi_reduction <add>, %broadcast_in_dim3A_178, %reduce_sum3A_179 [1] : vector<4x64x1xf32> to vector<4x1xf32>
    %broadcast_in_dim3A_181 = vector.shape_cast %reduce_sum3A_180 : vector<4x1xf32> to vector<4x1x1xf32>
    %jit3A_182 = arith.constant 0.000000e+00 : f32
    %broadcast_in_dim3A_183 = vector.broadcast %jit3A_182 : f32 to vector<4x64x128xf32>
    %select_n3A_184 = arith.select %eq3A_163, %get3A_16, %broadcast_in_dim3A_183 : vector<4x64x128xi1>, vector<4x64x128xf32>
    %reduce_sum3A_185 = arith.constant dense<0.000000e+00> : vector<4x64xf32>
    %reduce_sum3A_186 = vector.multi_reduction <add>, %select_n3A_184, %reduce_sum3A_185 [2] : vector<4x64x128xf32> to vector<4x64xf32>
    %broadcast_in_dim3A_187 = vector.shape_cast %reduce_sum3A_186 : vector<4x64xf32> to vector<4x64x1xf32>
    %reduce_sum3A_188 = arith.constant dense<0.000000e+00> : vector<4x1xf32>
    %reduce_sum3A_189 = vector.multi_reduction <add>, %broadcast_in_dim3A_187, %reduce_sum3A_188 [1] : vector<4x64x1xf32> to vector<4x1xf32>
    %broadcast_in_dim3A_190 = vector.shape_cast %reduce_sum3A_189 : vector<4x1xf32> to vector<4x1x1xf32>
    %sub3A_191 = vector.broadcast %broadcast_in_dim3A_172 : vector<4x1x1xf32> to vector<4x64x128xf32>
    %sub3A_192 = arith.subf %get3A_4, %sub3A_191 : vector<4x64x128xf32>
    %sub3A_193 = vector.broadcast %broadcast_in_dim3A_181 : vector<4x1x1xf32> to vector<4x64x128xf32>
    %sub3A_194 = arith.subf %get3A_10, %sub3A_193 : vector<4x64x128xf32>
    %sub3A_195 = vector.broadcast %broadcast_in_dim3A_190 : vector<4x1x1xf32> to vector<4x64x128xf32>
    %sub3A_196 = arith.subf %get3A_16, %sub3A_195 : vector<4x64x128xf32>
    %mul3A_197 = arith.mulf %sub3A_192, %sub3A_192 : vector<4x64x128xf32>
    %mul3A_198 = arith.mulf %sub3A_194, %sub3A_194 : vector<4x64x128xf32>
    %add3A_199 = arith.addf %mul3A_197, %mul3A_198 : vector<4x64x128xf32>
    %mul3A_200 = arith.mulf %sub3A_196, %sub3A_196 : vector<4x64x128xf32>
    %add3A_201 = arith.addf %add3A_199, %mul3A_200 : vector<4x64x128xf32>
    %swap3A_202 = arith.constant 0 : index
    %swap3A_203 = arith.constant 8 : index
    %swap3A_204 = arith.constant 0 : index
    %swap3A_205 = arith.constant 0 : index
    %swap3A_206 = vector.load %arg3[%swap3A_202, %swap3A_203, %swap3A_204, %swap3A_205] : memref<2x128x64x128xf32, #tpu.memory_space<vmem>>, vector<1x4x64x128xf32>
    %swap3A_207 = vector.shape_cast %swap3A_206 : vector<1x4x64x128xf32> to vector<4x64x128xf32>
    %swap3A_208 = vector.shape_cast %add3A_201 : vector<4x64x128xf32> to vector<1x4x64x128xf32>
    tpu.vector_store %arg3[%swap3A_202, %swap3A_203, %swap3A_204, %swap3A_205], %swap3A_208 {strides = array<i32>} : memref<2x128x64x128xf32, #tpu.memory_space<vmem>>, vector<1x4x64x128xf32>,
    %min3A_209 = arith.minimumf %min3A_144, %add3A_201 : vector<4x64x128xf32>
    %reduce_max3A_210 = arith.constant dense<0xFF800000> : vector<4x64xf32>
    %reduce_max3A_211 = vector.multi_reduction <maximumf>, %min3A_209, %reduce_max3A_210 [2] : vector<4x64x128xf32> to vector<4x64xf32>
    %broadcast_in_dim3A_212 = vector.shape_cast %reduce_max3A_211 : vector<4x64xf32> to vector<4x64x1xf32>
    %reduce_max3A_213 = arith.constant dense<0xFF800000> : vector<4x1xf32>
    %reduce_max3A_214 = vector.multi_reduction <maximumf>, %broadcast_in_dim3A_212, %reduce_max3A_213 [1] : vector<4x64x1xf32> to vector<4x1xf32>
    %broadcast_in_dim3A_215 = vector.shape_cast %reduce_max3A_214 : vector<4x1xf32> to vector<4x1x1xf32>
    %eq3A_216 = vector.broadcast %broadcast_in_dim3A_215 : vector<4x1x1xf32> to vector<4x64x128xf32>
    %eq3A_217 = arith.cmpf oeq, %min3A_209, %eq3A_216 : vector<4x64x128xf32>
    %jit3A_218 = arith.constant 8192 : i32
    %broadcast_in_dim3A_219 = vector.broadcast %jit3A_218 : i32 to vector<4x64x128xi32>
    %select_n3A_220 = arith.select %eq3A_217, %add3A, %broadcast_in_dim3A_219 : vector<4x64x128xi1>, vector<4x64x128xi32>
    %reduce_min3A_221 = arith.constant dense<2147483647> : vector<4x64xi32>
    %reduce_min3A_222 = vector.multi_reduction <minsi>, %select_n3A_220, %reduce_min3A_221 [2] : vector<4x64x128xi32> to vector<4x64xi32>
    %broadcast_in_dim3A_223 = vector.shape_cast %reduce_min3A_222 : vector<4x64xi32> to vector<4x64x1xi32>
    %reduce_min3A_224 = arith.constant dense<2147483647> : vector<4x1xi32>
    %reduce_min3A_225 = vector.multi_reduction <minsi>, %broadcast_in_dim3A_223, %reduce_min3A_224 [1] : vector<4x64x1xi32> to vector<4x1xi32>
    %broadcast_in_dim3A_226 = vector.shape_cast %reduce_min3A_225 : vector<4x1xi32> to vector<4x1x1xi32>
    %eq3A_227 = vector.broadcast %broadcast_in_dim3A_226 : vector<4x1x1xi32> to vector<4x64x128xi32>
    %eq3A_228 = arith.cmpi eq, %add3A, %eq3A_227 : vector<4x64x128xi32>
    %jit3A_229 = arith.constant 0.000000e+00 : f32
    %broadcast_in_dim3A_230 = vector.broadcast %jit3A_229 : f32 to vector<4x64x128xf32>
    %select_n3A_231 = arith.select %eq3A_228, %get3A_4, %broadcast_in_dim3A_230 : vector<4x64x128xi1>, vector<4x64x128xf32>
    %reduce_sum3A_232 = arith.constant dense<0.000000e+00> : vector<4x64xf32>
    %reduce_sum3A_233 = vector.multi_reduction <add>, %select_n3A_231, %reduce_sum3A_232 [2] : vector<4x64x128xf32> to vector<4x64xf32>
    %broadcast_in_dim3A_234 = vector.shape_cast %reduce_sum3A_233 : vector<4x64xf32> to vector<4x64x1xf32>
    %reduce_sum3A_235 = arith.constant dense<0.000000e+00> : vector<4x1xf32>
    %reduce_sum3A_236 = vector.multi_reduction <add>, %broadcast_in_dim3A_234, %reduce_sum3A_235 [1] : vector<4x64x1xf32> to vector<4x1xf32>
    %broadcast_in_dim3A_237 = vector.shape_cast %reduce_sum3A_236 : vector<4x1xf32> to vector<4x1x1xf32>
    %jit3A_238 = arith.constant 0.000000e+00 : f32
    %broadcast_in_dim3A_239 = vector.broadcast %jit3A_238 : f32 to vector<4x64x128xf32>
    %select_n3A_240 = arith.select %eq3A_228, %get3A_10, %broadcast_in_dim3A_239 : vector<4x64x128xi1>, vector<4x64x128xf32>
    %reduce_sum3A_241 = arith.constant dense<0.000000e+00> : vector<4x64xf32>
    %reduce_sum3A_242 = vector.multi_reduction <add>, %select_n3A_240, %reduce_sum3A_241 [2] : vector<4x64x128xf32> to vector<4x64xf32>
    %broadcast_in_dim3A_243 = vector.shape_cast %reduce_sum3A_242 : vector<4x64xf32> to vector<4x64x1xf32>
    %reduce_sum3A_244 = arith.constant dense<0.000000e+00> : vector<4x1xf32>
    %reduce_sum3A_245 = vector.multi_reduction <add>, %broadcast_in_dim3A_243, %reduce_sum3A_244 [1] : vector<4x64x1xf32> to vector<4x1xf32>
    %broadcast_in_dim3A_246 = vector.shape_cast %reduce_sum3A_245 : vector<4x1xf32> to vector<4x1x1xf32>
    %jit3A_247 = arith.constant 0.000000e+00 : f32
    %broadcast_in_dim3A_248 = vector.broadcast %jit3A_247 : f32 to vector<4x64x128xf32>
    %select_n3A_249 = arith.select %eq3A_228, %get3A_16, %broadcast_in_dim3A_248 : vector<4x64x128xi1>, vector<4x64x128xf32>
    %reduce_sum3A_250 = arith.constant dense<0.000000e+00> : vector<4x64xf32>
    %reduce_sum3A_251 = vector.multi_reduction <add>, %select_n3A_249, %reduce_sum3A_250 [2] : vector<4x64x128xf32> to vector<4x64xf32>
    %broadcast_in_dim3A_252 = vector.shape_cast %reduce_sum3A_251 : vector<4x64xf32> to vector<4x64x1xf32>
    %reduce_sum3A_253 = arith.constant dense<0.000000e+00> : vector<4x1xf32>
    %reduce_sum3A_254 = vector.multi_reduction <add>, %broadcast_in_dim3A_252, %reduce_sum3A_253 [1] : vector<4x64x1xf32> to vector<4x1xf32>
    %broadcast_in_dim3A_255 = vector.shape_cast %reduce_sum3A_254 : vector<4x1xf32> to vector<4x1x1xf32>
    %sub3A_256 = vector.broadcast %broadcast_in_dim3A_237 : vector<4x1x1xf32> to vector<4x64x128xf32>
    %sub3A_257 = arith.subf %get3A_4, %sub3A_256 : vector<4x64x128xf32>
    %sub3A_258 = vector.broadcast %broadcast_in_dim3A_246 : vector<4x1x1xf32> to vector<4x64x128xf32>
    %sub3A_259 = arith.subf %get3A_10, %sub3A_258 : vector<4x64x128xf32>
    %sub3A_260 = vector.broadcast %broadcast_in_dim3A_255 : vector<4x1x1xf32> to vector<4x64x128xf32>
    %sub3A_261 = arith.subf %get3A_16, %sub3A_260 : vector<4x64x128xf32>
    %mul3A_262 = arith.mulf %sub3A_257, %sub3A_257 : vector<4x64x128xf32>
    %mul3A_263 = arith.mulf %sub3A_259, %sub3A_259 : vector<4x64x128xf32>
    %add3A_264 = arith.addf %mul3A_262, %mul3A_263 : vector<4x64x128xf32>
    %mul3A_265 = arith.mulf %sub3A_261, %sub3A_261 : vector<4x64x128xf32>
    %add3A_266 = arith.addf %add3A_264, %mul3A_265 : vector<4x64x128xf32>
    %swap3A_267 = arith.constant 0 : index
    %swap3A_268 = arith.constant 12 : index
    %swap3A_269 = arith.constant 0 : index
    %swap3A_270 = arith.constant 0 : index
    %swap3A_271 = vector.load %arg3[%swap3A_267, %swap3A_268, %swap3A_269, %swap3A_270] : memref<2x128x64x128xf32, #tpu.memory_space<vmem>>, vector<1x4x64x128xf32>
    %swap3A_272 = vector.shape_cast %swap3A_271 : vector<1x4x64x128xf32> to vector<4x64x128xf32>
    %swap3A_273 = vector.shape_cast %add3A_266 : vector<4x64x128xf32> to vector<1x4x64x128xf32>
    tpu.vector_store %arg3[%swap3A_267, %swap3A_268, %swap3A_269, %swap3A_270], %swap3A_273 {strides = array<i32>} : memref<2x128x64x128xf32, #tpu.memory_space<vmem>>, vector<1x4x64x128xf32>,
    %min3A_274 = arith.minimumf %min3A_209, %add3A_266 : vector<4x64x128xf32>
    %reduce_max3A_275 = arith.constant dense<0xFF800000> : vector<4x64xf32>
    %reduce_max3A_276 = vector.multi_reduction <maximumf>, %min3A_274, %reduce_max3A_275 [2] : vector<4x64x128xf32> to vector<4x64xf32>
    %broadcast_in_dim3A_277 = vector.shape_cast %reduce_max3A_276 : vector<4x64xf32> to vector<4x64x1xf32>
    %reduce_max3A_278 = arith.constant dense<0xFF800000> : vector<4x1xf32>
    %reduce_max3A_279 = vector.multi_reduction <maximumf>, %broadcast_in_dim3A_277, %reduce_max3A_278 [1] : vector<4x64x1xf32> to vector<4x1xf32>
    %broadcast_in_dim3A_280 = vector.shape_cast %reduce_max3A_279 : vector<4x1xf32> to vector<4x1x1xf32>
    %eq3A_281 = vector.broadcast %broadcast_in_dim3A_280 : vector<4x1x1xf32> to vector<4x64x128xf32>
    %eq3A_282 = arith.cmpf oeq, %min3A_274, %eq3A_281 : vector<4x64x128xf32>
    %jit3A_283 = arith.constant 8192 : i32
    %broadcast_in_dim3A_284 = vector.broadcast %jit3A_283 : i32 to vector<4x64x128xi32>
    %select_n3A_285 = arith.select %eq3A_282, %add3A, %broadcast_in_dim3A_284 : vector<4x64x128xi1>, vector<4x64x128xi32>
    %reduce_min3A_286 = arith.constant dense<2147483647> : vector<4x64xi32>
    %reduce_min3A_287 = vector.multi_reduction <minsi>, %select_n3A_285, %reduce_min3A_286 [2] : vector<4x64x128xi32> to vector<4x64xi32>
    %broadcast_in_dim3A_288 = vector.shape_cast %reduce_min3A_287 : vector<4x64xi32> to vector<4x64x1xi32>
    %reduce_min3A_289 = arith.constant dense<2147483647> : vector<4x1xi32>
    %reduce_min3A_290 = vector.multi_reduction <minsi>, %broadcast_in_dim3A_288, %reduce_min3A_289 [1] : vector<4x64x1xi32> to vector<4x1xi32>
    %broadcast_in_dim3A_291 = vector.shape_cast %reduce_min3A_290 : vector<4x1xi32> to vector<4x1x1xi32>
    %eq3A_292 = vector.broadcast %broadcast_in_dim3A_291 : vector<4x1x1xi32> to vector<4x64x128xi32>
    %eq3A_293 = arith.cmpi eq, %add3A, %eq3A_292 : vector<4x64x128xi32>
    %jit3A_294 = arith.constant 0.000000e+00 : f32
    %broadcast_in_dim3A_295 = vector.broadcast %jit3A_294 : f32 to vector<4x64x128xf32>
    %select_n3A_296 = arith.select %eq3A_293, %get3A_4, %broadcast_in_dim3A_295 : vector<4x64x128xi1>, vector<4x64x128xf32>
    %reduce_sum3A_297 = arith.constant dense<0.000000e+00> : vector<4x64xf32>
    %reduce_sum3A_298 = vector.multi_reduction <add>, %select_n3A_296, %reduce_sum3A_297 [2] : vector<4x64x128xf32> to vector<4x64xf32>
    %broadcast_in_dim3A_299 = vector.shape_cast %reduce_sum3A_298 : vector<4x64xf32> to vector<4x64x1xf32>
    %reduce_sum3A_300 = arith.constant dense<0.000000e+00> : vector<4x1xf32>
    %reduce_sum3A_301 = vector.multi_reduction <add>, %broadcast_in_dim3A_299, %reduce_sum3A_300 [1] : vector<4x64x1xf32> to vector<4x1xf32>
    %broadcast_in_dim3A_302 = vector.shape_cast %reduce_sum3A_301 : vector<4x1xf32> to vector<4x1x1xf32>
    %jit3A_303 = arith.constant 0.000000e+00 : f32
    %broadcast_in_dim3A_304 = vector.broadcast %jit3A_303 : f32 to vector<4x64x128xf32>
    %select_n3A_305 = arith.select %eq3A_293, %get3A_10, %broadcast_in_dim3A_304 : vector<4x64x128xi1>, vector<4x64x128xf32>
    %reduce_sum3A_306 = arith.constant dense<0.000000e+00> : vector<4x64xf32>
    %reduce_sum3A_307 = vector.multi_reduction <add>, %select_n3A_305, %reduce_sum3A_306 [2] : vector<4x64x128xf32> to vector<4x64xf32>
    %broadcast_in_dim3A_308 = vector.shape_cast %reduce_sum3A_307 : vector<4x64xf32> to vector<4x64x1xf32>
    %reduce_sum3A_309 = arith.constant dense<0.000000e+00> : vector<4x1xf32>
    %reduce_sum3A_310 = vector.multi_reduction <add>, %broadcast_in_dim3A_308, %reduce_sum3A_309 [1] : vector<4x64x1xf32> to vector<4x1xf32>
    %broadcast_in_dim3A_311 = vector.shape_cast %reduce_sum3A_310 : vector<4x1xf32> to vector<4x1x1xf32>
    %jit3A_312 = arith.constant 0.000000e+00 : f32
    %broadcast_in_dim3A_313 = vector.broadcast %jit3A_312 : f32 to vector<4x64x128xf32>
    %select_n3A_314 = arith.select %eq3A_293, %get3A_16, %broadcast_in_dim3A_313 : vector<4x64x128xi1>, vector<4x64x128xf32>
    %reduce_sum3A_315 = arith.constant dense<0.000000e+00> : vector<4x64xf32>
    %reduce_sum3A_316 = vector.multi_reduction <add>, %select_n3A_314, %reduce_sum3A_315 [2] : vector<4x64x128xf32> to vector<4x64xf32>
    %broadcast_in_dim3A_317 = vector.shape_cast %reduce_sum3A_316 : vector<4x64xf32> to vector<4x64x1xf32>
    %reduce_sum3A_318 = arith.constant dense<0.000000e+00> : vector<4x1xf32>
    %reduce_sum3A_319 = vector.multi_reduction <add>, %broadcast_in_dim3A_317, %reduce_sum3A_318 [1] : vector<4x64x1xf32> to vector<4x1xf32>
    %broadcast_in_dim3A_320 = vector.shape_cast %reduce_sum3A_319 : vector<4x1xf32> to vector<4x1x1xf32>
    %sub3A_321 = vector.broadcast %broadcast_in_dim3A_302 : vector<4x1x1xf32> to vector<4x64x128xf32>
    %sub3A_322 = arith.subf %get3A_4, %sub3A_321 : vector<4x64x128xf32>
    %sub3A_323 = vector.broadcast %broadcast_in_dim3A_311 : vector<4x1x1xf32> to vector<4x64x128xf32>
    %sub3A_324 = arith.subf %get3A_10, %sub3A_323 : vector<4x64x128xf32>
    %sub3A_325 = vector.broadcast %broadcast_in_dim3A_320 : vector<4x1x1xf32> to vector<4x64x128xf32>
    %sub3A_326 = arith.subf %get3A_16, %sub3A_325 : vector<4x64x128xf32>
    %mul3A_327 = arith.mulf %sub3A_322, %sub3A_322 : vector<4x64x128xf32>
    %mul3A_328 = arith.mulf %sub3A_324, %sub3A_324 : vector<4x64x128xf32>
    %add3A_329 = arith.addf %mul3A_327, %mul3A_328 : vector<4x64x128xf32>
    %mul3A_330 = arith.mulf %sub3A_326, %sub3A_326 : vector<4x64x128xf32>
    %add3A_331 = arith.addf %add3A_329, %mul3A_330 : vector<4x64x128xf32>
    %swap3A_332 = arith.constant 0 : index
    %swap3A_333 = arith.constant 16 : index
    %swap3A_334 = arith.constant 0 : index
    %swap3A_335 = arith.constant 0 : index
    %swap3A_336 = vector.load %arg3[%swap3A_332, %swap3A_333, %swap3A_334, %swap3A_335] : memref<2x128x64x128xf32, #tpu.memory_space<vmem>>, vector<1x4x64x128xf32>
    %swap3A_337 = vector.shape_cast %swap3A_336 : vector<1x4x64x128xf32> to vector<4x64x128xf32>
    %swap3A_338 = vector.shape_cast %add3A_331 : vector<4x64x128xf32> to vector<1x4x64x128xf32>
    tpu.vector_store %arg3[%swap3A_332, %swap3A_333, %swap3A_334, %swap3A_335], %swap3A_338 {strides = array<i32>} : memref<2x128x64x128xf32, #tpu.memory_space<vmem>>, vector<1x4x64x128xf32>,
    %min3A_339 = arith.minimumf %min3A_274, %add3A_331 : vector<4x64x128xf32>
    %reduce_max3A_340 = arith.constant dense<0xFF800000> : vector<4x64xf32>
    %reduce_max3A_341 = vector.multi_reduction <maximumf>, %min3A_339, %reduce_max3A_340 [2] : vector<4x64x128xf32> to vector<4x64xf32>
    %broadcast_in_dim3A_342 = vector.shape_cast %reduce_max3A_341 : vector<4x64xf32> to vector<4x64x1xf32>
    %reduce_max3A_343 = arith.constant dense<0xFF800000> : vector<4x1xf32>
    %reduce_max3A_344 = vector.multi_reduction <maximumf>, %broadcast_in_dim3A_342, %reduce_max3A_343 [1] : vector<4x64x1xf32> to vector<4x1xf32>
    %broadcast_in_dim3A_345 = vector.shape_cast %reduce_max3A_344 : vector<4x1xf32> to vector<4x1x1xf32>
    %eq3A_346 = vector.broadcast %broadcast_in_dim3A_345 : vector<4x1x1xf32> to vector<4x64x128xf32>
    %eq3A_347 = arith.cmpf oeq, %min3A_339, %eq3A_346 : vector<4x64x128xf32>
    %jit3A_348 = arith.constant 8192 : i32
    %broadcast_in_dim3A_349 = vector.broadcast %jit3A_348 : i32 to vector<4x64x128xi32>
    %select_n3A_350 = arith.select %eq3A_347, %add3A, %broadcast_in_dim3A_349 : vector<4x64x128xi1>, vector<4x64x128xi32>
    %reduce_min3A_351 = arith.constant dense<2147483647> : vector<4x64xi32>
    %reduce_min3A_352 = vector.multi_reduction <minsi>, %select_n3A_350, %reduce_min3A_351 [2] : vector<4x64x128xi32> to vector<4x64xi32>
    %broadcast_in_dim3A_353 = vector.shape_cast %reduce_min3A_352 : vector<4x64xi32> to vector<4x64x1xi32>
    %reduce_min3A_354 = arith.constant dense<2147483647> : vector<4x1xi32>
    %reduce_min3A_355 = vector.multi_reduction <minsi>, %broadcast_in_dim3A_353, %reduce_min3A_354 [1] : vector<4x64x1xi32> to vector<4x1xi32>
    %broadcast_in_dim3A_356 = vector.shape_cast %reduce_min3A_355 : vector<4x1xi32> to vector<4x1x1xi32>
    %eq3A_357 = vector.broadcast %broadcast_in_dim3A_356 : vector<4x1x1xi32> to vector<4x64x128xi32>
    %eq3A_358 = arith.cmpi eq, %add3A, %eq3A_357 : vector<4x64x128xi32>
    %jit3A_359 = arith.constant 0.000000e+00 : f32
    %broadcast_in_dim3A_360 = vector.broadcast %jit3A_359 : f32 to vector<4x64x128xf32>
    %select_n3A_361 = arith.select %eq3A_358, %get3A_4, %broadcast_in_dim3A_360 : vector<4x64x128xi1>, vector<4x64x128xf32>
    %reduce_sum3A_362 = arith.constant dense<0.000000e+00> : vector<4x64xf32>
    %reduce_sum3A_363 = vector.multi_reduction <add>, %select_n3A_361, %reduce_sum3A_362 [2] : vector<4x64x128xf32> to vector<4x64xf32>
    %broadcast_in_dim3A_364 = vector.shape_cast %reduce_sum3A_363 : vector<4x64xf32> to vector<4x64x1xf32>
    %reduce_sum3A_365 = arith.constant dense<0.000000e+00> : vector<4x1xf32>
    %reduce_sum3A_366 = vector.multi_reduction <add>, %broadcast_in_dim3A_364, %reduce_sum3A_365 [1] : vector<4x64x1xf32> to vector<4x1xf32>
    %broadcast_in_dim3A_367 = vector.shape_cast %reduce_sum3A_366 : vector<4x1xf32> to vector<4x1x1xf32>
    %jit3A_368 = arith.constant 0.000000e+00 : f32
    %broadcast_in_dim3A_369 = vector.broadcast %jit3A_368 : f32 to vector<4x64x128xf32>
    %select_n3A_370 = arith.select %eq3A_358, %get3A_10, %broadcast_in_dim3A_369 : vector<4x64x128xi1>, vector<4x64x128xf32>
    %reduce_sum3A_371 = arith.constant dense<0.000000e+00> : vector<4x64xf32>
    %reduce_sum3A_372 = vector.multi_reduction <add>, %select_n3A_370, %reduce_sum3A_371 [2] : vector<4x64x128xf32> to vector<4x64xf32>
    %broadcast_in_dim3A_373 = vector.shape_cast %reduce_sum3A_372 : vector<4x64xf32> to vector<4x64x1xf32>
    %reduce_sum3A_374 = arith.constant dense<0.000000e+00> : vector<4x1xf32>
    %reduce_sum3A_375 = vector.multi_reduction <add>, %broadcast_in_dim3A_373, %reduce_sum3A_374 [1] : vector<4x64x1xf32> to vector<4x1xf32>
    %broadcast_in_dim3A_376 = vector.shape_cast %reduce_sum3A_375 : vector<4x1xf32> to vector<4x1x1xf32>
    %jit3A_377 = arith.constant 0.000000e+00 : f32
    %broadcast_in_dim3A_378 = vector.broadcast %jit3A_377 : f32 to vector<4x64x128xf32>
    %select_n3A_379 = arith.select %eq3A_358, %get3A_16, %broadcast_in_dim3A_378 : vector<4x64x128xi1>, vector<4x64x128xf32>
    %reduce_sum3A_380 = arith.constant dense<0.000000e+00> : vector<4x64xf32>
    %reduce_sum3A_381 = vector.multi_reduction <add>, %select_n3A_379, %reduce_sum3A_380 [2] : vector<4x64x128xf32> to vector<4x64xf32>
    %broadcast_in_dim3A_382 = vector.shape_cast %reduce_sum3A_381 : vector<4x64xf32> to vector<4x64x1xf32>
    %reduce_sum3A_383 = arith.constant dense<0.000000e+00> : vector<4x1xf32>
    %reduce_sum3A_384 = vector.multi_reduction <add>, %broadcast_in_dim3A_382, %reduce_sum3A_383 [1] : vector<4x64x1xf32> to vector<4x1xf32>
    %broadcast_in_dim3A_385 = vector.shape_cast %reduce_sum3A_384 : vector<4x1xf32> to vector<4x1x1xf32>
    %sub3A_386 = vector.broadcast %broadcast_in_dim3A_367 : vector<4x1x1xf32> to vector<4x64x128xf32>
    %sub3A_387 = arith.subf %get3A_4, %sub3A_386 : vector<4x64x128xf32>
    %sub3A_388 = vector.broadcast %broadcast_in_dim3A_376 : vector<4x1x1xf32> to vector<4x64x128xf32>
    %sub3A_389 = arith.subf %get3A_10, %sub3A_388 : vector<4x64x128xf32>
    %sub3A_390 = vector.broadcast %broadcast_in_dim3A_385 : vector<4x1x1xf32> to vector<4x64x128xf32>
    %sub3A_391 = arith.subf %get3A_16, %sub3A_390 : vector<4x64x128xf32>
    %mul3A_392 = arith.mulf %sub3A_387, %sub3A_387 : vector<4x64x128xf32>
    %mul3A_393 = arith.mulf %sub3A_389, %sub3A_389 : vector<4x64x128xf32>
    %add3A_394 = arith.addf %mul3A_392, %mul3A_393 : vector<4x64x128xf32>
    %mul3A_395 = arith.mulf %sub3A_391, %sub3A_391 : vector<4x64x128xf32>
    %add3A_396 = arith.addf %add3A_394, %mul3A_395 : vector<4x64x128xf32>
    %swap3A_397 = arith.constant 0 : index
    %swap3A_398 = arith.constant 20 : index
    %swap3A_399 = arith.constant 0 : index
    %swap3A_400 = arith.constant 0 : index
    %swap3A_401 = vector.load %arg3[%swap3A_397, %swap3A_398, %swap3A_399, %swap3A_400] : memref<2x128x64x128xf32, #tpu.memory_space<vmem>>, vector<1x4x64x128xf32>
    %swap3A_402 = vector.shape_cast %swap3A_401 : vector<1x4x64x128xf32> to vector<4x64x128xf32>
    %swap3A_403 = vector.shape_cast %add3A_396 : vector<4x64x128xf32> to vector<1x4x64x128xf32>
    tpu.vector_store %arg3[%swap3A_397, %swap3A_398, %swap3A_399, %swap3A_400], %swap3A_403 {strides = array<i32>} : memref<2x128x64x128xf32, #tpu.memory_space<vmem>>, vector<1x4x64x128xf32>,
    %min3A_404 = arith.minimumf %min3A_339, %add3A_396 : vector<4x64x128xf32>
    %reduce_max3A_405 = arith.constant dense<0xFF800000> : vector<4x64xf32>
    %reduce_max3A_406 = vector.multi_reduction <maximumf>, %min3A_404, %reduce_max3A_405 [2] : vector<4x64x128xf32> to vector<4x64xf32>
    %broadcast_in_dim3A_407 = vector.shape_cast %reduce_max3A_406 : vector<4x64xf32> to vector<4x64x1xf32>
    %reduce_max3A_408 = arith.constant dense<0xFF800000> : vector<4x1xf32>
    %reduce_max3A_409 = vector.multi_reduction <maximumf>, %broadcast_in_dim3A_407, %reduce_max3A_408 [1] : vector<4x64x1xf32> to vector<4x1xf32>
    %broadcast_in_dim3A_410 = vector.shape_cast %reduce_max3A_409 : vector<4x1xf32> to vector<4x1x1xf32>
    %eq3A_411 = vector.broadcast %broadcast_in_dim3A_410 : vector<4x1x1xf32> to vector<4x64x128xf32>
    %eq3A_412 = arith.cmpf oeq, %min3A_404, %eq3A_411 : vector<4x64x128xf32>
    %jit3A_413 = arith.constant 8192 : i32
    %broadcast_in_dim3A_414 = vector.broadcast %jit3A_413 : i32 to vector<4x64x128xi32>
    %select_n3A_415 = arith.select %eq3A_412, %add3A, %broadcast_in_dim3A_414 : vector<4x64x128xi1>, vector<4x64x128xi32>
    %reduce_min3A_416 = arith.constant dense<2147483647> : vector<4x64xi32>
    %reduce_min3A_417 = vector.multi_reduction <minsi>, %select_n3A_415, %reduce_min3A_416 [2] : vector<4x64x128xi32> to vector<4x64xi32>
    %broadcast_in_dim3A_418 = vector.shape_cast %reduce_min3A_417 : vector<4x64xi32> to vector<4x64x1xi32>
    %reduce_min3A_419 = arith.constant dense<2147483647> : vector<4x1xi32>
    %reduce_min3A_420 = vector.multi_reduction <minsi>, %broadcast_in_dim3A_418, %reduce_min3A_419 [1] : vector<4x64x1xi32> to vector<4x1xi32>
    %broadcast_in_dim3A_421 = vector.shape_cast %reduce_min3A_420 : vector<4x1xi32> to vector<4x1x1xi32>
    %eq3A_422 = vector.broadcast %broadcast_in_dim3A_421 : vector<4x1x1xi32> to vector<4x64x128xi32>
    %eq3A_423 = arith.cmpi eq, %add3A, %eq3A_422 : vector<4x64x128xi32>
    %jit3A_424 = arith.constant 0.000000e+00 : f32
    %broadcast_in_dim3A_425 = vector.broadcast %jit3A_424 : f32 to vector<4x64x128xf32>
    %select_n3A_426 = arith.select %eq3A_423, %get3A_4, %broadcast_in_dim3A_425 : vector<4x64x128xi1>, vector<4x64x128xf32>
    %reduce_sum3A_427 = arith.constant dense<0.000000e+00> : vector<4x64xf32>
    %reduce_sum3A_428 = vector.multi_reduction <add>, %select_n3A_426, %reduce_sum3A_427 [2] : vector<4x64x128xf32> to vector<4x64xf32>
    %broadcast_in_dim3A_429 = vector.shape_cast %reduce_sum3A_428 : vector<4x64xf32> to vector<4x64x1xf32>
    %reduce_sum3A_430 = arith.constant dense<0.000000e+00> : vector<4x1xf32>
    %reduce_sum3A_431 = vector.multi_reduction <add>, %broadcast_in_dim3A_429, %reduce_sum3A_430 [1] : vector<4x64x1xf32> to vector<4x1xf32>
    %broadcast_in_dim3A_432 = vector.shape_cast %reduce_sum3A_431 : vector<4x1xf32> to vector<4x1x1xf32>
    %jit3A_433 = arith.constant 0.000000e+00 : f32
    %broadcast_in_dim3A_434 = vector.broadcast %jit3A_433 : f32 to vector<4x64x128xf32>
    %select_n3A_435 = arith.select %eq3A_423, %get3A_10, %broadcast_in_dim3A_434 : vector<4x64x128xi1>, vector<4x64x128xf32>
    %reduce_sum3A_436 = arith.constant dense<0.000000e+00> : vector<4x64xf32>
    %reduce_sum3A_437 = vector.multi_reduction <add>, %select_n3A_435, %reduce_sum3A_436 [2] : vector<4x64x128xf32> to vector<4x64xf32>
    %broadcast_in_dim3A_438 = vector.shape_cast %reduce_sum3A_437 : vector<4x64xf32> to vector<4x64x1xf32>
    %reduce_sum3A_439 = arith.constant dense<0.000000e+00> : vector<4x1xf32>
    %reduce_sum3A_440 = vector.multi_reduction <add>, %broadcast_in_dim3A_438, %reduce_sum3A_439 [1] : vector<4x64x1xf32> to vector<4x1xf32>
    %broadcast_in_dim3A_441 = vector.shape_cast %reduce_sum3A_440 : vector<4x1xf32> to vector<4x1x1xf32>
    %jit3A_442 = arith.constant 0.000000e+00 : f32
    %broadcast_in_dim3A_443 = vector.broadcast %jit3A_442 : f32 to vector<4x64x128xf32>
    %select_n3A_444 = arith.select %eq3A_423, %get3A_16, %broadcast_in_dim3A_443 : vector<4x64x128xi1>, vector<4x64x128xf32>
    %reduce_sum3A_445 = arith.constant dense<0.000000e+00> : vector<4x64xf32>
    %reduce_sum3A_446 = vector.multi_reduction <add>, %select_n3A_444, %reduce_sum3A_445 [2] : vector<4x64x128xf32> to vector<4x64xf32>
    %broadcast_in_dim3A_447 = vector.shape_cast %reduce_sum3A_446 : vector<4x64xf32> to vector<4x64x1xf32>
    %reduce_sum3A_448 = arith.constant dense<0.000000e+00> : vector<4x1xf32>
    %reduce_sum3A_449 = vector.multi_reduction <add>, %broadcast_in_dim3A_447, %reduce_sum3A_448 [1] : vector<4x64x1xf32> to vector<4x1xf32>
    %broadcast_in_dim3A_450 = vector.shape_cast %reduce_sum3A_449 : vector<4x1xf32> to vector<4x1x1xf32>
    %sub3A_451 = vector.broadcast %broadcast_in_dim3A_432 : vector<4x1x1xf32> to vector<4x64x128xf32>
    %sub3A_452 = arith.subf %get3A_4, %sub3A_451 : vector<4x64x128xf32>
    %sub3A_453 = vector.broadcast %broadcast_in_dim3A_441 : vector<4x1x1xf32> to vector<4x64x128xf32>
    %sub3A_454 = arith.subf %get3A_10, %sub3A_453 : vector<4x64x128xf32>
    %sub3A_455 = vector.broadcast %broadcast_in_dim3A_450 : vector<4x1x1xf32> to vector<4x64x128xf32>
    %sub3A_456 = arith.subf %get3A_16, %sub3A_455 : vector<4x64x128xf32>
    %mul3A_457 = arith.mulf %sub3A_452, %sub3A_452 : vector<4x64x128xf32>
    %mul3A_458 = arith.mulf %sub3A_454, %sub3A_454 : vector<4x64x128xf32>
    %add3A_459 = arith.addf %mul3A_457, %mul3A_458 : vector<4x64x128xf32>
    %mul3A_460 = arith.mulf %sub3A_456, %sub3A_456 : vector<4x64x128xf32>
    %add3A_461 = arith.addf %add3A_459, %mul3A_460 : vector<4x64x128xf32>
    %swap3A_462 = arith.constant 0 : index
    %swap3A_463 = arith.constant 24 : index
    %swap3A_464 = arith.constant 0 : index
    %swap3A_465 = arith.constant 0 : index
    %swap3A_466 = vector.load %arg3[%swap3A_462, %swap3A_463, %swap3A_464, %swap3A_465] : memref<2x128x64x128xf32, #tpu.memory_space<vmem>>, vector<1x4x64x128xf32>
    %swap3A_467 = vector.shape_cast %swap3A_466 : vector<1x4x64x128xf32> to vector<4x64x128xf32>
    %swap3A_468 = vector.shape_cast %add3A_461 : vector<4x64x128xf32> to vector<1x4x64x128xf32>
    tpu.vector_store %arg3[%swap3A_462, %swap3A_463, %swap3A_464, %swap3A_465], %swap3A_468 {strides = array<i32>} : memref<2x128x64x128xf32, #tpu.memory_space<vmem>>, vector<1x4x64x128xf32>,
    %min3A_469 = arith.minimumf %min3A_404, %add3A_461 : vector<4x64x128xf32>
    %reduce_max3A_470 = arith.constant dense<0xFF800000> : vector<4x64xf32>
    %reduce_max3A_471 = vector.multi_reduction <maximumf>, %min3A_469, %reduce_max3A_470 [2] : vector<4x64x128xf32> to vector<4x64xf32>
    %broadcast_in_dim3A_472 = vector.shape_cast %reduce_max3A_471 : vector<4x64xf32> to vector<4x64x1xf32>
    %reduce_max3A_473 = arith.constant dense<0xFF800000> : vector<4x1xf32>
    %reduce_max3A_474 = vector.multi_reduction <maximumf>, %broadcast_in_dim3A_472, %reduce_max3A_473 [1] : vector<4x64x1xf32> to vector<4x1xf32>
    %broadcast_in_dim3A_475 = vector.shape_cast %reduce_max3A_474 : vector<4x1xf32> to vector<4x1x1xf32>
    %eq3A_476 = vector.broadcast %broadcast_in_dim3A_475 : vector<4x1x1xf32> to vector<4x64x128xf32>
    %eq3A_477 = arith.cmpf oeq, %min3A_469, %eq3A_476 : vector<4x64x128xf32>
    %jit3A_478 = arith.constant 8192 : i32
    %broadcast_in_dim3A_479 = vector.broadcast %jit3A_478 : i32 to vector<4x64x128xi32>
    %select_n3A_480 = arith.select %eq3A_477, %add3A, %broadcast_in_dim3A_479 : vector<4x64x128xi1>, vector<4x64x128xi32>
    %reduce_min3A_481 = arith.constant dense<2147483647> : vector<4x64xi32>
    %reduce_min3A_482 = vector.multi_reduction <minsi>, %select_n3A_480, %reduce_min3A_481 [2] : vector<4x64x128xi32> to vector<4x64xi32>
    %broadcast_in_dim3A_483 = vector.shape_cast %reduce_min3A_482 : vector<4x64xi32> to vector<4x64x1xi32>
    %reduce_min3A_484 = arith.constant dense<2147483647> : vector<4x1xi32>
    %reduce_min3A_485 = vector.multi_reduction <minsi>, %broadcast_in_dim3A_483, %reduce_min3A_484 [1] : vector<4x64x1xi32> to vector<4x1xi32>
    %broadcast_in_dim3A_486 = vector.shape_cast %reduce_min3A_485 : vector<4x1xi32> to vector<4x1x1xi32>
    %eq3A_487 = vector.broadcast %broadcast_in_dim3A_486 : vector<4x1x1xi32> to vector<4x64x128xi32>
    %eq3A_488 = arith.cmpi eq, %add3A, %eq3A_487 : vector<4x64x128xi32>
    %jit3A_489 = arith.constant 0.000000e+00 : f32
    %broadcast_in_dim3A_490 = vector.broadcast %jit3A_489 : f32 to vector<4x64x128xf32>
    %select_n3A_491 = arith.select %eq3A_488, %get3A_4, %broadcast_in_dim3A_490 : vector<4x64x128xi1>, vector<4x64x128xf32>
    %reduce_sum3A_492 = arith.constant dense<0.000000e+00> : vector<4x64xf32>
    %reduce_sum3A_493 = vector.multi_reduction <add>, %select_n3A_491, %reduce_sum3A_492 [2] : vector<4x64x128xf32> to vector<4x64xf32>
    %broadcast_in_dim3A_494 = vector.shape_cast %reduce_sum3A_493 : vector<4x64xf32> to vector<4x64x1xf32>
    %reduce_sum3A_495 = arith.constant dense<0.000000e+00> : vector<4x1xf32>
    %reduce_sum3A_496 = vector.multi_reduction <add>, %broadcast_in_dim3A_494, %reduce_sum3A_495 [1] : vector<4x64x1xf32> to vector<4x1xf32>
    %broadcast_in_dim3A_497 = vector.shape_cast %reduce_sum3A_496 : vector<4x1xf32> to vector<4x1x1xf32>
    %jit3A_498 = arith.constant 0.000000e+00 : f32
    %broadcast_in_dim3A_499 = vector.broadcast %jit3A_498 : f32 to vector<4x64x128xf32>
    %select_n3A_500 = arith.select %eq3A_488, %get3A_10, %broadcast_in_dim3A_499 : vector<4x64x128xi1>, vector<4x64x128xf32>
    %reduce_sum3A_501 = arith.constant dense<0.000000e+00> : vector<4x64xf32>
    %reduce_sum3A_502 = vector.multi_reduction <add>, %select_n3A_500, %reduce_sum3A_501 [2] : vector<4x64x128xf32> to vector<4x64xf32>
    %broadcast_in_dim3A_503 = vector.shape_cast %reduce_sum3A_502 : vector<4x64xf32> to vector<4x64x1xf32>
    %reduce_sum3A_504 = arith.constant dense<0.000000e+00> : vector<4x1xf32>
    %reduce_sum3A_505 = vector.multi_reduction <add>, %broadcast_in_dim3A_503, %reduce_sum3A_504 [1] : vector<4x64x1xf32> to vector<4x1xf32>
    %broadcast_in_dim3A_506 = vector.shape_cast %reduce_sum3A_505 : vector<4x1xf32> to vector<4x1x1xf32>
    %jit3A_507 = arith.constant 0.000000e+00 : f32
    %broadcast_in_dim3A_508 = vector.broadcast %jit3A_507 : f32 to vector<4x64x128xf32>
    %select_n3A_509 = arith.select %eq3A_488, %get3A_16, %broadcast_in_dim3A_508 : vector<4x64x128xi1>, vector<4x64x128xf32>
    %reduce_sum3A_510 = arith.constant dense<0.000000e+00> : vector<4x64xf32>
    %reduce_sum3A_511 = vector.multi_reduction <add>, %select_n3A_509, %reduce_sum3A_510 [2] : vector<4x64x128xf32> to vector<4x64xf32>
    %broadcast_in_dim3A_512 = vector.shape_cast %reduce_sum3A_511 : vector<4x64xf32> to vector<4x64x1xf32>
    %reduce_sum3A_513 = arith.constant dense<0.000000e+00> : vector<4x1xf32>
    %reduce_sum3A_514 = vector.multi_reduction <add>, %broadcast_in_dim3A_512, %reduce_sum3A_513 [1] : vector<4x64x1xf32> to vector<4x1xf32>
    %broadcast_in_dim3A_515 = vector.shape_cast %reduce_sum3A_514 : vector<4x1xf32> to vector<4x1x1xf32>
    %sub3A_516 = vector.broadcast %broadcast_in_dim3A_497 : vector<4x1x1xf32> to vector<4x64x128xf32>
    %sub3A_517 = arith.subf %get3A_4, %sub3A_516 : vector<4x64x128xf32>
    %sub3A_518 = vector.broadcast %broadcast_in_dim3A_506 : vector<4x1x1xf32> to vector<4x64x128xf32>
    %sub3A_519 = arith.subf %get3A_10, %sub3A_518 : vector<4x64x128xf32>
    %sub3A_520 = vector.broadcast %broadcast_in_dim3A_515 : vector<4x1x1xf32> to vector<4x64x128xf32>
    %sub3A_521 = arith.subf %get3A_16, %sub3A_520 : vector<4x64x128xf32>
    %mul3A_522 = arith.mulf %sub3A_517, %sub3A_517 : vector<4x64x128xf32>
    %mul3A_523 = arith.mulf %sub3A_519, %sub3A_519 : vector<4x64x128xf32>
    %add3A_524 = arith.addf %mul3A_522, %mul3A_523 : vector<4x64x128xf32>
    %mul3A_525 = arith.mulf %sub3A_521, %sub3A_521 : vector<4x64x128xf32>
    %add3A_526 = arith.addf %add3A_524, %mul3A_525 : vector<4x64x128xf32>
    %swap3A_527 = arith.constant 0 : index
    %swap3A_528 = arith.constant 28 : index
    %swap3A_529 = arith.constant 0 : index
    %swap3A_530 = arith.constant 0 : index
    %swap3A_531 = vector.load %arg3[%swap3A_527, %swap3A_528, %swap3A_529, %swap3A_530] : memref<2x128x64x128xf32, #tpu.memory_space<vmem>>, vector<1x4x64x128xf32>
    %swap3A_532 = vector.shape_cast %swap3A_531 : vector<1x4x64x128xf32> to vector<4x64x128xf32>
    %swap3A_533 = vector.shape_cast %add3A_526 : vector<4x64x128xf32> to vector<1x4x64x128xf32>
    tpu.vector_store %arg3[%swap3A_527, %swap3A_528, %swap3A_529, %swap3A_530], %swap3A_533 {strides = array<i32>} : memref<2x128x64x128xf32, #tpu.memory_space<vmem>>, vector<1x4x64x128xf32>,
    %min3A_534 = arith.minimumf %min3A_469, %add3A_526 : vector<4x64x128xf32>
    %reduce_max3A_535 = arith.constant dense<0xFF800000> : vector<4x64xf32>
    %reduce_max3A_536 = vector.multi_reduction <maximumf>, %min3A_534, %reduce_max3A_535 [2] : vector<4x64x128xf32> to vector<4x64xf32>
    %broadcast_in_dim3A_537 = vector.shape_cast %reduce_max3A_536 : vector<4x64xf32> to vector<4x64x1xf32>
    %reduce_max3A_538 = arith.constant dense<0xFF800000> : vector<4x1xf32>
    %reduce_max3A_539 = vector.multi_reduction <maximumf>, %broadcast_in_dim3A_537, %reduce_max3A_538 [1] : vector<4x64x1xf32> to vector<4x1xf32>
    %broadcast_in_dim3A_540 = vector.shape_cast %reduce_max3A_539 : vector<4x1xf32> to vector<4x1x1xf32>
    %eq3A_541 = vector.broadcast %broadcast_in_dim3A_540 : vector<4x1x1xf32> to vector<4x64x128xf32>
    %eq3A_542 = arith.cmpf oeq, %min3A_534, %eq3A_541 : vector<4x64x128xf32>
    %jit3A_543 = arith.constant 8192 : i32
    %broadcast_in_dim3A_544 = vector.broadcast %jit3A_543 : i32 to vector<4x64x128xi32>
    %select_n3A_545 = arith.select %eq3A_542, %add3A, %broadcast_in_dim3A_544 : vector<4x64x128xi1>, vector<4x64x128xi32>
    %reduce_min3A_546 = arith.constant dense<2147483647> : vector<4x64xi32>
    %reduce_min3A_547 = vector.multi_reduction <minsi>, %select_n3A_545, %reduce_min3A_546 [2] : vector<4x64x128xi32> to vector<4x64xi32>
    %broadcast_in_dim3A_548 = vector.shape_cast %reduce_min3A_547 : vector<4x64xi32> to vector<4x64x1xi32>
    %reduce_min3A_549 = arith.constant dense<2147483647> : vector<4x1xi32>
    %reduce_min3A_550 = vector.multi_reduction <minsi>, %broadcast_in_dim3A_548, %reduce_min3A_549 [1] : vector<4x64x1xi32> to vector<4x1xi32>
    %broadcast_in_dim3A_551 = vector.shape_cast %reduce_min3A_550 : vector<4x1xi32> to vector<4x1x1xi32>
    %eq3A_552 = vector.broadcast %broadcast_in_dim3A_551 : vector<4x1x1xi32> to vector<4x64x128xi32>
    %eq3A_553 = arith.cmpi eq, %add3A, %eq3A_552 : vector<4x64x128xi32>
    %jit3A_554 = arith.constant 0.000000e+00 : f32
    %broadcast_in_dim3A_555 = vector.broadcast %jit3A_554 : f32 to vector<4x64x128xf32>
    %select_n3A_556 = arith.select %eq3A_553, %get3A_4, %broadcast_in_dim3A_555 : vector<4x64x128xi1>, vector<4x64x128xf32>
    %reduce_sum3A_557 = arith.constant dense<0.000000e+00> : vector<4x64xf32>
    %reduce_sum3A_558 = vector.multi_reduction <add>, %select_n3A_556, %reduce_sum3A_557 [2] : vector<4x64x128xf32> to vector<4x64xf32>
    %broadcast_in_dim3A_559 = vector.shape_cast %reduce_sum3A_558 : vector<4x64xf32> to vector<4x64x1xf32>
    %reduce_sum3A_560 = arith.constant dense<0.000000e+00> : vector<4x1xf32>
    %reduce_sum3A_561 = vector.multi_reduction <add>, %broadcast_in_dim3A_559, %reduce_sum3A_560 [1] : vector<4x64x1xf32> to vector<4x1xf32>
    %broadcast_in_dim3A_562 = vector.shape_cast %reduce_sum3A_561 : vector<4x1xf32> to vector<4x1x1xf32>
    %jit3A_563 = arith.constant 0.000000e+00 : f32
    %broadcast_in_dim3A_564 = vector.broadcast %jit3A_563 : f32 to vector<4x64x128xf32>
    %select_n3A_565 = arith.select %eq3A_553, %get3A_10, %broadcast_in_dim3A_564 : vector<4x64x128xi1>, vector<4x64x128xf32>
    %reduce_sum3A_566 = arith.constant dense<0.000000e+00> : vector<4x64xf32>
    %reduce_sum3A_567 = vector.multi_reduction <add>, %select_n3A_565, %reduce_sum3A_566 [2] : vector<4x64x128xf32> to vector<4x64xf32>
    %broadcast_in_dim3A_568 = vector.shape_cast %reduce_sum3A_567 : vector<4x64xf32> to vector<4x64x1xf32>
    %reduce_sum3A_569 = arith.constant dense<0.000000e+00> : vector<4x1xf32>
    %reduce_sum3A_570 = vector.multi_reduction <add>, %broadcast_in_dim3A_568, %reduce_sum3A_569 [1] : vector<4x64x1xf32> to vector<4x1xf32>
    %broadcast_in_dim3A_571 = vector.shape_cast %reduce_sum3A_570 : vector<4x1xf32> to vector<4x1x1xf32>
    %jit3A_572 = arith.constant 0.000000e+00 : f32
    %broadcast_in_dim3A_573 = vector.broadcast %jit3A_572 : f32 to vector<4x64x128xf32>
    %select_n3A_574 = arith.select %eq3A_553, %get3A_16, %broadcast_in_dim3A_573 : vector<4x64x128xi1>, vector<4x64x128xf32>
    %reduce_sum3A_575 = arith.constant dense<0.000000e+00> : vector<4x64xf32>
    %reduce_sum3A_576 = vector.multi_reduction <add>, %select_n3A_574, %reduce_sum3A_575 [2] : vector<4x64x128xf32> to vector<4x64xf32>
    %broadcast_in_dim3A_577 = vector.shape_cast %reduce_sum3A_576 : vector<4x64xf32> to vector<4x64x1xf32>
    %reduce_sum3A_578 = arith.constant dense<0.000000e+00> : vector<4x1xf32>
    %reduce_sum3A_579 = vector.multi_reduction <add>, %broadcast_in_dim3A_577, %reduce_sum3A_578 [1] : vector<4x64x1xf32> to vector<4x1xf32>
    %broadcast_in_dim3A_580 = vector.shape_cast %reduce_sum3A_579 : vector<4x1xf32> to vector<4x1x1xf32>
    %sub3A_581 = vector.broadcast %broadcast_in_dim3A_562 : vector<4x1x1xf32> to vector<4x64x128xf32>
    %sub3A_582 = arith.subf %get3A_4, %sub3A_581 : vector<4x64x128xf32>
    %sub3A_583 = vector.broadcast %broadcast_in_dim3A_571 : vector<4x1x1xf32> to vector<4x64x128xf32>
    %sub3A_584 = arith.subf %get3A_10, %sub3A_583 : vector<4x64x128xf32>
    %sub3A_585 = vector.broadcast %broadcast_in_dim3A_580 : vector<4x1x1xf32> to vector<4x64x128xf32>
    %sub3A_586 = arith.subf %get3A_16, %sub3A_585 : vector<4x64x128xf32>
    %mul3A_587 = arith.mulf %sub3A_582, %sub3A_582 : vector<4x64x128xf32>
    %mul3A_588 = arith.mulf %sub3A_584, %sub3A_584 : vector<4x64x128xf32>
    %add3A_589 = arith.addf %mul3A_587, %mul3A_588 : vector<4x64x128xf32>
    %mul3A_590 = arith.mulf %sub3A_586, %sub3A_586 : vector<4x64x128xf32>
    %add3A_591 = arith.addf %add3A_589, %mul3A_590 : vector<4x64x128xf32>
    %swap3A_592 = arith.constant 0 : index
    %swap3A_593 = arith.constant 32 : index
    %swap3A_594 = arith.constant 0 : index
    %swap3A_595 = arith.constant 0 : index
    %swap3A_596 = vector.load %arg3[%swap3A_592, %swap3A_593, %swap3A_594, %swap3A_595] : memref<2x128x64x128xf32, #tpu.memory_space<vmem>>, vector<1x4x64x128xf32>
    %swap3A_597 = vector.shape_cast %swap3A_596 : vector<1x4x64x128xf32> to vector<4x64x128xf32>
    %swap3A_598 = vector.shape_cast %add3A_591 : vector<4x64x128xf32> to vector<1x4x64x128xf32>
    tpu.vector_store %arg3[%swap3A_592, %swap3A_593, %swap3A_594, %swap3A_595], %swap3A_598 {strides = array<i32>} : memref<2x128x64x128xf32, #tpu.memory_space<vmem>>, vector<1x4x64x128xf32>,
    %min3A_599 = arith.minimumf %min3A_534, %add3A_591 : vector<4x64x128xf32>
    %reduce_max3A_600 = arith.constant dense<0xFF800000> : vector<4x64xf32>
    %reduce_max3A_601 = vector.multi_reduction <maximumf>, %min3A_599, %reduce_max3A_600 [2] : vector<4x64x128xf32> to vector<4x64xf32>
    %broadcast_in_dim3A_602 = vector.shape_cast %reduce_max3A_601 : vector<4x64xf32> to vector<4x64x1xf32>
    %reduce_max3A_603 = arith.constant dense<0xFF800000> : vector<4x1xf32>
    %reduce_max3A_604 = vector.multi_reduction <maximumf>, %broadcast_in_dim3A_602, %reduce_max3A_603 [1] : vector<4x64x1xf32> to vector<4x1xf32>
    %broadcast_in_dim3A_605 = vector.shape_cast %reduce_max3A_604 : vector<4x1xf32> to vector<4x1x1xf32>
    %eq3A_606 = vector.broadcast %broadcast_in_dim3A_605 : vector<4x1x1xf32> to vector<4x64x128xf32>
    %eq3A_607 = arith.cmpf oeq, %min3A_599, %eq3A_606 : vector<4x64x128xf32>
    %jit3A_608 = arith.constant 8192 : i32
    %broadcast_in_dim3A_609 = vector.broadcast %jit3A_608 : i32 to vector<4x64x128xi32>
    %select_n3A_610 = arith.select %eq3A_607, %add3A, %broadcast_in_dim3A_609 : vector<4x64x128xi1>, vector<4x64x128xi32>
    %reduce_min3A_611 = arith.constant dense<2147483647> : vector<4x64xi32>
    %reduce_min3A_612 = vector.multi_reduction <minsi>, %select_n3A_610, %reduce_min3A_611 [2] : vector<4x64x128xi32> to vector<4x64xi32>
    %broadcast_in_dim3A_613 = vector.shape_cast %reduce_min3A_612 : vector<4x64xi32> to vector<4x64x1xi32>
    %reduce_min3A_614 = arith.constant dense<2147483647> : vector<4x1xi32>
    %reduce_min3A_615 = vector.multi_reduction <minsi>, %broadcast_in_dim3A_613, %reduce_min3A_614 [1] : vector<4x64x1xi32> to vector<4x1xi32>
    %broadcast_in_dim3A_616 = vector.shape_cast %reduce_min3A_615 : vector<4x1xi32> to vector<4x1x1xi32>
    %eq3A_617 = vector.broadcast %broadcast_in_dim3A_616 : vector<4x1x1xi32> to vector<4x64x128xi32>
    %eq3A_618 = arith.cmpi eq, %add3A, %eq3A_617 : vector<4x64x128xi32>
    %jit3A_619 = arith.constant 0.000000e+00 : f32
    %broadcast_in_dim3A_620 = vector.broadcast %jit3A_619 : f32 to vector<4x64x128xf32>
    %select_n3A_621 = arith.select %eq3A_618, %get3A_4, %broadcast_in_dim3A_620 : vector<4x64x128xi1>, vector<4x64x128xf32>
    %reduce_sum3A_622 = arith.constant dense<0.000000e+00> : vector<4x64xf32>
    %reduce_sum3A_623 = vector.multi_reduction <add>, %select_n3A_621, %reduce_sum3A_622 [2] : vector<4x64x128xf32> to vector<4x64xf32>
    %broadcast_in_dim3A_624 = vector.shape_cast %reduce_sum3A_623 : vector<4x64xf32> to vector<4x64x1xf32>
    %reduce_sum3A_625 = arith.constant dense<0.000000e+00> : vector<4x1xf32>
    %reduce_sum3A_626 = vector.multi_reduction <add>, %broadcast_in_dim3A_624, %reduce_sum3A_625 [1] : vector<4x64x1xf32> to vector<4x1xf32>
    %broadcast_in_dim3A_627 = vector.shape_cast %reduce_sum3A_626 : vector<4x1xf32> to vector<4x1x1xf32>
    %jit3A_628 = arith.constant 0.000000e+00 : f32
    %broadcast_in_dim3A_629 = vector.broadcast %jit3A_628 : f32 to vector<4x64x128xf32>
    %select_n3A_630 = arith.select %eq3A_618, %get3A_10, %broadcast_in_dim3A_629 : vector<4x64x128xi1>, vector<4x64x128xf32>
    %reduce_sum3A_631 = arith.constant dense<0.000000e+00> : vector<4x64xf32>
    %reduce_sum3A_632 = vector.multi_reduction <add>, %select_n3A_630, %reduce_sum3A_631 [2] : vector<4x64x128xf32> to vector<4x64xf32>
    %broadcast_in_dim3A_633 = vector.shape_cast %reduce_sum3A_632 : vector<4x64xf32> to vector<4x64x1xf32>
    %reduce_sum3A_634 = arith.constant dense<0.000000e+00> : vector<4x1xf32>
    %reduce_sum3A_635 = vector.multi_reduction <add>, %broadcast_in_dim3A_633, %reduce_sum3A_634 [1] : vector<4x64x1xf32> to vector<4x1xf32>
    %broadcast_in_dim3A_636 = vector.shape_cast %reduce_sum3A_635 : vector<4x1xf32> to vector<4x1x1xf32>
    %jit3A_637 = arith.constant 0.000000e+00 : f32
    %broadcast_in_dim3A_638 = vector.broadcast %jit3A_637 : f32 to vector<4x64x128xf32>
    %select_n3A_639 = arith.select %eq3A_618, %get3A_16, %broadcast_in_dim3A_638 : vector<4x64x128xi1>, vector<4x64x128xf32>
    %reduce_sum3A_640 = arith.constant dense<0.000000e+00> : vector<4x64xf32>
    %reduce_sum3A_641 = vector.multi_reduction <add>, %select_n3A_639, %reduce_sum3A_640 [2] : vector<4x64x128xf32> to vector<4x64xf32>
    %broadcast_in_dim3A_642 = vector.shape_cast %reduce_sum3A_641 : vector<4x64xf32> to vector<4x64x1xf32>
    %reduce_sum3A_643 = arith.constant dense<0.000000e+00> : vector<4x1xf32>
    %reduce_sum3A_644 = vector.multi_reduction <add>, %broadcast_in_dim3A_642, %reduce_sum3A_643 [1] : vector<4x64x1xf32> to vector<4x1xf32>
    %broadcast_in_dim3A_645 = vector.shape_cast %reduce_sum3A_644 : vector<4x1xf32> to vector<4x1x1xf32>
    %sub3A_646 = vector.broadcast %broadcast_in_dim3A_627 : vector<4x1x1xf32> to vector<4x64x128xf32>
    %sub3A_647 = arith.subf %get3A_4, %sub3A_646 : vector<4x64x128xf32>
    %sub3A_648 = vector.broadcast %broadcast_in_dim3A_636 : vector<4x1x1xf32> to vector<4x64x128xf32>
    %sub3A_649 = arith.subf %get3A_10, %sub3A_648 : vector<4x64x128xf32>
    %sub3A_650 = vector.broadcast %broadcast_in_dim3A_645 : vector<4x1x1xf32> to vector<4x64x128xf32>
    %sub3A_651 = arith.subf %get3A_16, %sub3A_650 : vector<4x64x128xf32>
    %mul3A_652 = arith.mulf %sub3A_647, %sub3A_647 : vector<4x64x128xf32>
    %mul3A_653 = arith.mulf %sub3A_649, %sub3A_649 : vector<4x64x128xf32>
    %add3A_654 = arith.addf %mul3A_652, %mul3A_653 : vector<4x64x128xf32>
    %mul3A_655 = arith.mulf %sub3A_651, %sub3A_651 : vector<4x64x128xf32>
    %add3A_656 = arith.addf %add3A_654, %mul3A_655 : vector<4x64x128xf32>
    %swap3A_657 = arith.constant 0 : index
    %swap3A_658 = arith.constant 36 : index
    %swap3A_659 = arith.constant 0 : index
    %swap3A_660 = arith.constant 0 : index
    %swap3A_661 = vector.load %arg3[%swap3A_657, %swap3A_658, %swap3A_659, %swap3A_660] : memref<2x128x64x128xf32, #tpu.memory_space<vmem>>, vector<1x4x64x128xf32>
    %swap3A_662 = vector.shape_cast %swap3A_661 : vector<1x4x64x128xf32> to vector<4x64x128xf32>
    %swap3A_663 = vector.shape_cast %add3A_656 : vector<4x64x128xf32> to vector<1x4x64x128xf32>
    tpu.vector_store %arg3[%swap3A_657, %swap3A_658, %swap3A_659, %swap3A_660], %swap3A_663 {strides = array<i32>} : memref<2x128x64x128xf32, #tpu.memory_space<vmem>>, vector<1x4x64x128xf32>,
    %min3A_664 = arith.minimumf %min3A_599, %add3A_656 : vector<4x64x128xf32>
    %reduce_max3A_665 = arith.constant dense<0xFF800000> : vector<4x64xf32>
    %reduce_max3A_666 = vector.multi_reduction <maximumf>, %min3A_664, %reduce_max3A_665 [2] : vector<4x64x128xf32> to vector<4x64xf32>
    %broadcast_in_dim3A_667 = vector.shape_cast %reduce_max3A_666 : vector<4x64xf32> to vector<4x64x1xf32>
    %reduce_max3A_668 = arith.constant dense<0xFF800000> : vector<4x1xf32>
    %reduce_max3A_669 = vector.multi_reduction <maximumf>, %broadcast_in_dim3A_667, %reduce_max3A_668 [1] : vector<4x64x1xf32> to vector<4x1xf32>
    %broadcast_in_dim3A_670 = vector.shape_cast %reduce_max3A_669 : vector<4x1xf32> to vector<4x1x1xf32>
    %eq3A_671 = vector.broadcast %broadcast_in_dim3A_670 : vector<4x1x1xf32> to vector<4x64x128xf32>
    %eq3A_672 = arith.cmpf oeq, %min3A_664, %eq3A_671 : vector<4x64x128xf32>
    %jit3A_673 = arith.constant 8192 : i32
    %broadcast_in_dim3A_674 = vector.broadcast %jit3A_673 : i32 to vector<4x64x128xi32>
    %select_n3A_675 = arith.select %eq3A_672, %add3A, %broadcast_in_dim3A_674 : vector<4x64x128xi1>, vector<4x64x128xi32>
    %reduce_min3A_676 = arith.constant dense<2147483647> : vector<4x64xi32>
    %reduce_min3A_677 = vector.multi_reduction <minsi>, %select_n3A_675, %reduce_min3A_676 [2] : vector<4x64x128xi32> to vector<4x64xi32>
    %broadcast_in_dim3A_678 = vector.shape_cast %reduce_min3A_677 : vector<4x64xi32> to vector<4x64x1xi32>
    %reduce_min3A_679 = arith.constant dense<2147483647> : vector<4x1xi32>
    %reduce_min3A_680 = vector.multi_reduction <minsi>, %broadcast_in_dim3A_678, %reduce_min3A_679 [1] : vector<4x64x1xi32> to vector<4x1xi32>
    %broadcast_in_dim3A_681 = vector.shape_cast %reduce_min3A_680 : vector<4x1xi32> to vector<4x1x1xi32>
    %eq3A_682 = vector.broadcast %broadcast_in_dim3A_681 : vector<4x1x1xi32> to vector<4x64x128xi32>
    %eq3A_683 = arith.cmpi eq, %add3A, %eq3A_682 : vector<4x64x128xi32>
    %jit3A_684 = arith.constant 0.000000e+00 : f32
    %broadcast_in_dim3A_685 = vector.broadcast %jit3A_684 : f32 to vector<4x64x128xf32>
    %select_n3A_686 = arith.select %eq3A_683, %get3A_4, %broadcast_in_dim3A_685 : vector<4x64x128xi1>, vector<4x64x128xf32>
    %reduce_sum3A_687 = arith.constant dense<0.000000e+00> : vector<4x64xf32>
    %reduce_sum3A_688 = vector.multi_reduction <add>, %select_n3A_686, %reduce_sum3A_687 [2] : vector<4x64x128xf32> to vector<4x64xf32>
    %broadcast_in_dim3A_689 = vector.shape_cast %reduce_sum3A_688 : vector<4x64xf32> to vector<4x64x1xf32>
    %reduce_sum3A_690 = arith.constant dense<0.000000e+00> : vector<4x1xf32>
    %reduce_sum3A_691 = vector.multi_reduction <add>, %broadcast_in_dim3A_689, %reduce_sum3A_690 [1] : vector<4x64x1xf32> to vector<4x1xf32>
    %broadcast_in_dim3A_692 = vector.shape_cast %reduce_sum3A_691 : vector<4x1xf32> to vector<4x1x1xf32>
    %jit3A_693 = arith.constant 0.000000e+00 : f32
    %broadcast_in_dim3A_694 = vector.broadcast %jit3A_693 : f32 to vector<4x64x128xf32>
    %select_n3A_695 = arith.select %eq3A_683, %get3A_10, %broadcast_in_dim3A_694 : vector<4x64x128xi1>, vector<4x64x128xf32>
    %reduce_sum3A_696 = arith.constant dense<0.000000e+00> : vector<4x64xf32>
    %reduce_sum3A_697 = vector.multi_reduction <add>, %select_n3A_695, %reduce_sum3A_696 [2] : vector<4x64x128xf32> to vector<4x64xf32>
    %broadcast_in_dim3A_698 = vector.shape_cast %reduce_sum3A_697 : vector<4x64xf32> to vector<4x64x1xf32>
    %reduce_sum3A_699 = arith.constant dense<0.000000e+00> : vector<4x1xf32>
    %reduce_sum3A_700 = vector.multi_reduction <add>, %broadcast_in_dim3A_698, %reduce_sum3A_699 [1] : vector<4x64x1xf32> to vector<4x1xf32>
    %broadcast_in_dim3A_701 = vector.shape_cast %reduce_sum3A_700 : vector<4x1xf32> to vector<4x1x1xf32>
    %jit3A_702 = arith.constant 0.000000e+00 : f32
    %broadcast_in_dim3A_703 = vector.broadcast %jit3A_702 : f32 to vector<4x64x128xf32>
    %select_n3A_704 = arith.select %eq3A_683, %get3A_16, %broadcast_in_dim3A_703 : vector<4x64x128xi1>, vector<4x64x128xf32>
    %reduce_sum3A_705 = arith.constant dense<0.000000e+00> : vector<4x64xf32>
    %reduce_sum3A_706 = vector.multi_reduction <add>, %select_n3A_704, %reduce_sum3A_705 [2] : vector<4x64x128xf32> to vector<4x64xf32>
    %broadcast_in_dim3A_707 = vector.shape_cast %reduce_sum3A_706 : vector<4x64xf32> to vector<4x64x1xf32>
    %reduce_sum3A_708 = arith.constant dense<0.000000e+00> : vector<4x1xf32>
    %reduce_sum3A_709 = vector.multi_reduction <add>, %broadcast_in_dim3A_707, %reduce_sum3A_708 [1] : vector<4x64x1xf32> to vector<4x1xf32>
    %broadcast_in_dim3A_710 = vector.shape_cast %reduce_sum3A_709 : vector<4x1xf32> to vector<4x1x1xf32>
    %sub3A_711 = vector.broadcast %broadcast_in_dim3A_692 : vector<4x1x1xf32> to vector<4x64x128xf32>
    %sub3A_712 = arith.subf %get3A_4, %sub3A_711 : vector<4x64x128xf32>
    %sub3A_713 = vector.broadcast %broadcast_in_dim3A_701 : vector<4x1x1xf32> to vector<4x64x128xf32>
    %sub3A_714 = arith.subf %get3A_10, %sub3A_713 : vector<4x64x128xf32>
    %sub3A_715 = vector.broadcast %broadcast_in_dim3A_710 : vector<4x1x1xf32> to vector<4x64x128xf32>
    %sub3A_716 = arith.subf %get3A_16, %sub3A_715 : vector<4x64x128xf32>
    %mul3A_717 = arith.mulf %sub3A_712, %sub3A_712 : vector<4x64x128xf32>
    %mul3A_718 = arith.mulf %sub3A_714, %sub3A_714 : vector<4x64x128xf32>
    %add3A_719 = arith.addf %mul3A_717, %mul3A_718 : vector<4x64x128xf32>
    %mul3A_720 = arith.mulf %sub3A_716, %sub3A_716 : vector<4x64x128xf32>
    %add3A_721 = arith.addf %add3A_719, %mul3A_720 : vector<4x64x128xf32>
    %swap3A_722 = arith.constant 0 : index
    %swap3A_723 = arith.constant 40 : index
    %swap3A_724 = arith.constant 0 : index
    %swap3A_725 = arith.constant 0 : index
    %swap3A_726 = vector.load %arg3[%swap3A_722, %swap3A_723, %swap3A_724, %swap3A_725] : memref<2x128x64x128xf32, #tpu.memory_space<vmem>>, vector<1x4x64x128xf32>
    %swap3A_727 = vector.shape_cast %swap3A_726 : vector<1x4x64x128xf32> to vector<4x64x128xf32>
    %swap3A_728 = vector.shape_cast %add3A_721 : vector<4x64x128xf32> to vector<1x4x64x128xf32>
    tpu.vector_store %arg3[%swap3A_722, %swap3A_723, %swap3A_724, %swap3A_725], %swap3A_728 {strides = array<i32>} : memref<2x128x64x128xf32, #tpu.memory_space<vmem>>, vector<1x4x64x128xf32>,
    %min3A_729 = arith.minimumf %min3A_664, %add3A_721 : vector<4x64x128xf32>
    %reduce_max3A_730 = arith.constant dense<0xFF800000> : vector<4x64xf32>
    %reduce_max3A_731 = vector.multi_reduction <maximumf>, %min3A_729, %reduce_max3A_730 [2] : vector<4x64x128xf32> to vector<4x64xf32>
    %broadcast_in_dim3A_732 = vector.shape_cast %reduce_max3A_731 : vector<4x64xf32> to vector<4x64x1xf32>
    %reduce_max3A_733 = arith.constant dense<0xFF800000> : vector<4x1xf32>
    %reduce_max3A_734 = vector.multi_reduction <maximumf>, %broadcast_in_dim3A_732, %reduce_max3A_733 [1] : vector<4x64x1xf32> to vector<4x1xf32>
    %broadcast_in_dim3A_735 = vector.shape_cast %reduce_max3A_734 : vector<4x1xf32> to vector<4x1x1xf32>
    %eq3A_736 = vector.broadcast %broadcast_in_dim3A_735 : vector<4x1x1xf32> to vector<4x64x128xf32>
    %eq3A_737 = arith.cmpf oeq, %min3A_729, %eq3A_736 : vector<4x64x128xf32>
    %jit3A_738 = arith.constant 8192 : i32
    %broadcast_in_dim3A_739 = vector.broadcast %jit3A_738 : i32 to vector<4x64x128xi32>
    %select_n3A_740 = arith.select %eq3A_737, %add3A, %broadcast_in_dim3A_739 : vector<4x64x128xi1>, vector<4x64x128xi32>
    %reduce_min3A_741 = arith.constant dense<2147483647> : vector<4x64xi32>
    %reduce_min3A_742 = vector.multi_reduction <minsi>, %select_n3A_740, %reduce_min3A_741 [2] : vector<4x64x128xi32> to vector<4x64xi32>
    %broadcast_in_dim3A_743 = vector.shape_cast %reduce_min3A_742 : vector<4x64xi32> to vector<4x64x1xi32>
    %reduce_min3A_744 = arith.constant dense<2147483647> : vector<4x1xi32>
    %reduce_min3A_745 = vector.multi_reduction <minsi>, %broadcast_in_dim3A_743, %reduce_min3A_744 [1] : vector<4x64x1xi32> to vector<4x1xi32>
    %broadcast_in_dim3A_746 = vector.shape_cast %reduce_min3A_745 : vector<4x1xi32> to vector<4x1x1xi32>
    %eq3A_747 = vector.broadcast %broadcast_in_dim3A_746 : vector<4x1x1xi32> to vector<4x64x128xi32>
    %eq3A_748 = arith.cmpi eq, %add3A, %eq3A_747 : vector<4x64x128xi32>
    %jit3A_749 = arith.constant 0.000000e+00 : f32
    %broadcast_in_dim3A_750 = vector.broadcast %jit3A_749 : f32 to vector<4x64x128xf32>
    %select_n3A_751 = arith.select %eq3A_748, %get3A_4, %broadcast_in_dim3A_750 : vector<4x64x128xi1>, vector<4x64x128xf32>
    %reduce_sum3A_752 = arith.constant dense<0.000000e+00> : vector<4x64xf32>
    %reduce_sum3A_753 = vector.multi_reduction <add>, %select_n3A_751, %reduce_sum3A_752 [2] : vector<4x64x128xf32> to vector<4x64xf32>
    %broadcast_in_dim3A_754 = vector.shape_cast %reduce_sum3A_753 : vector<4x64xf32> to vector<4x64x1xf32>
    %reduce_sum3A_755 = arith.constant dense<0.000000e+00> : vector<4x1xf32>
    %reduce_sum3A_756 = vector.multi_reduction <add>, %broadcast_in_dim3A_754, %reduce_sum3A_755 [1] : vector<4x64x1xf32> to vector<4x1xf32>
    %broadcast_in_dim3A_757 = vector.shape_cast %reduce_sum3A_756 : vector<4x1xf32> to vector<4x1x1xf32>
    %jit3A_758 = arith.constant 0.000000e+00 : f32
    %broadcast_in_dim3A_759 = vector.broadcast %jit3A_758 : f32 to vector<4x64x128xf32>
    %select_n3A_760 = arith.select %eq3A_748, %get3A_10, %broadcast_in_dim3A_759 : vector<4x64x128xi1>, vector<4x64x128xf32>
    %reduce_sum3A_761 = arith.constant dense<0.000000e+00> : vector<4x64xf32>
    %reduce_sum3A_762 = vector.multi_reduction <add>, %select_n3A_760, %reduce_sum3A_761 [2] : vector<4x64x128xf32> to vector<4x64xf32>
    %broadcast_in_dim3A_763 = vector.shape_cast %reduce_sum3A_762 : vector<4x64xf32> to vector<4x64x1xf32>
    %reduce_sum3A_764 = arith.constant dense<0.000000e+00> : vector<4x1xf32>
    %reduce_sum3A_765 = vector.multi_reduction <add>, %broadcast_in_dim3A_763, %reduce_sum3A_764 [1] : vector<4x64x1xf32> to vector<4x1xf32>
    %broadcast_in_dim3A_766 = vector.shape_cast %reduce_sum3A_765 : vector<4x1xf32> to vector<4x1x1xf32>
    %jit3A_767 = arith.constant 0.000000e+00 : f32
    %broadcast_in_dim3A_768 = vector.broadcast %jit3A_767 : f32 to vector<4x64x128xf32>
    %select_n3A_769 = arith.select %eq3A_748, %get3A_16, %broadcast_in_dim3A_768 : vector<4x64x128xi1>, vector<4x64x128xf32>
    %reduce_sum3A_770 = arith.constant dense<0.000000e+00> : vector<4x64xf32>
    %reduce_sum3A_771 = vector.multi_reduction <add>, %select_n3A_769, %reduce_sum3A_770 [2] : vector<4x64x128xf32> to vector<4x64xf32>
    %broadcast_in_dim3A_772 = vector.shape_cast %reduce_sum3A_771 : vector<4x64xf32> to vector<4x64x1xf32>
    %reduce_sum3A_773 = arith.constant dense<0.000000e+00> : vector<4x1xf32>
    %reduce_sum3A_774 = vector.multi_reduction <add>, %broadcast_in_dim3A_772, %reduce_sum3A_773 [1] : vector<4x64x1xf32> to vector<4x1xf32>
    %broadcast_in_dim3A_775 = vector.shape_cast %reduce_sum3A_774 : vector<4x1xf32> to vector<4x1x1xf32>
    %sub3A_776 = vector.broadcast %broadcast_in_dim3A_757 : vector<4x1x1xf32> to vector<4x64x128xf32>
    %sub3A_777 = arith.subf %get3A_4, %sub3A_776 : vector<4x64x128xf32>
    %sub3A_778 = vector.broadcast %broadcast_in_dim3A_766 : vector<4x1x1xf32> to vector<4x64x128xf32>
    %sub3A_779 = arith.subf %get3A_10, %sub3A_778 : vector<4x64x128xf32>
    %sub3A_780 = vector.broadcast %broadcast_in_dim3A_775 : vector<4x1x1xf32> to vector<4x64x128xf32>
    %sub3A_781 = arith.subf %get3A_16, %sub3A_780 : vector<4x64x128xf32>
    %mul3A_782 = arith.mulf %sub3A_777, %sub3A_777 : vector<4x64x128xf32>
    %mul3A_783 = arith.mulf %sub3A_779, %sub3A_779 : vector<4x64x128xf32>
    %add3A_784 = arith.addf %mul3A_782, %mul3A_783 : vector<4x64x128xf32>
    %mul3A_785 = arith.mulf %sub3A_781, %sub3A_781 : vector<4x64x128xf32>
    %add3A_786 = arith.addf %add3A_784, %mul3A_785 : vector<4x64x128xf32>
    %swap3A_787 = arith.constant 0 : index
    %swap3A_788 = arith.constant 44 : index
    %swap3A_789 = arith.constant 0 : index
    %swap3A_790 = arith.constant 0 : index
    %swap3A_791 = vector.load %arg3[%swap3A_787, %swap3A_788, %swap3A_789, %swap3A_790] : memref<2x128x64x128xf32, #tpu.memory_space<vmem>>, vector<1x4x64x128xf32>
    %swap3A_792 = vector.shape_cast %swap3A_791 : vector<1x4x64x128xf32> to vector<4x64x128xf32>
    %swap3A_793 = vector.shape_cast %add3A_786 : vector<4x64x128xf32> to vector<1x4x64x128xf32>
    tpu.vector_store %arg3[%swap3A_787, %swap3A_788, %swap3A_789, %swap3A_790], %swap3A_793 {strides = array<i32>} : memref<2x128x64x128xf32, #tpu.memory_space<vmem>>, vector<1x4x64x128xf32>,
    %min3A_794 = arith.minimumf %min3A_729, %add3A_786 : vector<4x64x128xf32>
    %reduce_max3A_795 = arith.constant dense<0xFF800000> : vector<4x64xf32>
    %reduce_max3A_796 = vector.multi_reduction <maximumf>, %min3A_794, %reduce_max3A_795 [2] : vector<4x64x128xf32> to vector<4x64xf32>
    %broadcast_in_dim3A_797 = vector.shape_cast %reduce_max3A_796 : vector<4x64xf32> to vector<4x64x1xf32>
    %reduce_max3A_798 = arith.constant dense<0xFF800000> : vector<4x1xf32>
    %reduce_max3A_799 = vector.multi_reduction <maximumf>, %broadcast_in_dim3A_797, %reduce_max3A_798 [1] : vector<4x64x1xf32> to vector<4x1xf32>
    %broadcast_in_dim3A_800 = vector.shape_cast %reduce_max3A_799 : vector<4x1xf32> to vector<4x1x1xf32>
    %eq3A_801 = vector.broadcast %broadcast_in_dim3A_800 : vector<4x1x1xf32> to vector<4x64x128xf32>
    %eq3A_802 = arith.cmpf oeq, %min3A_794, %eq3A_801 : vector<4x64x128xf32>
    %jit3A_803 = arith.constant 8192 : i32
    %broadcast_in_dim3A_804 = vector.broadcast %jit3A_803 : i32 to vector<4x64x128xi32>
    %select_n3A_805 = arith.select %eq3A_802, %add3A, %broadcast_in_dim3A_804 : vector<4x64x128xi1>, vector<4x64x128xi32>
    %reduce_min3A_806 = arith.constant dense<2147483647> : vector<4x64xi32>
    %reduce_min3A_807 = vector.multi_reduction <minsi>, %select_n3A_805, %reduce_min3A_806 [2] : vector<4x64x128xi32> to vector<4x64xi32>
    %broadcast_in_dim3A_808 = vector.shape_cast %reduce_min3A_807 : vector<4x64xi32> to vector<4x64x1xi32>
    %reduce_min3A_809 = arith.constant dense<2147483647> : vector<4x1xi32>
    %reduce_min3A_810 = vector.multi_reduction <minsi>, %broadcast_in_dim3A_808, %reduce_min3A_809 [1] : vector<4x64x1xi32> to vector<4x1xi32>
    %broadcast_in_dim3A_811 = vector.shape_cast %reduce_min3A_810 : vector<4x1xi32> to vector<4x1x1xi32>
    %eq3A_812 = vector.broadcast %broadcast_in_dim3A_811 : vector<4x1x1xi32> to vector<4x64x128xi32>
    %eq3A_813 = arith.cmpi eq, %add3A, %eq3A_812 : vector<4x64x128xi32>
    %jit3A_814 = arith.constant 0.000000e+00 : f32
    %broadcast_in_dim3A_815 = vector.broadcast %jit3A_814 : f32 to vector<4x64x128xf32>
    %select_n3A_816 = arith.select %eq3A_813, %get3A_4, %broadcast_in_dim3A_815 : vector<4x64x128xi1>, vector<4x64x128xf32>
    %reduce_sum3A_817 = arith.constant dense<0.000000e+00> : vector<4x64xf32>
    %reduce_sum3A_818 = vector.multi_reduction <add>, %select_n3A_816, %reduce_sum3A_817 [2] : vector<4x64x128xf32> to vector<4x64xf32>
    %broadcast_in_dim3A_819 = vector.shape_cast %reduce_sum3A_818 : vector<4x64xf32> to vector<4x64x1xf32>
    %reduce_sum3A_820 = arith.constant dense<0.000000e+00> : vector<4x1xf32>
    %reduce_sum3A_821 = vector.multi_reduction <add>, %broadcast_in_dim3A_819, %reduce_sum3A_820 [1] : vector<4x64x1xf32> to vector<4x1xf32>
    %broadcast_in_dim3A_822 = vector.shape_cast %reduce_sum3A_821 : vector<4x1xf32> to vector<4x1x1xf32>
    %jit3A_823 = arith.constant 0.000000e+00 : f32
    %broadcast_in_dim3A_824 = vector.broadcast %jit3A_823 : f32 to vector<4x64x128xf32>
    %select_n3A_825 = arith.select %eq3A_813, %get3A_10, %broadcast_in_dim3A_824 : vector<4x64x128xi1>, vector<4x64x128xf32>
    %reduce_sum3A_826 = arith.constant dense<0.000000e+00> : vector<4x64xf32>
    %reduce_sum3A_827 = vector.multi_reduction <add>, %select_n3A_825, %reduce_sum3A_826 [2] : vector<4x64x128xf32> to vector<4x64xf32>
    %broadcast_in_dim3A_828 = vector.shape_cast %reduce_sum3A_827 : vector<4x64xf32> to vector<4x64x1xf32>
    %reduce_sum3A_829 = arith.constant dense<0.000000e+00> : vector<4x1xf32>
    %reduce_sum3A_830 = vector.multi_reduction <add>, %broadcast_in_dim3A_828, %reduce_sum3A_829 [1] : vector<4x64x1xf32> to vector<4x1xf32>
    %broadcast_in_dim3A_831 = vector.shape_cast %reduce_sum3A_830 : vector<4x1xf32> to vector<4x1x1xf32>
    %jit3A_832 = arith.constant 0.000000e+00 : f32
    %broadcast_in_dim3A_833 = vector.broadcast %jit3A_832 : f32 to vector<4x64x128xf32>
    %select_n3A_834 = arith.select %eq3A_813, %get3A_16, %broadcast_in_dim3A_833 : vector<4x64x128xi1>, vector<4x64x128xf32>
    %reduce_sum3A_835 = arith.constant dense<0.000000e+00> : vector<4x64xf32>
    %reduce_sum3A_836 = vector.multi_reduction <add>, %select_n3A_834, %reduce_sum3A_835 [2] : vector<4x64x128xf32> to vector<4x64xf32>
    %broadcast_in_dim3A_837 = vector.shape_cast %reduce_sum3A_836 : vector<4x64xf32> to vector<4x64x1xf32>
    %reduce_sum3A_838 = arith.constant dense<0.000000e+00> : vector<4x1xf32>
    %reduce_sum3A_839 = vector.multi_reduction <add>, %broadcast_in_dim3A_837, %reduce_sum3A_838 [1] : vector<4x64x1xf32> to vector<4x1xf32>
    %broadcast_in_dim3A_840 = vector.shape_cast %reduce_sum3A_839 : vector<4x1xf32> to vector<4x1x1xf32>
    %sub3A_841 = vector.broadcast %broadcast_in_dim3A_822 : vector<4x1x1xf32> to vector<4x64x128xf32>
    %sub3A_842 = arith.subf %get3A_4, %sub3A_841 : vector<4x64x128xf32>
    %sub3A_843 = vector.broadcast %broadcast_in_dim3A_831 : vector<4x1x1xf32> to vector<4x64x128xf32>
    %sub3A_844 = arith.subf %get3A_10, %sub3A_843 : vector<4x64x128xf32>
    %sub3A_845 = vector.broadcast %broadcast_in_dim3A_840 : vector<4x1x1xf32> to vector<4x64x128xf32>
    %sub3A_846 = arith.subf %get3A_16, %sub3A_845 : vector<4x64x128xf32>
    %mul3A_847 = arith.mulf %sub3A_842, %sub3A_842 : vector<4x64x128xf32>
    %mul3A_848 = arith.mulf %sub3A_844, %sub3A_844 : vector<4x64x128xf32>
    %add3A_849 = arith.addf %mul3A_847, %mul3A_848 : vector<4x64x128xf32>
    %mul3A_850 = arith.mulf %sub3A_846, %sub3A_846 : vector<4x64x128xf32>
    %add3A_851 = arith.addf %add3A_849, %mul3A_850 : vector<4x64x128xf32>
    %swap3A_852 = arith.constant 0 : index
    %swap3A_853 = arith.constant 48 : index
    %swap3A_854 = arith.constant 0 : index
    %swap3A_855 = arith.constant 0 : index
    %swap3A_856 = vector.load %arg3[%swap3A_852, %swap3A_853, %swap3A_854, %swap3A_855] : memref<2x128x64x128xf32, #tpu.memory_space<vmem>>, vector<1x4x64x128xf32>
    %swap3A_857 = vector.shape_cast %swap3A_856 : vector<1x4x64x128xf32> to vector<4x64x128xf32>
    %swap3A_858 = vector.shape_cast %add3A_851 : vector<4x64x128xf32> to vector<1x4x64x128xf32>
    tpu.vector_store %arg3[%swap3A_852, %swap3A_853, %swap3A_854, %swap3A_855], %swap3A_858 {strides = array<i32>} : memref<2x128x64x128xf32, #tpu.memory_space<vmem>>, vector<1x4x64x128xf32>,
    %min3A_859 = arith.minimumf %min3A_794, %add3A_851 : vector<4x64x128xf32>
    %reduce_max3A_860 = arith.constant dense<0xFF800000> : vector<4x64xf32>
    %reduce_max3A_861 = vector.multi_reduction <maximumf>, %min3A_859, %reduce_max3A_860 [2] : vector<4x64x128xf32> to vector<4x64xf32>
    %broadcast_in_dim3A_862 = vector.shape_cast %reduce_max3A_861 : vector<4x64xf32> to vector<4x64x1xf32>
    %reduce_max3A_863 = arith.constant dense<0xFF800000> : vector<4x1xf32>
    %reduce_max3A_864 = vector.multi_reduction <maximumf>, %broadcast_in_dim3A_862, %reduce_max3A_863 [1] : vector<4x64x1xf32> to vector<4x1xf32>
    %broadcast_in_dim3A_865 = vector.shape_cast %reduce_max3A_864 : vector<4x1xf32> to vector<4x1x1xf32>
    %eq3A_866 = vector.broadcast %broadcast_in_dim3A_865 : vector<4x1x1xf32> to vector<4x64x128xf32>
    %eq3A_867 = arith.cmpf oeq, %min3A_859, %eq3A_866 : vector<4x64x128xf32>
    %jit3A_868 = arith.constant 8192 : i32
    %broadcast_in_dim3A_869 = vector.broadcast %jit3A_868 : i32 to vector<4x64x128xi32>
    %select_n3A_870 = arith.select %eq3A_867, %add3A, %broadcast_in_dim3A_869 : vector<4x64x128xi1>, vector<4x64x128xi32>
    %reduce_min3A_871 = arith.constant dense<2147483647> : vector<4x64xi32>
    %reduce_min3A_872 = vector.multi_reduction <minsi>, %select_n3A_870, %reduce_min3A_871 [2] : vector<4x64x128xi32> to vector<4x64xi32>
    %broadcast_in_dim3A_873 = vector.shape_cast %reduce_min3A_872 : vector<4x64xi32> to vector<4x64x1xi32>
    %reduce_min3A_874 = arith.constant dense<2147483647> : vector<4x1xi32>
    %reduce_min3A_875 = vector.multi_reduction <minsi>, %broadcast_in_dim3A_873, %reduce_min3A_874 [1] : vector<4x64x1xi32> to vector<4x1xi32>
    %broadcast_in_dim3A_876 = vector.shape_cast %reduce_min3A_875 : vector<4x1xi32> to vector<4x1x1xi32>
    %eq3A_877 = vector.broadcast %broadcast_in_dim3A_876 : vector<4x1x1xi32> to vector<4x64x128xi32>
    %eq3A_878 = arith.cmpi eq, %add3A, %eq3A_877 : vector<4x64x128xi32>
    %jit3A_879 = arith.constant 0.000000e+00 : f32
    %broadcast_in_dim3A_880 = vector.broadcast %jit3A_879 : f32 to vector<4x64x128xf32>
    %select_n3A_881 = arith.select %eq3A_878, %get3A_4, %broadcast_in_dim3A_880 : vector<4x64x128xi1>, vector<4x64x128xf32>
    %reduce_sum3A_882 = arith.constant dense<0.000000e+00> : vector<4x64xf32>
    %reduce_sum3A_883 = vector.multi_reduction <add>, %select_n3A_881, %reduce_sum3A_882 [2] : vector<4x64x128xf32> to vector<4x64xf32>
    %broadcast_in_dim3A_884 = vector.shape_cast %reduce_sum3A_883 : vector<4x64xf32> to vector<4x64x1xf32>
    %reduce_sum3A_885 = arith.constant dense<0.000000e+00> : vector<4x1xf32>
    %reduce_sum3A_886 = vector.multi_reduction <add>, %broadcast_in_dim3A_884, %reduce_sum3A_885 [1] : vector<4x64x1xf32> to vector<4x1xf32>
    %broadcast_in_dim3A_887 = vector.shape_cast %reduce_sum3A_886 : vector<4x1xf32> to vector<4x1x1xf32>
    %jit3A_888 = arith.constant 0.000000e+00 : f32
    %broadcast_in_dim3A_889 = vector.broadcast %jit3A_888 : f32 to vector<4x64x128xf32>
    %select_n3A_890 = arith.select %eq3A_878, %get3A_10, %broadcast_in_dim3A_889 : vector<4x64x128xi1>, vector<4x64x128xf32>
    %reduce_sum3A_891 = arith.constant dense<0.000000e+00> : vector<4x64xf32>
    %reduce_sum3A_892 = vector.multi_reduction <add>, %select_n3A_890, %reduce_sum3A_891 [2] : vector<4x64x128xf32> to vector<4x64xf32>
    %broadcast_in_dim3A_893 = vector.shape_cast %reduce_sum3A_892 : vector<4x64xf32> to vector<4x64x1xf32>
    %reduce_sum3A_894 = arith.constant dense<0.000000e+00> : vector<4x1xf32>
    %reduce_sum3A_895 = vector.multi_reduction <add>, %broadcast_in_dim3A_893, %reduce_sum3A_894 [1] : vector<4x64x1xf32> to vector<4x1xf32>
    %broadcast_in_dim3A_896 = vector.shape_cast %reduce_sum3A_895 : vector<4x1xf32> to vector<4x1x1xf32>
    %jit3A_897 = arith.constant 0.000000e+00 : f32
    %broadcast_in_dim3A_898 = vector.broadcast %jit3A_897 : f32 to vector<4x64x128xf32>
    %select_n3A_899 = arith.select %eq3A_878, %get3A_16, %broadcast_in_dim3A_898 : vector<4x64x128xi1>, vector<4x64x128xf32>
    %reduce_sum3A_900 = arith.constant dense<0.000000e+00> : vector<4x64xf32>
    %reduce_sum3A_901 = vector.multi_reduction <add>, %select_n3A_899, %reduce_sum3A_900 [2] : vector<4x64x128xf32> to vector<4x64xf32>
    %broadcast_in_dim3A_902 = vector.shape_cast %reduce_sum3A_901 : vector<4x64xf32> to vector<4x64x1xf32>
    %reduce_sum3A_903 = arith.constant dense<0.000000e+00> : vector<4x1xf32>
    %reduce_sum3A_904 = vector.multi_reduction <add>, %broadcast_in_dim3A_902, %reduce_sum3A_903 [1] : vector<4x64x1xf32> to vector<4x1xf32>
    %broadcast_in_dim3A_905 = vector.shape_cast %reduce_sum3A_904 : vector<4x1xf32> to vector<4x1x1xf32>
    %sub3A_906 = vector.broadcast %broadcast_in_dim3A_887 : vector<4x1x1xf32> to vector<4x64x128xf32>
    %sub3A_907 = arith.subf %get3A_4, %sub3A_906 : vector<4x64x128xf32>
    %sub3A_908 = vector.broadcast %broadcast_in_dim3A_896 : vector<4x1x1xf32> to vector<4x64x128xf32>
    %sub3A_909 = arith.subf %get3A_10, %sub3A_908 : vector<4x64x128xf32>
    %sub3A_910 = vector.broadcast %broadcast_in_dim3A_905 : vector<4x1x1xf32> to vector<4x64x128xf32>
    %sub3A_911 = arith.subf %get3A_16, %sub3A_910 : vector<4x64x128xf32>
    %mul3A_912 = arith.mulf %sub3A_907, %sub3A_907 : vector<4x64x128xf32>
    %mul3A_913 = arith.mulf %sub3A_909, %sub3A_909 : vector<4x64x128xf32>
    %add3A_914 = arith.addf %mul3A_912, %mul3A_913 : vector<4x64x128xf32>
    %mul3A_915 = arith.mulf %sub3A_911, %sub3A_911 : vector<4x64x128xf32>
    %add3A_916 = arith.addf %add3A_914, %mul3A_915 : vector<4x64x128xf32>
    %swap3A_917 = arith.constant 0 : index
    %swap3A_918 = arith.constant 52 : index
    %swap3A_919 = arith.constant 0 : index
    %swap3A_920 = arith.constant 0 : index
    %swap3A_921 = vector.load %arg3[%swap3A_917, %swap3A_918, %swap3A_919, %swap3A_920] : memref<2x128x64x128xf32, #tpu.memory_space<vmem>>, vector<1x4x64x128xf32>
    %swap3A_922 = vector.shape_cast %swap3A_921 : vector<1x4x64x128xf32> to vector<4x64x128xf32>
    %swap3A_923 = vector.shape_cast %add3A_916 : vector<4x64x128xf32> to vector<1x4x64x128xf32>
    tpu.vector_store %arg3[%swap3A_917, %swap3A_918, %swap3A_919, %swap3A_920], %swap3A_923 {strides = array<i32>} : memref<2x128x64x128xf32, #tpu.memory_space<vmem>>, vector<1x4x64x128xf32>,
    %min3A_924 = arith.minimumf %min3A_859, %add3A_916 : vector<4x64x128xf32>
    %reduce_max3A_925 = arith.constant dense<0xFF800000> : vector<4x64xf32>
    %reduce_max3A_926 = vector.multi_reduction <maximumf>, %min3A_924, %reduce_max3A_925 [2] : vector<4x64x128xf32> to vector<4x64xf32>
    %broadcast_in_dim3A_927 = vector.shape_cast %reduce_max3A_926 : vector<4x64xf32> to vector<4x64x1xf32>
    %reduce_max3A_928 = arith.constant dense<0xFF800000> : vector<4x1xf32>
    %reduce_max3A_929 = vector.multi_reduction <maximumf>, %broadcast_in_dim3A_927, %reduce_max3A_928 [1] : vector<4x64x1xf32> to vector<4x1xf32>
    %broadcast_in_dim3A_930 = vector.shape_cast %reduce_max3A_929 : vector<4x1xf32> to vector<4x1x1xf32>
    %eq3A_931 = vector.broadcast %broadcast_in_dim3A_930 : vector<4x1x1xf32> to vector<4x64x128xf32>
    %eq3A_932 = arith.cmpf oeq, %min3A_924, %eq3A_931 : vector<4x64x128xf32>
    %jit3A_933 = arith.constant 8192 : i32
    %broadcast_in_dim3A_934 = vector.broadcast %jit3A_933 : i32 to vector<4x64x128xi32>
    %select_n3A_935 = arith.select %eq3A_932, %add3A, %broadcast_in_dim3A_934 : vector<4x64x128xi1>, vector<4x64x128xi32>
    %reduce_min3A_936 = arith.constant dense<2147483647> : vector<4x64xi32>
    %reduce_min3A_937 = vector.multi_reduction <minsi>, %select_n3A_935, %reduce_min3A_936 [2] : vector<4x64x128xi32> to vector<4x64xi32>
    %broadcast_in_dim3A_938 = vector.shape_cast %reduce_min3A_937 : vector<4x64xi32> to vector<4x64x1xi32>
    %reduce_min3A_939 = arith.constant dense<2147483647> : vector<4x1xi32>
    %reduce_min3A_940 = vector.multi_reduction <minsi>, %broadcast_in_dim3A_938, %reduce_min3A_939 [1] : vector<4x64x1xi32> to vector<4x1xi32>
    %broadcast_in_dim3A_941 = vector.shape_cast %reduce_min3A_940 : vector<4x1xi32> to vector<4x1x1xi32>
    %eq3A_942 = vector.broadcast %broadcast_in_dim3A_941 : vector<4x1x1xi32> to vector<4x64x128xi32>
    %eq3A_943 = arith.cmpi eq, %add3A, %eq3A_942 : vector<4x64x128xi32>
    %jit3A_944 = arith.constant 0.000000e+00 : f32
    %broadcast_in_dim3A_945 = vector.broadcast %jit3A_944 : f32 to vector<4x64x128xf32>
    %select_n3A_946 = arith.select %eq3A_943, %get3A_4, %broadcast_in_dim3A_945 : vector<4x64x128xi1>, vector<4x64x128xf32>
    %reduce_sum3A_947 = arith.constant dense<0.000000e+00> : vector<4x64xf32>
    %reduce_sum3A_948 = vector.multi_reduction <add>, %select_n3A_946, %reduce_sum3A_947 [2] : vector<4x64x128xf32> to vector<4x64xf32>
    %broadcast_in_dim3A_949 = vector.shape_cast %reduce_sum3A_948 : vector<4x64xf32> to vector<4x64x1xf32>
    %reduce_sum3A_950 = arith.constant dense<0.000000e+00> : vector<4x1xf32>
    %reduce_sum3A_951 = vector.multi_reduction <add>, %broadcast_in_dim3A_949, %reduce_sum3A_950 [1] : vector<4x64x1xf32> to vector<4x1xf32>
    %broadcast_in_dim3A_952 = vector.shape_cast %reduce_sum3A_951 : vector<4x1xf32> to vector<4x1x1xf32>
    %jit3A_953 = arith.constant 0.000000e+00 : f32
    %broadcast_in_dim3A_954 = vector.broadcast %jit3A_953 : f32 to vector<4x64x128xf32>
    %select_n3A_955 = arith.select %eq3A_943, %get3A_10, %broadcast_in_dim3A_954 : vector<4x64x128xi1>, vector<4x64x128xf32>
    %reduce_sum3A_956 = arith.constant dense<0.000000e+00> : vector<4x64xf32>
    %reduce_sum3A_957 = vector.multi_reduction <add>, %select_n3A_955, %reduce_sum3A_956 [2] : vector<4x64x128xf32> to vector<4x64xf32>
    %broadcast_in_dim3A_958 = vector.shape_cast %reduce_sum3A_957 : vector<4x64xf32> to vector<4x64x1xf32>
    %reduce_sum3A_959 = arith.constant dense<0.000000e+00> : vector<4x1xf32>
    %reduce_sum3A_960 = vector.multi_reduction <add>, %broadcast_in_dim3A_958, %reduce_sum3A_959 [1] : vector<4x64x1xf32> to vector<4x1xf32>
    %broadcast_in_dim3A_961 = vector.shape_cast %reduce_sum3A_960 : vector<4x1xf32> to vector<4x1x1xf32>
    %jit3A_962 = arith.constant 0.000000e+00 : f32
    %broadcast_in_dim3A_963 = vector.broadcast %jit3A_962 : f32 to vector<4x64x128xf32>
    %select_n3A_964 = arith.select %eq3A_943, %get3A_16, %broadcast_in_dim3A_963 : vector<4x64x128xi1>, vector<4x64x128xf32>
    %reduce_sum3A_965 = arith.constant dense<0.000000e+00> : vector<4x64xf32>
    %reduce_sum3A_966 = vector.multi_reduction <add>, %select_n3A_964, %reduce_sum3A_965 [2] : vector<4x64x128xf32> to vector<4x64xf32>
    %broadcast_in_dim3A_967 = vector.shape_cast %reduce_sum3A_966 : vector<4x64xf32> to vector<4x64x1xf32>
    %reduce_sum3A_968 = arith.constant dense<0.000000e+00> : vector<4x1xf32>
    %reduce_sum3A_969 = vector.multi_reduction <add>, %broadcast_in_dim3A_967, %reduce_sum3A_968 [1] : vector<4x64x1xf32> to vector<4x1xf32>
    %broadcast_in_dim3A_970 = vector.shape_cast %reduce_sum3A_969 : vector<4x1xf32> to vector<4x1x1xf32>
    %sub3A_971 = vector.broadcast %broadcast_in_dim3A_952 : vector<4x1x1xf32> to vector<4x64x128xf32>
    %sub3A_972 = arith.subf %get3A_4, %sub3A_971 : vector<4x64x128xf32>
    %sub3A_973 = vector.broadcast %broadcast_in_dim3A_961 : vector<4x1x1xf32> to vector<4x64x128xf32>
    %sub3A_974 = arith.subf %get3A_10, %sub3A_973 : vector<4x64x128xf32>
    %sub3A_975 = vector.broadcast %broadcast_in_dim3A_970 : vector<4x1x1xf32> to vector<4x64x128xf32>
    %sub3A_976 = arith.subf %get3A_16, %sub3A_975 : vector<4x64x128xf32>
    %mul3A_977 = arith.mulf %sub3A_972, %sub3A_972 : vector<4x64x128xf32>
    %mul3A_978 = arith.mulf %sub3A_974, %sub3A_974 : vector<4x64x128xf32>
    %add3A_979 = arith.addf %mul3A_977, %mul3A_978 : vector<4x64x128xf32>
    %mul3A_980 = arith.mulf %sub3A_976, %sub3A_976 : vector<4x64x128xf32>
    %add3A_981 = arith.addf %add3A_979, %mul3A_980 : vector<4x64x128xf32>
    %swap3A_982 = arith.constant 0 : index
    %swap3A_983 = arith.constant 56 : index
    %swap3A_984 = arith.constant 0 : index
    %swap3A_985 = arith.constant 0 : index
    %swap3A_986 = vector.load %arg3[%swap3A_982, %swap3A_983, %swap3A_984, %swap3A_985] : memref<2x128x64x128xf32, #tpu.memory_space<vmem>>, vector<1x4x64x128xf32>
    %swap3A_987 = vector.shape_cast %swap3A_986 : vector<1x4x64x128xf32> to vector<4x64x128xf32>
    %swap3A_988 = vector.shape_cast %add3A_981 : vector<4x64x128xf32> to vector<1x4x64x128xf32>
    tpu.vector_store %arg3[%swap3A_982, %swap3A_983, %swap3A_984, %swap3A_985], %swap3A_988 {strides = array<i32>} : memref<2x128x64x128xf32, #tpu.memory_space<vmem>>, vector<1x4x64x128xf32>,
    %min3A_989 = arith.minimumf %min3A_924, %add3A_981 : vector<4x64x128xf32>
    %reduce_max3A_990 = arith.constant dense<0xFF800000> : vector<4x64xf32>
    %reduce_max3A_991 = vector.multi_reduction <maximumf>, %min3A_989, %reduce_max3A_990 [2] : vector<4x64x128xf32> to vector<4x64xf32>
    %broadcast_in_dim3A_992 = vector.shape_cast %reduce_max3A_991 : vector<4x64xf32> to vector<4x64x1xf32>
    %reduce_max3A_993 = arith.constant dense<0xFF800000> : vector<4x1xf32>
    %reduce_max3A_994 = vector.multi_reduction <maximumf>, %broadcast_in_dim3A_992, %reduce_max3A_993 [1] : vector<4x64x1xf32> to vector<4x1xf32>
    %broadcast_in_dim3A_995 = vector.shape_cast %reduce_max3A_994 : vector<4x1xf32> to vector<4x1x1xf32>
    %eq3A_996 = vector.broadcast %broadcast_in_dim3A_995 : vector<4x1x1xf32> to vector<4x64x128xf32>
    %eq3A_997 = arith.cmpf oeq, %min3A_989, %eq3A_996 : vector<4x64x128xf32>
    %jit3A_998 = arith.constant 8192 : i32
    %broadcast_in_dim3A_999 = vector.broadcast %jit3A_998 : i32 to vector<4x64x128xi32>
    %select_n3A_1000 = arith.select %eq3A_997, %add3A, %broadcast_in_dim3A_999 : vector<4x64x128xi1>, vector<4x64x128xi32>
    %reduce_min3A_1001 = arith.constant dense<2147483647> : vector<4x64xi32>
    %reduce_min3A_1002 = vector.multi_reduction <minsi>, %select_n3A_1000, %reduce_min3A_1001 [2] : vector<4x64x128xi32> to vector<4x64xi32>
    %broadcast_in_dim3A_1003 = vector.shape_cast %reduce_min3A_1002 : vector<4x64xi32> to vector<4x64x1xi32>
    %reduce_min3A_1004 = arith.constant dense<2147483647> : vector<4x1xi32>
    %reduce_min3A_1005 = vector.multi_reduction <minsi>, %broadcast_in_dim3A_1003, %reduce_min3A_1004 [1] : vector<4x64x1xi32> to vector<4x1xi32>
    %broadcast_in_dim3A_1006 = vector.shape_cast %reduce_min3A_1005 : vector<4x1xi32> to vector<4x1x1xi32>
    %eq3A_1007 = vector.broadcast %broadcast_in_dim3A_1006 : vector<4x1x1xi32> to vector<4x64x128xi32>
    %eq3A_1008 = arith.cmpi eq, %add3A, %eq3A_1007 : vector<4x64x128xi32>
    %jit3A_1009 = arith.constant 0.000000e+00 : f32
    %broadcast_in_dim3A_1010 = vector.broadcast %jit3A_1009 : f32 to vector<4x64x128xf32>
    %select_n3A_1011 = arith.select %eq3A_1008, %get3A_4, %broadcast_in_dim3A_1010 : vector<4x64x128xi1>, vector<4x64x128xf32>
    %reduce_sum3A_1012 = arith.constant dense<0.000000e+00> : vector<4x64xf32>
    %reduce_sum3A_1013 = vector.multi_reduction <add>, %select_n3A_1011, %reduce_sum3A_1012 [2] : vector<4x64x128xf32> to vector<4x64xf32>
    %broadcast_in_dim3A_1014 = vector.shape_cast %reduce_sum3A_1013 : vector<4x64xf32> to vector<4x64x1xf32>
    %reduce_sum3A_1015 = arith.constant dense<0.000000e+00> : vector<4x1xf32>
    %reduce_sum3A_1016 = vector.multi_reduction <add>, %broadcast_in_dim3A_1014, %reduce_sum3A_1015 [1] : vector<4x64x1xf32> to vector<4x1xf32>
    %broadcast_in_dim3A_1017 = vector.shape_cast %reduce_sum3A_1016 : vector<4x1xf32> to vector<4x1x1xf32>
    %jit3A_1018 = arith.constant 0.000000e+00 : f32
    %broadcast_in_dim3A_1019 = vector.broadcast %jit3A_1018 : f32 to vector<4x64x128xf32>
    %select_n3A_1020 = arith.select %eq3A_1008, %get3A_10, %broadcast_in_dim3A_1019 : vector<4x64x128xi1>, vector<4x64x128xf32>
    %reduce_sum3A_1021 = arith.constant dense<0.000000e+00> : vector<4x64xf32>
    %reduce_sum3A_1022 = vector.multi_reduction <add>, %select_n3A_1020, %reduce_sum3A_1021 [2] : vector<4x64x128xf32> to vector<4x64xf32>
    %broadcast_in_dim3A_1023 = vector.shape_cast %reduce_sum3A_1022 : vector<4x64xf32> to vector<4x64x1xf32>
    %reduce_sum3A_1024 = arith.constant dense<0.000000e+00> : vector<4x1xf32>
    %reduce_sum3A_1025 = vector.multi_reduction <add>, %broadcast_in_dim3A_1023, %reduce_sum3A_1024 [1] : vector<4x64x1xf32> to vector<4x1xf32>
    %broadcast_in_dim3A_1026 = vector.shape_cast %reduce_sum3A_1025 : vector<4x1xf32> to vector<4x1x1xf32>
    %jit3A_1027 = arith.constant 0.000000e+00 : f32
    %broadcast_in_dim3A_1028 = vector.broadcast %jit3A_1027 : f32 to vector<4x64x128xf32>
    %select_n3A_1029 = arith.select %eq3A_1008, %get3A_16, %broadcast_in_dim3A_1028 : vector<4x64x128xi1>, vector<4x64x128xf32>
    %reduce_sum3A_1030 = arith.constant dense<0.000000e+00> : vector<4x64xf32>
    %reduce_sum3A_1031 = vector.multi_reduction <add>, %select_n3A_1029, %reduce_sum3A_1030 [2] : vector<4x64x128xf32> to vector<4x64xf32>
    %broadcast_in_dim3A_1032 = vector.shape_cast %reduce_sum3A_1031 : vector<4x64xf32> to vector<4x64x1xf32>
    %reduce_sum3A_1033 = arith.constant dense<0.000000e+00> : vector<4x1xf32>
    %reduce_sum3A_1034 = vector.multi_reduction <add>, %broadcast_in_dim3A_1032, %reduce_sum3A_1033 [1] : vector<4x64x1xf32> to vector<4x1xf32>
    %broadcast_in_dim3A_1035 = vector.shape_cast %reduce_sum3A_1034 : vector<4x1xf32> to vector<4x1x1xf32>
    %sub3A_1036 = vector.broadcast %broadcast_in_dim3A_1017 : vector<4x1x1xf32> to vector<4x64x128xf32>
    %sub3A_1037 = arith.subf %get3A_4, %sub3A_1036 : vector<4x64x128xf32>
    %sub3A_1038 = vector.broadcast %broadcast_in_dim3A_1026 : vector<4x1x1xf32> to vector<4x64x128xf32>
    %sub3A_1039 = arith.subf %get3A_10, %sub3A_1038 : vector<4x64x128xf32>
    %sub3A_1040 = vector.broadcast %broadcast_in_dim3A_1035 : vector<4x1x1xf32> to vector<4x64x128xf32>
    %sub3A_1041 = arith.subf %get3A_16, %sub3A_1040 : vector<4x64x128xf32>
    %mul3A_1042 = arith.mulf %sub3A_1037, %sub3A_1037 : vector<4x64x128xf32>
    %mul3A_1043 = arith.mulf %sub3A_1039, %sub3A_1039 : vector<4x64x128xf32>
    %add3A_1044 = arith.addf %mul3A_1042, %mul3A_1043 : vector<4x64x128xf32>
    %mul3A_1045 = arith.mulf %sub3A_1041, %sub3A_1041 : vector<4x64x128xf32>
    %add3A_1046 = arith.addf %add3A_1044, %mul3A_1045 : vector<4x64x128xf32>
    %swap3A_1047 = arith.constant 0 : index
    %swap3A_1048 = arith.constant 60 : index
    %swap3A_1049 = arith.constant 0 : index
    %swap3A_1050 = arith.constant 0 : index
    %swap3A_1051 = vector.load %arg3[%swap3A_1047, %swap3A_1048, %swap3A_1049, %swap3A_1050] : memref<2x128x64x128xf32, #tpu.memory_space<vmem>>, vector<1x4x64x128xf32>
    %swap3A_1052 = vector.shape_cast %swap3A_1051 : vector<1x4x64x128xf32> to vector<4x64x128xf32>
    %swap3A_1053 = vector.shape_cast %add3A_1046 : vector<4x64x128xf32> to vector<1x4x64x128xf32>
    tpu.vector_store %arg3[%swap3A_1047, %swap3A_1048, %swap3A_1049, %swap3A_1050], %swap3A_1053 {strides = array<i32>} : memref<2x128x64x128xf32, #tpu.memory_space<vmem>>, vector<1x4x64x128xf32>,
    %min3A_1054 = arith.minimumf %min3A_989, %add3A_1046 : vector<4x64x128xf32>
    %reduce_max3A_1055 = arith.constant dense<0xFF800000> : vector<4x64xf32>
    %reduce_max3A_1056 = vector.multi_reduction <maximumf>, %min3A_1054, %reduce_max3A_1055 [2] : vector<4x64x128xf32> to vector<4x64xf32>
    %broadcast_in_dim3A_1057 = vector.shape_cast %reduce_max3A_1056 : vector<4x64xf32> to vector<4x64x1xf32>
    %reduce_max3A_1058 = arith.constant dense<0xFF800000> : vector<4x1xf32>
    %reduce_max3A_1059 = vector.multi_reduction <maximumf>, %broadcast_in_dim3A_1057, %reduce_max3A_1058 [1] : vector<4x64x1xf32> to vector<4x1xf32>
    %broadcast_in_dim3A_1060 = vector.shape_cast %reduce_max3A_1059 : vector<4x1xf32> to vector<4x1x1xf32>
    %eq3A_1061 = vector.broadcast %broadcast_in_dim3A_1060 : vector<4x1x1xf32> to vector<4x64x128xf32>
    %eq3A_1062 = arith.cmpf oeq, %min3A_1054, %eq3A_1061 : vector<4x64x128xf32>
    %jit3A_1063 = arith.constant 8192 : i32
    %broadcast_in_dim3A_1064 = vector.broadcast %jit3A_1063 : i32 to vector<4x64x128xi32>
    %select_n3A_1065 = arith.select %eq3A_1062, %add3A, %broadcast_in_dim3A_1064 : vector<4x64x128xi1>, vector<4x64x128xi32>
    %reduce_min3A_1066 = arith.constant dense<2147483647> : vector<4x64xi32>
    %reduce_min3A_1067 = vector.multi_reduction <minsi>, %select_n3A_1065, %reduce_min3A_1066 [2] : vector<4x64x128xi32> to vector<4x64xi32>
    %broadcast_in_dim3A_1068 = vector.shape_cast %reduce_min3A_1067 : vector<4x64xi32> to vector<4x64x1xi32>
    %reduce_min3A_1069 = arith.constant dense<2147483647> : vector<4x1xi32>
    %reduce_min3A_1070 = vector.multi_reduction <minsi>, %broadcast_in_dim3A_1068, %reduce_min3A_1069 [1] : vector<4x64x1xi32> to vector<4x1xi32>
    %broadcast_in_dim3A_1071 = vector.shape_cast %reduce_min3A_1070 : vector<4x1xi32> to vector<4x1x1xi32>
    %eq3A_1072 = vector.broadcast %broadcast_in_dim3A_1071 : vector<4x1x1xi32> to vector<4x64x128xi32>
    %eq3A_1073 = arith.cmpi eq, %add3A, %eq3A_1072 : vector<4x64x128xi32>
    %jit3A_1074 = arith.constant 0.000000e+00 : f32
    %broadcast_in_dim3A_1075 = vector.broadcast %jit3A_1074 : f32 to vector<4x64x128xf32>
    %select_n3A_1076 = arith.select %eq3A_1073, %get3A_4, %broadcast_in_dim3A_1075 : vector<4x64x128xi1>, vector<4x64x128xf32>
    %reduce_sum3A_1077 = arith.constant dense<0.000000e+00> : vector<4x64xf32>
    %reduce_sum3A_1078 = vector.multi_reduction <add>, %select_n3A_1076, %reduce_sum3A_1077 [2] : vector<4x64x128xf32> to vector<4x64xf32>
    %broadcast_in_dim3A_1079 = vector.shape_cast %reduce_sum3A_1078 : vector<4x64xf32> to vector<4x64x1xf32>
    %reduce_sum3A_1080 = arith.constant dense<0.000000e+00> : vector<4x1xf32>
    %reduce_sum3A_1081 = vector.multi_reduction <add>, %broadcast_in_dim3A_1079, %reduce_sum3A_1080 [1] : vector<4x64x1xf32> to vector<4x1xf32>
    %broadcast_in_dim3A_1082 = vector.shape_cast %reduce_sum3A_1081 : vector<4x1xf32> to vector<4x1x1xf32>
    %jit3A_1083 = arith.constant 0.000000e+00 : f32
    %broadcast_in_dim3A_1084 = vector.broadcast %jit3A_1083 : f32 to vector<4x64x128xf32>
    %select_n3A_1085 = arith.select %eq3A_1073, %get3A_10, %broadcast_in_dim3A_1084 : vector<4x64x128xi1>, vector<4x64x128xf32>
    %reduce_sum3A_1086 = arith.constant dense<0.000000e+00> : vector<4x64xf32>
    %reduce_sum3A_1087 = vector.multi_reduction <add>, %select_n3A_1085, %reduce_sum3A_1086 [2] : vector<4x64x128xf32> to vector<4x64xf32>
    %broadcast_in_dim3A_1088 = vector.shape_cast %reduce_sum3A_1087 : vector<4x64xf32> to vector<4x64x1xf32>
    %reduce_sum3A_1089 = arith.constant dense<0.000000e+00> : vector<4x1xf32>
    %reduce_sum3A_1090 = vector.multi_reduction <add>, %broadcast_in_dim3A_1088, %reduce_sum3A_1089 [1] : vector<4x64x1xf32> to vector<4x1xf32>
    %broadcast_in_dim3A_1091 = vector.shape_cast %reduce_sum3A_1090 : vector<4x1xf32> to vector<4x1x1xf32>
    %jit3A_1092 = arith.constant 0.000000e+00 : f32
    %broadcast_in_dim3A_1093 = vector.broadcast %jit3A_1092 : f32 to vector<4x64x128xf32>
    %select_n3A_1094 = arith.select %eq3A_1073, %get3A_16, %broadcast_in_dim3A_1093 : vector<4x64x128xi1>, vector<4x64x128xf32>
    %reduce_sum3A_1095 = arith.constant dense<0.000000e+00> : vector<4x64xf32>
    %reduce_sum3A_1096 = vector.multi_reduction <add>, %select_n3A_1094, %reduce_sum3A_1095 [2] : vector<4x64x128xf32> to vector<4x64xf32>
    %broadcast_in_dim3A_1097 = vector.shape_cast %reduce_sum3A_1096 : vector<4x64xf32> to vector<4x64x1xf32>
    %reduce_sum3A_1098 = arith.constant dense<0.000000e+00> : vector<4x1xf32>
    %reduce_sum3A_1099 = vector.multi_reduction <add>, %broadcast_in_dim3A_1097, %reduce_sum3A_1098 [1] : vector<4x64x1xf32> to vector<4x1xf32>
    %broadcast_in_dim3A_1100 = vector.shape_cast %reduce_sum3A_1099 : vector<4x1xf32> to vector<4x1x1xf32>
    %sub3A_1101 = vector.broadcast %broadcast_in_dim3A_1082 : vector<4x1x1xf32> to vector<4x64x128xf32>
    %sub3A_1102 = arith.subf %get3A_4, %sub3A_1101 : vector<4x64x128xf32>
    %sub3A_1103 = vector.broadcast %broadcast_in_dim3A_1091 : vector<4x1x1xf32> to vector<4x64x128xf32>
    %sub3A_1104 = arith.subf %get3A_10, %sub3A_1103 : vector<4x64x128xf32>
    %sub3A_1105 = vector.broadcast %broadcast_in_dim3A_1100 : vector<4x1x1xf32> to vector<4x64x128xf32>
    %sub3A_1106 = arith.subf %get3A_16, %sub3A_1105 : vector<4x64x128xf32>
    %mul3A_1107 = arith.mulf %sub3A_1102, %sub3A_1102 : vector<4x64x128xf32>
    %mul3A_1108 = arith.mulf %sub3A_1104, %sub3A_1104 : vector<4x64x128xf32>
    %add3A_1109 = arith.addf %mul3A_1107, %mul3A_1108 : vector<4x64x128xf32>
    %mul3A_1110 = arith.mulf %sub3A_1106, %sub3A_1106 : vector<4x64x128xf32>
    %add3A_1111 = arith.addf %add3A_1109, %mul3A_1110 : vector<4x64x128xf32>
    %swap3A_1112 = arith.constant 0 : index
    %swap3A_1113 = arith.constant 64 : index
    %swap3A_1114 = arith.constant 0 : index
    %swap3A_1115 = arith.constant 0 : index
    %swap3A_1116 = vector.load %arg3[%swap3A_1112, %swap3A_1113, %swap3A_1114, %swap3A_1115] : memref<2x128x64x128xf32, #tpu.memory_space<vmem>>, vector<1x4x64x128xf32>
    %swap3A_1117 = vector.shape_cast %swap3A_1116 : vector<1x4x64x128xf32> to vector<4x64x128xf32>
    %swap3A_1118 = vector.shape_cast %add3A_1111 : vector<4x64x128xf32> to vector<1x4x64x128xf32>
    tpu.vector_store %arg3[%swap3A_1112, %swap3A_1113, %swap3A_1114, %swap3A_1115], %swap3A_1118 {strides = array<i32>} : memref<2x128x64x128xf32, #tpu.memory_space<vmem>>, vector<1x4x64x128xf32>,
    %min3A_1119 = arith.minimumf %min3A_1054, %add3A_1111 : vector<4x64x128xf32>
    %reduce_max3A_1120 = arith.constant dense<0xFF800000> : vector<4x64xf32>
    %reduce_max3A_1121 = vector.multi_reduction <maximumf>, %min3A_1119, %reduce_max3A_1120 [2] : vector<4x64x128xf32> to vector<4x64xf32>
    %broadcast_in_dim3A_1122 = vector.shape_cast %reduce_max3A_1121 : vector<4x64xf32> to vector<4x64x1xf32>
    %reduce_max3A_1123 = arith.constant dense<0xFF800000> : vector<4x1xf32>
    %reduce_max3A_1124 = vector.multi_reduction <maximumf>, %broadcast_in_dim3A_1122, %reduce_max3A_1123 [1] : vector<4x64x1xf32> to vector<4x1xf32>
    %broadcast_in_dim3A_1125 = vector.shape_cast %reduce_max3A_1124 : vector<4x1xf32> to vector<4x1x1xf32>
    %eq3A_1126 = vector.broadcast %broadcast_in_dim3A_1125 : vector<4x1x1xf32> to vector<4x64x128xf32>
    %eq3A_1127 = arith.cmpf oeq, %min3A_1119, %eq3A_1126 : vector<4x64x128xf32>
    %jit3A_1128 = arith.constant 8192 : i32
    %broadcast_in_dim3A_1129 = vector.broadcast %jit3A_1128 : i32 to vector<4x64x128xi32>
    %select_n3A_1130 = arith.select %eq3A_1127, %add3A, %broadcast_in_dim3A_1129 : vector<4x64x128xi1>, vector<4x64x128xi32>
    %reduce_min3A_1131 = arith.constant dense<2147483647> : vector<4x64xi32>
    %reduce_min3A_1132 = vector.multi_reduction <minsi>, %select_n3A_1130, %reduce_min3A_1131 [2] : vector<4x64x128xi32> to vector<4x64xi32>
    %broadcast_in_dim3A_1133 = vector.shape_cast %reduce_min3A_1132 : vector<4x64xi32> to vector<4x64x1xi32>
    %reduce_min3A_1134 = arith.constant dense<2147483647> : vector<4x1xi32>
    %reduce_min3A_1135 = vector.multi_reduction <minsi>, %broadcast_in_dim3A_1133, %reduce_min3A_1134 [1] : vector<4x64x1xi32> to vector<4x1xi32>
    %broadcast_in_dim3A_1136 = vector.shape_cast %reduce_min3A_1135 : vector<4x1xi32> to vector<4x1x1xi32>
    %eq3A_1137 = vector.broadcast %broadcast_in_dim3A_1136 : vector<4x1x1xi32> to vector<4x64x128xi32>
    %eq3A_1138 = arith.cmpi eq, %add3A, %eq3A_1137 : vector<4x64x128xi32>
    %jit3A_1139 = arith.constant 0.000000e+00 : f32
    %broadcast_in_dim3A_1140 = vector.broadcast %jit3A_1139 : f32 to vector<4x64x128xf32>
    %select_n3A_1141 = arith.select %eq3A_1138, %get3A_4, %broadcast_in_dim3A_1140 : vector<4x64x128xi1>, vector<4x64x128xf32>
    %reduce_sum3A_1142 = arith.constant dense<0.000000e+00> : vector<4x64xf32>
    %reduce_sum3A_1143 = vector.multi_reduction <add>, %select_n3A_1141, %reduce_sum3A_1142 [2] : vector<4x64x128xf32> to vector<4x64xf32>
    %broadcast_in_dim3A_1144 = vector.shape_cast %reduce_sum3A_1143 : vector<4x64xf32> to vector<4x64x1xf32>
    %reduce_sum3A_1145 = arith.constant dense<0.000000e+00> : vector<4x1xf32>
    %reduce_sum3A_1146 = vector.multi_reduction <add>, %broadcast_in_dim3A_1144, %reduce_sum3A_1145 [1] : vector<4x64x1xf32> to vector<4x1xf32>
    %broadcast_in_dim3A_1147 = vector.shape_cast %reduce_sum3A_1146 : vector<4x1xf32> to vector<4x1x1xf32>
    %jit3A_1148 = arith.constant 0.000000e+00 : f32
    %broadcast_in_dim3A_1149 = vector.broadcast %jit3A_1148 : f32 to vector<4x64x128xf32>
    %select_n3A_1150 = arith.select %eq3A_1138, %get3A_10, %broadcast_in_dim3A_1149 : vector<4x64x128xi1>, vector<4x64x128xf32>
    %reduce_sum3A_1151 = arith.constant dense<0.000000e+00> : vector<4x64xf32>
    %reduce_sum3A_1152 = vector.multi_reduction <add>, %select_n3A_1150, %reduce_sum3A_1151 [2] : vector<4x64x128xf32> to vector<4x64xf32>
    %broadcast_in_dim3A_1153 = vector.shape_cast %reduce_sum3A_1152 : vector<4x64xf32> to vector<4x64x1xf32>
    %reduce_sum3A_1154 = arith.constant dense<0.000000e+00> : vector<4x1xf32>
    %reduce_sum3A_1155 = vector.multi_reduction <add>, %broadcast_in_dim3A_1153, %reduce_sum3A_1154 [1] : vector<4x64x1xf32> to vector<4x1xf32>
    %broadcast_in_dim3A_1156 = vector.shape_cast %reduce_sum3A_1155 : vector<4x1xf32> to vector<4x1x1xf32>
    %jit3A_1157 = arith.constant 0.000000e+00 : f32
    %broadcast_in_dim3A_1158 = vector.broadcast %jit3A_1157 : f32 to vector<4x64x128xf32>
    %select_n3A_1159 = arith.select %eq3A_1138, %get3A_16, %broadcast_in_dim3A_1158 : vector<4x64x128xi1>, vector<4x64x128xf32>
    %reduce_sum3A_1160 = arith.constant dense<0.000000e+00> : vector<4x64xf32>
    %reduce_sum3A_1161 = vector.multi_reduction <add>, %select_n3A_1159, %reduce_sum3A_1160 [2] : vector<4x64x128xf32> to vector<4x64xf32>
    %broadcast_in_dim3A_1162 = vector.shape_cast %reduce_sum3A_1161 : vector<4x64xf32> to vector<4x64x1xf32>
    %reduce_sum3A_1163 = arith.constant dense<0.000000e+00> : vector<4x1xf32>
    %reduce_sum3A_1164 = vector.multi_reduction <add>, %broadcast_in_dim3A_1162, %reduce_sum3A_1163 [1] : vector<4x64x1xf32> to vector<4x1xf32>
    %broadcast_in_dim3A_1165 = vector.shape_cast %reduce_sum3A_1164 : vector<4x1xf32> to vector<4x1x1xf32>
    %sub3A_1166 = vector.broadcast %broadcast_in_dim3A_1147 : vector<4x1x1xf32> to vector<4x64x128xf32>
    %sub3A_1167 = arith.subf %get3A_4, %sub3A_1166 : vector<4x64x128xf32>
    %sub3A_1168 = vector.broadcast %broadcast_in_dim3A_1156 : vector<4x1x1xf32> to vector<4x64x128xf32>
    %sub3A_1169 = arith.subf %get3A_10, %sub3A_1168 : vector<4x64x128xf32>
    %sub3A_1170 = vector.broadcast %broadcast_in_dim3A_1165 : vector<4x1x1xf32> to vector<4x64x128xf32>
    %sub3A_1171 = arith.subf %get3A_16, %sub3A_1170 : vector<4x64x128xf32>
    %mul3A_1172 = arith.mulf %sub3A_1167, %sub3A_1167 : vector<4x64x128xf32>
    %mul3A_1173 = arith.mulf %sub3A_1169, %sub3A_1169 : vector<4x64x128xf32>
    %add3A_1174 = arith.addf %mul3A_1172, %mul3A_1173 : vector<4x64x128xf32>
    %mul3A_1175 = arith.mulf %sub3A_1171, %sub3A_1171 : vector<4x64x128xf32>
    %add3A_1176 = arith.addf %add3A_1174, %mul3A_1175 : vector<4x64x128xf32>
    %swap3A_1177 = arith.constant 0 : index
    %swap3A_1178 = arith.constant 68 : index
    %swap3A_1179 = arith.constant 0 : index
    %swap3A_1180 = arith.constant 0 : index
    %swap3A_1181 = vector.load %arg3[%swap3A_1177, %swap3A_1178, %swap3A_1179, %swap3A_1180] : memref<2x128x64x128xf32, #tpu.memory_space<vmem>>, vector<1x4x64x128xf32>
    %swap3A_1182 = vector.shape_cast %swap3A_1181 : vector<1x4x64x128xf32> to vector<4x64x128xf32>
    %swap3A_1183 = vector.shape_cast %add3A_1176 : vector<4x64x128xf32> to vector<1x4x64x128xf32>
    tpu.vector_store %arg3[%swap3A_1177, %swap3A_1178, %swap3A_1179, %swap3A_1180], %swap3A_1183 {strides = array<i32>} : memref<2x128x64x128xf32, #tpu.memory_space<vmem>>, vector<1x4x64x128xf32>,
    %min3A_1184 = arith.minimumf %min3A_1119, %add3A_1176 : vector<4x64x128xf32>
    %reduce_max3A_1185 = arith.constant dense<0xFF800000> : vector<4x64xf32>
    %reduce_max3A_1186 = vector.multi_reduction <maximumf>, %min3A_1184, %reduce_max3A_1185 [2] : vector<4x64x128xf32> to vector<4x64xf32>
    %broadcast_in_dim3A_1187 = vector.shape_cast %reduce_max3A_1186 : vector<4x64xf32> to vector<4x64x1xf32>
    %reduce_max3A_1188 = arith.constant dense<0xFF800000> : vector<4x1xf32>
    %reduce_max3A_1189 = vector.multi_reduction <maximumf>, %broadcast_in_dim3A_1187, %reduce_max3A_1188 [1] : vector<4x64x1xf32> to vector<4x1xf32>
    %broadcast_in_dim3A_1190 = vector.shape_cast %reduce_max3A_1189 : vector<4x1xf32> to vector<4x1x1xf32>
    %eq3A_1191 = vector.broadcast %broadcast_in_dim3A_1190 : vector<4x1x1xf32> to vector<4x64x128xf32>
    %eq3A_1192 = arith.cmpf oeq, %min3A_1184, %eq3A_1191 : vector<4x64x128xf32>
    %jit3A_1193 = arith.constant 8192 : i32
    %broadcast_in_dim3A_1194 = vector.broadcast %jit3A_1193 : i32 to vector<4x64x128xi32>
    %select_n3A_1195 = arith.select %eq3A_1192, %add3A, %broadcast_in_dim3A_1194 : vector<4x64x128xi1>, vector<4x64x128xi32>
    %reduce_min3A_1196 = arith.constant dense<2147483647> : vector<4x64xi32>
    %reduce_min3A_1197 = vector.multi_reduction <minsi>, %select_n3A_1195, %reduce_min3A_1196 [2] : vector<4x64x128xi32> to vector<4x64xi32>
    %broadcast_in_dim3A_1198 = vector.shape_cast %reduce_min3A_1197 : vector<4x64xi32> to vector<4x64x1xi32>
    %reduce_min3A_1199 = arith.constant dense<2147483647> : vector<4x1xi32>
    %reduce_min3A_1200 = vector.multi_reduction <minsi>, %broadcast_in_dim3A_1198, %reduce_min3A_1199 [1] : vector<4x64x1xi32> to vector<4x1xi32>
    %broadcast_in_dim3A_1201 = vector.shape_cast %reduce_min3A_1200 : vector<4x1xi32> to vector<4x1x1xi32>
    %eq3A_1202 = vector.broadcast %broadcast_in_dim3A_1201 : vector<4x1x1xi32> to vector<4x64x128xi32>
    %eq3A_1203 = arith.cmpi eq, %add3A, %eq3A_1202 : vector<4x64x128xi32>
    %jit3A_1204 = arith.constant 0.000000e+00 : f32
    %broadcast_in_dim3A_1205 = vector.broadcast %jit3A_1204 : f32 to vector<4x64x128xf32>
    %select_n3A_1206 = arith.select %eq3A_1203, %get3A_4, %broadcast_in_dim3A_1205 : vector<4x64x128xi1>, vector<4x64x128xf32>
    %reduce_sum3A_1207 = arith.constant dense<0.000000e+00> : vector<4x64xf32>
    %reduce_sum3A_1208 = vector.multi_reduction <add>, %select_n3A_1206, %reduce_sum3A_1207 [2] : vector<4x64x128xf32> to vector<4x64xf32>
    %broadcast_in_dim3A_1209 = vector.shape_cast %reduce_sum3A_1208 : vector<4x64xf32> to vector<4x64x1xf32>
    %reduce_sum3A_1210 = arith.constant dense<0.000000e+00> : vector<4x1xf32>
    %reduce_sum3A_1211 = vector.multi_reduction <add>, %broadcast_in_dim3A_1209, %reduce_sum3A_1210 [1] : vector<4x64x1xf32> to vector<4x1xf32>
    %broadcast_in_dim3A_1212 = vector.shape_cast %reduce_sum3A_1211 : vector<4x1xf32> to vector<4x1x1xf32>
    %jit3A_1213 = arith.constant 0.000000e+00 : f32
    %broadcast_in_dim3A_1214 = vector.broadcast %jit3A_1213 : f32 to vector<4x64x128xf32>
    %select_n3A_1215 = arith.select %eq3A_1203, %get3A_10, %broadcast_in_dim3A_1214 : vector<4x64x128xi1>, vector<4x64x128xf32>
    %reduce_sum3A_1216 = arith.constant dense<0.000000e+00> : vector<4x64xf32>
    %reduce_sum3A_1217 = vector.multi_reduction <add>, %select_n3A_1215, %reduce_sum3A_1216 [2] : vector<4x64x128xf32> to vector<4x64xf32>
    %broadcast_in_dim3A_1218 = vector.shape_cast %reduce_sum3A_1217 : vector<4x64xf32> to vector<4x64x1xf32>
    %reduce_sum3A_1219 = arith.constant dense<0.000000e+00> : vector<4x1xf32>
    %reduce_sum3A_1220 = vector.multi_reduction <add>, %broadcast_in_dim3A_1218, %reduce_sum3A_1219 [1] : vector<4x64x1xf32> to vector<4x1xf32>
    %broadcast_in_dim3A_1221 = vector.shape_cast %reduce_sum3A_1220 : vector<4x1xf32> to vector<4x1x1xf32>
    %jit3A_1222 = arith.constant 0.000000e+00 : f32
    %broadcast_in_dim3A_1223 = vector.broadcast %jit3A_1222 : f32 to vector<4x64x128xf32>
    %select_n3A_1224 = arith.select %eq3A_1203, %get3A_16, %broadcast_in_dim3A_1223 : vector<4x64x128xi1>, vector<4x64x128xf32>
    %reduce_sum3A_1225 = arith.constant dense<0.000000e+00> : vector<4x64xf32>
    %reduce_sum3A_1226 = vector.multi_reduction <add>, %select_n3A_1224, %reduce_sum3A_1225 [2] : vector<4x64x128xf32> to vector<4x64xf32>
    %broadcast_in_dim3A_1227 = vector.shape_cast %reduce_sum3A_1226 : vector<4x64xf32> to vector<4x64x1xf32>
    %reduce_sum3A_1228 = arith.constant dense<0.000000e+00> : vector<4x1xf32>
    %reduce_sum3A_1229 = vector.multi_reduction <add>, %broadcast_in_dim3A_1227, %reduce_sum3A_1228 [1] : vector<4x64x1xf32> to vector<4x1xf32>
    %broadcast_in_dim3A_1230 = vector.shape_cast %reduce_sum3A_1229 : vector<4x1xf32> to vector<4x1x1xf32>
    %sub3A_1231 = vector.broadcast %broadcast_in_dim3A_1212 : vector<4x1x1xf32> to vector<4x64x128xf32>
    %sub3A_1232 = arith.subf %get3A_4, %sub3A_1231 : vector<4x64x128xf32>
    %sub3A_1233 = vector.broadcast %broadcast_in_dim3A_1221 : vector<4x1x1xf32> to vector<4x64x128xf32>
    %sub3A_1234 = arith.subf %get3A_10, %sub3A_1233 : vector<4x64x128xf32>
    %sub3A_1235 = vector.broadcast %broadcast_in_dim3A_1230 : vector<4x1x1xf32> to vector<4x64x128xf32>
    %sub3A_1236 = arith.subf %get3A_16, %sub3A_1235 : vector<4x64x128xf32>
    %mul3A_1237 = arith.mulf %sub3A_1232, %sub3A_1232 : vector<4x64x128xf32>
    %mul3A_1238 = arith.mulf %sub3A_1234, %sub3A_1234 : vector<4x64x128xf32>
    %add3A_1239 = arith.addf %mul3A_1237, %mul3A_1238 : vector<4x64x128xf32>
    %mul3A_1240 = arith.mulf %sub3A_1236, %sub3A_1236 : vector<4x64x128xf32>
    %add3A_1241 = arith.addf %add3A_1239, %mul3A_1240 : vector<4x64x128xf32>
    %swap3A_1242 = arith.constant 0 : index
    %swap3A_1243 = arith.constant 72 : index
    %swap3A_1244 = arith.constant 0 : index
    %swap3A_1245 = arith.constant 0 : index
    %swap3A_1246 = vector.load %arg3[%swap3A_1242, %swap3A_1243, %swap3A_1244, %swap3A_1245] : memref<2x128x64x128xf32, #tpu.memory_space<vmem>>, vector<1x4x64x128xf32>
    %swap3A_1247 = vector.shape_cast %swap3A_1246 : vector<1x4x64x128xf32> to vector<4x64x128xf32>
    %swap3A_1248 = vector.shape_cast %add3A_1241 : vector<4x64x128xf32> to vector<1x4x64x128xf32>
    tpu.vector_store %arg3[%swap3A_1242, %swap3A_1243, %swap3A_1244, %swap3A_1245], %swap3A_1248 {strides = array<i32>} : memref<2x128x64x128xf32, #tpu.memory_space<vmem>>, vector<1x4x64x128xf32>,
    %min3A_1249 = arith.minimumf %min3A_1184, %add3A_1241 : vector<4x64x128xf32>
    %reduce_max3A_1250 = arith.constant dense<0xFF800000> : vector<4x64xf32>
    %reduce_max3A_1251 = vector.multi_reduction <maximumf>, %min3A_1249, %reduce_max3A_1250 [2] : vector<4x64x128xf32> to vector<4x64xf32>
    %broadcast_in_dim3A_1252 = vector.shape_cast %reduce_max3A_1251 : vector<4x64xf32> to vector<4x64x1xf32>
    %reduce_max3A_1253 = arith.constant dense<0xFF800000> : vector<4x1xf32>
    %reduce_max3A_1254 = vector.multi_reduction <maximumf>, %broadcast_in_dim3A_1252, %reduce_max3A_1253 [1] : vector<4x64x1xf32> to vector<4x1xf32>
    %broadcast_in_dim3A_1255 = vector.shape_cast %reduce_max3A_1254 : vector<4x1xf32> to vector<4x1x1xf32>
    %eq3A_1256 = vector.broadcast %broadcast_in_dim3A_1255 : vector<4x1x1xf32> to vector<4x64x128xf32>
    %eq3A_1257 = arith.cmpf oeq, %min3A_1249, %eq3A_1256 : vector<4x64x128xf32>
    %jit3A_1258 = arith.constant 8192 : i32
    %broadcast_in_dim3A_1259 = vector.broadcast %jit3A_1258 : i32 to vector<4x64x128xi32>
    %select_n3A_1260 = arith.select %eq3A_1257, %add3A, %broadcast_in_dim3A_1259 : vector<4x64x128xi1>, vector<4x64x128xi32>
    %reduce_min3A_1261 = arith.constant dense<2147483647> : vector<4x64xi32>
    %reduce_min3A_1262 = vector.multi_reduction <minsi>, %select_n3A_1260, %reduce_min3A_1261 [2] : vector<4x64x128xi32> to vector<4x64xi32>
    %broadcast_in_dim3A_1263 = vector.shape_cast %reduce_min3A_1262 : vector<4x64xi32> to vector<4x64x1xi32>
    %reduce_min3A_1264 = arith.constant dense<2147483647> : vector<4x1xi32>
    %reduce_min3A_1265 = vector.multi_reduction <minsi>, %broadcast_in_dim3A_1263, %reduce_min3A_1264 [1] : vector<4x64x1xi32> to vector<4x1xi32>
    %broadcast_in_dim3A_1266 = vector.shape_cast %reduce_min3A_1265 : vector<4x1xi32> to vector<4x1x1xi32>
    %eq3A_1267 = vector.broadcast %broadcast_in_dim3A_1266 : vector<4x1x1xi32> to vector<4x64x128xi32>
    %eq3A_1268 = arith.cmpi eq, %add3A, %eq3A_1267 : vector<4x64x128xi32>
    %jit3A_1269 = arith.constant 0.000000e+00 : f32
    %broadcast_in_dim3A_1270 = vector.broadcast %jit3A_1269 : f32 to vector<4x64x128xf32>
    %select_n3A_1271 = arith.select %eq3A_1268, %get3A_4, %broadcast_in_dim3A_1270 : vector<4x64x128xi1>, vector<4x64x128xf32>
    %reduce_sum3A_1272 = arith.constant dense<0.000000e+00> : vector<4x64xf32>
    %reduce_sum3A_1273 = vector.multi_reduction <add>, %select_n3A_1271, %reduce_sum3A_1272 [2] : vector<4x64x128xf32> to vector<4x64xf32>
    %broadcast_in_dim3A_1274 = vector.shape_cast %reduce_sum3A_1273 : vector<4x64xf32> to vector<4x64x1xf32>
    %reduce_sum3A_1275 = arith.constant dense<0.000000e+00> : vector<4x1xf32>
    %reduce_sum3A_1276 = vector.multi_reduction <add>, %broadcast_in_dim3A_1274, %reduce_sum3A_1275 [1] : vector<4x64x1xf32> to vector<4x1xf32>
    %broadcast_in_dim3A_1277 = vector.shape_cast %reduce_sum3A_1276 : vector<4x1xf32> to vector<4x1x1xf32>
    %jit3A_1278 = arith.constant 0.000000e+00 : f32
    %broadcast_in_dim3A_1279 = vector.broadcast %jit3A_1278 : f32 to vector<4x64x128xf32>
    %select_n3A_1280 = arith.select %eq3A_1268, %get3A_10, %broadcast_in_dim3A_1279 : vector<4x64x128xi1>, vector<4x64x128xf32>
    %reduce_sum3A_1281 = arith.constant dense<0.000000e+00> : vector<4x64xf32>
    %reduce_sum3A_1282 = vector.multi_reduction <add>, %select_n3A_1280, %reduce_sum3A_1281 [2] : vector<4x64x128xf32> to vector<4x64xf32>
    %broadcast_in_dim3A_1283 = vector.shape_cast %reduce_sum3A_1282 : vector<4x64xf32> to vector<4x64x1xf32>
    %reduce_sum3A_1284 = arith.constant dense<0.000000e+00> : vector<4x1xf32>
    %reduce_sum3A_1285 = vector.multi_reduction <add>, %broadcast_in_dim3A_1283, %reduce_sum3A_1284 [1] : vector<4x64x1xf32> to vector<4x1xf32>
    %broadcast_in_dim3A_1286 = vector.shape_cast %reduce_sum3A_1285 : vector<4x1xf32> to vector<4x1x1xf32>
    %jit3A_1287 = arith.constant 0.000000e+00 : f32
    %broadcast_in_dim3A_1288 = vector.broadcast %jit3A_1287 : f32 to vector<4x64x128xf32>
    %select_n3A_1289 = arith.select %eq3A_1268, %get3A_16, %broadcast_in_dim3A_1288 : vector<4x64x128xi1>, vector<4x64x128xf32>
    %reduce_sum3A_1290 = arith.constant dense<0.000000e+00> : vector<4x64xf32>
    %reduce_sum3A_1291 = vector.multi_reduction <add>, %select_n3A_1289, %reduce_sum3A_1290 [2] : vector<4x64x128xf32> to vector<4x64xf32>
    %broadcast_in_dim3A_1292 = vector.shape_cast %reduce_sum3A_1291 : vector<4x64xf32> to vector<4x64x1xf32>
    %reduce_sum3A_1293 = arith.constant dense<0.000000e+00> : vector<4x1xf32>
    %reduce_sum3A_1294 = vector.multi_reduction <add>, %broadcast_in_dim3A_1292, %reduce_sum3A_1293 [1] : vector<4x64x1xf32> to vector<4x1xf32>
    %broadcast_in_dim3A_1295 = vector.shape_cast %reduce_sum3A_1294 : vector<4x1xf32> to vector<4x1x1xf32>
    %sub3A_1296 = vector.broadcast %broadcast_in_dim3A_1277 : vector<4x1x1xf32> to vector<4x64x128xf32>
    %sub3A_1297 = arith.subf %get3A_4, %sub3A_1296 : vector<4x64x128xf32>
    %sub3A_1298 = vector.broadcast %broadcast_in_dim3A_1286 : vector<4x1x1xf32> to vector<4x64x128xf32>
    %sub3A_1299 = arith.subf %get3A_10, %sub3A_1298 : vector<4x64x128xf32>
    %sub3A_1300 = vector.broadcast %broadcast_in_dim3A_1295 : vector<4x1x1xf32> to vector<4x64x128xf32>
    %sub3A_1301 = arith.subf %get3A_16, %sub3A_1300 : vector<4x64x128xf32>
    %mul3A_1302 = arith.mulf %sub3A_1297, %sub3A_1297 : vector<4x64x128xf32>
    %mul3A_1303 = arith.mulf %sub3A_1299, %sub3A_1299 : vector<4x64x128xf32>
    %add3A_1304 = arith.addf %mul3A_1302, %mul3A_1303 : vector<4x64x128xf32>
    %mul3A_1305 = arith.mulf %sub3A_1301, %sub3A_1301 : vector<4x64x128xf32>
    %add3A_1306 = arith.addf %add3A_1304, %mul3A_1305 : vector<4x64x128xf32>
    %swap3A_1307 = arith.constant 0 : index
    %swap3A_1308 = arith.constant 76 : index
    %swap3A_1309 = arith.constant 0 : index
    %swap3A_1310 = arith.constant 0 : index
    %swap3A_1311 = vector.load %arg3[%swap3A_1307, %swap3A_1308, %swap3A_1309, %swap3A_1310] : memref<2x128x64x128xf32, #tpu.memory_space<vmem>>, vector<1x4x64x128xf32>
    %swap3A_1312 = vector.shape_cast %swap3A_1311 : vector<1x4x64x128xf32> to vector<4x64x128xf32>
    %swap3A_1313 = vector.shape_cast %add3A_1306 : vector<4x64x128xf32> to vector<1x4x64x128xf32>
    tpu.vector_store %arg3[%swap3A_1307, %swap3A_1308, %swap3A_1309, %swap3A_1310], %swap3A_1313 {strides = array<i32>} : memref<2x128x64x128xf32, #tpu.memory_space<vmem>>, vector<1x4x64x128xf32>,
    %min3A_1314 = arith.minimumf %min3A_1249, %add3A_1306 : vector<4x64x128xf32>
    %reduce_max3A_1315 = arith.constant dense<0xFF800000> : vector<4x64xf32>
    %reduce_max3A_1316 = vector.multi_reduction <maximumf>, %min3A_1314, %reduce_max3A_1315 [2] : vector<4x64x128xf32> to vector<4x64xf32>
    %broadcast_in_dim3A_1317 = vector.shape_cast %reduce_max3A_1316 : vector<4x64xf32> to vector<4x64x1xf32>
    %reduce_max3A_1318 = arith.constant dense<0xFF800000> : vector<4x1xf32>
    %reduce_max3A_1319 = vector.multi_reduction <maximumf>, %broadcast_in_dim3A_1317, %reduce_max3A_1318 [1] : vector<4x64x1xf32> to vector<4x1xf32>
    %broadcast_in_dim3A_1320 = vector.shape_cast %reduce_max3A_1319 : vector<4x1xf32> to vector<4x1x1xf32>
    %eq3A_1321 = vector.broadcast %broadcast_in_dim3A_1320 : vector<4x1x1xf32> to vector<4x64x128xf32>
    %eq3A_1322 = arith.cmpf oeq, %min3A_1314, %eq3A_1321 : vector<4x64x128xf32>
    %jit3A_1323 = arith.constant 8192 : i32
    %broadcast_in_dim3A_1324 = vector.broadcast %jit3A_1323 : i32 to vector<4x64x128xi32>
    %select_n3A_1325 = arith.select %eq3A_1322, %add3A, %broadcast_in_dim3A_1324 : vector<4x64x128xi1>, vector<4x64x128xi32>
    %reduce_min3A_1326 = arith.constant dense<2147483647> : vector<4x64xi32>
    %reduce_min3A_1327 = vector.multi_reduction <minsi>, %select_n3A_1325, %reduce_min3A_1326 [2] : vector<4x64x128xi32> to vector<4x64xi32>
    %broadcast_in_dim3A_1328 = vector.shape_cast %reduce_min3A_1327 : vector<4x64xi32> to vector<4x64x1xi32>
    %reduce_min3A_1329 = arith.constant dense<2147483647> : vector<4x1xi32>
    %reduce_min3A_1330 = vector.multi_reduction <minsi>, %broadcast_in_dim3A_1328, %reduce_min3A_1329 [1] : vector<4x64x1xi32> to vector<4x1xi32>
    %broadcast_in_dim3A_1331 = vector.shape_cast %reduce_min3A_1330 : vector<4x1xi32> to vector<4x1x1xi32>
    %eq3A_1332 = vector.broadcast %broadcast_in_dim3A_1331 : vector<4x1x1xi32> to vector<4x64x128xi32>
    %eq3A_1333 = arith.cmpi eq, %add3A, %eq3A_1332 : vector<4x64x128xi32>
    %jit3A_1334 = arith.constant 0.000000e+00 : f32
    %broadcast_in_dim3A_1335 = vector.broadcast %jit3A_1334 : f32 to vector<4x64x128xf32>
    %select_n3A_1336 = arith.select %eq3A_1333, %get3A_4, %broadcast_in_dim3A_1335 : vector<4x64x128xi1>, vector<4x64x128xf32>
    %reduce_sum3A_1337 = arith.constant dense<0.000000e+00> : vector<4x64xf32>
    %reduce_sum3A_1338 = vector.multi_reduction <add>, %select_n3A_1336, %reduce_sum3A_1337 [2] : vector<4x64x128xf32> to vector<4x64xf32>
    %broadcast_in_dim3A_1339 = vector.shape_cast %reduce_sum3A_1338 : vector<4x64xf32> to vector<4x64x1xf32>
    %reduce_sum3A_1340 = arith.constant dense<0.000000e+00> : vector<4x1xf32>
    %reduce_sum3A_1341 = vector.multi_reduction <add>, %broadcast_in_dim3A_1339, %reduce_sum3A_1340 [1] : vector<4x64x1xf32> to vector<4x1xf32>
    %broadcast_in_dim3A_1342 = vector.shape_cast %reduce_sum3A_1341 : vector<4x1xf32> to vector<4x1x1xf32>
    %jit3A_1343 = arith.constant 0.000000e+00 : f32
    %broadcast_in_dim3A_1344 = vector.broadcast %jit3A_1343 : f32 to vector<4x64x128xf32>
    %select_n3A_1345 = arith.select %eq3A_1333, %get3A_10, %broadcast_in_dim3A_1344 : vector<4x64x128xi1>, vector<4x64x128xf32>
    %reduce_sum3A_1346 = arith.constant dense<0.000000e+00> : vector<4x64xf32>
    %reduce_sum3A_1347 = vector.multi_reduction <add>, %select_n3A_1345, %reduce_sum3A_1346 [2] : vector<4x64x128xf32> to vector<4x64xf32>
    %broadcast_in_dim3A_1348 = vector.shape_cast %reduce_sum3A_1347 : vector<4x64xf32> to vector<4x64x1xf32>
    %reduce_sum3A_1349 = arith.constant dense<0.000000e+00> : vector<4x1xf32>
    %reduce_sum3A_1350 = vector.multi_reduction <add>, %broadcast_in_dim3A_1348, %reduce_sum3A_1349 [1] : vector<4x64x1xf32> to vector<4x1xf32>
    %broadcast_in_dim3A_1351 = vector.shape_cast %reduce_sum3A_1350 : vector<4x1xf32> to vector<4x1x1xf32>
    %jit3A_1352 = arith.constant 0.000000e+00 : f32
    %broadcast_in_dim3A_1353 = vector.broadcast %jit3A_1352 : f32 to vector<4x64x128xf32>
    %select_n3A_1354 = arith.select %eq3A_1333, %get3A_16, %broadcast_in_dim3A_1353 : vector<4x64x128xi1>, vector<4x64x128xf32>
    %reduce_sum3A_1355 = arith.constant dense<0.000000e+00> : vector<4x64xf32>
    %reduce_sum3A_1356 = vector.multi_reduction <add>, %select_n3A_1354, %reduce_sum3A_1355 [2] : vector<4x64x128xf32> to vector<4x64xf32>
    %broadcast_in_dim3A_1357 = vector.shape_cast %reduce_sum3A_1356 : vector<4x64xf32> to vector<4x64x1xf32>
    %reduce_sum3A_1358 = arith.constant dense<0.000000e+00> : vector<4x1xf32>
    %reduce_sum3A_1359 = vector.multi_reduction <add>, %broadcast_in_dim3A_1357, %reduce_sum3A_1358 [1] : vector<4x64x1xf32> to vector<4x1xf32>
    %broadcast_in_dim3A_1360 = vector.shape_cast %reduce_sum3A_1359 : vector<4x1xf32> to vector<4x1x1xf32>
    %sub3A_1361 = vector.broadcast %broadcast_in_dim3A_1342 : vector<4x1x1xf32> to vector<4x64x128xf32>
    %sub3A_1362 = arith.subf %get3A_4, %sub3A_1361 : vector<4x64x128xf32>
    %sub3A_1363 = vector.broadcast %broadcast_in_dim3A_1351 : vector<4x1x1xf32> to vector<4x64x128xf32>
    %sub3A_1364 = arith.subf %get3A_10, %sub3A_1363 : vector<4x64x128xf32>
    %sub3A_1365 = vector.broadcast %broadcast_in_dim3A_1360 : vector<4x1x1xf32> to vector<4x64x128xf32>
    %sub3A_1366 = arith.subf %get3A_16, %sub3A_1365 : vector<4x64x128xf32>
    %mul3A_1367 = arith.mulf %sub3A_1362, %sub3A_1362 : vector<4x64x128xf32>
    %mul3A_1368 = arith.mulf %sub3A_1364, %sub3A_1364 : vector<4x64x128xf32>
    %add3A_1369 = arith.addf %mul3A_1367, %mul3A_1368 : vector<4x64x128xf32>
    %mul3A_1370 = arith.mulf %sub3A_1366, %sub3A_1366 : vector<4x64x128xf32>
    %add3A_1371 = arith.addf %add3A_1369, %mul3A_1370 : vector<4x64x128xf32>
    %swap3A_1372 = arith.constant 0 : index
    %swap3A_1373 = arith.constant 80 : index
    %swap3A_1374 = arith.constant 0 : index
    %swap3A_1375 = arith.constant 0 : index
    %swap3A_1376 = vector.load %arg3[%swap3A_1372, %swap3A_1373, %swap3A_1374, %swap3A_1375] : memref<2x128x64x128xf32, #tpu.memory_space<vmem>>, vector<1x4x64x128xf32>
    %swap3A_1377 = vector.shape_cast %swap3A_1376 : vector<1x4x64x128xf32> to vector<4x64x128xf32>
    %swap3A_1378 = vector.shape_cast %add3A_1371 : vector<4x64x128xf32> to vector<1x4x64x128xf32>
    tpu.vector_store %arg3[%swap3A_1372, %swap3A_1373, %swap3A_1374, %swap3A_1375], %swap3A_1378 {strides = array<i32>} : memref<2x128x64x128xf32, #tpu.memory_space<vmem>>, vector<1x4x64x128xf32>,
    %min3A_1379 = arith.minimumf %min3A_1314, %add3A_1371 : vector<4x64x128xf32>
    %reduce_max3A_1380 = arith.constant dense<0xFF800000> : vector<4x64xf32>
    %reduce_max3A_1381 = vector.multi_reduction <maximumf>, %min3A_1379, %reduce_max3A_1380 [2] : vector<4x64x128xf32> to vector<4x64xf32>
    %broadcast_in_dim3A_1382 = vector.shape_cast %reduce_max3A_1381 : vector<4x64xf32> to vector<4x64x1xf32>
    %reduce_max3A_1383 = arith.constant dense<0xFF800000> : vector<4x1xf32>
    %reduce_max3A_1384 = vector.multi_reduction <maximumf>, %broadcast_in_dim3A_1382, %reduce_max3A_1383 [1] : vector<4x64x1xf32> to vector<4x1xf32>
    %broadcast_in_dim3A_1385 = vector.shape_cast %reduce_max3A_1384 : vector<4x1xf32> to vector<4x1x1xf32>
    %eq3A_1386 = vector.broadcast %broadcast_in_dim3A_1385 : vector<4x1x1xf32> to vector<4x64x128xf32>
    %eq3A_1387 = arith.cmpf oeq, %min3A_1379, %eq3A_1386 : vector<4x64x128xf32>
    %jit3A_1388 = arith.constant 8192 : i32
    %broadcast_in_dim3A_1389 = vector.broadcast %jit3A_1388 : i32 to vector<4x64x128xi32>
    %select_n3A_1390 = arith.select %eq3A_1387, %add3A, %broadcast_in_dim3A_1389 : vector<4x64x128xi1>, vector<4x64x128xi32>
    %reduce_min3A_1391 = arith.constant dense<2147483647> : vector<4x64xi32>
    %reduce_min3A_1392 = vector.multi_reduction <minsi>, %select_n3A_1390, %reduce_min3A_1391 [2] : vector<4x64x128xi32> to vector<4x64xi32>
    %broadcast_in_dim3A_1393 = vector.shape_cast %reduce_min3A_1392 : vector<4x64xi32> to vector<4x64x1xi32>
    %reduce_min3A_1394 = arith.constant dense<2147483647> : vector<4x1xi32>
    %reduce_min3A_1395 = vector.multi_reduction <minsi>, %broadcast_in_dim3A_1393, %reduce_min3A_1394 [1] : vector<4x64x1xi32> to vector<4x1xi32>
    %broadcast_in_dim3A_1396 = vector.shape_cast %reduce_min3A_1395 : vector<4x1xi32> to vector<4x1x1xi32>
    %eq3A_1397 = vector.broadcast %broadcast_in_dim3A_1396 : vector<4x1x1xi32> to vector<4x64x128xi32>
    %eq3A_1398 = arith.cmpi eq, %add3A, %eq3A_1397 : vector<4x64x128xi32>
    %jit3A_1399 = arith.constant 0.000000e+00 : f32
    %broadcast_in_dim3A_1400 = vector.broadcast %jit3A_1399 : f32 to vector<4x64x128xf32>
    %select_n3A_1401 = arith.select %eq3A_1398, %get3A_4, %broadcast_in_dim3A_1400 : vector<4x64x128xi1>, vector<4x64x128xf32>
    %reduce_sum3A_1402 = arith.constant dense<0.000000e+00> : vector<4x64xf32>
    %reduce_sum3A_1403 = vector.multi_reduction <add>, %select_n3A_1401, %reduce_sum3A_1402 [2] : vector<4x64x128xf32> to vector<4x64xf32>
    %broadcast_in_dim3A_1404 = vector.shape_cast %reduce_sum3A_1403 : vector<4x64xf32> to vector<4x64x1xf32>
    %reduce_sum3A_1405 = arith.constant dense<0.000000e+00> : vector<4x1xf32>
    %reduce_sum3A_1406 = vector.multi_reduction <add>, %broadcast_in_dim3A_1404, %reduce_sum3A_1405 [1] : vector<4x64x1xf32> to vector<4x1xf32>
    %broadcast_in_dim3A_1407 = vector.shape_cast %reduce_sum3A_1406 : vector<4x1xf32> to vector<4x1x1xf32>
    %jit3A_1408 = arith.constant 0.000000e+00 : f32
    %broadcast_in_dim3A_1409 = vector.broadcast %jit3A_1408 : f32 to vector<4x64x128xf32>
    %select_n3A_1410 = arith.select %eq3A_1398, %get3A_10, %broadcast_in_dim3A_1409 : vector<4x64x128xi1>, vector<4x64x128xf32>
    %reduce_sum3A_1411 = arith.constant dense<0.000000e+00> : vector<4x64xf32>
    %reduce_sum3A_1412 = vector.multi_reduction <add>, %select_n3A_1410, %reduce_sum3A_1411 [2] : vector<4x64x128xf32> to vector<4x64xf32>
    %broadcast_in_dim3A_1413 = vector.shape_cast %reduce_sum3A_1412 : vector<4x64xf32> to vector<4x64x1xf32>
    %reduce_sum3A_1414 = arith.constant dense<0.000000e+00> : vector<4x1xf32>
    %reduce_sum3A_1415 = vector.multi_reduction <add>, %broadcast_in_dim3A_1413, %reduce_sum3A_1414 [1] : vector<4x64x1xf32> to vector<4x1xf32>
    %broadcast_in_dim3A_1416 = vector.shape_cast %reduce_sum3A_1415 : vector<4x1xf32> to vector<4x1x1xf32>
    %jit3A_1417 = arith.constant 0.000000e+00 : f32
    %broadcast_in_dim3A_1418 = vector.broadcast %jit3A_1417 : f32 to vector<4x64x128xf32>
    %select_n3A_1419 = arith.select %eq3A_1398, %get3A_16, %broadcast_in_dim3A_1418 : vector<4x64x128xi1>, vector<4x64x128xf32>
    %reduce_sum3A_1420 = arith.constant dense<0.000000e+00> : vector<4x64xf32>
    %reduce_sum3A_1421 = vector.multi_reduction <add>, %select_n3A_1419, %reduce_sum3A_1420 [2] : vector<4x64x128xf32> to vector<4x64xf32>
    %broadcast_in_dim3A_1422 = vector.shape_cast %reduce_sum3A_1421 : vector<4x64xf32> to vector<4x64x1xf32>
    %reduce_sum3A_1423 = arith.constant dense<0.000000e+00> : vector<4x1xf32>
    %reduce_sum3A_1424 = vector.multi_reduction <add>, %broadcast_in_dim3A_1422, %reduce_sum3A_1423 [1] : vector<4x64x1xf32> to vector<4x1xf32>
    %broadcast_in_dim3A_1425 = vector.shape_cast %reduce_sum3A_1424 : vector<4x1xf32> to vector<4x1x1xf32>
    %sub3A_1426 = vector.broadcast %broadcast_in_dim3A_1407 : vector<4x1x1xf32> to vector<4x64x128xf32>
    %sub3A_1427 = arith.subf %get3A_4, %sub3A_1426 : vector<4x64x128xf32>
    %sub3A_1428 = vector.broadcast %broadcast_in_dim3A_1416 : vector<4x1x1xf32> to vector<4x64x128xf32>
    %sub3A_1429 = arith.subf %get3A_10, %sub3A_1428 : vector<4x64x128xf32>
    %sub3A_1430 = vector.broadcast %broadcast_in_dim3A_1425 : vector<4x1x1xf32> to vector<4x64x128xf32>
    %sub3A_1431 = arith.subf %get3A_16, %sub3A_1430 : vector<4x64x128xf32>
    %mul3A_1432 = arith.mulf %sub3A_1427, %sub3A_1427 : vector<4x64x128xf32>
    %mul3A_1433 = arith.mulf %sub3A_1429, %sub3A_1429 : vector<4x64x128xf32>
    %add3A_1434 = arith.addf %mul3A_1432, %mul3A_1433 : vector<4x64x128xf32>
    %mul3A_1435 = arith.mulf %sub3A_1431, %sub3A_1431 : vector<4x64x128xf32>
    %add3A_1436 = arith.addf %add3A_1434, %mul3A_1435 : vector<4x64x128xf32>
    %swap3A_1437 = arith.constant 0 : index
    %swap3A_1438 = arith.constant 84 : index
    %swap3A_1439 = arith.constant 0 : index
    %swap3A_1440 = arith.constant 0 : index
    %swap3A_1441 = vector.load %arg3[%swap3A_1437, %swap3A_1438, %swap3A_1439, %swap3A_1440] : memref<2x128x64x128xf32, #tpu.memory_space<vmem>>, vector<1x4x64x128xf32>
    %swap3A_1442 = vector.shape_cast %swap3A_1441 : vector<1x4x64x128xf32> to vector<4x64x128xf32>
    %swap3A_1443 = vector.shape_cast %add3A_1436 : vector<4x64x128xf32> to vector<1x4x64x128xf32>
    tpu.vector_store %arg3[%swap3A_1437, %swap3A_1438, %swap3A_1439, %swap3A_1440], %swap3A_1443 {strides = array<i32>} : memref<2x128x64x128xf32, #tpu.memory_space<vmem>>, vector<1x4x64x128xf32>,
    %min3A_1444 = arith.minimumf %min3A_1379, %add3A_1436 : vector<4x64x128xf32>
    %reduce_max3A_1445 = arith.constant dense<0xFF800000> : vector<4x64xf32>
    %reduce_max3A_1446 = vector.multi_reduction <maximumf>, %min3A_1444, %reduce_max3A_1445 [2] : vector<4x64x128xf32> to vector<4x64xf32>
    %broadcast_in_dim3A_1447 = vector.shape_cast %reduce_max3A_1446 : vector<4x64xf32> to vector<4x64x1xf32>
    %reduce_max3A_1448 = arith.constant dense<0xFF800000> : vector<4x1xf32>
    %reduce_max3A_1449 = vector.multi_reduction <maximumf>, %broadcast_in_dim3A_1447, %reduce_max3A_1448 [1] : vector<4x64x1xf32> to vector<4x1xf32>
    %broadcast_in_dim3A_1450 = vector.shape_cast %reduce_max3A_1449 : vector<4x1xf32> to vector<4x1x1xf32>
    %eq3A_1451 = vector.broadcast %broadcast_in_dim3A_1450 : vector<4x1x1xf32> to vector<4x64x128xf32>
    %eq3A_1452 = arith.cmpf oeq, %min3A_1444, %eq3A_1451 : vector<4x64x128xf32>
    %jit3A_1453 = arith.constant 8192 : i32
    %broadcast_in_dim3A_1454 = vector.broadcast %jit3A_1453 : i32 to vector<4x64x128xi32>
    %select_n3A_1455 = arith.select %eq3A_1452, %add3A, %broadcast_in_dim3A_1454 : vector<4x64x128xi1>, vector<4x64x128xi32>
    %reduce_min3A_1456 = arith.constant dense<2147483647> : vector<4x64xi32>
    %reduce_min3A_1457 = vector.multi_reduction <minsi>, %select_n3A_1455, %reduce_min3A_1456 [2] : vector<4x64x128xi32> to vector<4x64xi32>
    %broadcast_in_dim3A_1458 = vector.shape_cast %reduce_min3A_1457 : vector<4x64xi32> to vector<4x64x1xi32>
    %reduce_min3A_1459 = arith.constant dense<2147483647> : vector<4x1xi32>
    %reduce_min3A_1460 = vector.multi_reduction <minsi>, %broadcast_in_dim3A_1458, %reduce_min3A_1459 [1] : vector<4x64x1xi32> to vector<4x1xi32>
    %broadcast_in_dim3A_1461 = vector.shape_cast %reduce_min3A_1460 : vector<4x1xi32> to vector<4x1x1xi32>
    %eq3A_1462 = vector.broadcast %broadcast_in_dim3A_1461 : vector<4x1x1xi32> to vector<4x64x128xi32>
    %eq3A_1463 = arith.cmpi eq, %add3A, %eq3A_1462 : vector<4x64x128xi32>
    %jit3A_1464 = arith.constant 0.000000e+00 : f32
    %broadcast_in_dim3A_1465 = vector.broadcast %jit3A_1464 : f32 to vector<4x64x128xf32>
    %select_n3A_1466 = arith.select %eq3A_1463, %get3A_4, %broadcast_in_dim3A_1465 : vector<4x64x128xi1>, vector<4x64x128xf32>
    %reduce_sum3A_1467 = arith.constant dense<0.000000e+00> : vector<4x64xf32>
    %reduce_sum3A_1468 = vector.multi_reduction <add>, %select_n3A_1466, %reduce_sum3A_1467 [2] : vector<4x64x128xf32> to vector<4x64xf32>
    %broadcast_in_dim3A_1469 = vector.shape_cast %reduce_sum3A_1468 : vector<4x64xf32> to vector<4x64x1xf32>
    %reduce_sum3A_1470 = arith.constant dense<0.000000e+00> : vector<4x1xf32>
    %reduce_sum3A_1471 = vector.multi_reduction <add>, %broadcast_in_dim3A_1469, %reduce_sum3A_1470 [1] : vector<4x64x1xf32> to vector<4x1xf32>
    %broadcast_in_dim3A_1472 = vector.shape_cast %reduce_sum3A_1471 : vector<4x1xf32> to vector<4x1x1xf32>
    %jit3A_1473 = arith.constant 0.000000e+00 : f32
    %broadcast_in_dim3A_1474 = vector.broadcast %jit3A_1473 : f32 to vector<4x64x128xf32>
    %select_n3A_1475 = arith.select %eq3A_1463, %get3A_10, %broadcast_in_dim3A_1474 : vector<4x64x128xi1>, vector<4x64x128xf32>
    %reduce_sum3A_1476 = arith.constant dense<0.000000e+00> : vector<4x64xf32>
    %reduce_sum3A_1477 = vector.multi_reduction <add>, %select_n3A_1475, %reduce_sum3A_1476 [2] : vector<4x64x128xf32> to vector<4x64xf32>
    %broadcast_in_dim3A_1478 = vector.shape_cast %reduce_sum3A_1477 : vector<4x64xf32> to vector<4x64x1xf32>
    %reduce_sum3A_1479 = arith.constant dense<0.000000e+00> : vector<4x1xf32>
    %reduce_sum3A_1480 = vector.multi_reduction <add>, %broadcast_in_dim3A_1478, %reduce_sum3A_1479 [1] : vector<4x64x1xf32> to vector<4x1xf32>
    %broadcast_in_dim3A_1481 = vector.shape_cast %reduce_sum3A_1480 : vector<4x1xf32> to vector<4x1x1xf32>
    %jit3A_1482 = arith.constant 0.000000e+00 : f32
    %broadcast_in_dim3A_1483 = vector.broadcast %jit3A_1482 : f32 to vector<4x64x128xf32>
    %select_n3A_1484 = arith.select %eq3A_1463, %get3A_16, %broadcast_in_dim3A_1483 : vector<4x64x128xi1>, vector<4x64x128xf32>
    %reduce_sum3A_1485 = arith.constant dense<0.000000e+00> : vector<4x64xf32>
    %reduce_sum3A_1486 = vector.multi_reduction <add>, %select_n3A_1484, %reduce_sum3A_1485 [2] : vector<4x64x128xf32> to vector<4x64xf32>
    %broadcast_in_dim3A_1487 = vector.shape_cast %reduce_sum3A_1486 : vector<4x64xf32> to vector<4x64x1xf32>
    %reduce_sum3A_1488 = arith.constant dense<0.000000e+00> : vector<4x1xf32>
    %reduce_sum3A_1489 = vector.multi_reduction <add>, %broadcast_in_dim3A_1487, %reduce_sum3A_1488 [1] : vector<4x64x1xf32> to vector<4x1xf32>
    %broadcast_in_dim3A_1490 = vector.shape_cast %reduce_sum3A_1489 : vector<4x1xf32> to vector<4x1x1xf32>
    %sub3A_1491 = vector.broadcast %broadcast_in_dim3A_1472 : vector<4x1x1xf32> to vector<4x64x128xf32>
    %sub3A_1492 = arith.subf %get3A_4, %sub3A_1491 : vector<4x64x128xf32>
    %sub3A_1493 = vector.broadcast %broadcast_in_dim3A_1481 : vector<4x1x1xf32> to vector<4x64x128xf32>
    %sub3A_1494 = arith.subf %get3A_10, %sub3A_1493 : vector<4x64x128xf32>
    %sub3A_1495 = vector.broadcast %broadcast_in_dim3A_1490 : vector<4x1x1xf32> to vector<4x64x128xf32>
    %sub3A_1496 = arith.subf %get3A_16, %sub3A_1495 : vector<4x64x128xf32>
    %mul3A_1497 = arith.mulf %sub3A_1492, %sub3A_1492 : vector<4x64x128xf32>
    %mul3A_1498 = arith.mulf %sub3A_1494, %sub3A_1494 : vector<4x64x128xf32>
    %add3A_1499 = arith.addf %mul3A_1497, %mul3A_1498 : vector<4x64x128xf32>
    %mul3A_1500 = arith.mulf %sub3A_1496, %sub3A_1496 : vector<4x64x128xf32>
    %add3A_1501 = arith.addf %add3A_1499, %mul3A_1500 : vector<4x64x128xf32>
    %swap3A_1502 = arith.constant 0 : index
    %swap3A_1503 = arith.constant 88 : index
    %swap3A_1504 = arith.constant 0 : index
    %swap3A_1505 = arith.constant 0 : index
    %swap3A_1506 = vector.load %arg3[%swap3A_1502, %swap3A_1503, %swap3A_1504, %swap3A_1505] : memref<2x128x64x128xf32, #tpu.memory_space<vmem>>, vector<1x4x64x128xf32>
    %swap3A_1507 = vector.shape_cast %swap3A_1506 : vector<1x4x64x128xf32> to vector<4x64x128xf32>
    %swap3A_1508 = vector.shape_cast %add3A_1501 : vector<4x64x128xf32> to vector<1x4x64x128xf32>
    tpu.vector_store %arg3[%swap3A_1502, %swap3A_1503, %swap3A_1504, %swap3A_1505], %swap3A_1508 {strides = array<i32>} : memref<2x128x64x128xf32, #tpu.memory_space<vmem>>, vector<1x4x64x128xf32>,
    %min3A_1509 = arith.minimumf %min3A_1444, %add3A_1501 : vector<4x64x128xf32>
    %reduce_max3A_1510 = arith.constant dense<0xFF800000> : vector<4x64xf32>
    %reduce_max3A_1511 = vector.multi_reduction <maximumf>, %min3A_1509, %reduce_max3A_1510 [2] : vector<4x64x128xf32> to vector<4x64xf32>
    %broadcast_in_dim3A_1512 = vector.shape_cast %reduce_max3A_1511 : vector<4x64xf32> to vector<4x64x1xf32>
    %reduce_max3A_1513 = arith.constant dense<0xFF800000> : vector<4x1xf32>
    %reduce_max3A_1514 = vector.multi_reduction <maximumf>, %broadcast_in_dim3A_1512, %reduce_max3A_1513 [1] : vector<4x64x1xf32> to vector<4x1xf32>
    %broadcast_in_dim3A_1515 = vector.shape_cast %reduce_max3A_1514 : vector<4x1xf32> to vector<4x1x1xf32>
    %eq3A_1516 = vector.broadcast %broadcast_in_dim3A_1515 : vector<4x1x1xf32> to vector<4x64x128xf32>
    %eq3A_1517 = arith.cmpf oeq, %min3A_1509, %eq3A_1516 : vector<4x64x128xf32>
    %jit3A_1518 = arith.constant 8192 : i32
    %broadcast_in_dim3A_1519 = vector.broadcast %jit3A_1518 : i32 to vector<4x64x128xi32>
    %select_n3A_1520 = arith.select %eq3A_1517, %add3A, %broadcast_in_dim3A_1519 : vector<4x64x128xi1>, vector<4x64x128xi32>
    %reduce_min3A_1521 = arith.constant dense<2147483647> : vector<4x64xi32>
    %reduce_min3A_1522 = vector.multi_reduction <minsi>, %select_n3A_1520, %reduce_min3A_1521 [2] : vector<4x64x128xi32> to vector<4x64xi32>
    %broadcast_in_dim3A_1523 = vector.shape_cast %reduce_min3A_1522 : vector<4x64xi32> to vector<4x64x1xi32>
    %reduce_min3A_1524 = arith.constant dense<2147483647> : vector<4x1xi32>
    %reduce_min3A_1525 = vector.multi_reduction <minsi>, %broadcast_in_dim3A_1523, %reduce_min3A_1524 [1] : vector<4x64x1xi32> to vector<4x1xi32>
    %broadcast_in_dim3A_1526 = vector.shape_cast %reduce_min3A_1525 : vector<4x1xi32> to vector<4x1x1xi32>
    %eq3A_1527 = vector.broadcast %broadcast_in_dim3A_1526 : vector<4x1x1xi32> to vector<4x64x128xi32>
    %eq3A_1528 = arith.cmpi eq, %add3A, %eq3A_1527 : vector<4x64x128xi32>
    %jit3A_1529 = arith.constant 0.000000e+00 : f32
    %broadcast_in_dim3A_1530 = vector.broadcast %jit3A_1529 : f32 to vector<4x64x128xf32>
    %select_n3A_1531 = arith.select %eq3A_1528, %get3A_4, %broadcast_in_dim3A_1530 : vector<4x64x128xi1>, vector<4x64x128xf32>
    %reduce_sum3A_1532 = arith.constant dense<0.000000e+00> : vector<4x64xf32>
    %reduce_sum3A_1533 = vector.multi_reduction <add>, %select_n3A_1531, %reduce_sum3A_1532 [2] : vector<4x64x128xf32> to vector<4x64xf32>
    %broadcast_in_dim3A_1534 = vector.shape_cast %reduce_sum3A_1533 : vector<4x64xf32> to vector<4x64x1xf32>
    %reduce_sum3A_1535 = arith.constant dense<0.000000e+00> : vector<4x1xf32>
    %reduce_sum3A_1536 = vector.multi_reduction <add>, %broadcast_in_dim3A_1534, %reduce_sum3A_1535 [1] : vector<4x64x1xf32> to vector<4x1xf32>
    %broadcast_in_dim3A_1537 = vector.shape_cast %reduce_sum3A_1536 : vector<4x1xf32> to vector<4x1x1xf32>
    %jit3A_1538 = arith.constant 0.000000e+00 : f32
    %broadcast_in_dim3A_1539 = vector.broadcast %jit3A_1538 : f32 to vector<4x64x128xf32>
    %select_n3A_1540 = arith.select %eq3A_1528, %get3A_10, %broadcast_in_dim3A_1539 : vector<4x64x128xi1>, vector<4x64x128xf32>
    %reduce_sum3A_1541 = arith.constant dense<0.000000e+00> : vector<4x64xf32>
    %reduce_sum3A_1542 = vector.multi_reduction <add>, %select_n3A_1540, %reduce_sum3A_1541 [2] : vector<4x64x128xf32> to vector<4x64xf32>
    %broadcast_in_dim3A_1543 = vector.shape_cast %reduce_sum3A_1542 : vector<4x64xf32> to vector<4x64x1xf32>
    %reduce_sum3A_1544 = arith.constant dense<0.000000e+00> : vector<4x1xf32>
    %reduce_sum3A_1545 = vector.multi_reduction <add>, %broadcast_in_dim3A_1543, %reduce_sum3A_1544 [1] : vector<4x64x1xf32> to vector<4x1xf32>
    %broadcast_in_dim3A_1546 = vector.shape_cast %reduce_sum3A_1545 : vector<4x1xf32> to vector<4x1x1xf32>
    %jit3A_1547 = arith.constant 0.000000e+00 : f32
    %broadcast_in_dim3A_1548 = vector.broadcast %jit3A_1547 : f32 to vector<4x64x128xf32>
    %select_n3A_1549 = arith.select %eq3A_1528, %get3A_16, %broadcast_in_dim3A_1548 : vector<4x64x128xi1>, vector<4x64x128xf32>
    %reduce_sum3A_1550 = arith.constant dense<0.000000e+00> : vector<4x64xf32>
    %reduce_sum3A_1551 = vector.multi_reduction <add>, %select_n3A_1549, %reduce_sum3A_1550 [2] : vector<4x64x128xf32> to vector<4x64xf32>
    %broadcast_in_dim3A_1552 = vector.shape_cast %reduce_sum3A_1551 : vector<4x64xf32> to vector<4x64x1xf32>
    %reduce_sum3A_1553 = arith.constant dense<0.000000e+00> : vector<4x1xf32>
    %reduce_sum3A_1554 = vector.multi_reduction <add>, %broadcast_in_dim3A_1552, %reduce_sum3A_1553 [1] : vector<4x64x1xf32> to vector<4x1xf32>
    %broadcast_in_dim3A_1555 = vector.shape_cast %reduce_sum3A_1554 : vector<4x1xf32> to vector<4x1x1xf32>
    %sub3A_1556 = vector.broadcast %broadcast_in_dim3A_1537 : vector<4x1x1xf32> to vector<4x64x128xf32>
    %sub3A_1557 = arith.subf %get3A_4, %sub3A_1556 : vector<4x64x128xf32>
    %sub3A_1558 = vector.broadcast %broadcast_in_dim3A_1546 : vector<4x1x1xf32> to vector<4x64x128xf32>
    %sub3A_1559 = arith.subf %get3A_10, %sub3A_1558 : vector<4x64x128xf32>
    %sub3A_1560 = vector.broadcast %broadcast_in_dim3A_1555 : vector<4x1x1xf32> to vector<4x64x128xf32>
    %sub3A_1561 = arith.subf %get3A_16, %sub3A_1560 : vector<4x64x128xf32>
    %mul3A_1562 = arith.mulf %sub3A_1557, %sub3A_1557 : vector<4x64x128xf32>
    %mul3A_1563 = arith.mulf %sub3A_1559, %sub3A_1559 : vector<4x64x128xf32>
    %add3A_1564 = arith.addf %mul3A_1562, %mul3A_1563 : vector<4x64x128xf32>
    %mul3A_1565 = arith.mulf %sub3A_1561, %sub3A_1561 : vector<4x64x128xf32>
    %add3A_1566 = arith.addf %add3A_1564, %mul3A_1565 : vector<4x64x128xf32>
    %swap3A_1567 = arith.constant 0 : index
    %swap3A_1568 = arith.constant 92 : index
    %swap3A_1569 = arith.constant 0 : index
    %swap3A_1570 = arith.constant 0 : index
    %swap3A_1571 = vector.load %arg3[%swap3A_1567, %swap3A_1568, %swap3A_1569, %swap3A_1570] : memref<2x128x64x128xf32, #tpu.memory_space<vmem>>, vector<1x4x64x128xf32>
    %swap3A_1572 = vector.shape_cast %swap3A_1571 : vector<1x4x64x128xf32> to vector<4x64x128xf32>
    %swap3A_1573 = vector.shape_cast %add3A_1566 : vector<4x64x128xf32> to vector<1x4x64x128xf32>
    tpu.vector_store %arg3[%swap3A_1567, %swap3A_1568, %swap3A_1569, %swap3A_1570], %swap3A_1573 {strides = array<i32>} : memref<2x128x64x128xf32, #tpu.memory_space<vmem>>, vector<1x4x64x128xf32>,
    %min3A_1574 = arith.minimumf %min3A_1509, %add3A_1566 : vector<4x64x128xf32>
    %reduce_max3A_1575 = arith.constant dense<0xFF800000> : vector<4x64xf32>
    %reduce_max3A_1576 = vector.multi_reduction <maximumf>, %min3A_1574, %reduce_max3A_1575 [2] : vector<4x64x128xf32> to vector<4x64xf32>
    %broadcast_in_dim3A_1577 = vector.shape_cast %reduce_max3A_1576 : vector<4x64xf32> to vector<4x64x1xf32>
    %reduce_max3A_1578 = arith.constant dense<0xFF800000> : vector<4x1xf32>
    %reduce_max3A_1579 = vector.multi_reduction <maximumf>, %broadcast_in_dim3A_1577, %reduce_max3A_1578 [1] : vector<4x64x1xf32> to vector<4x1xf32>
    %broadcast_in_dim3A_1580 = vector.shape_cast %reduce_max3A_1579 : vector<4x1xf32> to vector<4x1x1xf32>
    %eq3A_1581 = vector.broadcast %broadcast_in_dim3A_1580 : vector<4x1x1xf32> to vector<4x64x128xf32>
    %eq3A_1582 = arith.cmpf oeq, %min3A_1574, %eq3A_1581 : vector<4x64x128xf32>
    %jit3A_1583 = arith.constant 8192 : i32
    %broadcast_in_dim3A_1584 = vector.broadcast %jit3A_1583 : i32 to vector<4x64x128xi32>
    %select_n3A_1585 = arith.select %eq3A_1582, %add3A, %broadcast_in_dim3A_1584 : vector<4x64x128xi1>, vector<4x64x128xi32>
    %reduce_min3A_1586 = arith.constant dense<2147483647> : vector<4x64xi32>
    %reduce_min3A_1587 = vector.multi_reduction <minsi>, %select_n3A_1585, %reduce_min3A_1586 [2] : vector<4x64x128xi32> to vector<4x64xi32>
    %broadcast_in_dim3A_1588 = vector.shape_cast %reduce_min3A_1587 : vector<4x64xi32> to vector<4x64x1xi32>
    %reduce_min3A_1589 = arith.constant dense<2147483647> : vector<4x1xi32>
    %reduce_min3A_1590 = vector.multi_reduction <minsi>, %broadcast_in_dim3A_1588, %reduce_min3A_1589 [1] : vector<4x64x1xi32> to vector<4x1xi32>
    %broadcast_in_dim3A_1591 = vector.shape_cast %reduce_min3A_1590 : vector<4x1xi32> to vector<4x1x1xi32>
    %eq3A_1592 = vector.broadcast %broadcast_in_dim3A_1591 : vector<4x1x1xi32> to vector<4x64x128xi32>
    %eq3A_1593 = arith.cmpi eq, %add3A, %eq3A_1592 : vector<4x64x128xi32>
    %jit3A_1594 = arith.constant 0.000000e+00 : f32
    %broadcast_in_dim3A_1595 = vector.broadcast %jit3A_1594 : f32 to vector<4x64x128xf32>
    %select_n3A_1596 = arith.select %eq3A_1593, %get3A_4, %broadcast_in_dim3A_1595 : vector<4x64x128xi1>, vector<4x64x128xf32>
    %reduce_sum3A_1597 = arith.constant dense<0.000000e+00> : vector<4x64xf32>
    %reduce_sum3A_1598 = vector.multi_reduction <add>, %select_n3A_1596, %reduce_sum3A_1597 [2] : vector<4x64x128xf32> to vector<4x64xf32>
    %broadcast_in_dim3A_1599 = vector.shape_cast %reduce_sum3A_1598 : vector<4x64xf32> to vector<4x64x1xf32>
    %reduce_sum3A_1600 = arith.constant dense<0.000000e+00> : vector<4x1xf32>
    %reduce_sum3A_1601 = vector.multi_reduction <add>, %broadcast_in_dim3A_1599, %reduce_sum3A_1600 [1] : vector<4x64x1xf32> to vector<4x1xf32>
    %broadcast_in_dim3A_1602 = vector.shape_cast %reduce_sum3A_1601 : vector<4x1xf32> to vector<4x1x1xf32>
    %jit3A_1603 = arith.constant 0.000000e+00 : f32
    %broadcast_in_dim3A_1604 = vector.broadcast %jit3A_1603 : f32 to vector<4x64x128xf32>
    %select_n3A_1605 = arith.select %eq3A_1593, %get3A_10, %broadcast_in_dim3A_1604 : vector<4x64x128xi1>, vector<4x64x128xf32>
    %reduce_sum3A_1606 = arith.constant dense<0.000000e+00> : vector<4x64xf32>
    %reduce_sum3A_1607 = vector.multi_reduction <add>, %select_n3A_1605, %reduce_sum3A_1606 [2] : vector<4x64x128xf32> to vector<4x64xf32>
    %broadcast_in_dim3A_1608 = vector.shape_cast %reduce_sum3A_1607 : vector<4x64xf32> to vector<4x64x1xf32>
    %reduce_sum3A_1609 = arith.constant dense<0.000000e+00> : vector<4x1xf32>
    %reduce_sum3A_1610 = vector.multi_reduction <add>, %broadcast_in_dim3A_1608, %reduce_sum3A_1609 [1] : vector<4x64x1xf32> to vector<4x1xf32>
    %broadcast_in_dim3A_1611 = vector.shape_cast %reduce_sum3A_1610 : vector<4x1xf32> to vector<4x1x1xf32>
    %jit3A_1612 = arith.constant 0.000000e+00 : f32
    %broadcast_in_dim3A_1613 = vector.broadcast %jit3A_1612 : f32 to vector<4x64x128xf32>
    %select_n3A_1614 = arith.select %eq3A_1593, %get3A_16, %broadcast_in_dim3A_1613 : vector<4x64x128xi1>, vector<4x64x128xf32>
    %reduce_sum3A_1615 = arith.constant dense<0.000000e+00> : vector<4x64xf32>
    %reduce_sum3A_1616 = vector.multi_reduction <add>, %select_n3A_1614, %reduce_sum3A_1615 [2] : vector<4x64x128xf32> to vector<4x64xf32>
    %broadcast_in_dim3A_1617 = vector.shape_cast %reduce_sum3A_1616 : vector<4x64xf32> to vector<4x64x1xf32>
    %reduce_sum3A_1618 = arith.constant dense<0.000000e+00> : vector<4x1xf32>
    %reduce_sum3A_1619 = vector.multi_reduction <add>, %broadcast_in_dim3A_1617, %reduce_sum3A_1618 [1] : vector<4x64x1xf32> to vector<4x1xf32>
    %broadcast_in_dim3A_1620 = vector.shape_cast %reduce_sum3A_1619 : vector<4x1xf32> to vector<4x1x1xf32>
    %sub3A_1621 = vector.broadcast %broadcast_in_dim3A_1602 : vector<4x1x1xf32> to vector<4x64x128xf32>
    %sub3A_1622 = arith.subf %get3A_4, %sub3A_1621 : vector<4x64x128xf32>
    %sub3A_1623 = vector.broadcast %broadcast_in_dim3A_1611 : vector<4x1x1xf32> to vector<4x64x128xf32>
    %sub3A_1624 = arith.subf %get3A_10, %sub3A_1623 : vector<4x64x128xf32>
    %sub3A_1625 = vector.broadcast %broadcast_in_dim3A_1620 : vector<4x1x1xf32> to vector<4x64x128xf32>
    %sub3A_1626 = arith.subf %get3A_16, %sub3A_1625 : vector<4x64x128xf32>
    %mul3A_1627 = arith.mulf %sub3A_1622, %sub3A_1622 : vector<4x64x128xf32>
    %mul3A_1628 = arith.mulf %sub3A_1624, %sub3A_1624 : vector<4x64x128xf32>
    %add3A_1629 = arith.addf %mul3A_1627, %mul3A_1628 : vector<4x64x128xf32>
    %mul3A_1630 = arith.mulf %sub3A_1626, %sub3A_1626 : vector<4x64x128xf32>
    %add3A_1631 = arith.addf %add3A_1629, %mul3A_1630 : vector<4x64x128xf32>
    %swap3A_1632 = arith.constant 0 : index
    %swap3A_1633 = arith.constant 96 : index
    %swap3A_1634 = arith.constant 0 : index
    %swap3A_1635 = arith.constant 0 : index
    %swap3A_1636 = vector.load %arg3[%swap3A_1632, %swap3A_1633, %swap3A_1634, %swap3A_1635] : memref<2x128x64x128xf32, #tpu.memory_space<vmem>>, vector<1x4x64x128xf32>
    %swap3A_1637 = vector.shape_cast %swap3A_1636 : vector<1x4x64x128xf32> to vector<4x64x128xf32>
    %swap3A_1638 = vector.shape_cast %add3A_1631 : vector<4x64x128xf32> to vector<1x4x64x128xf32>
    tpu.vector_store %arg3[%swap3A_1632, %swap3A_1633, %swap3A_1634, %swap3A_1635], %swap3A_1638 {strides = array<i32>} : memref<2x128x64x128xf32, #tpu.memory_space<vmem>>, vector<1x4x64x128xf32>,
    %min3A_1639 = arith.minimumf %min3A_1574, %add3A_1631 : vector<4x64x128xf32>
    %reduce_max3A_1640 = arith.constant dense<0xFF800000> : vector<4x64xf32>
    %reduce_max3A_1641 = vector.multi_reduction <maximumf>, %min3A_1639, %reduce_max3A_1640 [2] : vector<4x64x128xf32> to vector<4x64xf32>
    %broadcast_in_dim3A_1642 = vector.shape_cast %reduce_max3A_1641 : vector<4x64xf32> to vector<4x64x1xf32>
    %reduce_max3A_1643 = arith.constant dense<0xFF800000> : vector<4x1xf32>
    %reduce_max3A_1644 = vector.multi_reduction <maximumf>, %broadcast_in_dim3A_1642, %reduce_max3A_1643 [1] : vector<4x64x1xf32> to vector<4x1xf32>
    %broadcast_in_dim3A_1645 = vector.shape_cast %reduce_max3A_1644 : vector<4x1xf32> to vector<4x1x1xf32>
    %eq3A_1646 = vector.broadcast %broadcast_in_dim3A_1645 : vector<4x1x1xf32> to vector<4x64x128xf32>
    %eq3A_1647 = arith.cmpf oeq, %min3A_1639, %eq3A_1646 : vector<4x64x128xf32>
    %jit3A_1648 = arith.constant 8192 : i32
    %broadcast_in_dim3A_1649 = vector.broadcast %jit3A_1648 : i32 to vector<4x64x128xi32>
    %select_n3A_1650 = arith.select %eq3A_1647, %add3A, %broadcast_in_dim3A_1649 : vector<4x64x128xi1>, vector<4x64x128xi32>
    %reduce_min3A_1651 = arith.constant dense<2147483647> : vector<4x64xi32>
    %reduce_min3A_1652 = vector.multi_reduction <minsi>, %select_n3A_1650, %reduce_min3A_1651 [2] : vector<4x64x128xi32> to vector<4x64xi32>
    %broadcast_in_dim3A_1653 = vector.shape_cast %reduce_min3A_1652 : vector<4x64xi32> to vector<4x64x1xi32>
    %reduce_min3A_1654 = arith.constant dense<2147483647> : vector<4x1xi32>
    %reduce_min3A_1655 = vector.multi_reduction <minsi>, %broadcast_in_dim3A_1653, %reduce_min3A_1654 [1] : vector<4x64x1xi32> to vector<4x1xi32>
    %broadcast_in_dim3A_1656 = vector.shape_cast %reduce_min3A_1655 : vector<4x1xi32> to vector<4x1x1xi32>
    %eq3A_1657 = vector.broadcast %broadcast_in_dim3A_1656 : vector<4x1x1xi32> to vector<4x64x128xi32>
    %eq3A_1658 = arith.cmpi eq, %add3A, %eq3A_1657 : vector<4x64x128xi32>
    %jit3A_1659 = arith.constant 0.000000e+00 : f32
    %broadcast_in_dim3A_1660 = vector.broadcast %jit3A_1659 : f32 to vector<4x64x128xf32>
    %select_n3A_1661 = arith.select %eq3A_1658, %get3A_4, %broadcast_in_dim3A_1660 : vector<4x64x128xi1>, vector<4x64x128xf32>
    %reduce_sum3A_1662 = arith.constant dense<0.000000e+00> : vector<4x64xf32>
    %reduce_sum3A_1663 = vector.multi_reduction <add>, %select_n3A_1661, %reduce_sum3A_1662 [2] : vector<4x64x128xf32> to vector<4x64xf32>
    %broadcast_in_dim3A_1664 = vector.shape_cast %reduce_sum3A_1663 : vector<4x64xf32> to vector<4x64x1xf32>
    %reduce_sum3A_1665 = arith.constant dense<0.000000e+00> : vector<4x1xf32>
    %reduce_sum3A_1666 = vector.multi_reduction <add>, %broadcast_in_dim3A_1664, %reduce_sum3A_1665 [1] : vector<4x64x1xf32> to vector<4x1xf32>
    %broadcast_in_dim3A_1667 = vector.shape_cast %reduce_sum3A_1666 : vector<4x1xf32> to vector<4x1x1xf32>
    %jit3A_1668 = arith.constant 0.000000e+00 : f32
    %broadcast_in_dim3A_1669 = vector.broadcast %jit3A_1668 : f32 to vector<4x64x128xf32>
    %select_n3A_1670 = arith.select %eq3A_1658, %get3A_10, %broadcast_in_dim3A_1669 : vector<4x64x128xi1>, vector<4x64x128xf32>
    %reduce_sum3A_1671 = arith.constant dense<0.000000e+00> : vector<4x64xf32>
    %reduce_sum3A_1672 = vector.multi_reduction <add>, %select_n3A_1670, %reduce_sum3A_1671 [2] : vector<4x64x128xf32> to vector<4x64xf32>
    %broadcast_in_dim3A_1673 = vector.shape_cast %reduce_sum3A_1672 : vector<4x64xf32> to vector<4x64x1xf32>
    %reduce_sum3A_1674 = arith.constant dense<0.000000e+00> : vector<4x1xf32>
    %reduce_sum3A_1675 = vector.multi_reduction <add>, %broadcast_in_dim3A_1673, %reduce_sum3A_1674 [1] : vector<4x64x1xf32> to vector<4x1xf32>
    %broadcast_in_dim3A_1676 = vector.shape_cast %reduce_sum3A_1675 : vector<4x1xf32> to vector<4x1x1xf32>
    %jit3A_1677 = arith.constant 0.000000e+00 : f32
    %broadcast_in_dim3A_1678 = vector.broadcast %jit3A_1677 : f32 to vector<4x64x128xf32>
    %select_n3A_1679 = arith.select %eq3A_1658, %get3A_16, %broadcast_in_dim3A_1678 : vector<4x64x128xi1>, vector<4x64x128xf32>
    %reduce_sum3A_1680 = arith.constant dense<0.000000e+00> : vector<4x64xf32>
    %reduce_sum3A_1681 = vector.multi_reduction <add>, %select_n3A_1679, %reduce_sum3A_1680 [2] : vector<4x64x128xf32> to vector<4x64xf32>
    %broadcast_in_dim3A_1682 = vector.shape_cast %reduce_sum3A_1681 : vector<4x64xf32> to vector<4x64x1xf32>
    %reduce_sum3A_1683 = arith.constant dense<0.000000e+00> : vector<4x1xf32>
    %reduce_sum3A_1684 = vector.multi_reduction <add>, %broadcast_in_dim3A_1682, %reduce_sum3A_1683 [1] : vector<4x64x1xf32> to vector<4x1xf32>
    %broadcast_in_dim3A_1685 = vector.shape_cast %reduce_sum3A_1684 : vector<4x1xf32> to vector<4x1x1xf32>
    %sub3A_1686 = vector.broadcast %broadcast_in_dim3A_1667 : vector<4x1x1xf32> to vector<4x64x128xf32>
    %sub3A_1687 = arith.subf %get3A_4, %sub3A_1686 : vector<4x64x128xf32>
    %sub3A_1688 = vector.broadcast %broadcast_in_dim3A_1676 : vector<4x1x1xf32> to vector<4x64x128xf32>
    %sub3A_1689 = arith.subf %get3A_10, %sub3A_1688 : vector<4x64x128xf32>
    %sub3A_1690 = vector.broadcast %broadcast_in_dim3A_1685 : vector<4x1x1xf32> to vector<4x64x128xf32>
    %sub3A_1691 = arith.subf %get3A_16, %sub3A_1690 : vector<4x64x128xf32>
    %mul3A_1692 = arith.mulf %sub3A_1687, %sub3A_1687 : vector<4x64x128xf32>
    %mul3A_1693 = arith.mulf %sub3A_1689, %sub3A_1689 : vector<4x64x128xf32>
    %add3A_1694 = arith.addf %mul3A_1692, %mul3A_1693 : vector<4x64x128xf32>
    %mul3A_1695 = arith.mulf %sub3A_1691, %sub3A_1691 : vector<4x64x128xf32>
    %add3A_1696 = arith.addf %add3A_1694, %mul3A_1695 : vector<4x64x128xf32>
    %swap3A_1697 = arith.constant 0 : index
    %swap3A_1698 = arith.constant 100 : index
    %swap3A_1699 = arith.constant 0 : index
    %swap3A_1700 = arith.constant 0 : index
    %swap3A_1701 = vector.load %arg3[%swap3A_1697, %swap3A_1698, %swap3A_1699, %swap3A_1700] : memref<2x128x64x128xf32, #tpu.memory_space<vmem>>, vector<1x4x64x128xf32>
    %swap3A_1702 = vector.shape_cast %swap3A_1701 : vector<1x4x64x128xf32> to vector<4x64x128xf32>
    %swap3A_1703 = vector.shape_cast %add3A_1696 : vector<4x64x128xf32> to vector<1x4x64x128xf32>
    tpu.vector_store %arg3[%swap3A_1697, %swap3A_1698, %swap3A_1699, %swap3A_1700], %swap3A_1703 {strides = array<i32>} : memref<2x128x64x128xf32, #tpu.memory_space<vmem>>, vector<1x4x64x128xf32>,
    %min3A_1704 = arith.minimumf %min3A_1639, %add3A_1696 : vector<4x64x128xf32>
    %reduce_max3A_1705 = arith.constant dense<0xFF800000> : vector<4x64xf32>
    %reduce_max3A_1706 = vector.multi_reduction <maximumf>, %min3A_1704, %reduce_max3A_1705 [2] : vector<4x64x128xf32> to vector<4x64xf32>
    %broadcast_in_dim3A_1707 = vector.shape_cast %reduce_max3A_1706 : vector<4x64xf32> to vector<4x64x1xf32>
    %reduce_max3A_1708 = arith.constant dense<0xFF800000> : vector<4x1xf32>
    %reduce_max3A_1709 = vector.multi_reduction <maximumf>, %broadcast_in_dim3A_1707, %reduce_max3A_1708 [1] : vector<4x64x1xf32> to vector<4x1xf32>
    %broadcast_in_dim3A_1710 = vector.shape_cast %reduce_max3A_1709 : vector<4x1xf32> to vector<4x1x1xf32>
    %eq3A_1711 = vector.broadcast %broadcast_in_dim3A_1710 : vector<4x1x1xf32> to vector<4x64x128xf32>
    %eq3A_1712 = arith.cmpf oeq, %min3A_1704, %eq3A_1711 : vector<4x64x128xf32>
    %jit3A_1713 = arith.constant 8192 : i32
    %broadcast_in_dim3A_1714 = vector.broadcast %jit3A_1713 : i32 to vector<4x64x128xi32>
    %select_n3A_1715 = arith.select %eq3A_1712, %add3A, %broadcast_in_dim3A_1714 : vector<4x64x128xi1>, vector<4x64x128xi32>
    %reduce_min3A_1716 = arith.constant dense<2147483647> : vector<4x64xi32>
    %reduce_min3A_1717 = vector.multi_reduction <minsi>, %select_n3A_1715, %reduce_min3A_1716 [2] : vector<4x64x128xi32> to vector<4x64xi32>
    %broadcast_in_dim3A_1718 = vector.shape_cast %reduce_min3A_1717 : vector<4x64xi32> to vector<4x64x1xi32>
    %reduce_min3A_1719 = arith.constant dense<2147483647> : vector<4x1xi32>
    %reduce_min3A_1720 = vector.multi_reduction <minsi>, %broadcast_in_dim3A_1718, %reduce_min3A_1719 [1] : vector<4x64x1xi32> to vector<4x1xi32>
    %broadcast_in_dim3A_1721 = vector.shape_cast %reduce_min3A_1720 : vector<4x1xi32> to vector<4x1x1xi32>
    %eq3A_1722 = vector.broadcast %broadcast_in_dim3A_1721 : vector<4x1x1xi32> to vector<4x64x128xi32>
    %eq3A_1723 = arith.cmpi eq, %add3A, %eq3A_1722 : vector<4x64x128xi32>
    %jit3A_1724 = arith.constant 0.000000e+00 : f32
    %broadcast_in_dim3A_1725 = vector.broadcast %jit3A_1724 : f32 to vector<4x64x128xf32>
    %select_n3A_1726 = arith.select %eq3A_1723, %get3A_4, %broadcast_in_dim3A_1725 : vector<4x64x128xi1>, vector<4x64x128xf32>
    %reduce_sum3A_1727 = arith.constant dense<0.000000e+00> : vector<4x64xf32>
    %reduce_sum3A_1728 = vector.multi_reduction <add>, %select_n3A_1726, %reduce_sum3A_1727 [2] : vector<4x64x128xf32> to vector<4x64xf32>
    %broadcast_in_dim3A_1729 = vector.shape_cast %reduce_sum3A_1728 : vector<4x64xf32> to vector<4x64x1xf32>
    %reduce_sum3A_1730 = arith.constant dense<0.000000e+00> : vector<4x1xf32>
    %reduce_sum3A_1731 = vector.multi_reduction <add>, %broadcast_in_dim3A_1729, %reduce_sum3A_1730 [1] : vector<4x64x1xf32> to vector<4x1xf32>
    %broadcast_in_dim3A_1732 = vector.shape_cast %reduce_sum3A_1731 : vector<4x1xf32> to vector<4x1x1xf32>
    %jit3A_1733 = arith.constant 0.000000e+00 : f32
    %broadcast_in_dim3A_1734 = vector.broadcast %jit3A_1733 : f32 to vector<4x64x128xf32>
    %select_n3A_1735 = arith.select %eq3A_1723, %get3A_10, %broadcast_in_dim3A_1734 : vector<4x64x128xi1>, vector<4x64x128xf32>
    %reduce_sum3A_1736 = arith.constant dense<0.000000e+00> : vector<4x64xf32>
    %reduce_sum3A_1737 = vector.multi_reduction <add>, %select_n3A_1735, %reduce_sum3A_1736 [2] : vector<4x64x128xf32> to vector<4x64xf32>
    %broadcast_in_dim3A_1738 = vector.shape_cast %reduce_sum3A_1737 : vector<4x64xf32> to vector<4x64x1xf32>
    %reduce_sum3A_1739 = arith.constant dense<0.000000e+00> : vector<4x1xf32>
    %reduce_sum3A_1740 = vector.multi_reduction <add>, %broadcast_in_dim3A_1738, %reduce_sum3A_1739 [1] : vector<4x64x1xf32> to vector<4x1xf32>
    %broadcast_in_dim3A_1741 = vector.shape_cast %reduce_sum3A_1740 : vector<4x1xf32> to vector<4x1x1xf32>
    %jit3A_1742 = arith.constant 0.000000e+00 : f32
    %broadcast_in_dim3A_1743 = vector.broadcast %jit3A_1742 : f32 to vector<4x64x128xf32>
    %select_n3A_1744 = arith.select %eq3A_1723, %get3A_16, %broadcast_in_dim3A_1743 : vector<4x64x128xi1>, vector<4x64x128xf32>
    %reduce_sum3A_1745 = arith.constant dense<0.000000e+00> : vector<4x64xf32>
    %reduce_sum3A_1746 = vector.multi_reduction <add>, %select_n3A_1744, %reduce_sum3A_1745 [2] : vector<4x64x128xf32> to vector<4x64xf32>
    %broadcast_in_dim3A_1747 = vector.shape_cast %reduce_sum3A_1746 : vector<4x64xf32> to vector<4x64x1xf32>
    %reduce_sum3A_1748 = arith.constant dense<0.000000e+00> : vector<4x1xf32>
    %reduce_sum3A_1749 = vector.multi_reduction <add>, %broadcast_in_dim3A_1747, %reduce_sum3A_1748 [1] : vector<4x64x1xf32> to vector<4x1xf32>
    %broadcast_in_dim3A_1750 = vector.shape_cast %reduce_sum3A_1749 : vector<4x1xf32> to vector<4x1x1xf32>
    %sub3A_1751 = vector.broadcast %broadcast_in_dim3A_1732 : vector<4x1x1xf32> to vector<4x64x128xf32>
    %sub3A_1752 = arith.subf %get3A_4, %sub3A_1751 : vector<4x64x128xf32>
    %sub3A_1753 = vector.broadcast %broadcast_in_dim3A_1741 : vector<4x1x1xf32> to vector<4x64x128xf32>
    %sub3A_1754 = arith.subf %get3A_10, %sub3A_1753 : vector<4x64x128xf32>
    %sub3A_1755 = vector.broadcast %broadcast_in_dim3A_1750 : vector<4x1x1xf32> to vector<4x64x128xf32>
    %sub3A_1756 = arith.subf %get3A_16, %sub3A_1755 : vector<4x64x128xf32>
    %mul3A_1757 = arith.mulf %sub3A_1752, %sub3A_1752 : vector<4x64x128xf32>
    %mul3A_1758 = arith.mulf %sub3A_1754, %sub3A_1754 : vector<4x64x128xf32>
    %add3A_1759 = arith.addf %mul3A_1757, %mul3A_1758 : vector<4x64x128xf32>
    %mul3A_1760 = arith.mulf %sub3A_1756, %sub3A_1756 : vector<4x64x128xf32>
    %add3A_1761 = arith.addf %add3A_1759, %mul3A_1760 : vector<4x64x128xf32>
    %swap3A_1762 = arith.constant 0 : index
    %swap3A_1763 = arith.constant 104 : index
    %swap3A_1764 = arith.constant 0 : index
    %swap3A_1765 = arith.constant 0 : index
    %swap3A_1766 = vector.load %arg3[%swap3A_1762, %swap3A_1763, %swap3A_1764, %swap3A_1765] : memref<2x128x64x128xf32, #tpu.memory_space<vmem>>, vector<1x4x64x128xf32>
    %swap3A_1767 = vector.shape_cast %swap3A_1766 : vector<1x4x64x128xf32> to vector<4x64x128xf32>
    %swap3A_1768 = vector.shape_cast %add3A_1761 : vector<4x64x128xf32> to vector<1x4x64x128xf32>
    tpu.vector_store %arg3[%swap3A_1762, %swap3A_1763, %swap3A_1764, %swap3A_1765], %swap3A_1768 {strides = array<i32>} : memref<2x128x64x128xf32, #tpu.memory_space<vmem>>, vector<1x4x64x128xf32>,
    %min3A_1769 = arith.minimumf %min3A_1704, %add3A_1761 : vector<4x64x128xf32>
    %reduce_max3A_1770 = arith.constant dense<0xFF800000> : vector<4x64xf32>
    %reduce_max3A_1771 = vector.multi_reduction <maximumf>, %min3A_1769, %reduce_max3A_1770 [2] : vector<4x64x128xf32> to vector<4x64xf32>
    %broadcast_in_dim3A_1772 = vector.shape_cast %reduce_max3A_1771 : vector<4x64xf32> to vector<4x64x1xf32>
    %reduce_max3A_1773 = arith.constant dense<0xFF800000> : vector<4x1xf32>
    %reduce_max3A_1774 = vector.multi_reduction <maximumf>, %broadcast_in_dim3A_1772, %reduce_max3A_1773 [1] : vector<4x64x1xf32> to vector<4x1xf32>
    %broadcast_in_dim3A_1775 = vector.shape_cast %reduce_max3A_1774 : vector<4x1xf32> to vector<4x1x1xf32>
    %eq3A_1776 = vector.broadcast %broadcast_in_dim3A_1775 : vector<4x1x1xf32> to vector<4x64x128xf32>
    %eq3A_1777 = arith.cmpf oeq, %min3A_1769, %eq3A_1776 : vector<4x64x128xf32>
    %jit3A_1778 = arith.constant 8192 : i32
    %broadcast_in_dim3A_1779 = vector.broadcast %jit3A_1778 : i32 to vector<4x64x128xi32>
    %select_n3A_1780 = arith.select %eq3A_1777, %add3A, %broadcast_in_dim3A_1779 : vector<4x64x128xi1>, vector<4x64x128xi32>
    %reduce_min3A_1781 = arith.constant dense<2147483647> : vector<4x64xi32>
    %reduce_min3A_1782 = vector.multi_reduction <minsi>, %select_n3A_1780, %reduce_min3A_1781 [2] : vector<4x64x128xi32> to vector<4x64xi32>
    %broadcast_in_dim3A_1783 = vector.shape_cast %reduce_min3A_1782 : vector<4x64xi32> to vector<4x64x1xi32>
    %reduce_min3A_1784 = arith.constant dense<2147483647> : vector<4x1xi32>
    %reduce_min3A_1785 = vector.multi_reduction <minsi>, %broadcast_in_dim3A_1783, %reduce_min3A_1784 [1] : vector<4x64x1xi32> to vector<4x1xi32>
    %broadcast_in_dim3A_1786 = vector.shape_cast %reduce_min3A_1785 : vector<4x1xi32> to vector<4x1x1xi32>
    %eq3A_1787 = vector.broadcast %broadcast_in_dim3A_1786 : vector<4x1x1xi32> to vector<4x64x128xi32>
    %eq3A_1788 = arith.cmpi eq, %add3A, %eq3A_1787 : vector<4x64x128xi32>
    %jit3A_1789 = arith.constant 0.000000e+00 : f32
    %broadcast_in_dim3A_1790 = vector.broadcast %jit3A_1789 : f32 to vector<4x64x128xf32>
    %select_n3A_1791 = arith.select %eq3A_1788, %get3A_4, %broadcast_in_dim3A_1790 : vector<4x64x128xi1>, vector<4x64x128xf32>
    %reduce_sum3A_1792 = arith.constant dense<0.000000e+00> : vector<4x64xf32>
    %reduce_sum3A_1793 = vector.multi_reduction <add>, %select_n3A_1791, %reduce_sum3A_1792 [2] : vector<4x64x128xf32> to vector<4x64xf32>
    %broadcast_in_dim3A_1794 = vector.shape_cast %reduce_sum3A_1793 : vector<4x64xf32> to vector<4x64x1xf32>
    %reduce_sum3A_1795 = arith.constant dense<0.000000e+00> : vector<4x1xf32>
    %reduce_sum3A_1796 = vector.multi_reduction <add>, %broadcast_in_dim3A_1794, %reduce_sum3A_1795 [1] : vector<4x64x1xf32> to vector<4x1xf32>
    %broadcast_in_dim3A_1797 = vector.shape_cast %reduce_sum3A_1796 : vector<4x1xf32> to vector<4x1x1xf32>
    %jit3A_1798 = arith.constant 0.000000e+00 : f32
    %broadcast_in_dim3A_1799 = vector.broadcast %jit3A_1798 : f32 to vector<4x64x128xf32>
    %select_n3A_1800 = arith.select %eq3A_1788, %get3A_10, %broadcast_in_dim3A_1799 : vector<4x64x128xi1>, vector<4x64x128xf32>
    %reduce_sum3A_1801 = arith.constant dense<0.000000e+00> : vector<4x64xf32>
    %reduce_sum3A_1802 = vector.multi_reduction <add>, %select_n3A_1800, %reduce_sum3A_1801 [2] : vector<4x64x128xf32> to vector<4x64xf32>
    %broadcast_in_dim3A_1803 = vector.shape_cast %reduce_sum3A_1802 : vector<4x64xf32> to vector<4x64x1xf32>
    %reduce_sum3A_1804 = arith.constant dense<0.000000e+00> : vector<4x1xf32>
    %reduce_sum3A_1805 = vector.multi_reduction <add>, %broadcast_in_dim3A_1803, %reduce_sum3A_1804 [1] : vector<4x64x1xf32> to vector<4x1xf32>
    %broadcast_in_dim3A_1806 = vector.shape_cast %reduce_sum3A_1805 : vector<4x1xf32> to vector<4x1x1xf32>
    %jit3A_1807 = arith.constant 0.000000e+00 : f32
    %broadcast_in_dim3A_1808 = vector.broadcast %jit3A_1807 : f32 to vector<4x64x128xf32>
    %select_n3A_1809 = arith.select %eq3A_1788, %get3A_16, %broadcast_in_dim3A_1808 : vector<4x64x128xi1>, vector<4x64x128xf32>
    %reduce_sum3A_1810 = arith.constant dense<0.000000e+00> : vector<4x64xf32>
    %reduce_sum3A_1811 = vector.multi_reduction <add>, %select_n3A_1809, %reduce_sum3A_1810 [2] : vector<4x64x128xf32> to vector<4x64xf32>
    %broadcast_in_dim3A_1812 = vector.shape_cast %reduce_sum3A_1811 : vector<4x64xf32> to vector<4x64x1xf32>
    %reduce_sum3A_1813 = arith.constant dense<0.000000e+00> : vector<4x1xf32>
    %reduce_sum3A_1814 = vector.multi_reduction <add>, %broadcast_in_dim3A_1812, %reduce_sum3A_1813 [1] : vector<4x64x1xf32> to vector<4x1xf32>
    %broadcast_in_dim3A_1815 = vector.shape_cast %reduce_sum3A_1814 : vector<4x1xf32> to vector<4x1x1xf32>
    %sub3A_1816 = vector.broadcast %broadcast_in_dim3A_1797 : vector<4x1x1xf32> to vector<4x64x128xf32>
    %sub3A_1817 = arith.subf %get3A_4, %sub3A_1816 : vector<4x64x128xf32>
    %sub3A_1818 = vector.broadcast %broadcast_in_dim3A_1806 : vector<4x1x1xf32> to vector<4x64x128xf32>
    %sub3A_1819 = arith.subf %get3A_10, %sub3A_1818 : vector<4x64x128xf32>
    %sub3A_1820 = vector.broadcast %broadcast_in_dim3A_1815 : vector<4x1x1xf32> to vector<4x64x128xf32>
    %sub3A_1821 = arith.subf %get3A_16, %sub3A_1820 : vector<4x64x128xf32>
    %mul3A_1822 = arith.mulf %sub3A_1817, %sub3A_1817 : vector<4x64x128xf32>
    %mul3A_1823 = arith.mulf %sub3A_1819, %sub3A_1819 : vector<4x64x128xf32>
    %add3A_1824 = arith.addf %mul3A_1822, %mul3A_1823 : vector<4x64x128xf32>
    %mul3A_1825 = arith.mulf %sub3A_1821, %sub3A_1821 : vector<4x64x128xf32>
    %add3A_1826 = arith.addf %add3A_1824, %mul3A_1825 : vector<4x64x128xf32>
    %swap3A_1827 = arith.constant 0 : index
    %swap3A_1828 = arith.constant 108 : index
    %swap3A_1829 = arith.constant 0 : index
    %swap3A_1830 = arith.constant 0 : index
    %swap3A_1831 = vector.load %arg3[%swap3A_1827, %swap3A_1828, %swap3A_1829, %swap3A_1830] : memref<2x128x64x128xf32, #tpu.memory_space<vmem>>, vector<1x4x64x128xf32>
    %swap3A_1832 = vector.shape_cast %swap3A_1831 : vector<1x4x64x128xf32> to vector<4x64x128xf32>
    %swap3A_1833 = vector.shape_cast %add3A_1826 : vector<4x64x128xf32> to vector<1x4x64x128xf32>
    tpu.vector_store %arg3[%swap3A_1827, %swap3A_1828, %swap3A_1829, %swap3A_1830], %swap3A_1833 {strides = array<i32>} : memref<2x128x64x128xf32, #tpu.memory_space<vmem>>, vector<1x4x64x128xf32>,
    %min3A_1834 = arith.minimumf %min3A_1769, %add3A_1826 : vector<4x64x128xf32>
    %reduce_max3A_1835 = arith.constant dense<0xFF800000> : vector<4x64xf32>
    %reduce_max3A_1836 = vector.multi_reduction <maximumf>, %min3A_1834, %reduce_max3A_1835 [2] : vector<4x64x128xf32> to vector<4x64xf32>
    %broadcast_in_dim3A_1837 = vector.shape_cast %reduce_max3A_1836 : vector<4x64xf32> to vector<4x64x1xf32>
    %reduce_max3A_1838 = arith.constant dense<0xFF800000> : vector<4x1xf32>
    %reduce_max3A_1839 = vector.multi_reduction <maximumf>, %broadcast_in_dim3A_1837, %reduce_max3A_1838 [1] : vector<4x64x1xf32> to vector<4x1xf32>
    %broadcast_in_dim3A_1840 = vector.shape_cast %reduce_max3A_1839 : vector<4x1xf32> to vector<4x1x1xf32>
    %eq3A_1841 = vector.broadcast %broadcast_in_dim3A_1840 : vector<4x1x1xf32> to vector<4x64x128xf32>
    %eq3A_1842 = arith.cmpf oeq, %min3A_1834, %eq3A_1841 : vector<4x64x128xf32>
    %jit3A_1843 = arith.constant 8192 : i32
    %broadcast_in_dim3A_1844 = vector.broadcast %jit3A_1843 : i32 to vector<4x64x128xi32>
    %select_n3A_1845 = arith.select %eq3A_1842, %add3A, %broadcast_in_dim3A_1844 : vector<4x64x128xi1>, vector<4x64x128xi32>
    %reduce_min3A_1846 = arith.constant dense<2147483647> : vector<4x64xi32>
    %reduce_min3A_1847 = vector.multi_reduction <minsi>, %select_n3A_1845, %reduce_min3A_1846 [2] : vector<4x64x128xi32> to vector<4x64xi32>
    %broadcast_in_dim3A_1848 = vector.shape_cast %reduce_min3A_1847 : vector<4x64xi32> to vector<4x64x1xi32>
    %reduce_min3A_1849 = arith.constant dense<2147483647> : vector<4x1xi32>
    %reduce_min3A_1850 = vector.multi_reduction <minsi>, %broadcast_in_dim3A_1848, %reduce_min3A_1849 [1] : vector<4x64x1xi32> to vector<4x1xi32>
    %broadcast_in_dim3A_1851 = vector.shape_cast %reduce_min3A_1850 : vector<4x1xi32> to vector<4x1x1xi32>
    %eq3A_1852 = vector.broadcast %broadcast_in_dim3A_1851 : vector<4x1x1xi32> to vector<4x64x128xi32>
    %eq3A_1853 = arith.cmpi eq, %add3A, %eq3A_1852 : vector<4x64x128xi32>
    %jit3A_1854 = arith.constant 0.000000e+00 : f32
    %broadcast_in_dim3A_1855 = vector.broadcast %jit3A_1854 : f32 to vector<4x64x128xf32>
    %select_n3A_1856 = arith.select %eq3A_1853, %get3A_4, %broadcast_in_dim3A_1855 : vector<4x64x128xi1>, vector<4x64x128xf32>
    %reduce_sum3A_1857 = arith.constant dense<0.000000e+00> : vector<4x64xf32>
    %reduce_sum3A_1858 = vector.multi_reduction <add>, %select_n3A_1856, %reduce_sum3A_1857 [2] : vector<4x64x128xf32> to vector<4x64xf32>
    %broadcast_in_dim3A_1859 = vector.shape_cast %reduce_sum3A_1858 : vector<4x64xf32> to vector<4x64x1xf32>
    %reduce_sum3A_1860 = arith.constant dense<0.000000e+00> : vector<4x1xf32>
    %reduce_sum3A_1861 = vector.multi_reduction <add>, %broadcast_in_dim3A_1859, %reduce_sum3A_1860 [1] : vector<4x64x1xf32> to vector<4x1xf32>
    %broadcast_in_dim3A_1862 = vector.shape_cast %reduce_sum3A_1861 : vector<4x1xf32> to vector<4x1x1xf32>
    %jit3A_1863 = arith.constant 0.000000e+00 : f32
    %broadcast_in_dim3A_1864 = vector.broadcast %jit3A_1863 : f32 to vector<4x64x128xf32>
    %select_n3A_1865 = arith.select %eq3A_1853, %get3A_10, %broadcast_in_dim3A_1864 : vector<4x64x128xi1>, vector<4x64x128xf32>
    %reduce_sum3A_1866 = arith.constant dense<0.000000e+00> : vector<4x64xf32>
    %reduce_sum3A_1867 = vector.multi_reduction <add>, %select_n3A_1865, %reduce_sum3A_1866 [2] : vector<4x64x128xf32> to vector<4x64xf32>
    %broadcast_in_dim3A_1868 = vector.shape_cast %reduce_sum3A_1867 : vector<4x64xf32> to vector<4x64x1xf32>
    %reduce_sum3A_1869 = arith.constant dense<0.000000e+00> : vector<4x1xf32>
    %reduce_sum3A_1870 = vector.multi_reduction <add>, %broadcast_in_dim3A_1868, %reduce_sum3A_1869 [1] : vector<4x64x1xf32> to vector<4x1xf32>
    %broadcast_in_dim3A_1871 = vector.shape_cast %reduce_sum3A_1870 : vector<4x1xf32> to vector<4x1x1xf32>
    %jit3A_1872 = arith.constant 0.000000e+00 : f32
    %broadcast_in_dim3A_1873 = vector.broadcast %jit3A_1872 : f32 to vector<4x64x128xf32>
    %select_n3A_1874 = arith.select %eq3A_1853, %get3A_16, %broadcast_in_dim3A_1873 : vector<4x64x128xi1>, vector<4x64x128xf32>
    %reduce_sum3A_1875 = arith.constant dense<0.000000e+00> : vector<4x64xf32>
    %reduce_sum3A_1876 = vector.multi_reduction <add>, %select_n3A_1874, %reduce_sum3A_1875 [2] : vector<4x64x128xf32> to vector<4x64xf32>
    %broadcast_in_dim3A_1877 = vector.shape_cast %reduce_sum3A_1876 : vector<4x64xf32> to vector<4x64x1xf32>
    %reduce_sum3A_1878 = arith.constant dense<0.000000e+00> : vector<4x1xf32>
    %reduce_sum3A_1879 = vector.multi_reduction <add>, %broadcast_in_dim3A_1877, %reduce_sum3A_1878 [1] : vector<4x64x1xf32> to vector<4x1xf32>
    %broadcast_in_dim3A_1880 = vector.shape_cast %reduce_sum3A_1879 : vector<4x1xf32> to vector<4x1x1xf32>
    %sub3A_1881 = vector.broadcast %broadcast_in_dim3A_1862 : vector<4x1x1xf32> to vector<4x64x128xf32>
    %sub3A_1882 = arith.subf %get3A_4, %sub3A_1881 : vector<4x64x128xf32>
    %sub3A_1883 = vector.broadcast %broadcast_in_dim3A_1871 : vector<4x1x1xf32> to vector<4x64x128xf32>
    %sub3A_1884 = arith.subf %get3A_10, %sub3A_1883 : vector<4x64x128xf32>
    %sub3A_1885 = vector.broadcast %broadcast_in_dim3A_1880 : vector<4x1x1xf32> to vector<4x64x128xf32>
    %sub3A_1886 = arith.subf %get3A_16, %sub3A_1885 : vector<4x64x128xf32>
    %mul3A_1887 = arith.mulf %sub3A_1882, %sub3A_1882 : vector<4x64x128xf32>
    %mul3A_1888 = arith.mulf %sub3A_1884, %sub3A_1884 : vector<4x64x128xf32>
    %add3A_1889 = arith.addf %mul3A_1887, %mul3A_1888 : vector<4x64x128xf32>
    %mul3A_1890 = arith.mulf %sub3A_1886, %sub3A_1886 : vector<4x64x128xf32>
    %add3A_1891 = arith.addf %add3A_1889, %mul3A_1890 : vector<4x64x128xf32>
    %swap3A_1892 = arith.constant 0 : index
    %swap3A_1893 = arith.constant 112 : index
    %swap3A_1894 = arith.constant 0 : index
    %swap3A_1895 = arith.constant 0 : index
    %swap3A_1896 = vector.load %arg3[%swap3A_1892, %swap3A_1893, %swap3A_1894, %swap3A_1895] : memref<2x128x64x128xf32, #tpu.memory_space<vmem>>, vector<1x4x64x128xf32>
    %swap3A_1897 = vector.shape_cast %swap3A_1896 : vector<1x4x64x128xf32> to vector<4x64x128xf32>
    %swap3A_1898 = vector.shape_cast %add3A_1891 : vector<4x64x128xf32> to vector<1x4x64x128xf32>
    tpu.vector_store %arg3[%swap3A_1892, %swap3A_1893, %swap3A_1894, %swap3A_1895], %swap3A_1898 {strides = array<i32>} : memref<2x128x64x128xf32, #tpu.memory_space<vmem>>, vector<1x4x64x128xf32>,
    %min3A_1899 = arith.minimumf %min3A_1834, %add3A_1891 : vector<4x64x128xf32>
    %reduce_max3A_1900 = arith.constant dense<0xFF800000> : vector<4x64xf32>
    %reduce_max3A_1901 = vector.multi_reduction <maximumf>, %min3A_1899, %reduce_max3A_1900 [2] : vector<4x64x128xf32> to vector<4x64xf32>
    %broadcast_in_dim3A_1902 = vector.shape_cast %reduce_max3A_1901 : vector<4x64xf32> to vector<4x64x1xf32>
    %reduce_max3A_1903 = arith.constant dense<0xFF800000> : vector<4x1xf32>
    %reduce_max3A_1904 = vector.multi_reduction <maximumf>, %broadcast_in_dim3A_1902, %reduce_max3A_1903 [1] : vector<4x64x1xf32> to vector<4x1xf32>
    %broadcast_in_dim3A_1905 = vector.shape_cast %reduce_max3A_1904 : vector<4x1xf32> to vector<4x1x1xf32>
    %eq3A_1906 = vector.broadcast %broadcast_in_dim3A_1905 : vector<4x1x1xf32> to vector<4x64x128xf32>
    %eq3A_1907 = arith.cmpf oeq, %min3A_1899, %eq3A_1906 : vector<4x64x128xf32>
    %jit3A_1908 = arith.constant 8192 : i32
    %broadcast_in_dim3A_1909 = vector.broadcast %jit3A_1908 : i32 to vector<4x64x128xi32>
    %select_n3A_1910 = arith.select %eq3A_1907, %add3A, %broadcast_in_dim3A_1909 : vector<4x64x128xi1>, vector<4x64x128xi32>
    %reduce_min3A_1911 = arith.constant dense<2147483647> : vector<4x64xi32>
    %reduce_min3A_1912 = vector.multi_reduction <minsi>, %select_n3A_1910, %reduce_min3A_1911 [2] : vector<4x64x128xi32> to vector<4x64xi32>
    %broadcast_in_dim3A_1913 = vector.shape_cast %reduce_min3A_1912 : vector<4x64xi32> to vector<4x64x1xi32>
    %reduce_min3A_1914 = arith.constant dense<2147483647> : vector<4x1xi32>
    %reduce_min3A_1915 = vector.multi_reduction <minsi>, %broadcast_in_dim3A_1913, %reduce_min3A_1914 [1] : vector<4x64x1xi32> to vector<4x1xi32>
    %broadcast_in_dim3A_1916 = vector.shape_cast %reduce_min3A_1915 : vector<4x1xi32> to vector<4x1x1xi32>
    %eq3A_1917 = vector.broadcast %broadcast_in_dim3A_1916 : vector<4x1x1xi32> to vector<4x64x128xi32>
    %eq3A_1918 = arith.cmpi eq, %add3A, %eq3A_1917 : vector<4x64x128xi32>
    %jit3A_1919 = arith.constant 0.000000e+00 : f32
    %broadcast_in_dim3A_1920 = vector.broadcast %jit3A_1919 : f32 to vector<4x64x128xf32>
    %select_n3A_1921 = arith.select %eq3A_1918, %get3A_4, %broadcast_in_dim3A_1920 : vector<4x64x128xi1>, vector<4x64x128xf32>
    %reduce_sum3A_1922 = arith.constant dense<0.000000e+00> : vector<4x64xf32>
    %reduce_sum3A_1923 = vector.multi_reduction <add>, %select_n3A_1921, %reduce_sum3A_1922 [2] : vector<4x64x128xf32> to vector<4x64xf32>
    %broadcast_in_dim3A_1924 = vector.shape_cast %reduce_sum3A_1923 : vector<4x64xf32> to vector<4x64x1xf32>
    %reduce_sum3A_1925 = arith.constant dense<0.000000e+00> : vector<4x1xf32>
    %reduce_sum3A_1926 = vector.multi_reduction <add>, %broadcast_in_dim3A_1924, %reduce_sum3A_1925 [1] : vector<4x64x1xf32> to vector<4x1xf32>
    %broadcast_in_dim3A_1927 = vector.shape_cast %reduce_sum3A_1926 : vector<4x1xf32> to vector<4x1x1xf32>
    %jit3A_1928 = arith.constant 0.000000e+00 : f32
    %broadcast_in_dim3A_1929 = vector.broadcast %jit3A_1928 : f32 to vector<4x64x128xf32>
    %select_n3A_1930 = arith.select %eq3A_1918, %get3A_10, %broadcast_in_dim3A_1929 : vector<4x64x128xi1>, vector<4x64x128xf32>
    %reduce_sum3A_1931 = arith.constant dense<0.000000e+00> : vector<4x64xf32>
    %reduce_sum3A_1932 = vector.multi_reduction <add>, %select_n3A_1930, %reduce_sum3A_1931 [2] : vector<4x64x128xf32> to vector<4x64xf32>
    %broadcast_in_dim3A_1933 = vector.shape_cast %reduce_sum3A_1932 : vector<4x64xf32> to vector<4x64x1xf32>
    %reduce_sum3A_1934 = arith.constant dense<0.000000e+00> : vector<4x1xf32>
    %reduce_sum3A_1935 = vector.multi_reduction <add>, %broadcast_in_dim3A_1933, %reduce_sum3A_1934 [1] : vector<4x64x1xf32> to vector<4x1xf32>
    %broadcast_in_dim3A_1936 = vector.shape_cast %reduce_sum3A_1935 : vector<4x1xf32> to vector<4x1x1xf32>
    %jit3A_1937 = arith.constant 0.000000e+00 : f32
    %broadcast_in_dim3A_1938 = vector.broadcast %jit3A_1937 : f32 to vector<4x64x128xf32>
    %select_n3A_1939 = arith.select %eq3A_1918, %get3A_16, %broadcast_in_dim3A_1938 : vector<4x64x128xi1>, vector<4x64x128xf32>
    %reduce_sum3A_1940 = arith.constant dense<0.000000e+00> : vector<4x64xf32>
    %reduce_sum3A_1941 = vector.multi_reduction <add>, %select_n3A_1939, %reduce_sum3A_1940 [2] : vector<4x64x128xf32> to vector<4x64xf32>
    %broadcast_in_dim3A_1942 = vector.shape_cast %reduce_sum3A_1941 : vector<4x64xf32> to vector<4x64x1xf32>
    %reduce_sum3A_1943 = arith.constant dense<0.000000e+00> : vector<4x1xf32>
    %reduce_sum3A_1944 = vector.multi_reduction <add>, %broadcast_in_dim3A_1942, %reduce_sum3A_1943 [1] : vector<4x64x1xf32> to vector<4x1xf32>
    %broadcast_in_dim3A_1945 = vector.shape_cast %reduce_sum3A_1944 : vector<4x1xf32> to vector<4x1x1xf32>
    %sub3A_1946 = vector.broadcast %broadcast_in_dim3A_1927 : vector<4x1x1xf32> to vector<4x64x128xf32>
    %sub3A_1947 = arith.subf %get3A_4, %sub3A_1946 : vector<4x64x128xf32>
    %sub3A_1948 = vector.broadcast %broadcast_in_dim3A_1936 : vector<4x1x1xf32> to vector<4x64x128xf32>
    %sub3A_1949 = arith.subf %get3A_10, %sub3A_1948 : vector<4x64x128xf32>
    %sub3A_1950 = vector.broadcast %broadcast_in_dim3A_1945 : vector<4x1x1xf32> to vector<4x64x128xf32>
    %sub3A_1951 = arith.subf %get3A_16, %sub3A_1950 : vector<4x64x128xf32>
    %mul3A_1952 = arith.mulf %sub3A_1947, %sub3A_1947 : vector<4x64x128xf32>
    %mul3A_1953 = arith.mulf %sub3A_1949, %sub3A_1949 : vector<4x64x128xf32>
    %add3A_1954 = arith.addf %mul3A_1952, %mul3A_1953 : vector<4x64x128xf32>
    %mul3A_1955 = arith.mulf %sub3A_1951, %sub3A_1951 : vector<4x64x128xf32>
    %add3A_1956 = arith.addf %add3A_1954, %mul3A_1955 : vector<4x64x128xf32>
    %swap3A_1957 = arith.constant 0 : index
    %swap3A_1958 = arith.constant 116 : index
    %swap3A_1959 = arith.constant 0 : index
    %swap3A_1960 = arith.constant 0 : index
    %swap3A_1961 = vector.load %arg3[%swap3A_1957, %swap3A_1958, %swap3A_1959, %swap3A_1960] : memref<2x128x64x128xf32, #tpu.memory_space<vmem>>, vector<1x4x64x128xf32>
    %swap3A_1962 = vector.shape_cast %swap3A_1961 : vector<1x4x64x128xf32> to vector<4x64x128xf32>
    %swap3A_1963 = vector.shape_cast %add3A_1956 : vector<4x64x128xf32> to vector<1x4x64x128xf32>
    tpu.vector_store %arg3[%swap3A_1957, %swap3A_1958, %swap3A_1959, %swap3A_1960], %swap3A_1963 {strides = array<i32>} : memref<2x128x64x128xf32, #tpu.memory_space<vmem>>, vector<1x4x64x128xf32>,
    %min3A_1964 = arith.minimumf %min3A_1899, %add3A_1956 : vector<4x64x128xf32>
    %reduce_max3A_1965 = arith.constant dense<0xFF800000> : vector<4x64xf32>
    %reduce_max3A_1966 = vector.multi_reduction <maximumf>, %min3A_1964, %reduce_max3A_1965 [2] : vector<4x64x128xf32> to vector<4x64xf32>
    %broadcast_in_dim3A_1967 = vector.shape_cast %reduce_max3A_1966 : vector<4x64xf32> to vector<4x64x1xf32>
    %reduce_max3A_1968 = arith.constant dense<0xFF800000> : vector<4x1xf32>
    %reduce_max3A_1969 = vector.multi_reduction <maximumf>, %broadcast_in_dim3A_1967, %reduce_max3A_1968 [1] : vector<4x64x1xf32> to vector<4x1xf32>
    %broadcast_in_dim3A_1970 = vector.shape_cast %reduce_max3A_1969 : vector<4x1xf32> to vector<4x1x1xf32>
    %eq3A_1971 = vector.broadcast %broadcast_in_dim3A_1970 : vector<4x1x1xf32> to vector<4x64x128xf32>
    %eq3A_1972 = arith.cmpf oeq, %min3A_1964, %eq3A_1971 : vector<4x64x128xf32>
    %jit3A_1973 = arith.constant 8192 : i32
    %broadcast_in_dim3A_1974 = vector.broadcast %jit3A_1973 : i32 to vector<4x64x128xi32>
    %select_n3A_1975 = arith.select %eq3A_1972, %add3A, %broadcast_in_dim3A_1974 : vector<4x64x128xi1>, vector<4x64x128xi32>
    %reduce_min3A_1976 = arith.constant dense<2147483647> : vector<4x64xi32>
    %reduce_min3A_1977 = vector.multi_reduction <minsi>, %select_n3A_1975, %reduce_min3A_1976 [2] : vector<4x64x128xi32> to vector<4x64xi32>
    %broadcast_in_dim3A_1978 = vector.shape_cast %reduce_min3A_1977 : vector<4x64xi32> to vector<4x64x1xi32>
    %reduce_min3A_1979 = arith.constant dense<2147483647> : vector<4x1xi32>
    %reduce_min3A_1980 = vector.multi_reduction <minsi>, %broadcast_in_dim3A_1978, %reduce_min3A_1979 [1] : vector<4x64x1xi32> to vector<4x1xi32>
    %broadcast_in_dim3A_1981 = vector.shape_cast %reduce_min3A_1980 : vector<4x1xi32> to vector<4x1x1xi32>
    %eq3A_1982 = vector.broadcast %broadcast_in_dim3A_1981 : vector<4x1x1xi32> to vector<4x64x128xi32>
    %eq3A_1983 = arith.cmpi eq, %add3A, %eq3A_1982 : vector<4x64x128xi32>
    %jit3A_1984 = arith.constant 0.000000e+00 : f32
    %broadcast_in_dim3A_1985 = vector.broadcast %jit3A_1984 : f32 to vector<4x64x128xf32>
    %select_n3A_1986 = arith.select %eq3A_1983, %get3A_4, %broadcast_in_dim3A_1985 : vector<4x64x128xi1>, vector<4x64x128xf32>
    %reduce_sum3A_1987 = arith.constant dense<0.000000e+00> : vector<4x64xf32>
    %reduce_sum3A_1988 = vector.multi_reduction <add>, %select_n3A_1986, %reduce_sum3A_1987 [2] : vector<4x64x128xf32> to vector<4x64xf32>
    %broadcast_in_dim3A_1989 = vector.shape_cast %reduce_sum3A_1988 : vector<4x64xf32> to vector<4x64x1xf32>
    %reduce_sum3A_1990 = arith.constant dense<0.000000e+00> : vector<4x1xf32>
    %reduce_sum3A_1991 = vector.multi_reduction <add>, %broadcast_in_dim3A_1989, %reduce_sum3A_1990 [1] : vector<4x64x1xf32> to vector<4x1xf32>
    %broadcast_in_dim3A_1992 = vector.shape_cast %reduce_sum3A_1991 : vector<4x1xf32> to vector<4x1x1xf32>
    %jit3A_1993 = arith.constant 0.000000e+00 : f32
    %broadcast_in_dim3A_1994 = vector.broadcast %jit3A_1993 : f32 to vector<4x64x128xf32>
    %select_n3A_1995 = arith.select %eq3A_1983, %get3A_10, %broadcast_in_dim3A_1994 : vector<4x64x128xi1>, vector<4x64x128xf32>
    %reduce_sum3A_1996 = arith.constant dense<0.000000e+00> : vector<4x64xf32>
    %reduce_sum3A_1997 = vector.multi_reduction <add>, %select_n3A_1995, %reduce_sum3A_1996 [2] : vector<4x64x128xf32> to vector<4x64xf32>
    %broadcast_in_dim3A_1998 = vector.shape_cast %reduce_sum3A_1997 : vector<4x64xf32> to vector<4x64x1xf32>
    %reduce_sum3A_1999 = arith.constant dense<0.000000e+00> : vector<4x1xf32>
    %reduce_sum3A_2000 = vector.multi_reduction <add>, %broadcast_in_dim3A_1998, %reduce_sum3A_1999 [1] : vector<4x64x1xf32> to vector<4x1xf32>
    %broadcast_in_dim3A_2001 = vector.shape_cast %reduce_sum3A_2000 : vector<4x1xf32> to vector<4x1x1xf32>
    %jit3A_2002 = arith.constant 0.000000e+00 : f32
    %broadcast_in_dim3A_2003 = vector.broadcast %jit3A_2002 : f32 to vector<4x64x128xf32>
    %select_n3A_2004 = arith.select %eq3A_1983, %get3A_16, %broadcast_in_dim3A_2003 : vector<4x64x128xi1>, vector<4x64x128xf32>
    %reduce_sum3A_2005 = arith.constant dense<0.000000e+00> : vector<4x64xf32>
    %reduce_sum3A_2006 = vector.multi_reduction <add>, %select_n3A_2004, %reduce_sum3A_2005 [2] : vector<4x64x128xf32> to vector<4x64xf32>
    %broadcast_in_dim3A_2007 = vector.shape_cast %reduce_sum3A_2006 : vector<4x64xf32> to vector<4x64x1xf32>
    %reduce_sum3A_2008 = arith.constant dense<0.000000e+00> : vector<4x1xf32>
    %reduce_sum3A_2009 = vector.multi_reduction <add>, %broadcast_in_dim3A_2007, %reduce_sum3A_2008 [1] : vector<4x64x1xf32> to vector<4x1xf32>
    %broadcast_in_dim3A_2010 = vector.shape_cast %reduce_sum3A_2009 : vector<4x1xf32> to vector<4x1x1xf32>
    %sub3A_2011 = vector.broadcast %broadcast_in_dim3A_1992 : vector<4x1x1xf32> to vector<4x64x128xf32>
    %sub3A_2012 = arith.subf %get3A_4, %sub3A_2011 : vector<4x64x128xf32>
    %sub3A_2013 = vector.broadcast %broadcast_in_dim3A_2001 : vector<4x1x1xf32> to vector<4x64x128xf32>
    %sub3A_2014 = arith.subf %get3A_10, %sub3A_2013 : vector<4x64x128xf32>
    %sub3A_2015 = vector.broadcast %broadcast_in_dim3A_2010 : vector<4x1x1xf32> to vector<4x64x128xf32>
    %sub3A_2016 = arith.subf %get3A_16, %sub3A_2015 : vector<4x64x128xf32>
    %mul3A_2017 = arith.mulf %sub3A_2012, %sub3A_2012 : vector<4x64x128xf32>
    %mul3A_2018 = arith.mulf %sub3A_2014, %sub3A_2014 : vector<4x64x128xf32>
    %add3A_2019 = arith.addf %mul3A_2017, %mul3A_2018 : vector<4x64x128xf32>
    %mul3A_2020 = arith.mulf %sub3A_2016, %sub3A_2016 : vector<4x64x128xf32>
    %add3A_2021 = arith.addf %add3A_2019, %mul3A_2020 : vector<4x64x128xf32>
    %swap3A_2022 = arith.constant 0 : index
    %swap3A_2023 = arith.constant 120 : index
    %swap3A_2024 = arith.constant 0 : index
    %swap3A_2025 = arith.constant 0 : index
    %swap3A_2026 = vector.load %arg3[%swap3A_2022, %swap3A_2023, %swap3A_2024, %swap3A_2025] : memref<2x128x64x128xf32, #tpu.memory_space<vmem>>, vector<1x4x64x128xf32>
    %swap3A_2027 = vector.shape_cast %swap3A_2026 : vector<1x4x64x128xf32> to vector<4x64x128xf32>
    %swap3A_2028 = vector.shape_cast %add3A_2021 : vector<4x64x128xf32> to vector<1x4x64x128xf32>
    tpu.vector_store %arg3[%swap3A_2022, %swap3A_2023, %swap3A_2024, %swap3A_2025], %swap3A_2028 {strides = array<i32>} : memref<2x128x64x128xf32, #tpu.memory_space<vmem>>, vector<1x4x64x128xf32>,
    %min3A_2029 = arith.minimumf %min3A_1964, %add3A_2021 : vector<4x64x128xf32>
    %reduce_max3A_2030 = arith.constant dense<0xFF800000> : vector<4x64xf32>
    %reduce_max3A_2031 = vector.multi_reduction <maximumf>, %min3A_2029, %reduce_max3A_2030 [2] : vector<4x64x128xf32> to vector<4x64xf32>
    %broadcast_in_dim3A_2032 = vector.shape_cast %reduce_max3A_2031 : vector<4x64xf32> to vector<4x64x1xf32>
    %reduce_max3A_2033 = arith.constant dense<0xFF800000> : vector<4x1xf32>
    %reduce_max3A_2034 = vector.multi_reduction <maximumf>, %broadcast_in_dim3A_2032, %reduce_max3A_2033 [1] : vector<4x64x1xf32> to vector<4x1xf32>
    %broadcast_in_dim3A_2035 = vector.shape_cast %reduce_max3A_2034 : vector<4x1xf32> to vector<4x1x1xf32>
    %eq3A_2036 = vector.broadcast %broadcast_in_dim3A_2035 : vector<4x1x1xf32> to vector<4x64x128xf32>
    %eq3A_2037 = arith.cmpf oeq, %min3A_2029, %eq3A_2036 : vector<4x64x128xf32>
    %jit3A_2038 = arith.constant 8192 : i32
    %broadcast_in_dim3A_2039 = vector.broadcast %jit3A_2038 : i32 to vector<4x64x128xi32>
    %select_n3A_2040 = arith.select %eq3A_2037, %add3A, %broadcast_in_dim3A_2039 : vector<4x64x128xi1>, vector<4x64x128xi32>
    %reduce_min3A_2041 = arith.constant dense<2147483647> : vector<4x64xi32>
    %reduce_min3A_2042 = vector.multi_reduction <minsi>, %select_n3A_2040, %reduce_min3A_2041 [2] : vector<4x64x128xi32> to vector<4x64xi32>
    %broadcast_in_dim3A_2043 = vector.shape_cast %reduce_min3A_2042 : vector<4x64xi32> to vector<4x64x1xi32>
    %reduce_min3A_2044 = arith.constant dense<2147483647> : vector<4x1xi32>
    %reduce_min3A_2045 = vector.multi_reduction <minsi>, %broadcast_in_dim3A_2043, %reduce_min3A_2044 [1] : vector<4x64x1xi32> to vector<4x1xi32>
    %broadcast_in_dim3A_2046 = vector.shape_cast %reduce_min3A_2045 : vector<4x1xi32> to vector<4x1x1xi32>
    %eq3A_2047 = vector.broadcast %broadcast_in_dim3A_2046 : vector<4x1x1xi32> to vector<4x64x128xi32>
    %eq3A_2048 = arith.cmpi eq, %add3A, %eq3A_2047 : vector<4x64x128xi32>
    %jit3A_2049 = arith.constant 0.000000e+00 : f32
    %broadcast_in_dim3A_2050 = vector.broadcast %jit3A_2049 : f32 to vector<4x64x128xf32>
    %select_n3A_2051 = arith.select %eq3A_2048, %get3A_4, %broadcast_in_dim3A_2050 : vector<4x64x128xi1>, vector<4x64x128xf32>
    %reduce_sum3A_2052 = arith.constant dense<0.000000e+00> : vector<4x64xf32>
    %reduce_sum3A_2053 = vector.multi_reduction <add>, %select_n3A_2051, %reduce_sum3A_2052 [2] : vector<4x64x128xf32> to vector<4x64xf32>
    %broadcast_in_dim3A_2054 = vector.shape_cast %reduce_sum3A_2053 : vector<4x64xf32> to vector<4x64x1xf32>
    %reduce_sum3A_2055 = arith.constant dense<0.000000e+00> : vector<4x1xf32>
    %reduce_sum3A_2056 = vector.multi_reduction <add>, %broadcast_in_dim3A_2054, %reduce_sum3A_2055 [1] : vector<4x64x1xf32> to vector<4x1xf32>
    %broadcast_in_dim3A_2057 = vector.shape_cast %reduce_sum3A_2056 : vector<4x1xf32> to vector<4x1x1xf32>
    %jit3A_2058 = arith.constant 0.000000e+00 : f32
    %broadcast_in_dim3A_2059 = vector.broadcast %jit3A_2058 : f32 to vector<4x64x128xf32>
    %select_n3A_2060 = arith.select %eq3A_2048, %get3A_10, %broadcast_in_dim3A_2059 : vector<4x64x128xi1>, vector<4x64x128xf32>
    %reduce_sum3A_2061 = arith.constant dense<0.000000e+00> : vector<4x64xf32>
    %reduce_sum3A_2062 = vector.multi_reduction <add>, %select_n3A_2060, %reduce_sum3A_2061 [2] : vector<4x64x128xf32> to vector<4x64xf32>
    %broadcast_in_dim3A_2063 = vector.shape_cast %reduce_sum3A_2062 : vector<4x64xf32> to vector<4x64x1xf32>
    %reduce_sum3A_2064 = arith.constant dense<0.000000e+00> : vector<4x1xf32>
    %reduce_sum3A_2065 = vector.multi_reduction <add>, %broadcast_in_dim3A_2063, %reduce_sum3A_2064 [1] : vector<4x64x1xf32> to vector<4x1xf32>
    %broadcast_in_dim3A_2066 = vector.shape_cast %reduce_sum3A_2065 : vector<4x1xf32> to vector<4x1x1xf32>
    %jit3A_2067 = arith.constant 0.000000e+00 : f32
    %broadcast_in_dim3A_2068 = vector.broadcast %jit3A_2067 : f32 to vector<4x64x128xf32>
    %select_n3A_2069 = arith.select %eq3A_2048, %get3A_16, %broadcast_in_dim3A_2068 : vector<4x64x128xi1>, vector<4x64x128xf32>
    %reduce_sum3A_2070 = arith.constant dense<0.000000e+00> : vector<4x64xf32>
    %reduce_sum3A_2071 = vector.multi_reduction <add>, %select_n3A_2069, %reduce_sum3A_2070 [2] : vector<4x64x128xf32> to vector<4x64xf32>
    %broadcast_in_dim3A_2072 = vector.shape_cast %reduce_sum3A_2071 : vector<4x64xf32> to vector<4x64x1xf32>
    %reduce_sum3A_2073 = arith.constant dense<0.000000e+00> : vector<4x1xf32>
    %reduce_sum3A_2074 = vector.multi_reduction <add>, %broadcast_in_dim3A_2072, %reduce_sum3A_2073 [1] : vector<4x64x1xf32> to vector<4x1xf32>
    %broadcast_in_dim3A_2075 = vector.shape_cast %reduce_sum3A_2074 : vector<4x1xf32> to vector<4x1x1xf32>
    %sub3A_2076 = vector.broadcast %broadcast_in_dim3A_2057 : vector<4x1x1xf32> to vector<4x64x128xf32>
    %sub3A_2077 = arith.subf %get3A_4, %sub3A_2076 : vector<4x64x128xf32>
    %sub3A_2078 = vector.broadcast %broadcast_in_dim3A_2066 : vector<4x1x1xf32> to vector<4x64x128xf32>
    %sub3A_2079 = arith.subf %get3A_10, %sub3A_2078 : vector<4x64x128xf32>
    %sub3A_2080 = vector.broadcast %broadcast_in_dim3A_2075 : vector<4x1x1xf32> to vector<4x64x128xf32>
    %sub3A_2081 = arith.subf %get3A_16, %sub3A_2080 : vector<4x64x128xf32>
    %mul3A_2082 = arith.mulf %sub3A_2077, %sub3A_2077 : vector<4x64x128xf32>
    %mul3A_2083 = arith.mulf %sub3A_2079, %sub3A_2079 : vector<4x64x128xf32>
    %add3A_2084 = arith.addf %mul3A_2082, %mul3A_2083 : vector<4x64x128xf32>
    %mul3A_2085 = arith.mulf %sub3A_2081, %sub3A_2081 : vector<4x64x128xf32>
    %add3A_2086 = arith.addf %add3A_2084, %mul3A_2085 : vector<4x64x128xf32>
    %swap3A_2087 = arith.constant 0 : index
    %swap3A_2088 = arith.constant 124 : index
    %swap3A_2089 = arith.constant 0 : index
    %swap3A_2090 = arith.constant 0 : index
    %swap3A_2091 = vector.load %arg3[%swap3A_2087, %swap3A_2088, %swap3A_2089, %swap3A_2090] : memref<2x128x64x128xf32, #tpu.memory_space<vmem>>, vector<1x4x64x128xf32>
    %swap3A_2092 = vector.shape_cast %swap3A_2091 : vector<1x4x64x128xf32> to vector<4x64x128xf32>
    %swap3A_2093 = vector.shape_cast %add3A_2086 : vector<4x64x128xf32> to vector<1x4x64x128xf32>
    tpu.vector_store %arg3[%swap3A_2087, %swap3A_2088, %swap3A_2089, %swap3A_2090], %swap3A_2093 {strides = array<i32>} : memref<2x128x64x128xf32, #tpu.memory_space<vmem>>, vector<1x4x64x128xf32>,
    %sub3A_2094 = vector.broadcast %broadcast_in_dim3A_47 : vector<4x1x1xf32> to vector<4x64x128xf32>
    %sub3A_2095 = arith.subf %get3A_22, %sub3A_2094 : vector<4x64x128xf32>
    %sub3A_2096 = vector.broadcast %broadcast_in_dim3A_56 : vector<4x1x1xf32> to vector<4x64x128xf32>
    %sub3A_2097 = arith.subf %get3A_28, %sub3A_2096 : vector<4x64x128xf32>
    %sub3A_2098 = vector.broadcast %broadcast_in_dim3A_65 : vector<4x1x1xf32> to vector<4x64x128xf32>
    %sub3A_2099 = arith.subf %get3A_34, %sub3A_2098 : vector<4x64x128xf32>
    %mul3A_2100 = arith.mulf %sub3A_2095, %sub3A_2095 : vector<4x64x128xf32>
    %mul3A_2101 = arith.mulf %sub3A_2097, %sub3A_2097 : vector<4x64x128xf32>
    %add3A_2102 = arith.addf %mul3A_2100, %mul3A_2101 : vector<4x64x128xf32>
    %mul3A_2103 = arith.mulf %sub3A_2099, %sub3A_2099 : vector<4x64x128xf32>
    %add3A_2104 = arith.addf %add3A_2102, %mul3A_2103 : vector<4x64x128xf32>
    %swap3A_2105 = arith.constant 1 : index
    %swap3A_2106 = arith.constant 0 : index
    %swap3A_2107 = arith.constant 0 : index
    %swap3A_2108 = arith.constant 0 : index
    %swap3A_2109 = vector.load %arg3[%swap3A_2105, %swap3A_2106, %swap3A_2107, %swap3A_2108] : memref<2x128x64x128xf32, #tpu.memory_space<vmem>>, vector<1x4x64x128xf32>
    %swap3A_2110 = vector.shape_cast %swap3A_2109 : vector<1x4x64x128xf32> to vector<4x64x128xf32>
    %swap3A_2111 = vector.shape_cast %add3A_2104 : vector<4x64x128xf32> to vector<1x4x64x128xf32>
    tpu.vector_store %arg3[%swap3A_2105, %swap3A_2106, %swap3A_2107, %swap3A_2108], %swap3A_2111 {strides = array<i32>} : memref<2x128x64x128xf32, #tpu.memory_space<vmem>>, vector<1x4x64x128xf32>,
    %sub3A_2112 = vector.broadcast %broadcast_in_dim3A_107 : vector<4x1x1xf32> to vector<4x64x128xf32>
    %sub3A_2113 = arith.subf %get3A_22, %sub3A_2112 : vector<4x64x128xf32>
    %sub3A_2114 = vector.broadcast %broadcast_in_dim3A_116 : vector<4x1x1xf32> to vector<4x64x128xf32>
    %sub3A_2115 = arith.subf %get3A_28, %sub3A_2114 : vector<4x64x128xf32>
    %sub3A_2116 = vector.broadcast %broadcast_in_dim3A_125 : vector<4x1x1xf32> to vector<4x64x128xf32>
    %sub3A_2117 = arith.subf %get3A_34, %sub3A_2116 : vector<4x64x128xf32>
    %mul3A_2118 = arith.mulf %sub3A_2113, %sub3A_2113 : vector<4x64x128xf32>
    %mul3A_2119 = arith.mulf %sub3A_2115, %sub3A_2115 : vector<4x64x128xf32>
    %add3A_2120 = arith.addf %mul3A_2118, %mul3A_2119 : vector<4x64x128xf32>
    %mul3A_2121 = arith.mulf %sub3A_2117, %sub3A_2117 : vector<4x64x128xf32>
    %add3A_2122 = arith.addf %add3A_2120, %mul3A_2121 : vector<4x64x128xf32>
    %swap3A_2123 = arith.constant 1 : index
    %swap3A_2124 = arith.constant 4 : index
    %swap3A_2125 = arith.constant 0 : index
    %swap3A_2126 = arith.constant 0 : index
    %swap3A_2127 = vector.load %arg3[%swap3A_2123, %swap3A_2124, %swap3A_2125, %swap3A_2126] : memref<2x128x64x128xf32, #tpu.memory_space<vmem>>, vector<1x4x64x128xf32>
    %swap3A_2128 = vector.shape_cast %swap3A_2127 : vector<1x4x64x128xf32> to vector<4x64x128xf32>
    %swap3A_2129 = vector.shape_cast %add3A_2122 : vector<4x64x128xf32> to vector<1x4x64x128xf32>
    tpu.vector_store %arg3[%swap3A_2123, %swap3A_2124, %swap3A_2125, %swap3A_2126], %swap3A_2129 {strides = array<i32>} : memref<2x128x64x128xf32, #tpu.memory_space<vmem>>, vector<1x4x64x128xf32>,
    %sub3A_2130 = vector.broadcast %broadcast_in_dim3A_172 : vector<4x1x1xf32> to vector<4x64x128xf32>
    %sub3A_2131 = arith.subf %get3A_22, %sub3A_2130 : vector<4x64x128xf32>
    %sub3A_2132 = vector.broadcast %broadcast_in_dim3A_181 : vector<4x1x1xf32> to vector<4x64x128xf32>
    %sub3A_2133 = arith.subf %get3A_28, %sub3A_2132 : vector<4x64x128xf32>
    %sub3A_2134 = vector.broadcast %broadcast_in_dim3A_190 : vector<4x1x1xf32> to vector<4x64x128xf32>
    %sub3A_2135 = arith.subf %get3A_34, %sub3A_2134 : vector<4x64x128xf32>
    %mul3A_2136 = arith.mulf %sub3A_2131, %sub3A_2131 : vector<4x64x128xf32>
    %mul3A_2137 = arith.mulf %sub3A_2133, %sub3A_2133 : vector<4x64x128xf32>
    %add3A_2138 = arith.addf %mul3A_2136, %mul3A_2137 : vector<4x64x128xf32>
    %mul3A_2139 = arith.mulf %sub3A_2135, %sub3A_2135 : vector<4x64x128xf32>
    %add3A_2140 = arith.addf %add3A_2138, %mul3A_2139 : vector<4x64x128xf32>
    %swap3A_2141 = arith.constant 1 : index
    %swap3A_2142 = arith.constant 8 : index
    %swap3A_2143 = arith.constant 0 : index
    %swap3A_2144 = arith.constant 0 : index
    %swap3A_2145 = vector.load %arg3[%swap3A_2141, %swap3A_2142, %swap3A_2143, %swap3A_2144] : memref<2x128x64x128xf32, #tpu.memory_space<vmem>>, vector<1x4x64x128xf32>
    %swap3A_2146 = vector.shape_cast %swap3A_2145 : vector<1x4x64x128xf32> to vector<4x64x128xf32>
    %swap3A_2147 = vector.shape_cast %add3A_2140 : vector<4x64x128xf32> to vector<1x4x64x128xf32>
    tpu.vector_store %arg3[%swap3A_2141, %swap3A_2142, %swap3A_2143, %swap3A_2144], %swap3A_2147 {strides = array<i32>} : memref<2x128x64x128xf32, #tpu.memory_space<vmem>>, vector<1x4x64x128xf32>,
    %sub3A_2148 = vector.broadcast %broadcast_in_dim3A_237 : vector<4x1x1xf32> to vector<4x64x128xf32>
    %sub3A_2149 = arith.subf %get3A_22, %sub3A_2148 : vector<4x64x128xf32>
    %sub3A_2150 = vector.broadcast %broadcast_in_dim3A_246 : vector<4x1x1xf32> to vector<4x64x128xf32>
    %sub3A_2151 = arith.subf %get3A_28, %sub3A_2150 : vector<4x64x128xf32>
    %sub3A_2152 = vector.broadcast %broadcast_in_dim3A_255 : vector<4x1x1xf32> to vector<4x64x128xf32>
    %sub3A_2153 = arith.subf %get3A_34, %sub3A_2152 : vector<4x64x128xf32>
    %mul3A_2154 = arith.mulf %sub3A_2149, %sub3A_2149 : vector<4x64x128xf32>
    %mul3A_2155 = arith.mulf %sub3A_2151, %sub3A_2151 : vector<4x64x128xf32>
    %add3A_2156 = arith.addf %mul3A_2154, %mul3A_2155 : vector<4x64x128xf32>
    %mul3A_2157 = arith.mulf %sub3A_2153, %sub3A_2153 : vector<4x64x128xf32>
    %add3A_2158 = arith.addf %add3A_2156, %mul3A_2157 : vector<4x64x128xf32>
    %swap3A_2159 = arith.constant 1 : index
    %swap3A_2160 = arith.constant 12 : index
    %swap3A_2161 = arith.constant 0 : index
    %swap3A_2162 = arith.constant 0 : index
    %swap3A_2163 = vector.load %arg3[%swap3A_2159, %swap3A_2160, %swap3A_2161, %swap3A_2162] : memref<2x128x64x128xf32, #tpu.memory_space<vmem>>, vector<1x4x64x128xf32>
    %swap3A_2164 = vector.shape_cast %swap3A_2163 : vector<1x4x64x128xf32> to vector<4x64x128xf32>
    %swap3A_2165 = vector.shape_cast %add3A_2158 : vector<4x64x128xf32> to vector<1x4x64x128xf32>
    tpu.vector_store %arg3[%swap3A_2159, %swap3A_2160, %swap3A_2161, %swap3A_2162], %swap3A_2165 {strides = array<i32>} : memref<2x128x64x128xf32, #tpu.memory_space<vmem>>, vector<1x4x64x128xf32>,
    %sub3A_2166 = vector.broadcast %broadcast_in_dim3A_302 : vector<4x1x1xf32> to vector<4x64x128xf32>
    %sub3A_2167 = arith.subf %get3A_22, %sub3A_2166 : vector<4x64x128xf32>
    %sub3A_2168 = vector.broadcast %broadcast_in_dim3A_311 : vector<4x1x1xf32> to vector<4x64x128xf32>
    %sub3A_2169 = arith.subf %get3A_28, %sub3A_2168 : vector<4x64x128xf32>
    %sub3A_2170 = vector.broadcast %broadcast_in_dim3A_320 : vector<4x1x1xf32> to vector<4x64x128xf32>
    %sub3A_2171 = arith.subf %get3A_34, %sub3A_2170 : vector<4x64x128xf32>
    %mul3A_2172 = arith.mulf %sub3A_2167, %sub3A_2167 : vector<4x64x128xf32>
    %mul3A_2173 = arith.mulf %sub3A_2169, %sub3A_2169 : vector<4x64x128xf32>
    %add3A_2174 = arith.addf %mul3A_2172, %mul3A_2173 : vector<4x64x128xf32>
    %mul3A_2175 = arith.mulf %sub3A_2171, %sub3A_2171 : vector<4x64x128xf32>
    %add3A_2176 = arith.addf %add3A_2174, %mul3A_2175 : vector<4x64x128xf32>
    %swap3A_2177 = arith.constant 1 : index
    %swap3A_2178 = arith.constant 16 : index
    %swap3A_2179 = arith.constant 0 : index
    %swap3A_2180 = arith.constant 0 : index
    %swap3A_2181 = vector.load %arg3[%swap3A_2177, %swap3A_2178, %swap3A_2179, %swap3A_2180] : memref<2x128x64x128xf32, #tpu.memory_space<vmem>>, vector<1x4x64x128xf32>
    %swap3A_2182 = vector.shape_cast %swap3A_2181 : vector<1x4x64x128xf32> to vector<4x64x128xf32>
    %swap3A_2183 = vector.shape_cast %add3A_2176 : vector<4x64x128xf32> to vector<1x4x64x128xf32>
    tpu.vector_store %arg3[%swap3A_2177, %swap3A_2178, %swap3A_2179, %swap3A_2180], %swap3A_2183 {strides = array<i32>} : memref<2x128x64x128xf32, #tpu.memory_space<vmem>>, vector<1x4x64x128xf32>,
    %sub3A_2184 = vector.broadcast %broadcast_in_dim3A_367 : vector<4x1x1xf32> to vector<4x64x128xf32>
    %sub3A_2185 = arith.subf %get3A_22, %sub3A_2184 : vector<4x64x128xf32>
    %sub3A_2186 = vector.broadcast %broadcast_in_dim3A_376 : vector<4x1x1xf32> to vector<4x64x128xf32>
    %sub3A_2187 = arith.subf %get3A_28, %sub3A_2186 : vector<4x64x128xf32>
    %sub3A_2188 = vector.broadcast %broadcast_in_dim3A_385 : vector<4x1x1xf32> to vector<4x64x128xf32>
    %sub3A_2189 = arith.subf %get3A_34, %sub3A_2188 : vector<4x64x128xf32>
    %mul3A_2190 = arith.mulf %sub3A_2185, %sub3A_2185 : vector<4x64x128xf32>
    %mul3A_2191 = arith.mulf %sub3A_2187, %sub3A_2187 : vector<4x64x128xf32>
    %add3A_2192 = arith.addf %mul3A_2190, %mul3A_2191 : vector<4x64x128xf32>
    %mul3A_2193 = arith.mulf %sub3A_2189, %sub3A_2189 : vector<4x64x128xf32>
    %add3A_2194 = arith.addf %add3A_2192, %mul3A_2193 : vector<4x64x128xf32>
    %swap3A_2195 = arith.constant 1 : index
    %swap3A_2196 = arith.constant 20 : index
    %swap3A_2197 = arith.constant 0 : index
    %swap3A_2198 = arith.constant 0 : index
    %swap3A_2199 = vector.load %arg3[%swap3A_2195, %swap3A_2196, %swap3A_2197, %swap3A_2198] : memref<2x128x64x128xf32, #tpu.memory_space<vmem>>, vector<1x4x64x128xf32>
    %swap3A_2200 = vector.shape_cast %swap3A_2199 : vector<1x4x64x128xf32> to vector<4x64x128xf32>
    %swap3A_2201 = vector.shape_cast %add3A_2194 : vector<4x64x128xf32> to vector<1x4x64x128xf32>
    tpu.vector_store %arg3[%swap3A_2195, %swap3A_2196, %swap3A_2197, %swap3A_2198], %swap3A_2201 {strides = array<i32>} : memref<2x128x64x128xf32, #tpu.memory_space<vmem>>, vector<1x4x64x128xf32>,
    %sub3A_2202 = vector.broadcast %broadcast_in_dim3A_432 : vector<4x1x1xf32> to vector<4x64x128xf32>
    %sub3A_2203 = arith.subf %get3A_22, %sub3A_2202 : vector<4x64x128xf32>
    %sub3A_2204 = vector.broadcast %broadcast_in_dim3A_441 : vector<4x1x1xf32> to vector<4x64x128xf32>
    %sub3A_2205 = arith.subf %get3A_28, %sub3A_2204 : vector<4x64x128xf32>
    %sub3A_2206 = vector.broadcast %broadcast_in_dim3A_450 : vector<4x1x1xf32> to vector<4x64x128xf32>
    %sub3A_2207 = arith.subf %get3A_34, %sub3A_2206 : vector<4x64x128xf32>
    %mul3A_2208 = arith.mulf %sub3A_2203, %sub3A_2203 : vector<4x64x128xf32>
    %mul3A_2209 = arith.mulf %sub3A_2205, %sub3A_2205 : vector<4x64x128xf32>
    %add3A_2210 = arith.addf %mul3A_2208, %mul3A_2209 : vector<4x64x128xf32>
    %mul3A_2211 = arith.mulf %sub3A_2207, %sub3A_2207 : vector<4x64x128xf32>
    %add3A_2212 = arith.addf %add3A_2210, %mul3A_2211 : vector<4x64x128xf32>
    %swap3A_2213 = arith.constant 1 : index
    %swap3A_2214 = arith.constant 24 : index
    %swap3A_2215 = arith.constant 0 : index
    %swap3A_2216 = arith.constant 0 : index
    %swap3A_2217 = vector.load %arg3[%swap3A_2213, %swap3A_2214, %swap3A_2215, %swap3A_2216] : memref<2x128x64x128xf32, #tpu.memory_space<vmem>>, vector<1x4x64x128xf32>
    %swap3A_2218 = vector.shape_cast %swap3A_2217 : vector<1x4x64x128xf32> to vector<4x64x128xf32>
    %swap3A_2219 = vector.shape_cast %add3A_2212 : vector<4x64x128xf32> to vector<1x4x64x128xf32>
    tpu.vector_store %arg3[%swap3A_2213, %swap3A_2214, %swap3A_2215, %swap3A_2216], %swap3A_2219 {strides = array<i32>} : memref<2x128x64x128xf32, #tpu.memory_space<vmem>>, vector<1x4x64x128xf32>,
    %sub3A_2220 = vector.broadcast %broadcast_in_dim3A_497 : vector<4x1x1xf32> to vector<4x64x128xf32>
    %sub3A_2221 = arith.subf %get3A_22, %sub3A_2220 : vector<4x64x128xf32>
    %sub3A_2222 = vector.broadcast %broadcast_in_dim3A_506 : vector<4x1x1xf32> to vector<4x64x128xf32>
    %sub3A_2223 = arith.subf %get3A_28, %sub3A_2222 : vector<4x64x128xf32>
    %sub3A_2224 = vector.broadcast %broadcast_in_dim3A_515 : vector<4x1x1xf32> to vector<4x64x128xf32>
    %sub3A_2225 = arith.subf %get3A_34, %sub3A_2224 : vector<4x64x128xf32>
    %mul3A_2226 = arith.mulf %sub3A_2221, %sub3A_2221 : vector<4x64x128xf32>
    %mul3A_2227 = arith.mulf %sub3A_2223, %sub3A_2223 : vector<4x64x128xf32>
    %add3A_2228 = arith.addf %mul3A_2226, %mul3A_2227 : vector<4x64x128xf32>
    %mul3A_2229 = arith.mulf %sub3A_2225, %sub3A_2225 : vector<4x64x128xf32>
    %add3A_2230 = arith.addf %add3A_2228, %mul3A_2229 : vector<4x64x128xf32>
    %swap3A_2231 = arith.constant 1 : index
    %swap3A_2232 = arith.constant 28 : index
    %swap3A_2233 = arith.constant 0 : index
    %swap3A_2234 = arith.constant 0 : index
    %swap3A_2235 = vector.load %arg3[%swap3A_2231, %swap3A_2232, %swap3A_2233, %swap3A_2234] : memref<2x128x64x128xf32, #tpu.memory_space<vmem>>, vector<1x4x64x128xf32>
    %swap3A_2236 = vector.shape_cast %swap3A_2235 : vector<1x4x64x128xf32> to vector<4x64x128xf32>
    %swap3A_2237 = vector.shape_cast %add3A_2230 : vector<4x64x128xf32> to vector<1x4x64x128xf32>
    tpu.vector_store %arg3[%swap3A_2231, %swap3A_2232, %swap3A_2233, %swap3A_2234], %swap3A_2237 {strides = array<i32>} : memref<2x128x64x128xf32, #tpu.memory_space<vmem>>, vector<1x4x64x128xf32>,
    %sub3A_2238 = vector.broadcast %broadcast_in_dim3A_562 : vector<4x1x1xf32> to vector<4x64x128xf32>
    %sub3A_2239 = arith.subf %get3A_22, %sub3A_2238 : vector<4x64x128xf32>
    %sub3A_2240 = vector.broadcast %broadcast_in_dim3A_571 : vector<4x1x1xf32> to vector<4x64x128xf32>
    %sub3A_2241 = arith.subf %get3A_28, %sub3A_2240 : vector<4x64x128xf32>
    %sub3A_2242 = vector.broadcast %broadcast_in_dim3A_580 : vector<4x1x1xf32> to vector<4x64x128xf32>
    %sub3A_2243 = arith.subf %get3A_34, %sub3A_2242 : vector<4x64x128xf32>
    %mul3A_2244 = arith.mulf %sub3A_2239, %sub3A_2239 : vector<4x64x128xf32>
    %mul3A_2245 = arith.mulf %sub3A_2241, %sub3A_2241 : vector<4x64x128xf32>
    %add3A_2246 = arith.addf %mul3A_2244, %mul3A_2245 : vector<4x64x128xf32>
    %mul3A_2247 = arith.mulf %sub3A_2243, %sub3A_2243 : vector<4x64x128xf32>
    %add3A_2248 = arith.addf %add3A_2246, %mul3A_2247 : vector<4x64x128xf32>
    %swap3A_2249 = arith.constant 1 : index
    %swap3A_2250 = arith.constant 32 : index
    %swap3A_2251 = arith.constant 0 : index
    %swap3A_2252 = arith.constant 0 : index
    %swap3A_2253 = vector.load %arg3[%swap3A_2249, %swap3A_2250, %swap3A_2251, %swap3A_2252] : memref<2x128x64x128xf32, #tpu.memory_space<vmem>>, vector<1x4x64x128xf32>
    %swap3A_2254 = vector.shape_cast %swap3A_2253 : vector<1x4x64x128xf32> to vector<4x64x128xf32>
    %swap3A_2255 = vector.shape_cast %add3A_2248 : vector<4x64x128xf32> to vector<1x4x64x128xf32>
    tpu.vector_store %arg3[%swap3A_2249, %swap3A_2250, %swap3A_2251, %swap3A_2252], %swap3A_2255 {strides = array<i32>} : memref<2x128x64x128xf32, #tpu.memory_space<vmem>>, vector<1x4x64x128xf32>,
    %sub3A_2256 = vector.broadcast %broadcast_in_dim3A_627 : vector<4x1x1xf32> to vector<4x64x128xf32>
    %sub3A_2257 = arith.subf %get3A_22, %sub3A_2256 : vector<4x64x128xf32>
    %sub3A_2258 = vector.broadcast %broadcast_in_dim3A_636 : vector<4x1x1xf32> to vector<4x64x128xf32>
    %sub3A_2259 = arith.subf %get3A_28, %sub3A_2258 : vector<4x64x128xf32>
    %sub3A_2260 = vector.broadcast %broadcast_in_dim3A_645 : vector<4x1x1xf32> to vector<4x64x128xf32>
    %sub3A_2261 = arith.subf %get3A_34, %sub3A_2260 : vector<4x64x128xf32>
    %mul3A_2262 = arith.mulf %sub3A_2257, %sub3A_2257 : vector<4x64x128xf32>
    %mul3A_2263 = arith.mulf %sub3A_2259, %sub3A_2259 : vector<4x64x128xf32>
    %add3A_2264 = arith.addf %mul3A_2262, %mul3A_2263 : vector<4x64x128xf32>
    %mul3A_2265 = arith.mulf %sub3A_2261, %sub3A_2261 : vector<4x64x128xf32>
    %add3A_2266 = arith.addf %add3A_2264, %mul3A_2265 : vector<4x64x128xf32>
    %swap3A_2267 = arith.constant 1 : index
    %swap3A_2268 = arith.constant 36 : index
    %swap3A_2269 = arith.constant 0 : index
    %swap3A_2270 = arith.constant 0 : index
    %swap3A_2271 = vector.load %arg3[%swap3A_2267, %swap3A_2268, %swap3A_2269, %swap3A_2270] : memref<2x128x64x128xf32, #tpu.memory_space<vmem>>, vector<1x4x64x128xf32>
    %swap3A_2272 = vector.shape_cast %swap3A_2271 : vector<1x4x64x128xf32> to vector<4x64x128xf32>
    %swap3A_2273 = vector.shape_cast %add3A_2266 : vector<4x64x128xf32> to vector<1x4x64x128xf32>
    tpu.vector_store %arg3[%swap3A_2267, %swap3A_2268, %swap3A_2269, %swap3A_2270], %swap3A_2273 {strides = array<i32>} : memref<2x128x64x128xf32, #tpu.memory_space<vmem>>, vector<1x4x64x128xf32>,
    %sub3A_2274 = vector.broadcast %broadcast_in_dim3A_692 : vector<4x1x1xf32> to vector<4x64x128xf32>
    %sub3A_2275 = arith.subf %get3A_22, %sub3A_2274 : vector<4x64x128xf32>
    %sub3A_2276 = vector.broadcast %broadcast_in_dim3A_701 : vector<4x1x1xf32> to vector<4x64x128xf32>
    %sub3A_2277 = arith.subf %get3A_28, %sub3A_2276 : vector<4x64x128xf32>
    %sub3A_2278 = vector.broadcast %broadcast_in_dim3A_710 : vector<4x1x1xf32> to vector<4x64x128xf32>
    %sub3A_2279 = arith.subf %get3A_34, %sub3A_2278 : vector<4x64x128xf32>
    %mul3A_2280 = arith.mulf %sub3A_2275, %sub3A_2275 : vector<4x64x128xf32>
    %mul3A_2281 = arith.mulf %sub3A_2277, %sub3A_2277 : vector<4x64x128xf32>
    %add3A_2282 = arith.addf %mul3A_2280, %mul3A_2281 : vector<4x64x128xf32>
    %mul3A_2283 = arith.mulf %sub3A_2279, %sub3A_2279 : vector<4x64x128xf32>
    %add3A_2284 = arith.addf %add3A_2282, %mul3A_2283 : vector<4x64x128xf32>
    %swap3A_2285 = arith.constant 1 : index
    %swap3A_2286 = arith.constant 40 : index
    %swap3A_2287 = arith.constant 0 : index
    %swap3A_2288 = arith.constant 0 : index
    %swap3A_2289 = vector.load %arg3[%swap3A_2285, %swap3A_2286, %swap3A_2287, %swap3A_2288] : memref<2x128x64x128xf32, #tpu.memory_space<vmem>>, vector<1x4x64x128xf32>
    %swap3A_2290 = vector.shape_cast %swap3A_2289 : vector<1x4x64x128xf32> to vector<4x64x128xf32>
    %swap3A_2291 = vector.shape_cast %add3A_2284 : vector<4x64x128xf32> to vector<1x4x64x128xf32>
    tpu.vector_store %arg3[%swap3A_2285, %swap3A_2286, %swap3A_2287, %swap3A_2288], %swap3A_2291 {strides = array<i32>} : memref<2x128x64x128xf32, #tpu.memory_space<vmem>>, vector<1x4x64x128xf32>,
    %sub3A_2292 = vector.broadcast %broadcast_in_dim3A_757 : vector<4x1x1xf32> to vector<4x64x128xf32>
    %sub3A_2293 = arith.subf %get3A_22, %sub3A_2292 : vector<4x64x128xf32>
    %sub3A_2294 = vector.broadcast %broadcast_in_dim3A_766 : vector<4x1x1xf32> to vector<4x64x128xf32>
    %sub3A_2295 = arith.subf %get3A_28, %sub3A_2294 : vector<4x64x128xf32>
    %sub3A_2296 = vector.broadcast %broadcast_in_dim3A_775 : vector<4x1x1xf32> to vector<4x64x128xf32>
    %sub3A_2297 = arith.subf %get3A_34, %sub3A_2296 : vector<4x64x128xf32>
    %mul3A_2298 = arith.mulf %sub3A_2293, %sub3A_2293 : vector<4x64x128xf32>
    %mul3A_2299 = arith.mulf %sub3A_2295, %sub3A_2295 : vector<4x64x128xf32>
    %add3A_2300 = arith.addf %mul3A_2298, %mul3A_2299 : vector<4x64x128xf32>
    %mul3A_2301 = arith.mulf %sub3A_2297, %sub3A_2297 : vector<4x64x128xf32>
    %add3A_2302 = arith.addf %add3A_2300, %mul3A_2301 : vector<4x64x128xf32>
    %swap3A_2303 = arith.constant 1 : index
    %swap3A_2304 = arith.constant 44 : index
    %swap3A_2305 = arith.constant 0 : index
    %swap3A_2306 = arith.constant 0 : index
    %swap3A_2307 = vector.load %arg3[%swap3A_2303, %swap3A_2304, %swap3A_2305, %swap3A_2306] : memref<2x128x64x128xf32, #tpu.memory_space<vmem>>, vector<1x4x64x128xf32>
    %swap3A_2308 = vector.shape_cast %swap3A_2307 : vector<1x4x64x128xf32> to vector<4x64x128xf32>
    %swap3A_2309 = vector.shape_cast %add3A_2302 : vector<4x64x128xf32> to vector<1x4x64x128xf32>
    tpu.vector_store %arg3[%swap3A_2303, %swap3A_2304, %swap3A_2305, %swap3A_2306], %swap3A_2309 {strides = array<i32>} : memref<2x128x64x128xf32, #tpu.memory_space<vmem>>, vector<1x4x64x128xf32>,
    %sub3A_2310 = vector.broadcast %broadcast_in_dim3A_822 : vector<4x1x1xf32> to vector<4x64x128xf32>
    %sub3A_2311 = arith.subf %get3A_22, %sub3A_2310 : vector<4x64x128xf32>
    %sub3A_2312 = vector.broadcast %broadcast_in_dim3A_831 : vector<4x1x1xf32> to vector<4x64x128xf32>
    %sub3A_2313 = arith.subf %get3A_28, %sub3A_2312 : vector<4x64x128xf32>
    %sub3A_2314 = vector.broadcast %broadcast_in_dim3A_840 : vector<4x1x1xf32> to vector<4x64x128xf32>
    %sub3A_2315 = arith.subf %get3A_34, %sub3A_2314 : vector<4x64x128xf32>
    %mul3A_2316 = arith.mulf %sub3A_2311, %sub3A_2311 : vector<4x64x128xf32>
    %mul3A_2317 = arith.mulf %sub3A_2313, %sub3A_2313 : vector<4x64x128xf32>
    %add3A_2318 = arith.addf %mul3A_2316, %mul3A_2317 : vector<4x64x128xf32>
    %mul3A_2319 = arith.mulf %sub3A_2315, %sub3A_2315 : vector<4x64x128xf32>
    %add3A_2320 = arith.addf %add3A_2318, %mul3A_2319 : vector<4x64x128xf32>
    %swap3A_2321 = arith.constant 1 : index
    %swap3A_2322 = arith.constant 48 : index
    %swap3A_2323 = arith.constant 0 : index
    %swap3A_2324 = arith.constant 0 : index
    %swap3A_2325 = vector.load %arg3[%swap3A_2321, %swap3A_2322, %swap3A_2323, %swap3A_2324] : memref<2x128x64x128xf32, #tpu.memory_space<vmem>>, vector<1x4x64x128xf32>
    %swap3A_2326 = vector.shape_cast %swap3A_2325 : vector<1x4x64x128xf32> to vector<4x64x128xf32>
    %swap3A_2327 = vector.shape_cast %add3A_2320 : vector<4x64x128xf32> to vector<1x4x64x128xf32>
    tpu.vector_store %arg3[%swap3A_2321, %swap3A_2322, %swap3A_2323, %swap3A_2324], %swap3A_2327 {strides = array<i32>} : memref<2x128x64x128xf32, #tpu.memory_space<vmem>>, vector<1x4x64x128xf32>,
    %sub3A_2328 = vector.broadcast %broadcast_in_dim3A_887 : vector<4x1x1xf32> to vector<4x64x128xf32>
    %sub3A_2329 = arith.subf %get3A_22, %sub3A_2328 : vector<4x64x128xf32>
    %sub3A_2330 = vector.broadcast %broadcast_in_dim3A_896 : vector<4x1x1xf32> to vector<4x64x128xf32>
    %sub3A_2331 = arith.subf %get3A_28, %sub3A_2330 : vector<4x64x128xf32>
    %sub3A_2332 = vector.broadcast %broadcast_in_dim3A_905 : vector<4x1x1xf32> to vector<4x64x128xf32>
    %sub3A_2333 = arith.subf %get3A_34, %sub3A_2332 : vector<4x64x128xf32>
    %mul3A_2334 = arith.mulf %sub3A_2329, %sub3A_2329 : vector<4x64x128xf32>
    %mul3A_2335 = arith.mulf %sub3A_2331, %sub3A_2331 : vector<4x64x128xf32>
    %add3A_2336 = arith.addf %mul3A_2334, %mul3A_2335 : vector<4x64x128xf32>
    %mul3A_2337 = arith.mulf %sub3A_2333, %sub3A_2333 : vector<4x64x128xf32>
    %add3A_2338 = arith.addf %add3A_2336, %mul3A_2337 : vector<4x64x128xf32>
    %swap3A_2339 = arith.constant 1 : index
    %swap3A_2340 = arith.constant 52 : index
    %swap3A_2341 = arith.constant 0 : index
    %swap3A_2342 = arith.constant 0 : index
    %swap3A_2343 = vector.load %arg3[%swap3A_2339, %swap3A_2340, %swap3A_2341, %swap3A_2342] : memref<2x128x64x128xf32, #tpu.memory_space<vmem>>, vector<1x4x64x128xf32>
    %swap3A_2344 = vector.shape_cast %swap3A_2343 : vector<1x4x64x128xf32> to vector<4x64x128xf32>
    %swap3A_2345 = vector.shape_cast %add3A_2338 : vector<4x64x128xf32> to vector<1x4x64x128xf32>
    tpu.vector_store %arg3[%swap3A_2339, %swap3A_2340, %swap3A_2341, %swap3A_2342], %swap3A_2345 {strides = array<i32>} : memref<2x128x64x128xf32, #tpu.memory_space<vmem>>, vector<1x4x64x128xf32>,
    %sub3A_2346 = vector.broadcast %broadcast_in_dim3A_952 : vector<4x1x1xf32> to vector<4x64x128xf32>
    %sub3A_2347 = arith.subf %get3A_22, %sub3A_2346 : vector<4x64x128xf32>
    %sub3A_2348 = vector.broadcast %broadcast_in_dim3A_961 : vector<4x1x1xf32> to vector<4x64x128xf32>
    %sub3A_2349 = arith.subf %get3A_28, %sub3A_2348 : vector<4x64x128xf32>
    %sub3A_2350 = vector.broadcast %broadcast_in_dim3A_970 : vector<4x1x1xf32> to vector<4x64x128xf32>
    %sub3A_2351 = arith.subf %get3A_34, %sub3A_2350 : vector<4x64x128xf32>
    %mul3A_2352 = arith.mulf %sub3A_2347, %sub3A_2347 : vector<4x64x128xf32>
    %mul3A_2353 = arith.mulf %sub3A_2349, %sub3A_2349 : vector<4x64x128xf32>
    %add3A_2354 = arith.addf %mul3A_2352, %mul3A_2353 : vector<4x64x128xf32>
    %mul3A_2355 = arith.mulf %sub3A_2351, %sub3A_2351 : vector<4x64x128xf32>
    %add3A_2356 = arith.addf %add3A_2354, %mul3A_2355 : vector<4x64x128xf32>
    %swap3A_2357 = arith.constant 1 : index
    %swap3A_2358 = arith.constant 56 : index
    %swap3A_2359 = arith.constant 0 : index
    %swap3A_2360 = arith.constant 0 : index
    %swap3A_2361 = vector.load %arg3[%swap3A_2357, %swap3A_2358, %swap3A_2359, %swap3A_2360] : memref<2x128x64x128xf32, #tpu.memory_space<vmem>>, vector<1x4x64x128xf32>
    %swap3A_2362 = vector.shape_cast %swap3A_2361 : vector<1x4x64x128xf32> to vector<4x64x128xf32>
    %swap3A_2363 = vector.shape_cast %add3A_2356 : vector<4x64x128xf32> to vector<1x4x64x128xf32>
    tpu.vector_store %arg3[%swap3A_2357, %swap3A_2358, %swap3A_2359, %swap3A_2360], %swap3A_2363 {strides = array<i32>} : memref<2x128x64x128xf32, #tpu.memory_space<vmem>>, vector<1x4x64x128xf32>,
    %sub3A_2364 = vector.broadcast %broadcast_in_dim3A_1017 : vector<4x1x1xf32> to vector<4x64x128xf32>
    %sub3A_2365 = arith.subf %get3A_22, %sub3A_2364 : vector<4x64x128xf32>
    %sub3A_2366 = vector.broadcast %broadcast_in_dim3A_1026 : vector<4x1x1xf32> to vector<4x64x128xf32>
    %sub3A_2367 = arith.subf %get3A_28, %sub3A_2366 : vector<4x64x128xf32>
    %sub3A_2368 = vector.broadcast %broadcast_in_dim3A_1035 : vector<4x1x1xf32> to vector<4x64x128xf32>
    %sub3A_2369 = arith.subf %get3A_34, %sub3A_2368 : vector<4x64x128xf32>
    %mul3A_2370 = arith.mulf %sub3A_2365, %sub3A_2365 : vector<4x64x128xf32>
    %mul3A_2371 = arith.mulf %sub3A_2367, %sub3A_2367 : vector<4x64x128xf32>
    %add3A_2372 = arith.addf %mul3A_2370, %mul3A_2371 : vector<4x64x128xf32>
    %mul3A_2373 = arith.mulf %sub3A_2369, %sub3A_2369 : vector<4x64x128xf32>
    %add3A_2374 = arith.addf %add3A_2372, %mul3A_2373 : vector<4x64x128xf32>
    %swap3A_2375 = arith.constant 1 : index
    %swap3A_2376 = arith.constant 60 : index
    %swap3A_2377 = arith.constant 0 : index
    %swap3A_2378 = arith.constant 0 : index
    %swap3A_2379 = vector.load %arg3[%swap3A_2375, %swap3A_2376, %swap3A_2377, %swap3A_2378] : memref<2x128x64x128xf32, #tpu.memory_space<vmem>>, vector<1x4x64x128xf32>
    %swap3A_2380 = vector.shape_cast %swap3A_2379 : vector<1x4x64x128xf32> to vector<4x64x128xf32>
    %swap3A_2381 = vector.shape_cast %add3A_2374 : vector<4x64x128xf32> to vector<1x4x64x128xf32>
    tpu.vector_store %arg3[%swap3A_2375, %swap3A_2376, %swap3A_2377, %swap3A_2378], %swap3A_2381 {strides = array<i32>} : memref<2x128x64x128xf32, #tpu.memory_space<vmem>>, vector<1x4x64x128xf32>,
    %sub3A_2382 = vector.broadcast %broadcast_in_dim3A_1082 : vector<4x1x1xf32> to vector<4x64x128xf32>
    %sub3A_2383 = arith.subf %get3A_22, %sub3A_2382 : vector<4x64x128xf32>
    %sub3A_2384 = vector.broadcast %broadcast_in_dim3A_1091 : vector<4x1x1xf32> to vector<4x64x128xf32>
    %sub3A_2385 = arith.subf %get3A_28, %sub3A_2384 : vector<4x64x128xf32>
    %sub3A_2386 = vector.broadcast %broadcast_in_dim3A_1100 : vector<4x1x1xf32> to vector<4x64x128xf32>
    %sub3A_2387 = arith.subf %get3A_34, %sub3A_2386 : vector<4x64x128xf32>
    %mul3A_2388 = arith.mulf %sub3A_2383, %sub3A_2383 : vector<4x64x128xf32>
    %mul3A_2389 = arith.mulf %sub3A_2385, %sub3A_2385 : vector<4x64x128xf32>
    %add3A_2390 = arith.addf %mul3A_2388, %mul3A_2389 : vector<4x64x128xf32>
    %mul3A_2391 = arith.mulf %sub3A_2387, %sub3A_2387 : vector<4x64x128xf32>
    %add3A_2392 = arith.addf %add3A_2390, %mul3A_2391 : vector<4x64x128xf32>
    %swap3A_2393 = arith.constant 1 : index
    %swap3A_2394 = arith.constant 64 : index
    %swap3A_2395 = arith.constant 0 : index
    %swap3A_2396 = arith.constant 0 : index
    %swap3A_2397 = vector.load %arg3[%swap3A_2393, %swap3A_2394, %swap3A_2395, %swap3A_2396] : memref<2x128x64x128xf32, #tpu.memory_space<vmem>>, vector<1x4x64x128xf32>
    %swap3A_2398 = vector.shape_cast %swap3A_2397 : vector<1x4x64x128xf32> to vector<4x64x128xf32>
    %swap3A_2399 = vector.shape_cast %add3A_2392 : vector<4x64x128xf32> to vector<1x4x64x128xf32>
    tpu.vector_store %arg3[%swap3A_2393, %swap3A_2394, %swap3A_2395, %swap3A_2396], %swap3A_2399 {strides = array<i32>} : memref<2x128x64x128xf32, #tpu.memory_space<vmem>>, vector<1x4x64x128xf32>,
    %sub3A_2400 = vector.broadcast %broadcast_in_dim3A_1147 : vector<4x1x1xf32> to vector<4x64x128xf32>
    %sub3A_2401 = arith.subf %get3A_22, %sub3A_2400 : vector<4x64x128xf32>
    %sub3A_2402 = vector.broadcast %broadcast_in_dim3A_1156 : vector<4x1x1xf32> to vector<4x64x128xf32>
    %sub3A_2403 = arith.subf %get3A_28, %sub3A_2402 : vector<4x64x128xf32>
    %sub3A_2404 = vector.broadcast %broadcast_in_dim3A_1165 : vector<4x1x1xf32> to vector<4x64x128xf32>
    %sub3A_2405 = arith.subf %get3A_34, %sub3A_2404 : vector<4x64x128xf32>
    %mul3A_2406 = arith.mulf %sub3A_2401, %sub3A_2401 : vector<4x64x128xf32>
    %mul3A_2407 = arith.mulf %sub3A_2403, %sub3A_2403 : vector<4x64x128xf32>
    %add3A_2408 = arith.addf %mul3A_2406, %mul3A_2407 : vector<4x64x128xf32>
    %mul3A_2409 = arith.mulf %sub3A_2405, %sub3A_2405 : vector<4x64x128xf32>
    %add3A_2410 = arith.addf %add3A_2408, %mul3A_2409 : vector<4x64x128xf32>
    %swap3A_2411 = arith.constant 1 : index
    %swap3A_2412 = arith.constant 68 : index
    %swap3A_2413 = arith.constant 0 : index
    %swap3A_2414 = arith.constant 0 : index
    %swap3A_2415 = vector.load %arg3[%swap3A_2411, %swap3A_2412, %swap3A_2413, %swap3A_2414] : memref<2x128x64x128xf32, #tpu.memory_space<vmem>>, vector<1x4x64x128xf32>
    %swap3A_2416 = vector.shape_cast %swap3A_2415 : vector<1x4x64x128xf32> to vector<4x64x128xf32>
    %swap3A_2417 = vector.shape_cast %add3A_2410 : vector<4x64x128xf32> to vector<1x4x64x128xf32>
    tpu.vector_store %arg3[%swap3A_2411, %swap3A_2412, %swap3A_2413, %swap3A_2414], %swap3A_2417 {strides = array<i32>} : memref<2x128x64x128xf32, #tpu.memory_space<vmem>>, vector<1x4x64x128xf32>,
    %sub3A_2418 = vector.broadcast %broadcast_in_dim3A_1212 : vector<4x1x1xf32> to vector<4x64x128xf32>
    %sub3A_2419 = arith.subf %get3A_22, %sub3A_2418 : vector<4x64x128xf32>
    %sub3A_2420 = vector.broadcast %broadcast_in_dim3A_1221 : vector<4x1x1xf32> to vector<4x64x128xf32>
    %sub3A_2421 = arith.subf %get3A_28, %sub3A_2420 : vector<4x64x128xf32>
    %sub3A_2422 = vector.broadcast %broadcast_in_dim3A_1230 : vector<4x1x1xf32> to vector<4x64x128xf32>
    %sub3A_2423 = arith.subf %get3A_34, %sub3A_2422 : vector<4x64x128xf32>
    %mul3A_2424 = arith.mulf %sub3A_2419, %sub3A_2419 : vector<4x64x128xf32>
    %mul3A_2425 = arith.mulf %sub3A_2421, %sub3A_2421 : vector<4x64x128xf32>
    %add3A_2426 = arith.addf %mul3A_2424, %mul3A_2425 : vector<4x64x128xf32>
    %mul3A_2427 = arith.mulf %sub3A_2423, %sub3A_2423 : vector<4x64x128xf32>
    %add3A_2428 = arith.addf %add3A_2426, %mul3A_2427 : vector<4x64x128xf32>
    %swap3A_2429 = arith.constant 1 : index
    %swap3A_2430 = arith.constant 72 : index
    %swap3A_2431 = arith.constant 0 : index
    %swap3A_2432 = arith.constant 0 : index
    %swap3A_2433 = vector.load %arg3[%swap3A_2429, %swap3A_2430, %swap3A_2431, %swap3A_2432] : memref<2x128x64x128xf32, #tpu.memory_space<vmem>>, vector<1x4x64x128xf32>
    %swap3A_2434 = vector.shape_cast %swap3A_2433 : vector<1x4x64x128xf32> to vector<4x64x128xf32>
    %swap3A_2435 = vector.shape_cast %add3A_2428 : vector<4x64x128xf32> to vector<1x4x64x128xf32>
    tpu.vector_store %arg3[%swap3A_2429, %swap3A_2430, %swap3A_2431, %swap3A_2432], %swap3A_2435 {strides = array<i32>} : memref<2x128x64x128xf32, #tpu.memory_space<vmem>>, vector<1x4x64x128xf32>,
    %sub3A_2436 = vector.broadcast %broadcast_in_dim3A_1277 : vector<4x1x1xf32> to vector<4x64x128xf32>
    %sub3A_2437 = arith.subf %get3A_22, %sub3A_2436 : vector<4x64x128xf32>
    %sub3A_2438 = vector.broadcast %broadcast_in_dim3A_1286 : vector<4x1x1xf32> to vector<4x64x128xf32>
    %sub3A_2439 = arith.subf %get3A_28, %sub3A_2438 : vector<4x64x128xf32>
    %sub3A_2440 = vector.broadcast %broadcast_in_dim3A_1295 : vector<4x1x1xf32> to vector<4x64x128xf32>
    %sub3A_2441 = arith.subf %get3A_34, %sub3A_2440 : vector<4x64x128xf32>
    %mul3A_2442 = arith.mulf %sub3A_2437, %sub3A_2437 : vector<4x64x128xf32>
    %mul3A_2443 = arith.mulf %sub3A_2439, %sub3A_2439 : vector<4x64x128xf32>
    %add3A_2444 = arith.addf %mul3A_2442, %mul3A_2443 : vector<4x64x128xf32>
    %mul3A_2445 = arith.mulf %sub3A_2441, %sub3A_2441 : vector<4x64x128xf32>
    %add3A_2446 = arith.addf %add3A_2444, %mul3A_2445 : vector<4x64x128xf32>
    %swap3A_2447 = arith.constant 1 : index
    %swap3A_2448 = arith.constant 76 : index
    %swap3A_2449 = arith.constant 0 : index
    %swap3A_2450 = arith.constant 0 : index
    %swap3A_2451 = vector.load %arg3[%swap3A_2447, %swap3A_2448, %swap3A_2449, %swap3A_2450] : memref<2x128x64x128xf32, #tpu.memory_space<vmem>>, vector<1x4x64x128xf32>
    %swap3A_2452 = vector.shape_cast %swap3A_2451 : vector<1x4x64x128xf32> to vector<4x64x128xf32>
    %swap3A_2453 = vector.shape_cast %add3A_2446 : vector<4x64x128xf32> to vector<1x4x64x128xf32>
    tpu.vector_store %arg3[%swap3A_2447, %swap3A_2448, %swap3A_2449, %swap3A_2450], %swap3A_2453 {strides = array<i32>} : memref<2x128x64x128xf32, #tpu.memory_space<vmem>>, vector<1x4x64x128xf32>,
    %sub3A_2454 = vector.broadcast %broadcast_in_dim3A_1342 : vector<4x1x1xf32> to vector<4x64x128xf32>
    %sub3A_2455 = arith.subf %get3A_22, %sub3A_2454 : vector<4x64x128xf32>
    %sub3A_2456 = vector.broadcast %broadcast_in_dim3A_1351 : vector<4x1x1xf32> to vector<4x64x128xf32>
    %sub3A_2457 = arith.subf %get3A_28, %sub3A_2456 : vector<4x64x128xf32>
    %sub3A_2458 = vector.broadcast %broadcast_in_dim3A_1360 : vector<4x1x1xf32> to vector<4x64x128xf32>
    %sub3A_2459 = arith.subf %get3A_34, %sub3A_2458 : vector<4x64x128xf32>
    %mul3A_2460 = arith.mulf %sub3A_2455, %sub3A_2455 : vector<4x64x128xf32>
    %mul3A_2461 = arith.mulf %sub3A_2457, %sub3A_2457 : vector<4x64x128xf32>
    %add3A_2462 = arith.addf %mul3A_2460, %mul3A_2461 : vector<4x64x128xf32>
    %mul3A_2463 = arith.mulf %sub3A_2459, %sub3A_2459 : vector<4x64x128xf32>
    %add3A_2464 = arith.addf %add3A_2462, %mul3A_2463 : vector<4x64x128xf32>
    %swap3A_2465 = arith.constant 1 : index
    %swap3A_2466 = arith.constant 80 : index
    %swap3A_2467 = arith.constant 0 : index
    %swap3A_2468 = arith.constant 0 : index
    %swap3A_2469 = vector.load %arg3[%swap3A_2465, %swap3A_2466, %swap3A_2467, %swap3A_2468] : memref<2x128x64x128xf32, #tpu.memory_space<vmem>>, vector<1x4x64x128xf32>
    %swap3A_2470 = vector.shape_cast %swap3A_2469 : vector<1x4x64x128xf32> to vector<4x64x128xf32>
    %swap3A_2471 = vector.shape_cast %add3A_2464 : vector<4x64x128xf32> to vector<1x4x64x128xf32>
    tpu.vector_store %arg3[%swap3A_2465, %swap3A_2466, %swap3A_2467, %swap3A_2468], %swap3A_2471 {strides = array<i32>} : memref<2x128x64x128xf32, #tpu.memory_space<vmem>>, vector<1x4x64x128xf32>,
    %sub3A_2472 = vector.broadcast %broadcast_in_dim3A_1407 : vector<4x1x1xf32> to vector<4x64x128xf32>
    %sub3A_2473 = arith.subf %get3A_22, %sub3A_2472 : vector<4x64x128xf32>
    %sub3A_2474 = vector.broadcast %broadcast_in_dim3A_1416 : vector<4x1x1xf32> to vector<4x64x128xf32>
    %sub3A_2475 = arith.subf %get3A_28, %sub3A_2474 : vector<4x64x128xf32>
    %sub3A_2476 = vector.broadcast %broadcast_in_dim3A_1425 : vector<4x1x1xf32> to vector<4x64x128xf32>
    %sub3A_2477 = arith.subf %get3A_34, %sub3A_2476 : vector<4x64x128xf32>
    %mul3A_2478 = arith.mulf %sub3A_2473, %sub3A_2473 : vector<4x64x128xf32>
    %mul3A_2479 = arith.mulf %sub3A_2475, %sub3A_2475 : vector<4x64x128xf32>
    %add3A_2480 = arith.addf %mul3A_2478, %mul3A_2479 : vector<4x64x128xf32>
    %mul3A_2481 = arith.mulf %sub3A_2477, %sub3A_2477 : vector<4x64x128xf32>
    %add3A_2482 = arith.addf %add3A_2480, %mul3A_2481 : vector<4x64x128xf32>
    %swap3A_2483 = arith.constant 1 : index
    %swap3A_2484 = arith.constant 84 : index
    %swap3A_2485 = arith.constant 0 : index
    %swap3A_2486 = arith.constant 0 : index
    %swap3A_2487 = vector.load %arg3[%swap3A_2483, %swap3A_2484, %swap3A_2485, %swap3A_2486] : memref<2x128x64x128xf32, #tpu.memory_space<vmem>>, vector<1x4x64x128xf32>
    %swap3A_2488 = vector.shape_cast %swap3A_2487 : vector<1x4x64x128xf32> to vector<4x64x128xf32>
    %swap3A_2489 = vector.shape_cast %add3A_2482 : vector<4x64x128xf32> to vector<1x4x64x128xf32>
    tpu.vector_store %arg3[%swap3A_2483, %swap3A_2484, %swap3A_2485, %swap3A_2486], %swap3A_2489 {strides = array<i32>} : memref<2x128x64x128xf32, #tpu.memory_space<vmem>>, vector<1x4x64x128xf32>,
    %sub3A_2490 = vector.broadcast %broadcast_in_dim3A_1472 : vector<4x1x1xf32> to vector<4x64x128xf32>
    %sub3A_2491 = arith.subf %get3A_22, %sub3A_2490 : vector<4x64x128xf32>
    %sub3A_2492 = vector.broadcast %broadcast_in_dim3A_1481 : vector<4x1x1xf32> to vector<4x64x128xf32>
    %sub3A_2493 = arith.subf %get3A_28, %sub3A_2492 : vector<4x64x128xf32>
    %sub3A_2494 = vector.broadcast %broadcast_in_dim3A_1490 : vector<4x1x1xf32> to vector<4x64x128xf32>
    %sub3A_2495 = arith.subf %get3A_34, %sub3A_2494 : vector<4x64x128xf32>
    %mul3A_2496 = arith.mulf %sub3A_2491, %sub3A_2491 : vector<4x64x128xf32>
    %mul3A_2497 = arith.mulf %sub3A_2493, %sub3A_2493 : vector<4x64x128xf32>
    %add3A_2498 = arith.addf %mul3A_2496, %mul3A_2497 : vector<4x64x128xf32>
    %mul3A_2499 = arith.mulf %sub3A_2495, %sub3A_2495 : vector<4x64x128xf32>
    %add3A_2500 = arith.addf %add3A_2498, %mul3A_2499 : vector<4x64x128xf32>
    %swap3A_2501 = arith.constant 1 : index
    %swap3A_2502 = arith.constant 88 : index
    %swap3A_2503 = arith.constant 0 : index
    %swap3A_2504 = arith.constant 0 : index
    %swap3A_2505 = vector.load %arg3[%swap3A_2501, %swap3A_2502, %swap3A_2503, %swap3A_2504] : memref<2x128x64x128xf32, #tpu.memory_space<vmem>>, vector<1x4x64x128xf32>
    %swap3A_2506 = vector.shape_cast %swap3A_2505 : vector<1x4x64x128xf32> to vector<4x64x128xf32>
    %swap3A_2507 = vector.shape_cast %add3A_2500 : vector<4x64x128xf32> to vector<1x4x64x128xf32>
    tpu.vector_store %arg3[%swap3A_2501, %swap3A_2502, %swap3A_2503, %swap3A_2504], %swap3A_2507 {strides = array<i32>} : memref<2x128x64x128xf32, #tpu.memory_space<vmem>>, vector<1x4x64x128xf32>,
    %sub3A_2508 = vector.broadcast %broadcast_in_dim3A_1537 : vector<4x1x1xf32> to vector<4x64x128xf32>
    %sub3A_2509 = arith.subf %get3A_22, %sub3A_2508 : vector<4x64x128xf32>
    %sub3A_2510 = vector.broadcast %broadcast_in_dim3A_1546 : vector<4x1x1xf32> to vector<4x64x128xf32>
    %sub3A_2511 = arith.subf %get3A_28, %sub3A_2510 : vector<4x64x128xf32>
    %sub3A_2512 = vector.broadcast %broadcast_in_dim3A_1555 : vector<4x1x1xf32> to vector<4x64x128xf32>
    %sub3A_2513 = arith.subf %get3A_34, %sub3A_2512 : vector<4x64x128xf32>
    %mul3A_2514 = arith.mulf %sub3A_2509, %sub3A_2509 : vector<4x64x128xf32>
    %mul3A_2515 = arith.mulf %sub3A_2511, %sub3A_2511 : vector<4x64x128xf32>
    %add3A_2516 = arith.addf %mul3A_2514, %mul3A_2515 : vector<4x64x128xf32>
    %mul3A_2517 = arith.mulf %sub3A_2513, %sub3A_2513 : vector<4x64x128xf32>
    %add3A_2518 = arith.addf %add3A_2516, %mul3A_2517 : vector<4x64x128xf32>
    %swap3A_2519 = arith.constant 1 : index
    %swap3A_2520 = arith.constant 92 : index
    %swap3A_2521 = arith.constant 0 : index
    %swap3A_2522 = arith.constant 0 : index
    %swap3A_2523 = vector.load %arg3[%swap3A_2519, %swap3A_2520, %swap3A_2521, %swap3A_2522] : memref<2x128x64x128xf32, #tpu.memory_space<vmem>>, vector<1x4x64x128xf32>
    %swap3A_2524 = vector.shape_cast %swap3A_2523 : vector<1x4x64x128xf32> to vector<4x64x128xf32>
    %swap3A_2525 = vector.shape_cast %add3A_2518 : vector<4x64x128xf32> to vector<1x4x64x128xf32>
    tpu.vector_store %arg3[%swap3A_2519, %swap3A_2520, %swap3A_2521, %swap3A_2522], %swap3A_2525 {strides = array<i32>} : memref<2x128x64x128xf32, #tpu.memory_space<vmem>>, vector<1x4x64x128xf32>,
    %sub3A_2526 = vector.broadcast %broadcast_in_dim3A_1602 : vector<4x1x1xf32> to vector<4x64x128xf32>
    %sub3A_2527 = arith.subf %get3A_22, %sub3A_2526 : vector<4x64x128xf32>
    %sub3A_2528 = vector.broadcast %broadcast_in_dim3A_1611 : vector<4x1x1xf32> to vector<4x64x128xf32>
    %sub3A_2529 = arith.subf %get3A_28, %sub3A_2528 : vector<4x64x128xf32>
    %sub3A_2530 = vector.broadcast %broadcast_in_dim3A_1620 : vector<4x1x1xf32> to vector<4x64x128xf32>
    %sub3A_2531 = arith.subf %get3A_34, %sub3A_2530 : vector<4x64x128xf32>
    %mul3A_2532 = arith.mulf %sub3A_2527, %sub3A_2527 : vector<4x64x128xf32>
    %mul3A_2533 = arith.mulf %sub3A_2529, %sub3A_2529 : vector<4x64x128xf32>
    %add3A_2534 = arith.addf %mul3A_2532, %mul3A_2533 : vector<4x64x128xf32>
    %mul3A_2535 = arith.mulf %sub3A_2531, %sub3A_2531 : vector<4x64x128xf32>
    %add3A_2536 = arith.addf %add3A_2534, %mul3A_2535 : vector<4x64x128xf32>
    %swap3A_2537 = arith.constant 1 : index
    %swap3A_2538 = arith.constant 96 : index
    %swap3A_2539 = arith.constant 0 : index
    %swap3A_2540 = arith.constant 0 : index
    %swap3A_2541 = vector.load %arg3[%swap3A_2537, %swap3A_2538, %swap3A_2539, %swap3A_2540] : memref<2x128x64x128xf32, #tpu.memory_space<vmem>>, vector<1x4x64x128xf32>
    %swap3A_2542 = vector.shape_cast %swap3A_2541 : vector<1x4x64x128xf32> to vector<4x64x128xf32>
    %swap3A_2543 = vector.shape_cast %add3A_2536 : vector<4x64x128xf32> to vector<1x4x64x128xf32>
    tpu.vector_store %arg3[%swap3A_2537, %swap3A_2538, %swap3A_2539, %swap3A_2540], %swap3A_2543 {strides = array<i32>} : memref<2x128x64x128xf32, #tpu.memory_space<vmem>>, vector<1x4x64x128xf32>,
    %sub3A_2544 = vector.broadcast %broadcast_in_dim3A_1667 : vector<4x1x1xf32> to vector<4x64x128xf32>
    %sub3A_2545 = arith.subf %get3A_22, %sub3A_2544 : vector<4x64x128xf32>
    %sub3A_2546 = vector.broadcast %broadcast_in_dim3A_1676 : vector<4x1x1xf32> to vector<4x64x128xf32>
    %sub3A_2547 = arith.subf %get3A_28, %sub3A_2546 : vector<4x64x128xf32>
    %sub3A_2548 = vector.broadcast %broadcast_in_dim3A_1685 : vector<4x1x1xf32> to vector<4x64x128xf32>
    %sub3A_2549 = arith.subf %get3A_34, %sub3A_2548 : vector<4x64x128xf32>
    %mul3A_2550 = arith.mulf %sub3A_2545, %sub3A_2545 : vector<4x64x128xf32>
    %mul3A_2551 = arith.mulf %sub3A_2547, %sub3A_2547 : vector<4x64x128xf32>
    %add3A_2552 = arith.addf %mul3A_2550, %mul3A_2551 : vector<4x64x128xf32>
    %mul3A_2553 = arith.mulf %sub3A_2549, %sub3A_2549 : vector<4x64x128xf32>
    %add3A_2554 = arith.addf %add3A_2552, %mul3A_2553 : vector<4x64x128xf32>
    %swap3A_2555 = arith.constant 1 : index
    %swap3A_2556 = arith.constant 100 : index
    %swap3A_2557 = arith.constant 0 : index
    %swap3A_2558 = arith.constant 0 : index
    %swap3A_2559 = vector.load %arg3[%swap3A_2555, %swap3A_2556, %swap3A_2557, %swap3A_2558] : memref<2x128x64x128xf32, #tpu.memory_space<vmem>>, vector<1x4x64x128xf32>
    %swap3A_2560 = vector.shape_cast %swap3A_2559 : vector<1x4x64x128xf32> to vector<4x64x128xf32>
    %swap3A_2561 = vector.shape_cast %add3A_2554 : vector<4x64x128xf32> to vector<1x4x64x128xf32>
    tpu.vector_store %arg3[%swap3A_2555, %swap3A_2556, %swap3A_2557, %swap3A_2558], %swap3A_2561 {strides = array<i32>} : memref<2x128x64x128xf32, #tpu.memory_space<vmem>>, vector<1x4x64x128xf32>,
    %sub3A_2562 = vector.broadcast %broadcast_in_dim3A_1732 : vector<4x1x1xf32> to vector<4x64x128xf32>
    %sub3A_2563 = arith.subf %get3A_22, %sub3A_2562 : vector<4x64x128xf32>
    %sub3A_2564 = vector.broadcast %broadcast_in_dim3A_1741 : vector<4x1x1xf32> to vector<4x64x128xf32>
    %sub3A_2565 = arith.subf %get3A_28, %sub3A_2564 : vector<4x64x128xf32>
    %sub3A_2566 = vector.broadcast %broadcast_in_dim3A_1750 : vector<4x1x1xf32> to vector<4x64x128xf32>
    %sub3A_2567 = arith.subf %get3A_34, %sub3A_2566 : vector<4x64x128xf32>
    %mul3A_2568 = arith.mulf %sub3A_2563, %sub3A_2563 : vector<4x64x128xf32>
    %mul3A_2569 = arith.mulf %sub3A_2565, %sub3A_2565 : vector<4x64x128xf32>
    %add3A_2570 = arith.addf %mul3A_2568, %mul3A_2569 : vector<4x64x128xf32>
    %mul3A_2571 = arith.mulf %sub3A_2567, %sub3A_2567 : vector<4x64x128xf32>
    %add3A_2572 = arith.addf %add3A_2570, %mul3A_2571 : vector<4x64x128xf32>
    %swap3A_2573 = arith.constant 1 : index
    %swap3A_2574 = arith.constant 104 : index
    %swap3A_2575 = arith.constant 0 : index
    %swap3A_2576 = arith.constant 0 : index
    %swap3A_2577 = vector.load %arg3[%swap3A_2573, %swap3A_2574, %swap3A_2575, %swap3A_2576] : memref<2x128x64x128xf32, #tpu.memory_space<vmem>>, vector<1x4x64x128xf32>
    %swap3A_2578 = vector.shape_cast %swap3A_2577 : vector<1x4x64x128xf32> to vector<4x64x128xf32>
    %swap3A_2579 = vector.shape_cast %add3A_2572 : vector<4x64x128xf32> to vector<1x4x64x128xf32>
    tpu.vector_store %arg3[%swap3A_2573, %swap3A_2574, %swap3A_2575, %swap3A_2576], %swap3A_2579 {strides = array<i32>} : memref<2x128x64x128xf32, #tpu.memory_space<vmem>>, vector<1x4x64x128xf32>,
    %sub3A_2580 = vector.broadcast %broadcast_in_dim3A_1797 : vector<4x1x1xf32> to vector<4x64x128xf32>
    %sub3A_2581 = arith.subf %get3A_22, %sub3A_2580 : vector<4x64x128xf32>
    %sub3A_2582 = vector.broadcast %broadcast_in_dim3A_1806 : vector<4x1x1xf32> to vector<4x64x128xf32>
    %sub3A_2583 = arith.subf %get3A_28, %sub3A_2582 : vector<4x64x128xf32>
    %sub3A_2584 = vector.broadcast %broadcast_in_dim3A_1815 : vector<4x1x1xf32> to vector<4x64x128xf32>
    %sub3A_2585 = arith.subf %get3A_34, %sub3A_2584 : vector<4x64x128xf32>
    %mul3A_2586 = arith.mulf %sub3A_2581, %sub3A_2581 : vector<4x64x128xf32>
    %mul3A_2587 = arith.mulf %sub3A_2583, %sub3A_2583 : vector<4x64x128xf32>
    %add3A_2588 = arith.addf %mul3A_2586, %mul3A_2587 : vector<4x64x128xf32>
    %mul3A_2589 = arith.mulf %sub3A_2585, %sub3A_2585 : vector<4x64x128xf32>
    %add3A_2590 = arith.addf %add3A_2588, %mul3A_2589 : vector<4x64x128xf32>
    %swap3A_2591 = arith.constant 1 : index
    %swap3A_2592 = arith.constant 108 : index
    %swap3A_2593 = arith.constant 0 : index
    %swap3A_2594 = arith.constant 0 : index
    %swap3A_2595 = vector.load %arg3[%swap3A_2591, %swap3A_2592, %swap3A_2593, %swap3A_2594] : memref<2x128x64x128xf32, #tpu.memory_space<vmem>>, vector<1x4x64x128xf32>
    %swap3A_2596 = vector.shape_cast %swap3A_2595 : vector<1x4x64x128xf32> to vector<4x64x128xf32>
    %swap3A_2597 = vector.shape_cast %add3A_2590 : vector<4x64x128xf32> to vector<1x4x64x128xf32>
    tpu.vector_store %arg3[%swap3A_2591, %swap3A_2592, %swap3A_2593, %swap3A_2594], %swap3A_2597 {strides = array<i32>} : memref<2x128x64x128xf32, #tpu.memory_space<vmem>>, vector<1x4x64x128xf32>,
    %sub3A_2598 = vector.broadcast %broadcast_in_dim3A_1862 : vector<4x1x1xf32> to vector<4x64x128xf32>
    %sub3A_2599 = arith.subf %get3A_22, %sub3A_2598 : vector<4x64x128xf32>
    %sub3A_2600 = vector.broadcast %broadcast_in_dim3A_1871 : vector<4x1x1xf32> to vector<4x64x128xf32>
    %sub3A_2601 = arith.subf %get3A_28, %sub3A_2600 : vector<4x64x128xf32>
    %sub3A_2602 = vector.broadcast %broadcast_in_dim3A_1880 : vector<4x1x1xf32> to vector<4x64x128xf32>
    %sub3A_2603 = arith.subf %get3A_34, %sub3A_2602 : vector<4x64x128xf32>
    %mul3A_2604 = arith.mulf %sub3A_2599, %sub3A_2599 : vector<4x64x128xf32>
    %mul3A_2605 = arith.mulf %sub3A_2601, %sub3A_2601 : vector<4x64x128xf32>
    %add3A_2606 = arith.addf %mul3A_2604, %mul3A_2605 : vector<4x64x128xf32>
    %mul3A_2607 = arith.mulf %sub3A_2603, %sub3A_2603 : vector<4x64x128xf32>
    %add3A_2608 = arith.addf %add3A_2606, %mul3A_2607 : vector<4x64x128xf32>
    %swap3A_2609 = arith.constant 1 : index
    %swap3A_2610 = arith.constant 112 : index
    %swap3A_2611 = arith.constant 0 : index
    %swap3A_2612 = arith.constant 0 : index
    %swap3A_2613 = vector.load %arg3[%swap3A_2609, %swap3A_2610, %swap3A_2611, %swap3A_2612] : memref<2x128x64x128xf32, #tpu.memory_space<vmem>>, vector<1x4x64x128xf32>
    %swap3A_2614 = vector.shape_cast %swap3A_2613 : vector<1x4x64x128xf32> to vector<4x64x128xf32>
    %swap3A_2615 = vector.shape_cast %add3A_2608 : vector<4x64x128xf32> to vector<1x4x64x128xf32>
    tpu.vector_store %arg3[%swap3A_2609, %swap3A_2610, %swap3A_2611, %swap3A_2612], %swap3A_2615 {strides = array<i32>} : memref<2x128x64x128xf32, #tpu.memory_space<vmem>>, vector<1x4x64x128xf32>,
    %sub3A_2616 = vector.broadcast %broadcast_in_dim3A_1927 : vector<4x1x1xf32> to vector<4x64x128xf32>
    %sub3A_2617 = arith.subf %get3A_22, %sub3A_2616 : vector<4x64x128xf32>
    %sub3A_2618 = vector.broadcast %broadcast_in_dim3A_1936 : vector<4x1x1xf32> to vector<4x64x128xf32>
    %sub3A_2619 = arith.subf %get3A_28, %sub3A_2618 : vector<4x64x128xf32>
    %sub3A_2620 = vector.broadcast %broadcast_in_dim3A_1945 : vector<4x1x1xf32> to vector<4x64x128xf32>
    %sub3A_2621 = arith.subf %get3A_34, %sub3A_2620 : vector<4x64x128xf32>
    %mul3A_2622 = arith.mulf %sub3A_2617, %sub3A_2617 : vector<4x64x128xf32>
    %mul3A_2623 = arith.mulf %sub3A_2619, %sub3A_2619 : vector<4x64x128xf32>
    %add3A_2624 = arith.addf %mul3A_2622, %mul3A_2623 : vector<4x64x128xf32>
    %mul3A_2625 = arith.mulf %sub3A_2621, %sub3A_2621 : vector<4x64x128xf32>
    %add3A_2626 = arith.addf %add3A_2624, %mul3A_2625 : vector<4x64x128xf32>
    %swap3A_2627 = arith.constant 1 : index
    %swap3A_2628 = arith.constant 116 : index
    %swap3A_2629 = arith.constant 0 : index
    %swap3A_2630 = arith.constant 0 : index
    %swap3A_2631 = vector.load %arg3[%swap3A_2627, %swap3A_2628, %swap3A_2629, %swap3A_2630] : memref<2x128x64x128xf32, #tpu.memory_space<vmem>>, vector<1x4x64x128xf32>
    %swap3A_2632 = vector.shape_cast %swap3A_2631 : vector<1x4x64x128xf32> to vector<4x64x128xf32>
    %swap3A_2633 = vector.shape_cast %add3A_2626 : vector<4x64x128xf32> to vector<1x4x64x128xf32>
    tpu.vector_store %arg3[%swap3A_2627, %swap3A_2628, %swap3A_2629, %swap3A_2630], %swap3A_2633 {strides = array<i32>} : memref<2x128x64x128xf32, #tpu.memory_space<vmem>>, vector<1x4x64x128xf32>,
    %sub3A_2634 = vector.broadcast %broadcast_in_dim3A_1992 : vector<4x1x1xf32> to vector<4x64x128xf32>
    %sub3A_2635 = arith.subf %get3A_22, %sub3A_2634 : vector<4x64x128xf32>
    %sub3A_2636 = vector.broadcast %broadcast_in_dim3A_2001 : vector<4x1x1xf32> to vector<4x64x128xf32>
    %sub3A_2637 = arith.subf %get3A_28, %sub3A_2636 : vector<4x64x128xf32>
    %sub3A_2638 = vector.broadcast %broadcast_in_dim3A_2010 : vector<4x1x1xf32> to vector<4x64x128xf32>
    %sub3A_2639 = arith.subf %get3A_34, %sub3A_2638 : vector<4x64x128xf32>
    %mul3A_2640 = arith.mulf %sub3A_2635, %sub3A_2635 : vector<4x64x128xf32>
    %mul3A_2641 = arith.mulf %sub3A_2637, %sub3A_2637 : vector<4x64x128xf32>
    %add3A_2642 = arith.addf %mul3A_2640, %mul3A_2641 : vector<4x64x128xf32>
    %mul3A_2643 = arith.mulf %sub3A_2639, %sub3A_2639 : vector<4x64x128xf32>
    %add3A_2644 = arith.addf %add3A_2642, %mul3A_2643 : vector<4x64x128xf32>
    %swap3A_2645 = arith.constant 1 : index
    %swap3A_2646 = arith.constant 120 : index
    %swap3A_2647 = arith.constant 0 : index
    %swap3A_2648 = arith.constant 0 : index
    %swap3A_2649 = vector.load %arg3[%swap3A_2645, %swap3A_2646, %swap3A_2647, %swap3A_2648] : memref<2x128x64x128xf32, #tpu.memory_space<vmem>>, vector<1x4x64x128xf32>
    %swap3A_2650 = vector.shape_cast %swap3A_2649 : vector<1x4x64x128xf32> to vector<4x64x128xf32>
    %swap3A_2651 = vector.shape_cast %add3A_2644 : vector<4x64x128xf32> to vector<1x4x64x128xf32>
    tpu.vector_store %arg3[%swap3A_2645, %swap3A_2646, %swap3A_2647, %swap3A_2648], %swap3A_2651 {strides = array<i32>} : memref<2x128x64x128xf32, #tpu.memory_space<vmem>>, vector<1x4x64x128xf32>,
    %sub3A_2652 = vector.broadcast %broadcast_in_dim3A_2057 : vector<4x1x1xf32> to vector<4x64x128xf32>
    %sub3A_2653 = arith.subf %get3A_22, %sub3A_2652 : vector<4x64x128xf32>
    %sub3A_2654 = vector.broadcast %broadcast_in_dim3A_2066 : vector<4x1x1xf32> to vector<4x64x128xf32>
    %sub3A_2655 = arith.subf %get3A_28, %sub3A_2654 : vector<4x64x128xf32>
    %sub3A_2656 = vector.broadcast %broadcast_in_dim3A_2075 : vector<4x1x1xf32> to vector<4x64x128xf32>
    %sub3A_2657 = arith.subf %get3A_34, %sub3A_2656 : vector<4x64x128xf32>
    %mul3A_2658 = arith.mulf %sub3A_2653, %sub3A_2653 : vector<4x64x128xf32>
    %mul3A_2659 = arith.mulf %sub3A_2655, %sub3A_2655 : vector<4x64x128xf32>
    %add3A_2660 = arith.addf %mul3A_2658, %mul3A_2659 : vector<4x64x128xf32>
    %mul3A_2661 = arith.mulf %sub3A_2657, %sub3A_2657 : vector<4x64x128xf32>
    %add3A_2662 = arith.addf %add3A_2660, %mul3A_2661 : vector<4x64x128xf32>
    %swap3A_2663 = arith.constant 1 : index
    %swap3A_2664 = arith.constant 124 : index
    %swap3A_2665 = arith.constant 0 : index
    %swap3A_2666 = arith.constant 0 : index
    %swap3A_2667 = vector.load %arg3[%swap3A_2663, %swap3A_2664, %swap3A_2665, %swap3A_2666] : memref<2x128x64x128xf32, #tpu.memory_space<vmem>>, vector<1x4x64x128xf32>
    %swap3A_2668 = vector.shape_cast %swap3A_2667 : vector<1x4x64x128xf32> to vector<4x64x128xf32>
    %swap3A_2669 = vector.shape_cast %add3A_2662 : vector<4x64x128xf32> to vector<1x4x64x128xf32>
    tpu.vector_store %arg3[%swap3A_2663, %swap3A_2664, %swap3A_2665, %swap3A_2666], %swap3A_2669 {strides = array<i32>} : memref<2x128x64x128xf32, #tpu.memory_space<vmem>>, vector<1x4x64x128xf32>,
    %iota3A_2670 = tpu.iota {dimensions = array<i32: 1>} : vector<256x128xi32>
    %iota3A_2671 = tpu.iota {dimensions = array<i32: 1>} : vector<256x64xi32>
    %get3A_2672 = arith.constant 0 : index
    %get3A_2673 = arith.constant 0 : index
    %get3A_2674 = arith.constant 0 : index
    %get3A_2675 = arith.constant 0 : index
    %get3A_2676 = vector.load %arg3[%get3A_2672, %get3A_2673, %get3A_2674, %get3A_2675] : memref<2x128x64x128xf32, #tpu.memory_space<vmem>>, vector<1x128x64x128xf32>
    %get3A_2677 = vector.shape_cast %get3A_2676 : vector<1x128x64x128xf32> to vector<128x64x128xf32>
    %reduce_min3A_2678 = arith.constant dense<0x7F800000> : vector<128x128xf32>
    %reduce_min3A_2679 = vector.multi_reduction <minimumf>, %get3A_2677, %reduce_min3A_2678 [1] : vector<128x64x128xf32> to vector<128x128xf32>
    %get3A_2680 = arith.constant 1 : index
    %get3A_2681 = arith.constant 0 : index
    %get3A_2682 = arith.constant 0 : index
    %get3A_2683 = arith.constant 0 : index
    %get3A_2684 = vector.load %arg3[%get3A_2680, %get3A_2681, %get3A_2682, %get3A_2683] : memref<2x128x64x128xf32, #tpu.memory_space<vmem>>, vector<1x128x64x128xf32>
    %get3A_2685 = vector.shape_cast %get3A_2684 : vector<1x128x64x128xf32> to vector<128x64x128xf32>
    %reduce_min3A_2686 = arith.constant dense<0x7F800000> : vector<128x128xf32>
    %reduce_min3A_2687 = vector.multi_reduction <minimumf>, %get3A_2685, %reduce_min3A_2686 [1] : vector<128x64x128xf32> to vector<128x128xf32>
    %concatenate3A = tpu.concatenate %reduce_min3A_2679, %reduce_min3A_2687 in 0 : vector<128x128xf32>, vector<128x128xf32> -> vector<256x128xf32>
    %broadcast_in_dim3A_2688 = arith.constant 0 : i32
    %broadcast_in_dim3A_2689 = vector.broadcast %broadcast_in_dim3A_2688 : i32 to vector<256x128xi32>
    %reduce_min3A_2690 = arith.constant dense<0x7F800000> : vector<256xf32>
    %reduce_min3A_2691 = vector.multi_reduction <minimumf>, %concatenate3A, %reduce_min3A_2690 [1] : vector<256x128xf32> to vector<256xf32>
    %broadcast_in_dim3A_2692 = vector.shape_cast %reduce_min3A_2691 : vector<256xf32> to vector<256x1xf32>
    %eq3A_2693 = vector.broadcast %broadcast_in_dim3A_2692 : vector<256x1xf32> to vector<256x128xf32>
    %eq3A_2694 = arith.cmpf oeq, %concatenate3A, %eq3A_2693 : vector<256x128xf32>
    %jit3A_2695 = arith.constant 128 : i32
    %broadcast_in_dim3A_2696 = vector.broadcast %jit3A_2695 : i32 to vector<256x128xi32>
    %select_n3A_2697 = arith.select %eq3A_2694, %iota3A_2670, %broadcast_in_dim3A_2696 : vector<256x128xi1>, vector<256x128xi32>
    %reduce_min3A_2698 = arith.constant dense<2147483647> : vector<256xi32>
    %reduce_min3A_2699 = vector.multi_reduction <minsi>, %select_n3A_2697, %reduce_min3A_2698 [1] : vector<256x128xi32> to vector<256xi32>
    %broadcast_in_dim3A_2700 = vector.shape_cast %reduce_min3A_2699 : vector<256xi32> to vector<256x1xi32>
    %eq3A_2701 = vector.broadcast %broadcast_in_dim3A_2700 : vector<256x1xi32> to vector<256x128xi32>
    %eq3A_2702 = arith.cmpi eq, %iota3A_2670, %eq3A_2701 : vector<256x128xi32>
    %slice3A = vector.extract_strided_slice %eq3A_2702 {offsets = [0, 0], sizes = [128, 128], strides = [1, 1]} : vector<256x128xi1> to vector<128x128xi1>
    %broadcast_in_dim3A_2703 = vector.shape_cast %slice3A : vector<128x128xi1> to vector<128x1x128xi1>
    %get3A_2704 = arith.constant 0 : index
    %get3A_2705 = arith.constant 0 : index
    %get3A_2706 = arith.constant 0 : index
    %get3A_2707 = arith.constant 0 : index
    %get3A_2708 = vector.load %arg3[%get3A_2704, %get3A_2705, %get3A_2706, %get3A_2707] : memref<2x128x64x128xf32, #tpu.memory_space<vmem>>, vector<1x128x64x128xf32>
    %get3A_2709 = vector.shape_cast %get3A_2708 : vector<1x128x64x128xf32> to vector<128x64x128xf32>
    %jit3A_2710 = arith.constant 3.400000e+38 : f32
    %broadcast_in_dim3A_2711 = vector.shape_cast %broadcast_in_dim3A_2703 : vector<128x1x128xi1> to vector<128x1x128xi1>
    %broadcast_in_dim3A_2712 = vector.broadcast %broadcast_in_dim3A_2711 : vector<128x1x128xi1> to vector<128x64x128xi1>
    %broadcast_in_dim3A_2713 = vector.broadcast %jit3A_2710 : f32 to vector<128x64x128xf32>
    %select_n3A_2714 = arith.select %broadcast_in_dim3A_2712, %get3A_2709, %broadcast_in_dim3A_2713 : vector<128x64x128xi1>, vector<128x64x128xf32>
    %reduce_min3A_2715 = arith.constant dense<0x7F800000> : vector<128x64xf32>
    %reduce_min3A_2716 = vector.multi_reduction <minimumf>, %select_n3A_2714, %reduce_min3A_2715 [2] : vector<128x64x128xf32> to vector<128x64xf32>
    %slice3A_2717 = vector.extract_strided_slice %eq3A_2702 {offsets = [128, 0], sizes = [128, 128], strides = [1, 1]} : vector<256x128xi1> to vector<128x128xi1>
    %broadcast_in_dim3A_2718 = vector.shape_cast %slice3A_2717 : vector<128x128xi1> to vector<128x1x128xi1>
    %get3A_2719 = arith.constant 1 : index
    %get3A_2720 = arith.constant 0 : index
    %get3A_2721 = arith.constant 0 : index
    %get3A_2722 = arith.constant 0 : index
    %get3A_2723 = vector.load %arg3[%get3A_2719, %get3A_2720, %get3A_2721, %get3A_2722] : memref<2x128x64x128xf32, #tpu.memory_space<vmem>>, vector<1x128x64x128xf32>
    %get3A_2724 = vector.shape_cast %get3A_2723 : vector<1x128x64x128xf32> to vector<128x64x128xf32>
    %jit3A_2725 = arith.constant 3.400000e+38 : f32
    %broadcast_in_dim3A_2726 = vector.shape_cast %broadcast_in_dim3A_2718 : vector<128x1x128xi1> to vector<128x1x128xi1>
    %broadcast_in_dim3A_2727 = vector.broadcast %broadcast_in_dim3A_2726 : vector<128x1x128xi1> to vector<128x64x128xi1>
    %broadcast_in_dim3A_2728 = vector.broadcast %jit3A_2725 : f32 to vector<128x64x128xf32>
    %select_n3A_2729 = arith.select %broadcast_in_dim3A_2727, %get3A_2724, %broadcast_in_dim3A_2728 : vector<128x64x128xi1>, vector<128x64x128xf32>
    %reduce_min3A_2730 = arith.constant dense<0x7F800000> : vector<128x64xf32>
    %reduce_min3A_2731 = vector.multi_reduction <minimumf>, %select_n3A_2729, %reduce_min3A_2730 [2] : vector<128x64x128xf32> to vector<128x64xf32>
    %concatenate3A_2732 = tpu.concatenate %reduce_min3A_2716, %reduce_min3A_2731 in 0 : vector<128x64xf32>, vector<128x64xf32> -> vector<256x64xf32>
    %eq3A_2733 = vector.broadcast %broadcast_in_dim3A_2700 : vector<256x1xi32> to vector<256x128xi32>
    %eq3A_2734 = arith.cmpi eq, %iota3A_2670, %eq3A_2733 : vector<256x128xi32>
    %jit3A_2735 = arith.constant 0 : i32
    %broadcast_in_dim3A_2736 = vector.broadcast %jit3A_2735 : i32 to vector<256x128xi32>
    %select_n3A_2737 = arith.select %eq3A_2734, %broadcast_in_dim3A_2689, %broadcast_in_dim3A_2736 : vector<256x128xi1>, vector<256x128xi32>
    %reduce_sum3A_2738 = arith.constant dense<0> : vector<256xi32>
    %reduce_sum3A_2739 = vector.multi_reduction <add>, %select_n3A_2737, %reduce_sum3A_2738 [1] : vector<256x128xi32> to vector<256xi32>
    %broadcast_in_dim3A_2740 = vector.shape_cast %reduce_sum3A_2739 : vector<256xi32> to vector<256x1xi32>
    %lt3A = vector.broadcast %broadcast_in_dim3A_2692 : vector<256x1xf32> to vector<256x64xf32>
    %lt3A_2741 = arith.cmpf olt, %concatenate3A_2732, %lt3A : vector<256x64xf32>
    %convert_element_type3A = arith.extui %lt3A_2741 : vector<256x64xi1> to vector<256x64xi32>
    %reduce_sum3A_2742 = arith.constant dense<0> : vector<256xi32>
    %reduce_sum3A_2743 = vector.multi_reduction <add>, %convert_element_type3A, %reduce_sum3A_2742 [1] : vector<256x64xi32> to vector<256xi32>
    %broadcast_in_dim3A_2744 = vector.shape_cast %reduce_sum3A_2743 : vector<256xi32> to vector<256x1xi32>
    %sub3A_2745 = arith.subi %broadcast_in_dim3A_2740, %broadcast_in_dim3A_2744 : vector<256x1xi32>
    %add3A_2746 = arith.constant 1 : i32
    %add3A_2747 = vector.broadcast %add3A_2746 : i32 to vector<256x1xi32>
    %add3A_2748 = arith.addi %sub3A_2745, %add3A_2747 : vector<256x1xi32>
    %eq3A_2749 = vector.broadcast %broadcast_in_dim3A_2692 : vector<256x1xf32> to vector<256x64xf32>
    %eq3A_2750 = arith.cmpf oeq, %concatenate3A_2732, %eq3A_2749 : vector<256x64xf32>
    %convert_element_type3A_2751 = arith.extui %eq3A_2750 : vector<256x64xi1> to vector<256x64xi32>
    %broadcast_in_dim3A_2752 = arith.constant 0 : i32
    %broadcast_in_dim3A_2753 = vector.broadcast %broadcast_in_dim3A_2752 : i32 to vector<256x1xi32>
    %slice3A_2754 = vector.extract_strided_slice %convert_element_type3A_2751 {offsets = [0, 0], sizes = [256, 63], strides = [1, 1]} : vector<256x64xi32> to vector<256x63xi32>
    %concatenate3A_2755 = tpu.concatenate %broadcast_in_dim3A_2753, %slice3A_2754 in 1 : vector<256x1xi32>, vector<256x63xi32> -> vector<256x64xi32>
    %add3A_2756 = arith.addi %convert_element_type3A_2751, %concatenate3A_2755 : vector<256x64xi32>
    %broadcast_in_dim3A_2757 = arith.constant 0 : i32
    %broadcast_in_dim3A_2758 = vector.broadcast %broadcast_in_dim3A_2757 : i32 to vector<256x2xi32>
    %slice3A_2759 = vector.extract_strided_slice %add3A_2756 {offsets = [0, 0], sizes = [256, 62], strides = [1, 1]} : vector<256x64xi32> to vector<256x62xi32>
    %concatenate3A_2760 = tpu.concatenate %broadcast_in_dim3A_2758, %slice3A_2759 in 1 : vector<256x2xi32>, vector<256x62xi32> -> vector<256x64xi32>
    %add3A_2761 = arith.addi %add3A_2756, %concatenate3A_2760 : vector<256x64xi32>
    %broadcast_in_dim3A_2762 = arith.constant 0 : i32
    %broadcast_in_dim3A_2763 = vector.broadcast %broadcast_in_dim3A_2762 : i32 to vector<256x4xi32>
    %slice3A_2764 = vector.extract_strided_slice %add3A_2761 {offsets = [0, 0], sizes = [256, 60], strides = [1, 1]} : vector<256x64xi32> to vector<256x60xi32>
    %concatenate3A_2765 = tpu.concatenate %broadcast_in_dim3A_2763, %slice3A_2764 in 1 : vector<256x4xi32>, vector<256x60xi32> -> vector<256x64xi32>
    %add3A_2766 = arith.addi %add3A_2761, %concatenate3A_2765 : vector<256x64xi32>
    %broadcast_in_dim3A_2767 = arith.constant 0 : i32
    %broadcast_in_dim3A_2768 = vector.broadcast %broadcast_in_dim3A_2767 : i32 to vector<256x8xi32>
    %slice3A_2769 = vector.extract_strided_slice %add3A_2766 {offsets = [0, 0], sizes = [256, 56], strides = [1, 1]} : vector<256x64xi32> to vector<256x56xi32>
    %concatenate3A_2770 = tpu.concatenate %broadcast_in_dim3A_2768, %slice3A_2769 in 1 : vector<256x8xi32>, vector<256x56xi32> -> vector<256x64xi32>
    %add3A_2771 = arith.addi %add3A_2766, %concatenate3A_2770 : vector<256x64xi32>
    %broadcast_in_dim3A_2772 = arith.constant 0 : i32
    %broadcast_in_dim3A_2773 = vector.broadcast %broadcast_in_dim3A_2772 : i32 to vector<256x16xi32>
    %slice3A_2774 = vector.extract_strided_slice %add3A_2771 {offsets = [0, 0], sizes = [256, 48], strides = [1, 1]} : vector<256x64xi32> to vector<256x48xi32>
    %concatenate3A_2775 = tpu.concatenate %broadcast_in_dim3A_2773, %slice3A_2774 in 1 : vector<256x16xi32>, vector<256x48xi32> -> vector<256x64xi32>
    %add3A_2776 = arith.addi %add3A_2771, %concatenate3A_2775 : vector<256x64xi32>
    %broadcast_in_dim3A_2777 = arith.constant 0 : i32
    %broadcast_in_dim3A_2778 = vector.broadcast %broadcast_in_dim3A_2777 : i32 to vector<256x32xi32>
    %slice3A_2779 = vector.extract_strided_slice %add3A_2776 {offsets = [0, 0], sizes = [256, 32], strides = [1, 1]} : vector<256x64xi32> to vector<256x32xi32>
    %concatenate3A_2780 = tpu.concatenate %broadcast_in_dim3A_2778, %slice3A_2779 in 1 : vector<256x32xi32>, vector<256x32xi32> -> vector<256x64xi32>
    %add3A_2781 = arith.addi %add3A_2776, %concatenate3A_2780 : vector<256x64xi32>
    %eq3A_2782 = vector.broadcast %add3A_2748 : vector<256x1xi32> to vector<256x64xi32>
    %eq3A_2783 = arith.cmpi eq, %add3A_2781, %eq3A_2782 : vector<256x64xi32>
    %and3A = arith.andi %eq3A_2750, %eq3A_2783 : vector<256x64xi1>
    %jit3A_2784 = arith.constant 64 : i32
    %broadcast_in_dim3A_2785 = vector.broadcast %jit3A_2784 : i32 to vector<256x64xi32>
    %select_n3A_2786 = arith.select %and3A, %iota3A_2671, %broadcast_in_dim3A_2785 : vector<256x64xi1>, vector<256x64xi32>
    %reduce_min3A_2787 = arith.constant dense<2147483647> : vector<256xi32>
    %reduce_min3A_2788 = vector.multi_reduction <minsi>, %select_n3A_2786, %reduce_min3A_2787 [1] : vector<256x64xi32> to vector<256xi32>
    %broadcast_in_dim3A_2789 = vector.shape_cast %reduce_min3A_2788 : vector<256xi32> to vector<256x1xi32>
    %mul3A_2790 = arith.constant 128 : i32
    %mul3A_2791 = vector.broadcast %mul3A_2790 : i32 to vector<256x1xi32>
    %mul3A_2792 = arith.muli %broadcast_in_dim3A_2789, %mul3A_2791 : vector<256x1xi32>
    %add3A_2793 = arith.addi %mul3A_2792, %broadcast_in_dim3A_2700 : vector<256x1xi32>
    %convert_element_type3A_2794 = arith.extui %eq3A_2750 : vector<256x64xi1> to vector<256x64xi32>
    %reduce_sum3A_2795 = arith.constant dense<0> : vector<256xi32>
    %reduce_sum3A_2796 = vector.multi_reduction <add>, %convert_element_type3A_2794, %reduce_sum3A_2795 [1] : vector<256x64xi32> to vector<256xi32>
    %broadcast_in_dim3A_2797 = vector.shape_cast %reduce_sum3A_2796 : vector<256xi32> to vector<256x1xi32>
    %gt3A = vector.broadcast %broadcast_in_dim3A_2692 : vector<256x1xf32> to vector<256x64xf32>
    %gt3A_2798 = arith.cmpf ogt, %concatenate3A_2732, %gt3A : vector<256x64xf32>
    %jit3A_2799 = arith.constant 3.400000e+38 : f32
    %broadcast_in_dim3A_2800 = vector.broadcast %jit3A_2799 : f32 to vector<256x64xf32>
    %select_n3A_2801 = arith.select %gt3A_2798, %concatenate3A_2732, %broadcast_in_dim3A_2800 : vector<256x64xi1>, vector<256x64xf32>
    %reduce_min3A_2802 = arith.constant dense<0x7F800000> : vector<256xf32>
    %reduce_min3A_2803 = vector.multi_reduction <minimumf>, %select_n3A_2801, %reduce_min3A_2802 [1] : vector<256x64xf32> to vector<256xf32>
    %broadcast_in_dim3A_2804 = vector.shape_cast %reduce_min3A_2803 : vector<256xf32> to vector<256x1xf32>
    %sub3A_2805 = arith.subi %broadcast_in_dim3A_2797, %add3A_2748 : vector<256x1xi32>
    %gt3A_2806 = arith.constant 0 : i32
    %gt3A_2807 = vector.broadcast %gt3A_2806 : i32 to vector<256x1xi32>
    %gt3A_2808 = arith.cmpi sgt, %sub3A_2805, %gt3A_2807 : vector<256x1xi32>
    %select_n3A_2809 = arith.select %gt3A_2808, %broadcast_in_dim3A_2692, %broadcast_in_dim3A_2804 : vector<256x1xi1>, vector<256x1xf32>
    %eq3A_2810 = vector.broadcast %broadcast_in_dim3A_2700 : vector<256x1xi32> to vector<256x128xi32>
    %eq3A_2811 = arith.cmpi eq, %iota3A_2670, %eq3A_2810 : vector<256x128xi32>
    %broadcast_in_dim3A_2812 = vector.shape_cast %select_n3A_2809 : vector<256x1xf32> to vector<256x1xf32>
    %broadcast_in_dim3A_2813 = vector.broadcast %broadcast_in_dim3A_2812 : vector<256x1xf32> to vector<256x128xf32>
    %select_n3A_2814 = arith.select %eq3A_2811, %broadcast_in_dim3A_2813, %concatenate3A : vector<256x128xi1>, vector<256x128xf32>
    %eq3A_2815 = vector.broadcast %broadcast_in_dim3A_2700 : vector<256x1xi32> to vector<256x128xi32>
    %eq3A_2816 = arith.cmpi eq, %iota3A_2670, %eq3A_2815 : vector<256x128xi32>
    %add3A_2817 = arith.constant 1 : i32
    %add3A_2818 = vector.broadcast %add3A_2817 : i32 to vector<256x128xi32>
    %add3A_2819 = arith.addi %broadcast_in_dim3A_2689, %add3A_2818 : vector<256x128xi32>
    %select_n3A_2820 = arith.select %eq3A_2816, %add3A_2819, %broadcast_in_dim3A_2689 : vector<256x128xi1>, vector<256x128xi32>
    %reduce_min3A_2821 = arith.constant dense<0x7F800000> : vector<256xf32>
    %reduce_min3A_2822 = vector.multi_reduction <minimumf>, %select_n3A_2814, %reduce_min3A_2821 [1] : vector<256x128xf32> to vector<256xf32>
    %broadcast_in_dim3A_2823 = vector.shape_cast %reduce_min3A_2822 : vector<256xf32> to vector<256x1xf32>
    %eq3A_2824 = vector.broadcast %broadcast_in_dim3A_2823 : vector<256x1xf32> to vector<256x128xf32>
    %eq3A_2825 = arith.cmpf oeq, %select_n3A_2814, %eq3A_2824 : vector<256x128xf32>
    %jit3A_2826 = arith.constant 128 : i32
    %broadcast_in_dim3A_2827 = vector.broadcast %jit3A_2826 : i32 to vector<256x128xi32>
    %select_n3A_2828 = arith.select %eq3A_2825, %iota3A_2670, %broadcast_in_dim3A_2827 : vector<256x128xi1>, vector<256x128xi32>
    %reduce_min3A_2829 = arith.constant dense<2147483647> : vector<256xi32>
    %reduce_min3A_2830 = vector.multi_reduction <minsi>, %select_n3A_2828, %reduce_min3A_2829 [1] : vector<256x128xi32> to vector<256xi32>
    %broadcast_in_dim3A_2831 = vector.shape_cast %reduce_min3A_2830 : vector<256xi32> to vector<256x1xi32>
    %eq3A_2832 = vector.broadcast %broadcast_in_dim3A_2831 : vector<256x1xi32> to vector<256x128xi32>
    %eq3A_2833 = arith.cmpi eq, %iota3A_2670, %eq3A_2832 : vector<256x128xi32>
    %slice3A_2834 = vector.extract_strided_slice %eq3A_2833 {offsets = [0, 0], sizes = [128, 128], strides = [1, 1]} : vector<256x128xi1> to vector<128x128xi1>
    %broadcast_in_dim3A_2835 = vector.shape_cast %slice3A_2834 : vector<128x128xi1> to vector<128x1x128xi1>
    %get3A_2836 = arith.constant 0 : index
    %get3A_2837 = arith.constant 0 : index
    %get3A_2838 = arith.constant 0 : index
    %get3A_2839 = arith.constant 0 : index
    %get3A_2840 = vector.load %arg3[%get3A_2836, %get3A_2837, %get3A_2838, %get3A_2839] : memref<2x128x64x128xf32, #tpu.memory_space<vmem>>, vector<1x128x64x128xf32>
    %get3A_2841 = vector.shape_cast %get3A_2840 : vector<1x128x64x128xf32> to vector<128x64x128xf32>
    %jit3A_2842 = arith.constant 3.400000e+38 : f32
    %broadcast_in_dim3A_2843 = vector.shape_cast %broadcast_in_dim3A_2835 : vector<128x1x128xi1> to vector<128x1x128xi1>
    %broadcast_in_dim3A_2844 = vector.broadcast %broadcast_in_dim3A_2843 : vector<128x1x128xi1> to vector<128x64x128xi1>
    %broadcast_in_dim3A_2845 = vector.broadcast %jit3A_2842 : f32 to vector<128x64x128xf32>
    %select_n3A_2846 = arith.select %broadcast_in_dim3A_2844, %get3A_2841, %broadcast_in_dim3A_2845 : vector<128x64x128xi1>, vector<128x64x128xf32>
    %reduce_min3A_2847 = arith.constant dense<0x7F800000> : vector<128x64xf32>
    %reduce_min3A_2848 = vector.multi_reduction <minimumf>, %select_n3A_2846, %reduce_min3A_2847 [2] : vector<128x64x128xf32> to vector<128x64xf32>
    %slice3A_2849 = vector.extract_strided_slice %eq3A_2833 {offsets = [128, 0], sizes = [128, 128], strides = [1, 1]} : vector<256x128xi1> to vector<128x128xi1>
    %broadcast_in_dim3A_2850 = vector.shape_cast %slice3A_2849 : vector<128x128xi1> to vector<128x1x128xi1>
    %get3A_2851 = arith.constant 1 : index
    %get3A_2852 = arith.constant 0 : index
    %get3A_2853 = arith.constant 0 : index
    %get3A_2854 = arith.constant 0 : index
    %get3A_2855 = vector.load %arg3[%get3A_2851, %get3A_2852, %get3A_2853, %get3A_2854] : memref<2x128x64x128xf32, #tpu.memory_space<vmem>>, vector<1x128x64x128xf32>
    %get3A_2856 = vector.shape_cast %get3A_2855 : vector<1x128x64x128xf32> to vector<128x64x128xf32>
    %jit3A_2857 = arith.constant 3.400000e+38 : f32
    %broadcast_in_dim3A_2858 = vector.shape_cast %broadcast_in_dim3A_2850 : vector<128x1x128xi1> to vector<128x1x128xi1>
    %broadcast_in_dim3A_2859 = vector.broadcast %broadcast_in_dim3A_2858 : vector<128x1x128xi1> to vector<128x64x128xi1>
    %broadcast_in_dim3A_2860 = vector.broadcast %jit3A_2857 : f32 to vector<128x64x128xf32>
    %select_n3A_2861 = arith.select %broadcast_in_dim3A_2859, %get3A_2856, %broadcast_in_dim3A_2860 : vector<128x64x128xi1>, vector<128x64x128xf32>
    %reduce_min3A_2862 = arith.constant dense<0x7F800000> : vector<128x64xf32>
    %reduce_min3A_2863 = vector.multi_reduction <minimumf>, %select_n3A_2861, %reduce_min3A_2862 [2] : vector<128x64x128xf32> to vector<128x64xf32>
    %concatenate3A_2864 = tpu.concatenate %reduce_min3A_2848, %reduce_min3A_2863 in 0 : vector<128x64xf32>, vector<128x64xf32> -> vector<256x64xf32>
    %eq3A_2865 = vector.broadcast %broadcast_in_dim3A_2831 : vector<256x1xi32> to vector<256x128xi32>
    %eq3A_2866 = arith.cmpi eq, %iota3A_2670, %eq3A_2865 : vector<256x128xi32>
    %jit3A_2867 = arith.constant 0 : i32
    %broadcast_in_dim3A_2868 = vector.broadcast %jit3A_2867 : i32 to vector<256x128xi32>
    %select_n3A_2869 = arith.select %eq3A_2866, %select_n3A_2820, %broadcast_in_dim3A_2868 : vector<256x128xi1>, vector<256x128xi32>
    %reduce_sum3A_2870 = arith.constant dense<0> : vector<256xi32>
    %reduce_sum3A_2871 = vector.multi_reduction <add>, %select_n3A_2869, %reduce_sum3A_2870 [1] : vector<256x128xi32> to vector<256xi32>
    %broadcast_in_dim3A_2872 = vector.shape_cast %reduce_sum3A_2871 : vector<256xi32> to vector<256x1xi32>
    %lt3A_2873 = vector.broadcast %broadcast_in_dim3A_2823 : vector<256x1xf32> to vector<256x64xf32>
    %lt3A_2874 = arith.cmpf olt, %concatenate3A_2864, %lt3A_2873 : vector<256x64xf32>
    %convert_element_type3A_2875 = arith.extui %lt3A_2874 : vector<256x64xi1> to vector<256x64xi32>
    %reduce_sum3A_2876 = arith.constant dense<0> : vector<256xi32>
    %reduce_sum3A_2877 = vector.multi_reduction <add>, %convert_element_type3A_2875, %reduce_sum3A_2876 [1] : vector<256x64xi32> to vector<256xi32>
    %broadcast_in_dim3A_2878 = vector.shape_cast %reduce_sum3A_2877 : vector<256xi32> to vector<256x1xi32>
    %sub3A_2879 = arith.subi %broadcast_in_dim3A_2872, %broadcast_in_dim3A_2878 : vector<256x1xi32>
    %add3A_2880 = arith.constant 1 : i32
    %add3A_2881 = vector.broadcast %add3A_2880 : i32 to vector<256x1xi32>
    %add3A_2882 = arith.addi %sub3A_2879, %add3A_2881 : vector<256x1xi32>
    %eq3A_2883 = vector.broadcast %broadcast_in_dim3A_2823 : vector<256x1xf32> to vector<256x64xf32>
    %eq3A_2884 = arith.cmpf oeq, %concatenate3A_2864, %eq3A_2883 : vector<256x64xf32>
    %convert_element_type3A_2885 = arith.extui %eq3A_2884 : vector<256x64xi1> to vector<256x64xi32>
    %broadcast_in_dim3A_2886 = arith.constant 0 : i32
    %broadcast_in_dim3A_2887 = vector.broadcast %broadcast_in_dim3A_2886 : i32 to vector<256x1xi32>
    %slice3A_2888 = vector.extract_strided_slice %convert_element_type3A_2885 {offsets = [0, 0], sizes = [256, 63], strides = [1, 1]} : vector<256x64xi32> to vector<256x63xi32>
    %concatenate3A_2889 = tpu.concatenate %broadcast_in_dim3A_2887, %slice3A_2888 in 1 : vector<256x1xi32>, vector<256x63xi32> -> vector<256x64xi32>
    %add3A_2890 = arith.addi %convert_element_type3A_2885, %concatenate3A_2889 : vector<256x64xi32>
    %broadcast_in_dim3A_2891 = arith.constant 0 : i32
    %broadcast_in_dim3A_2892 = vector.broadcast %broadcast_in_dim3A_2891 : i32 to vector<256x2xi32>
    %slice3A_2893 = vector.extract_strided_slice %add3A_2890 {offsets = [0, 0], sizes = [256, 62], strides = [1, 1]} : vector<256x64xi32> to vector<256x62xi32>
    %concatenate3A_2894 = tpu.concatenate %broadcast_in_dim3A_2892, %slice3A_2893 in 1 : vector<256x2xi32>, vector<256x62xi32> -> vector<256x64xi32>
    %add3A_2895 = arith.addi %add3A_2890, %concatenate3A_2894 : vector<256x64xi32>
    %broadcast_in_dim3A_2896 = arith.constant 0 : i32
    %broadcast_in_dim3A_2897 = vector.broadcast %broadcast_in_dim3A_2896 : i32 to vector<256x4xi32>
    %slice3A_2898 = vector.extract_strided_slice %add3A_2895 {offsets = [0, 0], sizes = [256, 60], strides = [1, 1]} : vector<256x64xi32> to vector<256x60xi32>
    %concatenate3A_2899 = tpu.concatenate %broadcast_in_dim3A_2897, %slice3A_2898 in 1 : vector<256x4xi32>, vector<256x60xi32> -> vector<256x64xi32>
    %add3A_2900 = arith.addi %add3A_2895, %concatenate3A_2899 : vector<256x64xi32>
    %broadcast_in_dim3A_2901 = arith.constant 0 : i32
    %broadcast_in_dim3A_2902 = vector.broadcast %broadcast_in_dim3A_2901 : i32 to vector<256x8xi32>
    %slice3A_2903 = vector.extract_strided_slice %add3A_2900 {offsets = [0, 0], sizes = [256, 56], strides = [1, 1]} : vector<256x64xi32> to vector<256x56xi32>
    %concatenate3A_2904 = tpu.concatenate %broadcast_in_dim3A_2902, %slice3A_2903 in 1 : vector<256x8xi32>, vector<256x56xi32> -> vector<256x64xi32>
    %add3A_2905 = arith.addi %add3A_2900, %concatenate3A_2904 : vector<256x64xi32>
    %broadcast_in_dim3A_2906 = arith.constant 0 : i32
    %broadcast_in_dim3A_2907 = vector.broadcast %broadcast_in_dim3A_2906 : i32 to vector<256x16xi32>
    %slice3A_2908 = vector.extract_strided_slice %add3A_2905 {offsets = [0, 0], sizes = [256, 48], strides = [1, 1]} : vector<256x64xi32> to vector<256x48xi32>
    %concatenate3A_2909 = tpu.concatenate %broadcast_in_dim3A_2907, %slice3A_2908 in 1 : vector<256x16xi32>, vector<256x48xi32> -> vector<256x64xi32>
    %add3A_2910 = arith.addi %add3A_2905, %concatenate3A_2909 : vector<256x64xi32>
    %broadcast_in_dim3A_2911 = arith.constant 0 : i32
    %broadcast_in_dim3A_2912 = vector.broadcast %broadcast_in_dim3A_2911 : i32 to vector<256x32xi32>
    %slice3A_2913 = vector.extract_strided_slice %add3A_2910 {offsets = [0, 0], sizes = [256, 32], strides = [1, 1]} : vector<256x64xi32> to vector<256x32xi32>
    %concatenate3A_2914 = tpu.concatenate %broadcast_in_dim3A_2912, %slice3A_2913 in 1 : vector<256x32xi32>, vector<256x32xi32> -> vector<256x64xi32>
    %add3A_2915 = arith.addi %add3A_2910, %concatenate3A_2914 : vector<256x64xi32>
    %eq3A_2916 = vector.broadcast %add3A_2882 : vector<256x1xi32> to vector<256x64xi32>
    %eq3A_2917 = arith.cmpi eq, %add3A_2915, %eq3A_2916 : vector<256x64xi32>
    %and3A_2918 = arith.andi %eq3A_2884, %eq3A_2917 : vector<256x64xi1>
    %jit3A_2919 = arith.constant 64 : i32
    %broadcast_in_dim3A_2920 = vector.broadcast %jit3A_2919 : i32 to vector<256x64xi32>
    %select_n3A_2921 = arith.select %and3A_2918, %iota3A_2671, %broadcast_in_dim3A_2920 : vector<256x64xi1>, vector<256x64xi32>
    %reduce_min3A_2922 = arith.constant dense<2147483647> : vector<256xi32>
    %reduce_min3A_2923 = vector.multi_reduction <minsi>, %select_n3A_2921, %reduce_min3A_2922 [1] : vector<256x64xi32> to vector<256xi32>
    %broadcast_in_dim3A_2924 = vector.shape_cast %reduce_min3A_2923 : vector<256xi32> to vector<256x1xi32>
    %mul3A_2925 = arith.constant 128 : i32
    %mul3A_2926 = vector.broadcast %mul3A_2925 : i32 to vector<256x1xi32>
    %mul3A_2927 = arith.muli %broadcast_in_dim3A_2924, %mul3A_2926 : vector<256x1xi32>
    %add3A_2928 = arith.addi %mul3A_2927, %broadcast_in_dim3A_2831 : vector<256x1xi32>
    %convert_element_type3A_2929 = arith.extui %eq3A_2884 : vector<256x64xi1> to vector<256x64xi32>
    %reduce_sum3A_2930 = arith.constant dense<0> : vector<256xi32>
    %reduce_sum3A_2931 = vector.multi_reduction <add>, %convert_element_type3A_2929, %reduce_sum3A_2930 [1] : vector<256x64xi32> to vector<256xi32>
    %broadcast_in_dim3A_2932 = vector.shape_cast %reduce_sum3A_2931 : vector<256xi32> to vector<256x1xi32>
    %gt3A_2933 = vector.broadcast %broadcast_in_dim3A_2823 : vector<256x1xf32> to vector<256x64xf32>
    %gt3A_2934 = arith.cmpf ogt, %concatenate3A_2864, %gt3A_2933 : vector<256x64xf32>
    %jit3A_2935 = arith.constant 3.400000e+38 : f32
    %broadcast_in_dim3A_2936 = vector.broadcast %jit3A_2935 : f32 to vector<256x64xf32>
    %select_n3A_2937 = arith.select %gt3A_2934, %concatenate3A_2864, %broadcast_in_dim3A_2936 : vector<256x64xi1>, vector<256x64xf32>
    %reduce_min3A_2938 = arith.constant dense<0x7F800000> : vector<256xf32>
    %reduce_min3A_2939 = vector.multi_reduction <minimumf>, %select_n3A_2937, %reduce_min3A_2938 [1] : vector<256x64xf32> to vector<256xf32>
    %broadcast_in_dim3A_2940 = vector.shape_cast %reduce_min3A_2939 : vector<256xf32> to vector<256x1xf32>
    %sub3A_2941 = arith.subi %broadcast_in_dim3A_2932, %add3A_2882 : vector<256x1xi32>
    %gt3A_2942 = arith.constant 0 : i32
    %gt3A_2943 = vector.broadcast %gt3A_2942 : i32 to vector<256x1xi32>
    %gt3A_2944 = arith.cmpi sgt, %sub3A_2941, %gt3A_2943 : vector<256x1xi32>
    %select_n3A_2945 = arith.select %gt3A_2944, %broadcast_in_dim3A_2823, %broadcast_in_dim3A_2940 : vector<256x1xi1>, vector<256x1xf32>
    %eq3A_2946 = vector.broadcast %broadcast_in_dim3A_2831 : vector<256x1xi32> to vector<256x128xi32>
    %eq3A_2947 = arith.cmpi eq, %iota3A_2670, %eq3A_2946 : vector<256x128xi32>
    %broadcast_in_dim3A_2948 = vector.shape_cast %select_n3A_2945 : vector<256x1xf32> to vector<256x1xf32>
    %broadcast_in_dim3A_2949 = vector.broadcast %broadcast_in_dim3A_2948 : vector<256x1xf32> to vector<256x128xf32>
    %select_n3A_2950 = arith.select %eq3A_2947, %broadcast_in_dim3A_2949, %select_n3A_2814 : vector<256x128xi1>, vector<256x128xf32>
    %eq3A_2951 = vector.broadcast %broadcast_in_dim3A_2831 : vector<256x1xi32> to vector<256x128xi32>
    %eq3A_2952 = arith.cmpi eq, %iota3A_2670, %eq3A_2951 : vector<256x128xi32>
    %add3A_2953 = arith.constant 1 : i32
    %add3A_2954 = vector.broadcast %add3A_2953 : i32 to vector<256x128xi32>
    %add3A_2955 = arith.addi %select_n3A_2820, %add3A_2954 : vector<256x128xi32>
    %select_n3A_2956 = arith.select %eq3A_2952, %add3A_2955, %select_n3A_2820 : vector<256x128xi1>, vector<256x128xi32>
    %reduce_min3A_2957 = arith.constant dense<0x7F800000> : vector<256xf32>
    %reduce_min3A_2958 = vector.multi_reduction <minimumf>, %select_n3A_2950, %reduce_min3A_2957 [1] : vector<256x128xf32> to vector<256xf32>
    %broadcast_in_dim3A_2959 = vector.shape_cast %reduce_min3A_2958 : vector<256xf32> to vector<256x1xf32>
    %eq3A_2960 = vector.broadcast %broadcast_in_dim3A_2959 : vector<256x1xf32> to vector<256x128xf32>
    %eq3A_2961 = arith.cmpf oeq, %select_n3A_2950, %eq3A_2960 : vector<256x128xf32>
    %jit3A_2962 = arith.constant 128 : i32
    %broadcast_in_dim3A_2963 = vector.broadcast %jit3A_2962 : i32 to vector<256x128xi32>
    %select_n3A_2964 = arith.select %eq3A_2961, %iota3A_2670, %broadcast_in_dim3A_2963 : vector<256x128xi1>, vector<256x128xi32>
    %reduce_min3A_2965 = arith.constant dense<2147483647> : vector<256xi32>
    %reduce_min3A_2966 = vector.multi_reduction <minsi>, %select_n3A_2964, %reduce_min3A_2965 [1] : vector<256x128xi32> to vector<256xi32>
    %broadcast_in_dim3A_2967 = vector.shape_cast %reduce_min3A_2966 : vector<256xi32> to vector<256x1xi32>
    %eq3A_2968 = vector.broadcast %broadcast_in_dim3A_2967 : vector<256x1xi32> to vector<256x128xi32>
    %eq3A_2969 = arith.cmpi eq, %iota3A_2670, %eq3A_2968 : vector<256x128xi32>
    %slice3A_2970 = vector.extract_strided_slice %eq3A_2969 {offsets = [0, 0], sizes = [128, 128], strides = [1, 1]} : vector<256x128xi1> to vector<128x128xi1>
    %broadcast_in_dim3A_2971 = vector.shape_cast %slice3A_2970 : vector<128x128xi1> to vector<128x1x128xi1>
    %get3A_2972 = arith.constant 0 : index
    %get3A_2973 = arith.constant 0 : index
    %get3A_2974 = arith.constant 0 : index
    %get3A_2975 = arith.constant 0 : index
    %get3A_2976 = vector.load %arg3[%get3A_2972, %get3A_2973, %get3A_2974, %get3A_2975] : memref<2x128x64x128xf32, #tpu.memory_space<vmem>>, vector<1x128x64x128xf32>
    %get3A_2977 = vector.shape_cast %get3A_2976 : vector<1x128x64x128xf32> to vector<128x64x128xf32>
    %jit3A_2978 = arith.constant 3.400000e+38 : f32
    %broadcast_in_dim3A_2979 = vector.shape_cast %broadcast_in_dim3A_2971 : vector<128x1x128xi1> to vector<128x1x128xi1>
    %broadcast_in_dim3A_2980 = vector.broadcast %broadcast_in_dim3A_2979 : vector<128x1x128xi1> to vector<128x64x128xi1>
    %broadcast_in_dim3A_2981 = vector.broadcast %jit3A_2978 : f32 to vector<128x64x128xf32>
    %select_n3A_2982 = arith.select %broadcast_in_dim3A_2980, %get3A_2977, %broadcast_in_dim3A_2981 : vector<128x64x128xi1>, vector<128x64x128xf32>
    %reduce_min3A_2983 = arith.constant dense<0x7F800000> : vector<128x64xf32>
    %reduce_min3A_2984 = vector.multi_reduction <minimumf>, %select_n3A_2982, %reduce_min3A_2983 [2] : vector<128x64x128xf32> to vector<128x64xf32>
    %slice3A_2985 = vector.extract_strided_slice %eq3A_2969 {offsets = [128, 0], sizes = [128, 128], strides = [1, 1]} : vector<256x128xi1> to vector<128x128xi1>
    %broadcast_in_dim3A_2986 = vector.shape_cast %slice3A_2985 : vector<128x128xi1> to vector<128x1x128xi1>
    %get3A_2987 = arith.constant 1 : index
    %get3A_2988 = arith.constant 0 : index
    %get3A_2989 = arith.constant 0 : index
    %get3A_2990 = arith.constant 0 : index
    %get3A_2991 = vector.load %arg3[%get3A_2987, %get3A_2988, %get3A_2989, %get3A_2990] : memref<2x128x64x128xf32, #tpu.memory_space<vmem>>, vector<1x128x64x128xf32>
    %get3A_2992 = vector.shape_cast %get3A_2991 : vector<1x128x64x128xf32> to vector<128x64x128xf32>
    %jit3A_2993 = arith.constant 3.400000e+38 : f32
    %broadcast_in_dim3A_2994 = vector.shape_cast %broadcast_in_dim3A_2986 : vector<128x1x128xi1> to vector<128x1x128xi1>
    %broadcast_in_dim3A_2995 = vector.broadcast %broadcast_in_dim3A_2994 : vector<128x1x128xi1> to vector<128x64x128xi1>
    %broadcast_in_dim3A_2996 = vector.broadcast %jit3A_2993 : f32 to vector<128x64x128xf32>
    %select_n3A_2997 = arith.select %broadcast_in_dim3A_2995, %get3A_2992, %broadcast_in_dim3A_2996 : vector<128x64x128xi1>, vector<128x64x128xf32>
    %reduce_min3A_2998 = arith.constant dense<0x7F800000> : vector<128x64xf32>
    %reduce_min3A_2999 = vector.multi_reduction <minimumf>, %select_n3A_2997, %reduce_min3A_2998 [2] : vector<128x64x128xf32> to vector<128x64xf32>
    %concatenate3A_3000 = tpu.concatenate %reduce_min3A_2984, %reduce_min3A_2999 in 0 : vector<128x64xf32>, vector<128x64xf32> -> vector<256x64xf32>
    %eq3A_3001 = vector.broadcast %broadcast_in_dim3A_2967 : vector<256x1xi32> to vector<256x128xi32>
    %eq3A_3002 = arith.cmpi eq, %iota3A_2670, %eq3A_3001 : vector<256x128xi32>
    %jit3A_3003 = arith.constant 0 : i32
    %broadcast_in_dim3A_3004 = vector.broadcast %jit3A_3003 : i32 to vector<256x128xi32>
    %select_n3A_3005 = arith.select %eq3A_3002, %select_n3A_2956, %broadcast_in_dim3A_3004 : vector<256x128xi1>, vector<256x128xi32>
    %reduce_sum3A_3006 = arith.constant dense<0> : vector<256xi32>
    %reduce_sum3A_3007 = vector.multi_reduction <add>, %select_n3A_3005, %reduce_sum3A_3006 [1] : vector<256x128xi32> to vector<256xi32>
    %broadcast_in_dim3A_3008 = vector.shape_cast %reduce_sum3A_3007 : vector<256xi32> to vector<256x1xi32>
    %lt3A_3009 = vector.broadcast %broadcast_in_dim3A_2959 : vector<256x1xf32> to vector<256x64xf32>
    %lt3A_3010 = arith.cmpf olt, %concatenate3A_3000, %lt3A_3009 : vector<256x64xf32>
    %convert_element_type3A_3011 = arith.extui %lt3A_3010 : vector<256x64xi1> to vector<256x64xi32>
    %reduce_sum3A_3012 = arith.constant dense<0> : vector<256xi32>
    %reduce_sum3A_3013 = vector.multi_reduction <add>, %convert_element_type3A_3011, %reduce_sum3A_3012 [1] : vector<256x64xi32> to vector<256xi32>
    %broadcast_in_dim3A_3014 = vector.shape_cast %reduce_sum3A_3013 : vector<256xi32> to vector<256x1xi32>
    %sub3A_3015 = arith.subi %broadcast_in_dim3A_3008, %broadcast_in_dim3A_3014 : vector<256x1xi32>
    %add3A_3016 = arith.constant 1 : i32
    %add3A_3017 = vector.broadcast %add3A_3016 : i32 to vector<256x1xi32>
    %add3A_3018 = arith.addi %sub3A_3015, %add3A_3017 : vector<256x1xi32>
    %eq3A_3019 = vector.broadcast %broadcast_in_dim3A_2959 : vector<256x1xf32> to vector<256x64xf32>
    %eq3A_3020 = arith.cmpf oeq, %concatenate3A_3000, %eq3A_3019 : vector<256x64xf32>
    %convert_element_type3A_3021 = arith.extui %eq3A_3020 : vector<256x64xi1> to vector<256x64xi32>
    %broadcast_in_dim3A_3022 = arith.constant 0 : i32
    %broadcast_in_dim3A_3023 = vector.broadcast %broadcast_in_dim3A_3022 : i32 to vector<256x1xi32>
    %slice3A_3024 = vector.extract_strided_slice %convert_element_type3A_3021 {offsets = [0, 0], sizes = [256, 63], strides = [1, 1]} : vector<256x64xi32> to vector<256x63xi32>
    %concatenate3A_3025 = tpu.concatenate %broadcast_in_dim3A_3023, %slice3A_3024 in 1 : vector<256x1xi32>, vector<256x63xi32> -> vector<256x64xi32>
    %add3A_3026 = arith.addi %convert_element_type3A_3021, %concatenate3A_3025 : vector<256x64xi32>
    %broadcast_in_dim3A_3027 = arith.constant 0 : i32
    %broadcast_in_dim3A_3028 = vector.broadcast %broadcast_in_dim3A_3027 : i32 to vector<256x2xi32>
    %slice3A_3029 = vector.extract_strided_slice %add3A_3026 {offsets = [0, 0], sizes = [256, 62], strides = [1, 1]} : vector<256x64xi32> to vector<256x62xi32>
    %concatenate3A_3030 = tpu.concatenate %broadcast_in_dim3A_3028, %slice3A_3029 in 1 : vector<256x2xi32>, vector<256x62xi32> -> vector<256x64xi32>
    %add3A_3031 = arith.addi %add3A_3026, %concatenate3A_3030 : vector<256x64xi32>
    %broadcast_in_dim3A_3032 = arith.constant 0 : i32
    %broadcast_in_dim3A_3033 = vector.broadcast %broadcast_in_dim3A_3032 : i32 to vector<256x4xi32>
    %slice3A_3034 = vector.extract_strided_slice %add3A_3031 {offsets = [0, 0], sizes = [256, 60], strides = [1, 1]} : vector<256x64xi32> to vector<256x60xi32>
    %concatenate3A_3035 = tpu.concatenate %broadcast_in_dim3A_3033, %slice3A_3034 in 1 : vector<256x4xi32>, vector<256x60xi32> -> vector<256x64xi32>
    %add3A_3036 = arith.addi %add3A_3031, %concatenate3A_3035 : vector<256x64xi32>
    %broadcast_in_dim3A_3037 = arith.constant 0 : i32
    %broadcast_in_dim3A_3038 = vector.broadcast %broadcast_in_dim3A_3037 : i32 to vector<256x8xi32>
    %slice3A_3039 = vector.extract_strided_slice %add3A_3036 {offsets = [0, 0], sizes = [256, 56], strides = [1, 1]} : vector<256x64xi32> to vector<256x56xi32>
    %concatenate3A_3040 = tpu.concatenate %broadcast_in_dim3A_3038, %slice3A_3039 in 1 : vector<256x8xi32>, vector<256x56xi32> -> vector<256x64xi32>
    %add3A_3041 = arith.addi %add3A_3036, %concatenate3A_3040 : vector<256x64xi32>
    %broadcast_in_dim3A_3042 = arith.constant 0 : i32
    %broadcast_in_dim3A_3043 = vector.broadcast %broadcast_in_dim3A_3042 : i32 to vector<256x16xi32>
    %slice3A_3044 = vector.extract_strided_slice %add3A_3041 {offsets = [0, 0], sizes = [256, 48], strides = [1, 1]} : vector<256x64xi32> to vector<256x48xi32>
    %concatenate3A_3045 = tpu.concatenate %broadcast_in_dim3A_3043, %slice3A_3044 in 1 : vector<256x16xi32>, vector<256x48xi32> -> vector<256x64xi32>
    %add3A_3046 = arith.addi %add3A_3041, %concatenate3A_3045 : vector<256x64xi32>
    %broadcast_in_dim3A_3047 = arith.constant 0 : i32
    %broadcast_in_dim3A_3048 = vector.broadcast %broadcast_in_dim3A_3047 : i32 to vector<256x32xi32>
    %slice3A_3049 = vector.extract_strided_slice %add3A_3046 {offsets = [0, 0], sizes = [256, 32], strides = [1, 1]} : vector<256x64xi32> to vector<256x32xi32>
    %concatenate3A_3050 = tpu.concatenate %broadcast_in_dim3A_3048, %slice3A_3049 in 1 : vector<256x32xi32>, vector<256x32xi32> -> vector<256x64xi32>
    %add3A_3051 = arith.addi %add3A_3046, %concatenate3A_3050 : vector<256x64xi32>
    %eq3A_3052 = vector.broadcast %add3A_3018 : vector<256x1xi32> to vector<256x64xi32>
    %eq3A_3053 = arith.cmpi eq, %add3A_3051, %eq3A_3052 : vector<256x64xi32>
    %and3A_3054 = arith.andi %eq3A_3020, %eq3A_3053 : vector<256x64xi1>
    %jit3A_3055 = arith.constant 64 : i32
    %broadcast_in_dim3A_3056 = vector.broadcast %jit3A_3055 : i32 to vector<256x64xi32>
    %select_n3A_3057 = arith.select %and3A_3054, %iota3A_2671, %broadcast_in_dim3A_3056 : vector<256x64xi1>, vector<256x64xi32>
    %reduce_min3A_3058 = arith.constant dense<2147483647> : vector<256xi32>
    %reduce_min3A_3059 = vector.multi_reduction <minsi>, %select_n3A_3057, %reduce_min3A_3058 [1] : vector<256x64xi32> to vector<256xi32>
    %broadcast_in_dim3A_3060 = vector.shape_cast %reduce_min3A_3059 : vector<256xi32> to vector<256x1xi32>
    %mul3A_3061 = arith.constant 128 : i32
    %mul3A_3062 = vector.broadcast %mul3A_3061 : i32 to vector<256x1xi32>
    %mul3A_3063 = arith.muli %broadcast_in_dim3A_3060, %mul3A_3062 : vector<256x1xi32>
    %add3A_3064 = arith.addi %mul3A_3063, %broadcast_in_dim3A_2967 : vector<256x1xi32>
    %convert_element_type3A_3065 = arith.extui %eq3A_3020 : vector<256x64xi1> to vector<256x64xi32>
    %reduce_sum3A_3066 = arith.constant dense<0> : vector<256xi32>
    %reduce_sum3A_3067 = vector.multi_reduction <add>, %convert_element_type3A_3065, %reduce_sum3A_3066 [1] : vector<256x64xi32> to vector<256xi32>
    %broadcast_in_dim3A_3068 = vector.shape_cast %reduce_sum3A_3067 : vector<256xi32> to vector<256x1xi32>
    %gt3A_3069 = vector.broadcast %broadcast_in_dim3A_2959 : vector<256x1xf32> to vector<256x64xf32>
    %gt3A_3070 = arith.cmpf ogt, %concatenate3A_3000, %gt3A_3069 : vector<256x64xf32>
    %jit3A_3071 = arith.constant 3.400000e+38 : f32
    %broadcast_in_dim3A_3072 = vector.broadcast %jit3A_3071 : f32 to vector<256x64xf32>
    %select_n3A_3073 = arith.select %gt3A_3070, %concatenate3A_3000, %broadcast_in_dim3A_3072 : vector<256x64xi1>, vector<256x64xf32>
    %reduce_min3A_3074 = arith.constant dense<0x7F800000> : vector<256xf32>
    %reduce_min3A_3075 = vector.multi_reduction <minimumf>, %select_n3A_3073, %reduce_min3A_3074 [1] : vector<256x64xf32> to vector<256xf32>
    %broadcast_in_dim3A_3076 = vector.shape_cast %reduce_min3A_3075 : vector<256xf32> to vector<256x1xf32>
    %sub3A_3077 = arith.subi %broadcast_in_dim3A_3068, %add3A_3018 : vector<256x1xi32>
    %gt3A_3078 = arith.constant 0 : i32
    %gt3A_3079 = vector.broadcast %gt3A_3078 : i32 to vector<256x1xi32>
    %gt3A_3080 = arith.cmpi sgt, %sub3A_3077, %gt3A_3079 : vector<256x1xi32>
    %select_n3A_3081 = arith.select %gt3A_3080, %broadcast_in_dim3A_2959, %broadcast_in_dim3A_3076 : vector<256x1xi1>, vector<256x1xf32>
    %eq3A_3082 = vector.broadcast %broadcast_in_dim3A_2967 : vector<256x1xi32> to vector<256x128xi32>
    %eq3A_3083 = arith.cmpi eq, %iota3A_2670, %eq3A_3082 : vector<256x128xi32>
    %broadcast_in_dim3A_3084 = vector.shape_cast %select_n3A_3081 : vector<256x1xf32> to vector<256x1xf32>
    %broadcast_in_dim3A_3085 = vector.broadcast %broadcast_in_dim3A_3084 : vector<256x1xf32> to vector<256x128xf32>
    %select_n3A_3086 = arith.select %eq3A_3083, %broadcast_in_dim3A_3085, %select_n3A_2950 : vector<256x128xi1>, vector<256x128xf32>
    %eq3A_3087 = vector.broadcast %broadcast_in_dim3A_2967 : vector<256x1xi32> to vector<256x128xi32>
    %eq3A_3088 = arith.cmpi eq, %iota3A_2670, %eq3A_3087 : vector<256x128xi32>
    %add3A_3089 = arith.constant 1 : i32
    %add3A_3090 = vector.broadcast %add3A_3089 : i32 to vector<256x128xi32>
    %add3A_3091 = arith.addi %select_n3A_2956, %add3A_3090 : vector<256x128xi32>
    %select_n3A_3092 = arith.select %eq3A_3088, %add3A_3091, %select_n3A_2956 : vector<256x128xi1>, vector<256x128xi32>
    %reduce_min3A_3093 = arith.constant dense<0x7F800000> : vector<256xf32>
    %reduce_min3A_3094 = vector.multi_reduction <minimumf>, %select_n3A_3086, %reduce_min3A_3093 [1] : vector<256x128xf32> to vector<256xf32>
    %broadcast_in_dim3A_3095 = vector.shape_cast %reduce_min3A_3094 : vector<256xf32> to vector<256x1xf32>
    %eq3A_3096 = vector.broadcast %broadcast_in_dim3A_3095 : vector<256x1xf32> to vector<256x128xf32>
    %eq3A_3097 = arith.cmpf oeq, %select_n3A_3086, %eq3A_3096 : vector<256x128xf32>
    %jit3A_3098 = arith.constant 128 : i32
    %broadcast_in_dim3A_3099 = vector.broadcast %jit3A_3098 : i32 to vector<256x128xi32>
    %select_n3A_3100 = arith.select %eq3A_3097, %iota3A_2670, %broadcast_in_dim3A_3099 : vector<256x128xi1>, vector<256x128xi32>
    %reduce_min3A_3101 = arith.constant dense<2147483647> : vector<256xi32>
    %reduce_min3A_3102 = vector.multi_reduction <minsi>, %select_n3A_3100, %reduce_min3A_3101 [1] : vector<256x128xi32> to vector<256xi32>
    %broadcast_in_dim3A_3103 = vector.shape_cast %reduce_min3A_3102 : vector<256xi32> to vector<256x1xi32>
    %eq3A_3104 = vector.broadcast %broadcast_in_dim3A_3103 : vector<256x1xi32> to vector<256x128xi32>
    %eq3A_3105 = arith.cmpi eq, %iota3A_2670, %eq3A_3104 : vector<256x128xi32>
    %slice3A_3106 = vector.extract_strided_slice %eq3A_3105 {offsets = [0, 0], sizes = [128, 128], strides = [1, 1]} : vector<256x128xi1> to vector<128x128xi1>
    %broadcast_in_dim3A_3107 = vector.shape_cast %slice3A_3106 : vector<128x128xi1> to vector<128x1x128xi1>
    %get3A_3108 = arith.constant 0 : index
    %get3A_3109 = arith.constant 0 : index
    %get3A_3110 = arith.constant 0 : index
    %get3A_3111 = arith.constant 0 : index
    %get3A_3112 = vector.load %arg3[%get3A_3108, %get3A_3109, %get3A_3110, %get3A_3111] : memref<2x128x64x128xf32, #tpu.memory_space<vmem>>, vector<1x128x64x128xf32>
    %get3A_3113 = vector.shape_cast %get3A_3112 : vector<1x128x64x128xf32> to vector<128x64x128xf32>
    %jit3A_3114 = arith.constant 3.400000e+38 : f32
    %broadcast_in_dim3A_3115 = vector.shape_cast %broadcast_in_dim3A_3107 : vector<128x1x128xi1> to vector<128x1x128xi1>
    %broadcast_in_dim3A_3116 = vector.broadcast %broadcast_in_dim3A_3115 : vector<128x1x128xi1> to vector<128x64x128xi1>
    %broadcast_in_dim3A_3117 = vector.broadcast %jit3A_3114 : f32 to vector<128x64x128xf32>
    %select_n3A_3118 = arith.select %broadcast_in_dim3A_3116, %get3A_3113, %broadcast_in_dim3A_3117 : vector<128x64x128xi1>, vector<128x64x128xf32>
    %reduce_min3A_3119 = arith.constant dense<0x7F800000> : vector<128x64xf32>
    %reduce_min3A_3120 = vector.multi_reduction <minimumf>, %select_n3A_3118, %reduce_min3A_3119 [2] : vector<128x64x128xf32> to vector<128x64xf32>
    %slice3A_3121 = vector.extract_strided_slice %eq3A_3105 {offsets = [128, 0], sizes = [128, 128], strides = [1, 1]} : vector<256x128xi1> to vector<128x128xi1>
    %broadcast_in_dim3A_3122 = vector.shape_cast %slice3A_3121 : vector<128x128xi1> to vector<128x1x128xi1>
    %get3A_3123 = arith.constant 1 : index
    %get3A_3124 = arith.constant 0 : index
    %get3A_3125 = arith.constant 0 : index
    %get3A_3126 = arith.constant 0 : index
    %get3A_3127 = vector.load %arg3[%get3A_3123, %get3A_3124, %get3A_3125, %get3A_3126] : memref<2x128x64x128xf32, #tpu.memory_space<vmem>>, vector<1x128x64x128xf32>
    %get3A_3128 = vector.shape_cast %get3A_3127 : vector<1x128x64x128xf32> to vector<128x64x128xf32>
    %jit3A_3129 = arith.constant 3.400000e+38 : f32
    %broadcast_in_dim3A_3130 = vector.shape_cast %broadcast_in_dim3A_3122 : vector<128x1x128xi1> to vector<128x1x128xi1>
    %broadcast_in_dim3A_3131 = vector.broadcast %broadcast_in_dim3A_3130 : vector<128x1x128xi1> to vector<128x64x128xi1>
    %broadcast_in_dim3A_3132 = vector.broadcast %jit3A_3129 : f32 to vector<128x64x128xf32>
    %select_n3A_3133 = arith.select %broadcast_in_dim3A_3131, %get3A_3128, %broadcast_in_dim3A_3132 : vector<128x64x128xi1>, vector<128x64x128xf32>
    %reduce_min3A_3134 = arith.constant dense<0x7F800000> : vector<128x64xf32>
    %reduce_min3A_3135 = vector.multi_reduction <minimumf>, %select_n3A_3133, %reduce_min3A_3134 [2] : vector<128x64x128xf32> to vector<128x64xf32>
    %concatenate3A_3136 = tpu.concatenate %reduce_min3A_3120, %reduce_min3A_3135 in 0 : vector<128x64xf32>, vector<128x64xf32> -> vector<256x64xf32>
    %eq3A_3137 = vector.broadcast %broadcast_in_dim3A_3103 : vector<256x1xi32> to vector<256x128xi32>
    %eq3A_3138 = arith.cmpi eq, %iota3A_2670, %eq3A_3137 : vector<256x128xi32>
    %jit3A_3139 = arith.constant 0 : i32
    %broadcast_in_dim3A_3140 = vector.broadcast %jit3A_3139 : i32 to vector<256x128xi32>
    %select_n3A_3141 = arith.select %eq3A_3138, %select_n3A_3092, %broadcast_in_dim3A_3140 : vector<256x128xi1>, vector<256x128xi32>
    %reduce_sum3A_3142 = arith.constant dense<0> : vector<256xi32>
    %reduce_sum3A_3143 = vector.multi_reduction <add>, %select_n3A_3141, %reduce_sum3A_3142 [1] : vector<256x128xi32> to vector<256xi32>
    %broadcast_in_dim3A_3144 = vector.shape_cast %reduce_sum3A_3143 : vector<256xi32> to vector<256x1xi32>
    %lt3A_3145 = vector.broadcast %broadcast_in_dim3A_3095 : vector<256x1xf32> to vector<256x64xf32>
    %lt3A_3146 = arith.cmpf olt, %concatenate3A_3136, %lt3A_3145 : vector<256x64xf32>
    %convert_element_type3A_3147 = arith.extui %lt3A_3146 : vector<256x64xi1> to vector<256x64xi32>
    %reduce_sum3A_3148 = arith.constant dense<0> : vector<256xi32>
    %reduce_sum3A_3149 = vector.multi_reduction <add>, %convert_element_type3A_3147, %reduce_sum3A_3148 [1] : vector<256x64xi32> to vector<256xi32>
    %broadcast_in_dim3A_3150 = vector.shape_cast %reduce_sum3A_3149 : vector<256xi32> to vector<256x1xi32>
    %sub3A_3151 = arith.subi %broadcast_in_dim3A_3144, %broadcast_in_dim3A_3150 : vector<256x1xi32>
    %add3A_3152 = arith.constant 1 : i32
    %add3A_3153 = vector.broadcast %add3A_3152 : i32 to vector<256x1xi32>
    %add3A_3154 = arith.addi %sub3A_3151, %add3A_3153 : vector<256x1xi32>
    %eq3A_3155 = vector.broadcast %broadcast_in_dim3A_3095 : vector<256x1xf32> to vector<256x64xf32>
    %eq3A_3156 = arith.cmpf oeq, %concatenate3A_3136, %eq3A_3155 : vector<256x64xf32>
    %convert_element_type3A_3157 = arith.extui %eq3A_3156 : vector<256x64xi1> to vector<256x64xi32>
    %broadcast_in_dim3A_3158 = arith.constant 0 : i32
    %broadcast_in_dim3A_3159 = vector.broadcast %broadcast_in_dim3A_3158 : i32 to vector<256x1xi32>
    %slice3A_3160 = vector.extract_strided_slice %convert_element_type3A_3157 {offsets = [0, 0], sizes = [256, 63], strides = [1, 1]} : vector<256x64xi32> to vector<256x63xi32>
    %concatenate3A_3161 = tpu.concatenate %broadcast_in_dim3A_3159, %slice3A_3160 in 1 : vector<256x1xi32>, vector<256x63xi32> -> vector<256x64xi32>
    %add3A_3162 = arith.addi %convert_element_type3A_3157, %concatenate3A_3161 : vector<256x64xi32>
    %broadcast_in_dim3A_3163 = arith.constant 0 : i32
    %broadcast_in_dim3A_3164 = vector.broadcast %broadcast_in_dim3A_3163 : i32 to vector<256x2xi32>
    %slice3A_3165 = vector.extract_strided_slice %add3A_3162 {offsets = [0, 0], sizes = [256, 62], strides = [1, 1]} : vector<256x64xi32> to vector<256x62xi32>
    %concatenate3A_3166 = tpu.concatenate %broadcast_in_dim3A_3164, %slice3A_3165 in 1 : vector<256x2xi32>, vector<256x62xi32> -> vector<256x64xi32>
    %add3A_3167 = arith.addi %add3A_3162, %concatenate3A_3166 : vector<256x64xi32>
    %broadcast_in_dim3A_3168 = arith.constant 0 : i32
    %broadcast_in_dim3A_3169 = vector.broadcast %broadcast_in_dim3A_3168 : i32 to vector<256x4xi32>
    %slice3A_3170 = vector.extract_strided_slice %add3A_3167 {offsets = [0, 0], sizes = [256, 60], strides = [1, 1]} : vector<256x64xi32> to vector<256x60xi32>
    %concatenate3A_3171 = tpu.concatenate %broadcast_in_dim3A_3169, %slice3A_3170 in 1 : vector<256x4xi32>, vector<256x60xi32> -> vector<256x64xi32>
    %add3A_3172 = arith.addi %add3A_3167, %concatenate3A_3171 : vector<256x64xi32>
    %broadcast_in_dim3A_3173 = arith.constant 0 : i32
    %broadcast_in_dim3A_3174 = vector.broadcast %broadcast_in_dim3A_3173 : i32 to vector<256x8xi32>
    %slice3A_3175 = vector.extract_strided_slice %add3A_3172 {offsets = [0, 0], sizes = [256, 56], strides = [1, 1]} : vector<256x64xi32> to vector<256x56xi32>
    %concatenate3A_3176 = tpu.concatenate %broadcast_in_dim3A_3174, %slice3A_3175 in 1 : vector<256x8xi32>, vector<256x56xi32> -> vector<256x64xi32>
    %add3A_3177 = arith.addi %add3A_3172, %concatenate3A_3176 : vector<256x64xi32>
    %broadcast_in_dim3A_3178 = arith.constant 0 : i32
    %broadcast_in_dim3A_3179 = vector.broadcast %broadcast_in_dim3A_3178 : i32 to vector<256x16xi32>
    %slice3A_3180 = vector.extract_strided_slice %add3A_3177 {offsets = [0, 0], sizes = [256, 48], strides = [1, 1]} : vector<256x64xi32> to vector<256x48xi32>
    %concatenate3A_3181 = tpu.concatenate %broadcast_in_dim3A_3179, %slice3A_3180 in 1 : vector<256x16xi32>, vector<256x48xi32> -> vector<256x64xi32>
    %add3A_3182 = arith.addi %add3A_3177, %concatenate3A_3181 : vector<256x64xi32>
    %broadcast_in_dim3A_3183 = arith.constant 0 : i32
    %broadcast_in_dim3A_3184 = vector.broadcast %broadcast_in_dim3A_3183 : i32 to vector<256x32xi32>
    %slice3A_3185 = vector.extract_strided_slice %add3A_3182 {offsets = [0, 0], sizes = [256, 32], strides = [1, 1]} : vector<256x64xi32> to vector<256x32xi32>
    %concatenate3A_3186 = tpu.concatenate %broadcast_in_dim3A_3184, %slice3A_3185 in 1 : vector<256x32xi32>, vector<256x32xi32> -> vector<256x64xi32>
    %add3A_3187 = arith.addi %add3A_3182, %concatenate3A_3186 : vector<256x64xi32>
    %eq3A_3188 = vector.broadcast %add3A_3154 : vector<256x1xi32> to vector<256x64xi32>
    %eq3A_3189 = arith.cmpi eq, %add3A_3187, %eq3A_3188 : vector<256x64xi32>
    %and3A_3190 = arith.andi %eq3A_3156, %eq3A_3189 : vector<256x64xi1>
    %jit3A_3191 = arith.constant 64 : i32
    %broadcast_in_dim3A_3192 = vector.broadcast %jit3A_3191 : i32 to vector<256x64xi32>
    %select_n3A_3193 = arith.select %and3A_3190, %iota3A_2671, %broadcast_in_dim3A_3192 : vector<256x64xi1>, vector<256x64xi32>
    %reduce_min3A_3194 = arith.constant dense<2147483647> : vector<256xi32>
    %reduce_min3A_3195 = vector.multi_reduction <minsi>, %select_n3A_3193, %reduce_min3A_3194 [1] : vector<256x64xi32> to vector<256xi32>
    %broadcast_in_dim3A_3196 = vector.shape_cast %reduce_min3A_3195 : vector<256xi32> to vector<256x1xi32>
    %mul3A_3197 = arith.constant 128 : i32
    %mul3A_3198 = vector.broadcast %mul3A_3197 : i32 to vector<256x1xi32>
    %mul3A_3199 = arith.muli %broadcast_in_dim3A_3196, %mul3A_3198 : vector<256x1xi32>
    %add3A_3200 = arith.addi %mul3A_3199, %broadcast_in_dim3A_3103 : vector<256x1xi32>
    %convert_element_type3A_3201 = arith.extui %eq3A_3156 : vector<256x64xi1> to vector<256x64xi32>
    %reduce_sum3A_3202 = arith.constant dense<0> : vector<256xi32>
    %reduce_sum3A_3203 = vector.multi_reduction <add>, %convert_element_type3A_3201, %reduce_sum3A_3202 [1] : vector<256x64xi32> to vector<256xi32>
    %broadcast_in_dim3A_3204 = vector.shape_cast %reduce_sum3A_3203 : vector<256xi32> to vector<256x1xi32>
    %gt3A_3205 = vector.broadcast %broadcast_in_dim3A_3095 : vector<256x1xf32> to vector<256x64xf32>
    %gt3A_3206 = arith.cmpf ogt, %concatenate3A_3136, %gt3A_3205 : vector<256x64xf32>
    %jit3A_3207 = arith.constant 3.400000e+38 : f32
    %broadcast_in_dim3A_3208 = vector.broadcast %jit3A_3207 : f32 to vector<256x64xf32>
    %select_n3A_3209 = arith.select %gt3A_3206, %concatenate3A_3136, %broadcast_in_dim3A_3208 : vector<256x64xi1>, vector<256x64xf32>
    %reduce_min3A_3210 = arith.constant dense<0x7F800000> : vector<256xf32>
    %reduce_min3A_3211 = vector.multi_reduction <minimumf>, %select_n3A_3209, %reduce_min3A_3210 [1] : vector<256x64xf32> to vector<256xf32>
    %broadcast_in_dim3A_3212 = vector.shape_cast %reduce_min3A_3211 : vector<256xf32> to vector<256x1xf32>
    %sub3A_3213 = arith.subi %broadcast_in_dim3A_3204, %add3A_3154 : vector<256x1xi32>
    %gt3A_3214 = arith.constant 0 : i32
    %gt3A_3215 = vector.broadcast %gt3A_3214 : i32 to vector<256x1xi32>
    %gt3A_3216 = arith.cmpi sgt, %sub3A_3213, %gt3A_3215 : vector<256x1xi32>
    %select_n3A_3217 = arith.select %gt3A_3216, %broadcast_in_dim3A_3095, %broadcast_in_dim3A_3212 : vector<256x1xi1>, vector<256x1xf32>
    %eq3A_3218 = vector.broadcast %broadcast_in_dim3A_3103 : vector<256x1xi32> to vector<256x128xi32>
    %eq3A_3219 = arith.cmpi eq, %iota3A_2670, %eq3A_3218 : vector<256x128xi32>
    %broadcast_in_dim3A_3220 = vector.shape_cast %select_n3A_3217 : vector<256x1xf32> to vector<256x1xf32>
    %broadcast_in_dim3A_3221 = vector.broadcast %broadcast_in_dim3A_3220 : vector<256x1xf32> to vector<256x128xf32>
    %select_n3A_3222 = arith.select %eq3A_3219, %broadcast_in_dim3A_3221, %select_n3A_3086 : vector<256x128xi1>, vector<256x128xf32>
    %eq3A_3223 = vector.broadcast %broadcast_in_dim3A_3103 : vector<256x1xi32> to vector<256x128xi32>
    %eq3A_3224 = arith.cmpi eq, %iota3A_2670, %eq3A_3223 : vector<256x128xi32>
    %add3A_3225 = arith.constant 1 : i32
    %add3A_3226 = vector.broadcast %add3A_3225 : i32 to vector<256x128xi32>
    %add3A_3227 = arith.addi %select_n3A_3092, %add3A_3226 : vector<256x128xi32>
    %select_n3A_3228 = arith.select %eq3A_3224, %add3A_3227, %select_n3A_3092 : vector<256x128xi1>, vector<256x128xi32>
    %reduce_min3A_3229 = arith.constant dense<0x7F800000> : vector<256xf32>
    %reduce_min3A_3230 = vector.multi_reduction <minimumf>, %select_n3A_3222, %reduce_min3A_3229 [1] : vector<256x128xf32> to vector<256xf32>
    %broadcast_in_dim3A_3231 = vector.shape_cast %reduce_min3A_3230 : vector<256xf32> to vector<256x1xf32>
    %eq3A_3232 = vector.broadcast %broadcast_in_dim3A_3231 : vector<256x1xf32> to vector<256x128xf32>
    %eq3A_3233 = arith.cmpf oeq, %select_n3A_3222, %eq3A_3232 : vector<256x128xf32>
    %jit3A_3234 = arith.constant 128 : i32
    %broadcast_in_dim3A_3235 = vector.broadcast %jit3A_3234 : i32 to vector<256x128xi32>
    %select_n3A_3236 = arith.select %eq3A_3233, %iota3A_2670, %broadcast_in_dim3A_3235 : vector<256x128xi1>, vector<256x128xi32>
    %reduce_min3A_3237 = arith.constant dense<2147483647> : vector<256xi32>
    %reduce_min3A_3238 = vector.multi_reduction <minsi>, %select_n3A_3236, %reduce_min3A_3237 [1] : vector<256x128xi32> to vector<256xi32>
    %broadcast_in_dim3A_3239 = vector.shape_cast %reduce_min3A_3238 : vector<256xi32> to vector<256x1xi32>
    %eq3A_3240 = vector.broadcast %broadcast_in_dim3A_3239 : vector<256x1xi32> to vector<256x128xi32>
    %eq3A_3241 = arith.cmpi eq, %iota3A_2670, %eq3A_3240 : vector<256x128xi32>
    %slice3A_3242 = vector.extract_strided_slice %eq3A_3241 {offsets = [0, 0], sizes = [128, 128], strides = [1, 1]} : vector<256x128xi1> to vector<128x128xi1>
    %broadcast_in_dim3A_3243 = vector.shape_cast %slice3A_3242 : vector<128x128xi1> to vector<128x1x128xi1>
    %get3A_3244 = arith.constant 0 : index
    %get3A_3245 = arith.constant 0 : index
    %get3A_3246 = arith.constant 0 : index
    %get3A_3247 = arith.constant 0 : index
    %get3A_3248 = vector.load %arg3[%get3A_3244, %get3A_3245, %get3A_3246, %get3A_3247] : memref<2x128x64x128xf32, #tpu.memory_space<vmem>>, vector<1x128x64x128xf32>
    %get3A_3249 = vector.shape_cast %get3A_3248 : vector<1x128x64x128xf32> to vector<128x64x128xf32>
    %jit3A_3250 = arith.constant 3.400000e+38 : f32
    %broadcast_in_dim3A_3251 = vector.shape_cast %broadcast_in_dim3A_3243 : vector<128x1x128xi1> to vector<128x1x128xi1>
    %broadcast_in_dim3A_3252 = vector.broadcast %broadcast_in_dim3A_3251 : vector<128x1x128xi1> to vector<128x64x128xi1>
    %broadcast_in_dim3A_3253 = vector.broadcast %jit3A_3250 : f32 to vector<128x64x128xf32>
    %select_n3A_3254 = arith.select %broadcast_in_dim3A_3252, %get3A_3249, %broadcast_in_dim3A_3253 : vector<128x64x128xi1>, vector<128x64x128xf32>
    %reduce_min3A_3255 = arith.constant dense<0x7F800000> : vector<128x64xf32>
    %reduce_min3A_3256 = vector.multi_reduction <minimumf>, %select_n3A_3254, %reduce_min3A_3255 [2] : vector<128x64x128xf32> to vector<128x64xf32>
    %slice3A_3257 = vector.extract_strided_slice %eq3A_3241 {offsets = [128, 0], sizes = [128, 128], strides = [1, 1]} : vector<256x128xi1> to vector<128x128xi1>
    %broadcast_in_dim3A_3258 = vector.shape_cast %slice3A_3257 : vector<128x128xi1> to vector<128x1x128xi1>
    %get3A_3259 = arith.constant 1 : index
    %get3A_3260 = arith.constant 0 : index
    %get3A_3261 = arith.constant 0 : index
    %get3A_3262 = arith.constant 0 : index
    %get3A_3263 = vector.load %arg3[%get3A_3259, %get3A_3260, %get3A_3261, %get3A_3262] : memref<2x128x64x128xf32, #tpu.memory_space<vmem>>, vector<1x128x64x128xf32>
    %get3A_3264 = vector.shape_cast %get3A_3263 : vector<1x128x64x128xf32> to vector<128x64x128xf32>
    %jit3A_3265 = arith.constant 3.400000e+38 : f32
    %broadcast_in_dim3A_3266 = vector.shape_cast %broadcast_in_dim3A_3258 : vector<128x1x128xi1> to vector<128x1x128xi1>
    %broadcast_in_dim3A_3267 = vector.broadcast %broadcast_in_dim3A_3266 : vector<128x1x128xi1> to vector<128x64x128xi1>
    %broadcast_in_dim3A_3268 = vector.broadcast %jit3A_3265 : f32 to vector<128x64x128xf32>
    %select_n3A_3269 = arith.select %broadcast_in_dim3A_3267, %get3A_3264, %broadcast_in_dim3A_3268 : vector<128x64x128xi1>, vector<128x64x128xf32>
    %reduce_min3A_3270 = arith.constant dense<0x7F800000> : vector<128x64xf32>
    %reduce_min3A_3271 = vector.multi_reduction <minimumf>, %select_n3A_3269, %reduce_min3A_3270 [2] : vector<128x64x128xf32> to vector<128x64xf32>
    %concatenate3A_3272 = tpu.concatenate %reduce_min3A_3256, %reduce_min3A_3271 in 0 : vector<128x64xf32>, vector<128x64xf32> -> vector<256x64xf32>
    %eq3A_3273 = vector.broadcast %broadcast_in_dim3A_3239 : vector<256x1xi32> to vector<256x128xi32>
    %eq3A_3274 = arith.cmpi eq, %iota3A_2670, %eq3A_3273 : vector<256x128xi32>
    %jit3A_3275 = arith.constant 0 : i32
    %broadcast_in_dim3A_3276 = vector.broadcast %jit3A_3275 : i32 to vector<256x128xi32>
    %select_n3A_3277 = arith.select %eq3A_3274, %select_n3A_3228, %broadcast_in_dim3A_3276 : vector<256x128xi1>, vector<256x128xi32>
    %reduce_sum3A_3278 = arith.constant dense<0> : vector<256xi32>
    %reduce_sum3A_3279 = vector.multi_reduction <add>, %select_n3A_3277, %reduce_sum3A_3278 [1] : vector<256x128xi32> to vector<256xi32>
    %broadcast_in_dim3A_3280 = vector.shape_cast %reduce_sum3A_3279 : vector<256xi32> to vector<256x1xi32>
    %lt3A_3281 = vector.broadcast %broadcast_in_dim3A_3231 : vector<256x1xf32> to vector<256x64xf32>
    %lt3A_3282 = arith.cmpf olt, %concatenate3A_3272, %lt3A_3281 : vector<256x64xf32>
    %convert_element_type3A_3283 = arith.extui %lt3A_3282 : vector<256x64xi1> to vector<256x64xi32>
    %reduce_sum3A_3284 = arith.constant dense<0> : vector<256xi32>
    %reduce_sum3A_3285 = vector.multi_reduction <add>, %convert_element_type3A_3283, %reduce_sum3A_3284 [1] : vector<256x64xi32> to vector<256xi32>
    %broadcast_in_dim3A_3286 = vector.shape_cast %reduce_sum3A_3285 : vector<256xi32> to vector<256x1xi32>
    %sub3A_3287 = arith.subi %broadcast_in_dim3A_3280, %broadcast_in_dim3A_3286 : vector<256x1xi32>
    %add3A_3288 = arith.constant 1 : i32
    %add3A_3289 = vector.broadcast %add3A_3288 : i32 to vector<256x1xi32>
    %add3A_3290 = arith.addi %sub3A_3287, %add3A_3289 : vector<256x1xi32>
    %eq3A_3291 = vector.broadcast %broadcast_in_dim3A_3231 : vector<256x1xf32> to vector<256x64xf32>
    %eq3A_3292 = arith.cmpf oeq, %concatenate3A_3272, %eq3A_3291 : vector<256x64xf32>
    %convert_element_type3A_3293 = arith.extui %eq3A_3292 : vector<256x64xi1> to vector<256x64xi32>
    %broadcast_in_dim3A_3294 = arith.constant 0 : i32
    %broadcast_in_dim3A_3295 = vector.broadcast %broadcast_in_dim3A_3294 : i32 to vector<256x1xi32>
    %slice3A_3296 = vector.extract_strided_slice %convert_element_type3A_3293 {offsets = [0, 0], sizes = [256, 63], strides = [1, 1]} : vector<256x64xi32> to vector<256x63xi32>
    %concatenate3A_3297 = tpu.concatenate %broadcast_in_dim3A_3295, %slice3A_3296 in 1 : vector<256x1xi32>, vector<256x63xi32> -> vector<256x64xi32>
    %add3A_3298 = arith.addi %convert_element_type3A_3293, %concatenate3A_3297 : vector<256x64xi32>
    %broadcast_in_dim3A_3299 = arith.constant 0 : i32
    %broadcast_in_dim3A_3300 = vector.broadcast %broadcast_in_dim3A_3299 : i32 to vector<256x2xi32>
    %slice3A_3301 = vector.extract_strided_slice %add3A_3298 {offsets = [0, 0], sizes = [256, 62], strides = [1, 1]} : vector<256x64xi32> to vector<256x62xi32>
    %concatenate3A_3302 = tpu.concatenate %broadcast_in_dim3A_3300, %slice3A_3301 in 1 : vector<256x2xi32>, vector<256x62xi32> -> vector<256x64xi32>
    %add3A_3303 = arith.addi %add3A_3298, %concatenate3A_3302 : vector<256x64xi32>
    %broadcast_in_dim3A_3304 = arith.constant 0 : i32
    %broadcast_in_dim3A_3305 = vector.broadcast %broadcast_in_dim3A_3304 : i32 to vector<256x4xi32>
    %slice3A_3306 = vector.extract_strided_slice %add3A_3303 {offsets = [0, 0], sizes = [256, 60], strides = [1, 1]} : vector<256x64xi32> to vector<256x60xi32>
    %concatenate3A_3307 = tpu.concatenate %broadcast_in_dim3A_3305, %slice3A_3306 in 1 : vector<256x4xi32>, vector<256x60xi32> -> vector<256x64xi32>
    %add3A_3308 = arith.addi %add3A_3303, %concatenate3A_3307 : vector<256x64xi32>
    %broadcast_in_dim3A_3309 = arith.constant 0 : i32
    %broadcast_in_dim3A_3310 = vector.broadcast %broadcast_in_dim3A_3309 : i32 to vector<256x8xi32>
    %slice3A_3311 = vector.extract_strided_slice %add3A_3308 {offsets = [0, 0], sizes = [256, 56], strides = [1, 1]} : vector<256x64xi32> to vector<256x56xi32>
    %concatenate3A_3312 = tpu.concatenate %broadcast_in_dim3A_3310, %slice3A_3311 in 1 : vector<256x8xi32>, vector<256x56xi32> -> vector<256x64xi32>
    %add3A_3313 = arith.addi %add3A_3308, %concatenate3A_3312 : vector<256x64xi32>
    %broadcast_in_dim3A_3314 = arith.constant 0 : i32
    %broadcast_in_dim3A_3315 = vector.broadcast %broadcast_in_dim3A_3314 : i32 to vector<256x16xi32>
    %slice3A_3316 = vector.extract_strided_slice %add3A_3313 {offsets = [0, 0], sizes = [256, 48], strides = [1, 1]} : vector<256x64xi32> to vector<256x48xi32>
    %concatenate3A_3317 = tpu.concatenate %broadcast_in_dim3A_3315, %slice3A_3316 in 1 : vector<256x16xi32>, vector<256x48xi32> -> vector<256x64xi32>
    %add3A_3318 = arith.addi %add3A_3313, %concatenate3A_3317 : vector<256x64xi32>
    %broadcast_in_dim3A_3319 = arith.constant 0 : i32
    %broadcast_in_dim3A_3320 = vector.broadcast %broadcast_in_dim3A_3319 : i32 to vector<256x32xi32>
    %slice3A_3321 = vector.extract_strided_slice %add3A_3318 {offsets = [0, 0], sizes = [256, 32], strides = [1, 1]} : vector<256x64xi32> to vector<256x32xi32>
    %concatenate3A_3322 = tpu.concatenate %broadcast_in_dim3A_3320, %slice3A_3321 in 1 : vector<256x32xi32>, vector<256x32xi32> -> vector<256x64xi32>
    %add3A_3323 = arith.addi %add3A_3318, %concatenate3A_3322 : vector<256x64xi32>
    %eq3A_3324 = vector.broadcast %add3A_3290 : vector<256x1xi32> to vector<256x64xi32>
    %eq3A_3325 = arith.cmpi eq, %add3A_3323, %eq3A_3324 : vector<256x64xi32>
    %and3A_3326 = arith.andi %eq3A_3292, %eq3A_3325 : vector<256x64xi1>
    %jit3A_3327 = arith.constant 64 : i32
    %broadcast_in_dim3A_3328 = vector.broadcast %jit3A_3327 : i32 to vector<256x64xi32>
    %select_n3A_3329 = arith.select %and3A_3326, %iota3A_2671, %broadcast_in_dim3A_3328 : vector<256x64xi1>, vector<256x64xi32>
    %reduce_min3A_3330 = arith.constant dense<2147483647> : vector<256xi32>
    %reduce_min3A_3331 = vector.multi_reduction <minsi>, %select_n3A_3329, %reduce_min3A_3330 [1] : vector<256x64xi32> to vector<256xi32>
    %broadcast_in_dim3A_3332 = vector.shape_cast %reduce_min3A_3331 : vector<256xi32> to vector<256x1xi32>
    %mul3A_3333 = arith.constant 128 : i32
    %mul3A_3334 = vector.broadcast %mul3A_3333 : i32 to vector<256x1xi32>
    %mul3A_3335 = arith.muli %broadcast_in_dim3A_3332, %mul3A_3334 : vector<256x1xi32>
    %add3A_3336 = arith.addi %mul3A_3335, %broadcast_in_dim3A_3239 : vector<256x1xi32>
    %convert_element_type3A_3337 = arith.extui %eq3A_3292 : vector<256x64xi1> to vector<256x64xi32>
    %reduce_sum3A_3338 = arith.constant dense<0> : vector<256xi32>
    %reduce_sum3A_3339 = vector.multi_reduction <add>, %convert_element_type3A_3337, %reduce_sum3A_3338 [1] : vector<256x64xi32> to vector<256xi32>
    %broadcast_in_dim3A_3340 = vector.shape_cast %reduce_sum3A_3339 : vector<256xi32> to vector<256x1xi32>
    %gt3A_3341 = vector.broadcast %broadcast_in_dim3A_3231 : vector<256x1xf32> to vector<256x64xf32>
    %gt3A_3342 = arith.cmpf ogt, %concatenate3A_3272, %gt3A_3341 : vector<256x64xf32>
    %jit3A_3343 = arith.constant 3.400000e+38 : f32
    %broadcast_in_dim3A_3344 = vector.broadcast %jit3A_3343 : f32 to vector<256x64xf32>
    %select_n3A_3345 = arith.select %gt3A_3342, %concatenate3A_3272, %broadcast_in_dim3A_3344 : vector<256x64xi1>, vector<256x64xf32>
    %reduce_min3A_3346 = arith.constant dense<0x7F800000> : vector<256xf32>
    %reduce_min3A_3347 = vector.multi_reduction <minimumf>, %select_n3A_3345, %reduce_min3A_3346 [1] : vector<256x64xf32> to vector<256xf32>
    %broadcast_in_dim3A_3348 = vector.shape_cast %reduce_min3A_3347 : vector<256xf32> to vector<256x1xf32>
    %sub3A_3349 = arith.subi %broadcast_in_dim3A_3340, %add3A_3290 : vector<256x1xi32>
    %gt3A_3350 = arith.constant 0 : i32
    %gt3A_3351 = vector.broadcast %gt3A_3350 : i32 to vector<256x1xi32>
    %gt3A_3352 = arith.cmpi sgt, %sub3A_3349, %gt3A_3351 : vector<256x1xi32>
    %select_n3A_3353 = arith.select %gt3A_3352, %broadcast_in_dim3A_3231, %broadcast_in_dim3A_3348 : vector<256x1xi1>, vector<256x1xf32>
    %eq3A_3354 = vector.broadcast %broadcast_in_dim3A_3239 : vector<256x1xi32> to vector<256x128xi32>
    %eq3A_3355 = arith.cmpi eq, %iota3A_2670, %eq3A_3354 : vector<256x128xi32>
    %broadcast_in_dim3A_3356 = vector.shape_cast %select_n3A_3353 : vector<256x1xf32> to vector<256x1xf32>
    %broadcast_in_dim3A_3357 = vector.broadcast %broadcast_in_dim3A_3356 : vector<256x1xf32> to vector<256x128xf32>
    %select_n3A_3358 = arith.select %eq3A_3355, %broadcast_in_dim3A_3357, %select_n3A_3222 : vector<256x128xi1>, vector<256x128xf32>
    %eq3A_3359 = vector.broadcast %broadcast_in_dim3A_3239 : vector<256x1xi32> to vector<256x128xi32>
    %eq3A_3360 = arith.cmpi eq, %iota3A_2670, %eq3A_3359 : vector<256x128xi32>
    %add3A_3361 = arith.constant 1 : i32
    %add3A_3362 = vector.broadcast %add3A_3361 : i32 to vector<256x128xi32>
    %add3A_3363 = arith.addi %select_n3A_3228, %add3A_3362 : vector<256x128xi32>
    %select_n3A_3364 = arith.select %eq3A_3360, %add3A_3363, %select_n3A_3228 : vector<256x128xi1>, vector<256x128xi32>
    %reduce_min3A_3365 = arith.constant dense<0x7F800000> : vector<256xf32>
    %reduce_min3A_3366 = vector.multi_reduction <minimumf>, %select_n3A_3358, %reduce_min3A_3365 [1] : vector<256x128xf32> to vector<256xf32>
    %broadcast_in_dim3A_3367 = vector.shape_cast %reduce_min3A_3366 : vector<256xf32> to vector<256x1xf32>
    %eq3A_3368 = vector.broadcast %broadcast_in_dim3A_3367 : vector<256x1xf32> to vector<256x128xf32>
    %eq3A_3369 = arith.cmpf oeq, %select_n3A_3358, %eq3A_3368 : vector<256x128xf32>
    %jit3A_3370 = arith.constant 128 : i32
    %broadcast_in_dim3A_3371 = vector.broadcast %jit3A_3370 : i32 to vector<256x128xi32>
    %select_n3A_3372 = arith.select %eq3A_3369, %iota3A_2670, %broadcast_in_dim3A_3371 : vector<256x128xi1>, vector<256x128xi32>
    %reduce_min3A_3373 = arith.constant dense<2147483647> : vector<256xi32>
    %reduce_min3A_3374 = vector.multi_reduction <minsi>, %select_n3A_3372, %reduce_min3A_3373 [1] : vector<256x128xi32> to vector<256xi32>
    %broadcast_in_dim3A_3375 = vector.shape_cast %reduce_min3A_3374 : vector<256xi32> to vector<256x1xi32>
    %eq3A_3376 = vector.broadcast %broadcast_in_dim3A_3375 : vector<256x1xi32> to vector<256x128xi32>
    %eq3A_3377 = arith.cmpi eq, %iota3A_2670, %eq3A_3376 : vector<256x128xi32>
    %slice3A_3378 = vector.extract_strided_slice %eq3A_3377 {offsets = [0, 0], sizes = [128, 128], strides = [1, 1]} : vector<256x128xi1> to vector<128x128xi1>
    %broadcast_in_dim3A_3379 = vector.shape_cast %slice3A_3378 : vector<128x128xi1> to vector<128x1x128xi1>
    %get3A_3380 = arith.constant 0 : index
    %get3A_3381 = arith.constant 0 : index
    %get3A_3382 = arith.constant 0 : index
    %get3A_3383 = arith.constant 0 : index
    %get3A_3384 = vector.load %arg3[%get3A_3380, %get3A_3381, %get3A_3382, %get3A_3383] : memref<2x128x64x128xf32, #tpu.memory_space<vmem>>, vector<1x128x64x128xf32>
    %get3A_3385 = vector.shape_cast %get3A_3384 : vector<1x128x64x128xf32> to vector<128x64x128xf32>
    %jit3A_3386 = arith.constant 3.400000e+38 : f32
    %broadcast_in_dim3A_3387 = vector.shape_cast %broadcast_in_dim3A_3379 : vector<128x1x128xi1> to vector<128x1x128xi1>
    %broadcast_in_dim3A_3388 = vector.broadcast %broadcast_in_dim3A_3387 : vector<128x1x128xi1> to vector<128x64x128xi1>
    %broadcast_in_dim3A_3389 = vector.broadcast %jit3A_3386 : f32 to vector<128x64x128xf32>
    %select_n3A_3390 = arith.select %broadcast_in_dim3A_3388, %get3A_3385, %broadcast_in_dim3A_3389 : vector<128x64x128xi1>, vector<128x64x128xf32>
    %reduce_min3A_3391 = arith.constant dense<0x7F800000> : vector<128x64xf32>
    %reduce_min3A_3392 = vector.multi_reduction <minimumf>, %select_n3A_3390, %reduce_min3A_3391 [2] : vector<128x64x128xf32> to vector<128x64xf32>
    %slice3A_3393 = vector.extract_strided_slice %eq3A_3377 {offsets = [128, 0], sizes = [128, 128], strides = [1, 1]} : vector<256x128xi1> to vector<128x128xi1>
    %broadcast_in_dim3A_3394 = vector.shape_cast %slice3A_3393 : vector<128x128xi1> to vector<128x1x128xi1>
    %get3A_3395 = arith.constant 1 : index
    %get3A_3396 = arith.constant 0 : index
    %get3A_3397 = arith.constant 0 : index
    %get3A_3398 = arith.constant 0 : index
    %get3A_3399 = vector.load %arg3[%get3A_3395, %get3A_3396, %get3A_3397, %get3A_3398] : memref<2x128x64x128xf32, #tpu.memory_space<vmem>>, vector<1x128x64x128xf32>
    %get3A_3400 = vector.shape_cast %get3A_3399 : vector<1x128x64x128xf32> to vector<128x64x128xf32>
    %jit3A_3401 = arith.constant 3.400000e+38 : f32
    %broadcast_in_dim3A_3402 = vector.shape_cast %broadcast_in_dim3A_3394 : vector<128x1x128xi1> to vector<128x1x128xi1>
    %broadcast_in_dim3A_3403 = vector.broadcast %broadcast_in_dim3A_3402 : vector<128x1x128xi1> to vector<128x64x128xi1>
    %broadcast_in_dim3A_3404 = vector.broadcast %jit3A_3401 : f32 to vector<128x64x128xf32>
    %select_n3A_3405 = arith.select %broadcast_in_dim3A_3403, %get3A_3400, %broadcast_in_dim3A_3404 : vector<128x64x128xi1>, vector<128x64x128xf32>
    %reduce_min3A_3406 = arith.constant dense<0x7F800000> : vector<128x64xf32>
    %reduce_min3A_3407 = vector.multi_reduction <minimumf>, %select_n3A_3405, %reduce_min3A_3406 [2] : vector<128x64x128xf32> to vector<128x64xf32>
    %concatenate3A_3408 = tpu.concatenate %reduce_min3A_3392, %reduce_min3A_3407 in 0 : vector<128x64xf32>, vector<128x64xf32> -> vector<256x64xf32>
    %eq3A_3409 = vector.broadcast %broadcast_in_dim3A_3375 : vector<256x1xi32> to vector<256x128xi32>
    %eq3A_3410 = arith.cmpi eq, %iota3A_2670, %eq3A_3409 : vector<256x128xi32>
    %jit3A_3411 = arith.constant 0 : i32
    %broadcast_in_dim3A_3412 = vector.broadcast %jit3A_3411 : i32 to vector<256x128xi32>
    %select_n3A_3413 = arith.select %eq3A_3410, %select_n3A_3364, %broadcast_in_dim3A_3412 : vector<256x128xi1>, vector<256x128xi32>
    %reduce_sum3A_3414 = arith.constant dense<0> : vector<256xi32>
    %reduce_sum3A_3415 = vector.multi_reduction <add>, %select_n3A_3413, %reduce_sum3A_3414 [1] : vector<256x128xi32> to vector<256xi32>
    %broadcast_in_dim3A_3416 = vector.shape_cast %reduce_sum3A_3415 : vector<256xi32> to vector<256x1xi32>
    %lt3A_3417 = vector.broadcast %broadcast_in_dim3A_3367 : vector<256x1xf32> to vector<256x64xf32>
    %lt3A_3418 = arith.cmpf olt, %concatenate3A_3408, %lt3A_3417 : vector<256x64xf32>
    %convert_element_type3A_3419 = arith.extui %lt3A_3418 : vector<256x64xi1> to vector<256x64xi32>
    %reduce_sum3A_3420 = arith.constant dense<0> : vector<256xi32>
    %reduce_sum3A_3421 = vector.multi_reduction <add>, %convert_element_type3A_3419, %reduce_sum3A_3420 [1] : vector<256x64xi32> to vector<256xi32>
    %broadcast_in_dim3A_3422 = vector.shape_cast %reduce_sum3A_3421 : vector<256xi32> to vector<256x1xi32>
    %sub3A_3423 = arith.subi %broadcast_in_dim3A_3416, %broadcast_in_dim3A_3422 : vector<256x1xi32>
    %add3A_3424 = arith.constant 1 : i32
    %add3A_3425 = vector.broadcast %add3A_3424 : i32 to vector<256x1xi32>
    %add3A_3426 = arith.addi %sub3A_3423, %add3A_3425 : vector<256x1xi32>
    %eq3A_3427 = vector.broadcast %broadcast_in_dim3A_3367 : vector<256x1xf32> to vector<256x64xf32>
    %eq3A_3428 = arith.cmpf oeq, %concatenate3A_3408, %eq3A_3427 : vector<256x64xf32>
    %convert_element_type3A_3429 = arith.extui %eq3A_3428 : vector<256x64xi1> to vector<256x64xi32>
    %broadcast_in_dim3A_3430 = arith.constant 0 : i32
    %broadcast_in_dim3A_3431 = vector.broadcast %broadcast_in_dim3A_3430 : i32 to vector<256x1xi32>
    %slice3A_3432 = vector.extract_strided_slice %convert_element_type3A_3429 {offsets = [0, 0], sizes = [256, 63], strides = [1, 1]} : vector<256x64xi32> to vector<256x63xi32>
    %concatenate3A_3433 = tpu.concatenate %broadcast_in_dim3A_3431, %slice3A_3432 in 1 : vector<256x1xi32>, vector<256x63xi32> -> vector<256x64xi32>
    %add3A_3434 = arith.addi %convert_element_type3A_3429, %concatenate3A_3433 : vector<256x64xi32>
    %broadcast_in_dim3A_3435 = arith.constant 0 : i32
    %broadcast_in_dim3A_3436 = vector.broadcast %broadcast_in_dim3A_3435 : i32 to vector<256x2xi32>
    %slice3A_3437 = vector.extract_strided_slice %add3A_3434 {offsets = [0, 0], sizes = [256, 62], strides = [1, 1]} : vector<256x64xi32> to vector<256x62xi32>
    %concatenate3A_3438 = tpu.concatenate %broadcast_in_dim3A_3436, %slice3A_3437 in 1 : vector<256x2xi32>, vector<256x62xi32> -> vector<256x64xi32>
    %add3A_3439 = arith.addi %add3A_3434, %concatenate3A_3438 : vector<256x64xi32>
    %broadcast_in_dim3A_3440 = arith.constant 0 : i32
    %broadcast_in_dim3A_3441 = vector.broadcast %broadcast_in_dim3A_3440 : i32 to vector<256x4xi32>
    %slice3A_3442 = vector.extract_strided_slice %add3A_3439 {offsets = [0, 0], sizes = [256, 60], strides = [1, 1]} : vector<256x64xi32> to vector<256x60xi32>
    %concatenate3A_3443 = tpu.concatenate %broadcast_in_dim3A_3441, %slice3A_3442 in 1 : vector<256x4xi32>, vector<256x60xi32> -> vector<256x64xi32>
    %add3A_3444 = arith.addi %add3A_3439, %concatenate3A_3443 : vector<256x64xi32>
    %broadcast_in_dim3A_3445 = arith.constant 0 : i32
    %broadcast_in_dim3A_3446 = vector.broadcast %broadcast_in_dim3A_3445 : i32 to vector<256x8xi32>
    %slice3A_3447 = vector.extract_strided_slice %add3A_3444 {offsets = [0, 0], sizes = [256, 56], strides = [1, 1]} : vector<256x64xi32> to vector<256x56xi32>
    %concatenate3A_3448 = tpu.concatenate %broadcast_in_dim3A_3446, %slice3A_3447 in 1 : vector<256x8xi32>, vector<256x56xi32> -> vector<256x64xi32>
    %add3A_3449 = arith.addi %add3A_3444, %concatenate3A_3448 : vector<256x64xi32>
    %broadcast_in_dim3A_3450 = arith.constant 0 : i32
    %broadcast_in_dim3A_3451 = vector.broadcast %broadcast_in_dim3A_3450 : i32 to vector<256x16xi32>
    %slice3A_3452 = vector.extract_strided_slice %add3A_3449 {offsets = [0, 0], sizes = [256, 48], strides = [1, 1]} : vector<256x64xi32> to vector<256x48xi32>
    %concatenate3A_3453 = tpu.concatenate %broadcast_in_dim3A_3451, %slice3A_3452 in 1 : vector<256x16xi32>, vector<256x48xi32> -> vector<256x64xi32>
    %add3A_3454 = arith.addi %add3A_3449, %concatenate3A_3453 : vector<256x64xi32>
    %broadcast_in_dim3A_3455 = arith.constant 0 : i32
    %broadcast_in_dim3A_3456 = vector.broadcast %broadcast_in_dim3A_3455 : i32 to vector<256x32xi32>
    %slice3A_3457 = vector.extract_strided_slice %add3A_3454 {offsets = [0, 0], sizes = [256, 32], strides = [1, 1]} : vector<256x64xi32> to vector<256x32xi32>
    %concatenate3A_3458 = tpu.concatenate %broadcast_in_dim3A_3456, %slice3A_3457 in 1 : vector<256x32xi32>, vector<256x32xi32> -> vector<256x64xi32>
    %add3A_3459 = arith.addi %add3A_3454, %concatenate3A_3458 : vector<256x64xi32>
    %eq3A_3460 = vector.broadcast %add3A_3426 : vector<256x1xi32> to vector<256x64xi32>
    %eq3A_3461 = arith.cmpi eq, %add3A_3459, %eq3A_3460 : vector<256x64xi32>
    %and3A_3462 = arith.andi %eq3A_3428, %eq3A_3461 : vector<256x64xi1>
    %jit3A_3463 = arith.constant 64 : i32
    %broadcast_in_dim3A_3464 = vector.broadcast %jit3A_3463 : i32 to vector<256x64xi32>
    %select_n3A_3465 = arith.select %and3A_3462, %iota3A_2671, %broadcast_in_dim3A_3464 : vector<256x64xi1>, vector<256x64xi32>
    %reduce_min3A_3466 = arith.constant dense<2147483647> : vector<256xi32>
    %reduce_min3A_3467 = vector.multi_reduction <minsi>, %select_n3A_3465, %reduce_min3A_3466 [1] : vector<256x64xi32> to vector<256xi32>
    %broadcast_in_dim3A_3468 = vector.shape_cast %reduce_min3A_3467 : vector<256xi32> to vector<256x1xi32>
    %mul3A_3469 = arith.constant 128 : i32
    %mul3A_3470 = vector.broadcast %mul3A_3469 : i32 to vector<256x1xi32>
    %mul3A_3471 = arith.muli %broadcast_in_dim3A_3468, %mul3A_3470 : vector<256x1xi32>
    %add3A_3472 = arith.addi %mul3A_3471, %broadcast_in_dim3A_3375 : vector<256x1xi32>
    %convert_element_type3A_3473 = arith.extui %eq3A_3428 : vector<256x64xi1> to vector<256x64xi32>
    %reduce_sum3A_3474 = arith.constant dense<0> : vector<256xi32>
    %reduce_sum3A_3475 = vector.multi_reduction <add>, %convert_element_type3A_3473, %reduce_sum3A_3474 [1] : vector<256x64xi32> to vector<256xi32>
    %broadcast_in_dim3A_3476 = vector.shape_cast %reduce_sum3A_3475 : vector<256xi32> to vector<256x1xi32>
    %gt3A_3477 = vector.broadcast %broadcast_in_dim3A_3367 : vector<256x1xf32> to vector<256x64xf32>
    %gt3A_3478 = arith.cmpf ogt, %concatenate3A_3408, %gt3A_3477 : vector<256x64xf32>
    %jit3A_3479 = arith.constant 3.400000e+38 : f32
    %broadcast_in_dim3A_3480 = vector.broadcast %jit3A_3479 : f32 to vector<256x64xf32>
    %select_n3A_3481 = arith.select %gt3A_3478, %concatenate3A_3408, %broadcast_in_dim3A_3480 : vector<256x64xi1>, vector<256x64xf32>
    %reduce_min3A_3482 = arith.constant dense<0x7F800000> : vector<256xf32>
    %reduce_min3A_3483 = vector.multi_reduction <minimumf>, %select_n3A_3481, %reduce_min3A_3482 [1] : vector<256x64xf32> to vector<256xf32>
    %broadcast_in_dim3A_3484 = vector.shape_cast %reduce_min3A_3483 : vector<256xf32> to vector<256x1xf32>
    %sub3A_3485 = arith.subi %broadcast_in_dim3A_3476, %add3A_3426 : vector<256x1xi32>
    %gt3A_3486 = arith.constant 0 : i32
    %gt3A_3487 = vector.broadcast %gt3A_3486 : i32 to vector<256x1xi32>
    %gt3A_3488 = arith.cmpi sgt, %sub3A_3485, %gt3A_3487 : vector<256x1xi32>
    %select_n3A_3489 = arith.select %gt3A_3488, %broadcast_in_dim3A_3367, %broadcast_in_dim3A_3484 : vector<256x1xi1>, vector<256x1xf32>
    %eq3A_3490 = vector.broadcast %broadcast_in_dim3A_3375 : vector<256x1xi32> to vector<256x128xi32>
    %eq3A_3491 = arith.cmpi eq, %iota3A_2670, %eq3A_3490 : vector<256x128xi32>
    %broadcast_in_dim3A_3492 = vector.shape_cast %select_n3A_3489 : vector<256x1xf32> to vector<256x1xf32>
    %broadcast_in_dim3A_3493 = vector.broadcast %broadcast_in_dim3A_3492 : vector<256x1xf32> to vector<256x128xf32>
    %select_n3A_3494 = arith.select %eq3A_3491, %broadcast_in_dim3A_3493, %select_n3A_3358 : vector<256x128xi1>, vector<256x128xf32>
    %eq3A_3495 = vector.broadcast %broadcast_in_dim3A_3375 : vector<256x1xi32> to vector<256x128xi32>
    %eq3A_3496 = arith.cmpi eq, %iota3A_2670, %eq3A_3495 : vector<256x128xi32>
    %add3A_3497 = arith.constant 1 : i32
    %add3A_3498 = vector.broadcast %add3A_3497 : i32 to vector<256x128xi32>
    %add3A_3499 = arith.addi %select_n3A_3364, %add3A_3498 : vector<256x128xi32>
    %select_n3A_3500 = arith.select %eq3A_3496, %add3A_3499, %select_n3A_3364 : vector<256x128xi1>, vector<256x128xi32>
    %reduce_min3A_3501 = arith.constant dense<0x7F800000> : vector<256xf32>
    %reduce_min3A_3502 = vector.multi_reduction <minimumf>, %select_n3A_3494, %reduce_min3A_3501 [1] : vector<256x128xf32> to vector<256xf32>
    %broadcast_in_dim3A_3503 = vector.shape_cast %reduce_min3A_3502 : vector<256xf32> to vector<256x1xf32>
    %eq3A_3504 = vector.broadcast %broadcast_in_dim3A_3503 : vector<256x1xf32> to vector<256x128xf32>
    %eq3A_3505 = arith.cmpf oeq, %select_n3A_3494, %eq3A_3504 : vector<256x128xf32>
    %jit3A_3506 = arith.constant 128 : i32
    %broadcast_in_dim3A_3507 = vector.broadcast %jit3A_3506 : i32 to vector<256x128xi32>
    %select_n3A_3508 = arith.select %eq3A_3505, %iota3A_2670, %broadcast_in_dim3A_3507 : vector<256x128xi1>, vector<256x128xi32>
    %reduce_min3A_3509 = arith.constant dense<2147483647> : vector<256xi32>
    %reduce_min3A_3510 = vector.multi_reduction <minsi>, %select_n3A_3508, %reduce_min3A_3509 [1] : vector<256x128xi32> to vector<256xi32>
    %broadcast_in_dim3A_3511 = vector.shape_cast %reduce_min3A_3510 : vector<256xi32> to vector<256x1xi32>
    %eq3A_3512 = vector.broadcast %broadcast_in_dim3A_3511 : vector<256x1xi32> to vector<256x128xi32>
    %eq3A_3513 = arith.cmpi eq, %iota3A_2670, %eq3A_3512 : vector<256x128xi32>
    %slice3A_3514 = vector.extract_strided_slice %eq3A_3513 {offsets = [0, 0], sizes = [128, 128], strides = [1, 1]} : vector<256x128xi1> to vector<128x128xi1>
    %broadcast_in_dim3A_3515 = vector.shape_cast %slice3A_3514 : vector<128x128xi1> to vector<128x1x128xi1>
    %get3A_3516 = arith.constant 0 : index
    %get3A_3517 = arith.constant 0 : index
    %get3A_3518 = arith.constant 0 : index
    %get3A_3519 = arith.constant 0 : index
    %get3A_3520 = vector.load %arg3[%get3A_3516, %get3A_3517, %get3A_3518, %get3A_3519] : memref<2x128x64x128xf32, #tpu.memory_space<vmem>>, vector<1x128x64x128xf32>
    %get3A_3521 = vector.shape_cast %get3A_3520 : vector<1x128x64x128xf32> to vector<128x64x128xf32>
    %jit3A_3522 = arith.constant 3.400000e+38 : f32
    %broadcast_in_dim3A_3523 = vector.shape_cast %broadcast_in_dim3A_3515 : vector<128x1x128xi1> to vector<128x1x128xi1>
    %broadcast_in_dim3A_3524 = vector.broadcast %broadcast_in_dim3A_3523 : vector<128x1x128xi1> to vector<128x64x128xi1>
    %broadcast_in_dim3A_3525 = vector.broadcast %jit3A_3522 : f32 to vector<128x64x128xf32>
    %select_n3A_3526 = arith.select %broadcast_in_dim3A_3524, %get3A_3521, %broadcast_in_dim3A_3525 : vector<128x64x128xi1>, vector<128x64x128xf32>
    %reduce_min3A_3527 = arith.constant dense<0x7F800000> : vector<128x64xf32>
    %reduce_min3A_3528 = vector.multi_reduction <minimumf>, %select_n3A_3526, %reduce_min3A_3527 [2] : vector<128x64x128xf32> to vector<128x64xf32>
    %slice3A_3529 = vector.extract_strided_slice %eq3A_3513 {offsets = [128, 0], sizes = [128, 128], strides = [1, 1]} : vector<256x128xi1> to vector<128x128xi1>
    %broadcast_in_dim3A_3530 = vector.shape_cast %slice3A_3529 : vector<128x128xi1> to vector<128x1x128xi1>
    %get3A_3531 = arith.constant 1 : index
    %get3A_3532 = arith.constant 0 : index
    %get3A_3533 = arith.constant 0 : index
    %get3A_3534 = arith.constant 0 : index
    %get3A_3535 = vector.load %arg3[%get3A_3531, %get3A_3532, %get3A_3533, %get3A_3534] : memref<2x128x64x128xf32, #tpu.memory_space<vmem>>, vector<1x128x64x128xf32>
    %get3A_3536 = vector.shape_cast %get3A_3535 : vector<1x128x64x128xf32> to vector<128x64x128xf32>
    %jit3A_3537 = arith.constant 3.400000e+38 : f32
    %broadcast_in_dim3A_3538 = vector.shape_cast %broadcast_in_dim3A_3530 : vector<128x1x128xi1> to vector<128x1x128xi1>
    %broadcast_in_dim3A_3539 = vector.broadcast %broadcast_in_dim3A_3538 : vector<128x1x128xi1> to vector<128x64x128xi1>
    %broadcast_in_dim3A_3540 = vector.broadcast %jit3A_3537 : f32 to vector<128x64x128xf32>
    %select_n3A_3541 = arith.select %broadcast_in_dim3A_3539, %get3A_3536, %broadcast_in_dim3A_3540 : vector<128x64x128xi1>, vector<128x64x128xf32>
    %reduce_min3A_3542 = arith.constant dense<0x7F800000> : vector<128x64xf32>
    %reduce_min3A_3543 = vector.multi_reduction <minimumf>, %select_n3A_3541, %reduce_min3A_3542 [2] : vector<128x64x128xf32> to vector<128x64xf32>
    %concatenate3A_3544 = tpu.concatenate %reduce_min3A_3528, %reduce_min3A_3543 in 0 : vector<128x64xf32>, vector<128x64xf32> -> vector<256x64xf32>
    %eq3A_3545 = vector.broadcast %broadcast_in_dim3A_3511 : vector<256x1xi32> to vector<256x128xi32>
    %eq3A_3546 = arith.cmpi eq, %iota3A_2670, %eq3A_3545 : vector<256x128xi32>
    %jit3A_3547 = arith.constant 0 : i32
    %broadcast_in_dim3A_3548 = vector.broadcast %jit3A_3547 : i32 to vector<256x128xi32>
    %select_n3A_3549 = arith.select %eq3A_3546, %select_n3A_3500, %broadcast_in_dim3A_3548 : vector<256x128xi1>, vector<256x128xi32>
    %reduce_sum3A_3550 = arith.constant dense<0> : vector<256xi32>
    %reduce_sum3A_3551 = vector.multi_reduction <add>, %select_n3A_3549, %reduce_sum3A_3550 [1] : vector<256x128xi32> to vector<256xi32>
    %broadcast_in_dim3A_3552 = vector.shape_cast %reduce_sum3A_3551 : vector<256xi32> to vector<256x1xi32>
    %lt3A_3553 = vector.broadcast %broadcast_in_dim3A_3503 : vector<256x1xf32> to vector<256x64xf32>
    %lt3A_3554 = arith.cmpf olt, %concatenate3A_3544, %lt3A_3553 : vector<256x64xf32>
    %convert_element_type3A_3555 = arith.extui %lt3A_3554 : vector<256x64xi1> to vector<256x64xi32>
    %reduce_sum3A_3556 = arith.constant dense<0> : vector<256xi32>
    %reduce_sum3A_3557 = vector.multi_reduction <add>, %convert_element_type3A_3555, %reduce_sum3A_3556 [1] : vector<256x64xi32> to vector<256xi32>
    %broadcast_in_dim3A_3558 = vector.shape_cast %reduce_sum3A_3557 : vector<256xi32> to vector<256x1xi32>
    %sub3A_3559 = arith.subi %broadcast_in_dim3A_3552, %broadcast_in_dim3A_3558 : vector<256x1xi32>
    %add3A_3560 = arith.constant 1 : i32
    %add3A_3561 = vector.broadcast %add3A_3560 : i32 to vector<256x1xi32>
    %add3A_3562 = arith.addi %sub3A_3559, %add3A_3561 : vector<256x1xi32>
    %eq3A_3563 = vector.broadcast %broadcast_in_dim3A_3503 : vector<256x1xf32> to vector<256x64xf32>
    %eq3A_3564 = arith.cmpf oeq, %concatenate3A_3544, %eq3A_3563 : vector<256x64xf32>
    %convert_element_type3A_3565 = arith.extui %eq3A_3564 : vector<256x64xi1> to vector<256x64xi32>
    %broadcast_in_dim3A_3566 = arith.constant 0 : i32
    %broadcast_in_dim3A_3567 = vector.broadcast %broadcast_in_dim3A_3566 : i32 to vector<256x1xi32>
    %slice3A_3568 = vector.extract_strided_slice %convert_element_type3A_3565 {offsets = [0, 0], sizes = [256, 63], strides = [1, 1]} : vector<256x64xi32> to vector<256x63xi32>
    %concatenate3A_3569 = tpu.concatenate %broadcast_in_dim3A_3567, %slice3A_3568 in 1 : vector<256x1xi32>, vector<256x63xi32> -> vector<256x64xi32>
    %add3A_3570 = arith.addi %convert_element_type3A_3565, %concatenate3A_3569 : vector<256x64xi32>
    %broadcast_in_dim3A_3571 = arith.constant 0 : i32
    %broadcast_in_dim3A_3572 = vector.broadcast %broadcast_in_dim3A_3571 : i32 to vector<256x2xi32>
    %slice3A_3573 = vector.extract_strided_slice %add3A_3570 {offsets = [0, 0], sizes = [256, 62], strides = [1, 1]} : vector<256x64xi32> to vector<256x62xi32>
    %concatenate3A_3574 = tpu.concatenate %broadcast_in_dim3A_3572, %slice3A_3573 in 1 : vector<256x2xi32>, vector<256x62xi32> -> vector<256x64xi32>
    %add3A_3575 = arith.addi %add3A_3570, %concatenate3A_3574 : vector<256x64xi32>
    %broadcast_in_dim3A_3576 = arith.constant 0 : i32
    %broadcast_in_dim3A_3577 = vector.broadcast %broadcast_in_dim3A_3576 : i32 to vector<256x4xi32>
    %slice3A_3578 = vector.extract_strided_slice %add3A_3575 {offsets = [0, 0], sizes = [256, 60], strides = [1, 1]} : vector<256x64xi32> to vector<256x60xi32>
    %concatenate3A_3579 = tpu.concatenate %broadcast_in_dim3A_3577, %slice3A_3578 in 1 : vector<256x4xi32>, vector<256x60xi32> -> vector<256x64xi32>
    %add3A_3580 = arith.addi %add3A_3575, %concatenate3A_3579 : vector<256x64xi32>
    %broadcast_in_dim3A_3581 = arith.constant 0 : i32
    %broadcast_in_dim3A_3582 = vector.broadcast %broadcast_in_dim3A_3581 : i32 to vector<256x8xi32>
    %slice3A_3583 = vector.extract_strided_slice %add3A_3580 {offsets = [0, 0], sizes = [256, 56], strides = [1, 1]} : vector<256x64xi32> to vector<256x56xi32>
    %concatenate3A_3584 = tpu.concatenate %broadcast_in_dim3A_3582, %slice3A_3583 in 1 : vector<256x8xi32>, vector<256x56xi32> -> vector<256x64xi32>
    %add3A_3585 = arith.addi %add3A_3580, %concatenate3A_3584 : vector<256x64xi32>
    %broadcast_in_dim3A_3586 = arith.constant 0 : i32
    %broadcast_in_dim3A_3587 = vector.broadcast %broadcast_in_dim3A_3586 : i32 to vector<256x16xi32>
    %slice3A_3588 = vector.extract_strided_slice %add3A_3585 {offsets = [0, 0], sizes = [256, 48], strides = [1, 1]} : vector<256x64xi32> to vector<256x48xi32>
    %concatenate3A_3589 = tpu.concatenate %broadcast_in_dim3A_3587, %slice3A_3588 in 1 : vector<256x16xi32>, vector<256x48xi32> -> vector<256x64xi32>
    %add3A_3590 = arith.addi %add3A_3585, %concatenate3A_3589 : vector<256x64xi32>
    %broadcast_in_dim3A_3591 = arith.constant 0 : i32
    %broadcast_in_dim3A_3592 = vector.broadcast %broadcast_in_dim3A_3591 : i32 to vector<256x32xi32>
    %slice3A_3593 = vector.extract_strided_slice %add3A_3590 {offsets = [0, 0], sizes = [256, 32], strides = [1, 1]} : vector<256x64xi32> to vector<256x32xi32>
    %concatenate3A_3594 = tpu.concatenate %broadcast_in_dim3A_3592, %slice3A_3593 in 1 : vector<256x32xi32>, vector<256x32xi32> -> vector<256x64xi32>
    %add3A_3595 = arith.addi %add3A_3590, %concatenate3A_3594 : vector<256x64xi32>
    %eq3A_3596 = vector.broadcast %add3A_3562 : vector<256x1xi32> to vector<256x64xi32>
    %eq3A_3597 = arith.cmpi eq, %add3A_3595, %eq3A_3596 : vector<256x64xi32>
    %and3A_3598 = arith.andi %eq3A_3564, %eq3A_3597 : vector<256x64xi1>
    %jit3A_3599 = arith.constant 64 : i32
    %broadcast_in_dim3A_3600 = vector.broadcast %jit3A_3599 : i32 to vector<256x64xi32>
    %select_n3A_3601 = arith.select %and3A_3598, %iota3A_2671, %broadcast_in_dim3A_3600 : vector<256x64xi1>, vector<256x64xi32>
    %reduce_min3A_3602 = arith.constant dense<2147483647> : vector<256xi32>
    %reduce_min3A_3603 = vector.multi_reduction <minsi>, %select_n3A_3601, %reduce_min3A_3602 [1] : vector<256x64xi32> to vector<256xi32>
    %broadcast_in_dim3A_3604 = vector.shape_cast %reduce_min3A_3603 : vector<256xi32> to vector<256x1xi32>
    %mul3A_3605 = arith.constant 128 : i32
    %mul3A_3606 = vector.broadcast %mul3A_3605 : i32 to vector<256x1xi32>
    %mul3A_3607 = arith.muli %broadcast_in_dim3A_3604, %mul3A_3606 : vector<256x1xi32>
    %add3A_3608 = arith.addi %mul3A_3607, %broadcast_in_dim3A_3511 : vector<256x1xi32>
    %convert_element_type3A_3609 = arith.extui %eq3A_3564 : vector<256x64xi1> to vector<256x64xi32>
    %reduce_sum3A_3610 = arith.constant dense<0> : vector<256xi32>
    %reduce_sum3A_3611 = vector.multi_reduction <add>, %convert_element_type3A_3609, %reduce_sum3A_3610 [1] : vector<256x64xi32> to vector<256xi32>
    %broadcast_in_dim3A_3612 = vector.shape_cast %reduce_sum3A_3611 : vector<256xi32> to vector<256x1xi32>
    %gt3A_3613 = vector.broadcast %broadcast_in_dim3A_3503 : vector<256x1xf32> to vector<256x64xf32>
    %gt3A_3614 = arith.cmpf ogt, %concatenate3A_3544, %gt3A_3613 : vector<256x64xf32>
    %jit3A_3615 = arith.constant 3.400000e+38 : f32
    %broadcast_in_dim3A_3616 = vector.broadcast %jit3A_3615 : f32 to vector<256x64xf32>
    %select_n3A_3617 = arith.select %gt3A_3614, %concatenate3A_3544, %broadcast_in_dim3A_3616 : vector<256x64xi1>, vector<256x64xf32>
    %reduce_min3A_3618 = arith.constant dense<0x7F800000> : vector<256xf32>
    %reduce_min3A_3619 = vector.multi_reduction <minimumf>, %select_n3A_3617, %reduce_min3A_3618 [1] : vector<256x64xf32> to vector<256xf32>
    %broadcast_in_dim3A_3620 = vector.shape_cast %reduce_min3A_3619 : vector<256xf32> to vector<256x1xf32>
    %sub3A_3621 = arith.subi %broadcast_in_dim3A_3612, %add3A_3562 : vector<256x1xi32>
    %gt3A_3622 = arith.constant 0 : i32
    %gt3A_3623 = vector.broadcast %gt3A_3622 : i32 to vector<256x1xi32>
    %gt3A_3624 = arith.cmpi sgt, %sub3A_3621, %gt3A_3623 : vector<256x1xi32>
    %select_n3A_3625 = arith.select %gt3A_3624, %broadcast_in_dim3A_3503, %broadcast_in_dim3A_3620 : vector<256x1xi1>, vector<256x1xf32>
    %eq3A_3626 = vector.broadcast %broadcast_in_dim3A_3511 : vector<256x1xi32> to vector<256x128xi32>
    %eq3A_3627 = arith.cmpi eq, %iota3A_2670, %eq3A_3626 : vector<256x128xi32>
    %broadcast_in_dim3A_3628 = vector.shape_cast %select_n3A_3625 : vector<256x1xf32> to vector<256x1xf32>
    %broadcast_in_dim3A_3629 = vector.broadcast %broadcast_in_dim3A_3628 : vector<256x1xf32> to vector<256x128xf32>
    %select_n3A_3630 = arith.select %eq3A_3627, %broadcast_in_dim3A_3629, %select_n3A_3494 : vector<256x128xi1>, vector<256x128xf32>
    %eq3A_3631 = vector.broadcast %broadcast_in_dim3A_3511 : vector<256x1xi32> to vector<256x128xi32>
    %eq3A_3632 = arith.cmpi eq, %iota3A_2670, %eq3A_3631 : vector<256x128xi32>
    %add3A_3633 = arith.constant 1 : i32
    %add3A_3634 = vector.broadcast %add3A_3633 : i32 to vector<256x128xi32>
    %add3A_3635 = arith.addi %select_n3A_3500, %add3A_3634 : vector<256x128xi32>
    %select_n3A_3636 = arith.select %eq3A_3632, %add3A_3635, %select_n3A_3500 : vector<256x128xi1>, vector<256x128xi32>
    %reduce_min3A_3637 = arith.constant dense<0x7F800000> : vector<256xf32>
    %reduce_min3A_3638 = vector.multi_reduction <minimumf>, %select_n3A_3630, %reduce_min3A_3637 [1] : vector<256x128xf32> to vector<256xf32>
    %broadcast_in_dim3A_3639 = vector.shape_cast %reduce_min3A_3638 : vector<256xf32> to vector<256x1xf32>
    %eq3A_3640 = vector.broadcast %broadcast_in_dim3A_3639 : vector<256x1xf32> to vector<256x128xf32>
    %eq3A_3641 = arith.cmpf oeq, %select_n3A_3630, %eq3A_3640 : vector<256x128xf32>
    %jit3A_3642 = arith.constant 128 : i32
    %broadcast_in_dim3A_3643 = vector.broadcast %jit3A_3642 : i32 to vector<256x128xi32>
    %select_n3A_3644 = arith.select %eq3A_3641, %iota3A_2670, %broadcast_in_dim3A_3643 : vector<256x128xi1>, vector<256x128xi32>
    %reduce_min3A_3645 = arith.constant dense<2147483647> : vector<256xi32>
    %reduce_min3A_3646 = vector.multi_reduction <minsi>, %select_n3A_3644, %reduce_min3A_3645 [1] : vector<256x128xi32> to vector<256xi32>
    %broadcast_in_dim3A_3647 = vector.shape_cast %reduce_min3A_3646 : vector<256xi32> to vector<256x1xi32>
    %eq3A_3648 = vector.broadcast %broadcast_in_dim3A_3647 : vector<256x1xi32> to vector<256x128xi32>
    %eq3A_3649 = arith.cmpi eq, %iota3A_2670, %eq3A_3648 : vector<256x128xi32>
    %slice3A_3650 = vector.extract_strided_slice %eq3A_3649 {offsets = [0, 0], sizes = [128, 128], strides = [1, 1]} : vector<256x128xi1> to vector<128x128xi1>
    %broadcast_in_dim3A_3651 = vector.shape_cast %slice3A_3650 : vector<128x128xi1> to vector<128x1x128xi1>
    %get3A_3652 = arith.constant 0 : index
    %get3A_3653 = arith.constant 0 : index
    %get3A_3654 = arith.constant 0 : index
    %get3A_3655 = arith.constant 0 : index
    %get3A_3656 = vector.load %arg3[%get3A_3652, %get3A_3653, %get3A_3654, %get3A_3655] : memref<2x128x64x128xf32, #tpu.memory_space<vmem>>, vector<1x128x64x128xf32>
    %get3A_3657 = vector.shape_cast %get3A_3656 : vector<1x128x64x128xf32> to vector<128x64x128xf32>
    %jit3A_3658 = arith.constant 3.400000e+38 : f32
    %broadcast_in_dim3A_3659 = vector.shape_cast %broadcast_in_dim3A_3651 : vector<128x1x128xi1> to vector<128x1x128xi1>
    %broadcast_in_dim3A_3660 = vector.broadcast %broadcast_in_dim3A_3659 : vector<128x1x128xi1> to vector<128x64x128xi1>
    %broadcast_in_dim3A_3661 = vector.broadcast %jit3A_3658 : f32 to vector<128x64x128xf32>
    %select_n3A_3662 = arith.select %broadcast_in_dim3A_3660, %get3A_3657, %broadcast_in_dim3A_3661 : vector<128x64x128xi1>, vector<128x64x128xf32>
    %reduce_min3A_3663 = arith.constant dense<0x7F800000> : vector<128x64xf32>
    %reduce_min3A_3664 = vector.multi_reduction <minimumf>, %select_n3A_3662, %reduce_min3A_3663 [2] : vector<128x64x128xf32> to vector<128x64xf32>
    %slice3A_3665 = vector.extract_strided_slice %eq3A_3649 {offsets = [128, 0], sizes = [128, 128], strides = [1, 1]} : vector<256x128xi1> to vector<128x128xi1>
    %broadcast_in_dim3A_3666 = vector.shape_cast %slice3A_3665 : vector<128x128xi1> to vector<128x1x128xi1>
    %get3A_3667 = arith.constant 1 : index
    %get3A_3668 = arith.constant 0 : index
    %get3A_3669 = arith.constant 0 : index
    %get3A_3670 = arith.constant 0 : index
    %get3A_3671 = vector.load %arg3[%get3A_3667, %get3A_3668, %get3A_3669, %get3A_3670] : memref<2x128x64x128xf32, #tpu.memory_space<vmem>>, vector<1x128x64x128xf32>
    %get3A_3672 = vector.shape_cast %get3A_3671 : vector<1x128x64x128xf32> to vector<128x64x128xf32>
    %jit3A_3673 = arith.constant 3.400000e+38 : f32
    %broadcast_in_dim3A_3674 = vector.shape_cast %broadcast_in_dim3A_3666 : vector<128x1x128xi1> to vector<128x1x128xi1>
    %broadcast_in_dim3A_3675 = vector.broadcast %broadcast_in_dim3A_3674 : vector<128x1x128xi1> to vector<128x64x128xi1>
    %broadcast_in_dim3A_3676 = vector.broadcast %jit3A_3673 : f32 to vector<128x64x128xf32>
    %select_n3A_3677 = arith.select %broadcast_in_dim3A_3675, %get3A_3672, %broadcast_in_dim3A_3676 : vector<128x64x128xi1>, vector<128x64x128xf32>
    %reduce_min3A_3678 = arith.constant dense<0x7F800000> : vector<128x64xf32>
    %reduce_min3A_3679 = vector.multi_reduction <minimumf>, %select_n3A_3677, %reduce_min3A_3678 [2] : vector<128x64x128xf32> to vector<128x64xf32>
    %concatenate3A_3680 = tpu.concatenate %reduce_min3A_3664, %reduce_min3A_3679 in 0 : vector<128x64xf32>, vector<128x64xf32> -> vector<256x64xf32>
    %eq3A_3681 = vector.broadcast %broadcast_in_dim3A_3647 : vector<256x1xi32> to vector<256x128xi32>
    %eq3A_3682 = arith.cmpi eq, %iota3A_2670, %eq3A_3681 : vector<256x128xi32>
    %jit3A_3683 = arith.constant 0 : i32
    %broadcast_in_dim3A_3684 = vector.broadcast %jit3A_3683 : i32 to vector<256x128xi32>
    %select_n3A_3685 = arith.select %eq3A_3682, %select_n3A_3636, %broadcast_in_dim3A_3684 : vector<256x128xi1>, vector<256x128xi32>
    %reduce_sum3A_3686 = arith.constant dense<0> : vector<256xi32>
    %reduce_sum3A_3687 = vector.multi_reduction <add>, %select_n3A_3685, %reduce_sum3A_3686 [1] : vector<256x128xi32> to vector<256xi32>
    %broadcast_in_dim3A_3688 = vector.shape_cast %reduce_sum3A_3687 : vector<256xi32> to vector<256x1xi32>
    %lt3A_3689 = vector.broadcast %broadcast_in_dim3A_3639 : vector<256x1xf32> to vector<256x64xf32>
    %lt3A_3690 = arith.cmpf olt, %concatenate3A_3680, %lt3A_3689 : vector<256x64xf32>
    %convert_element_type3A_3691 = arith.extui %lt3A_3690 : vector<256x64xi1> to vector<256x64xi32>
    %reduce_sum3A_3692 = arith.constant dense<0> : vector<256xi32>
    %reduce_sum3A_3693 = vector.multi_reduction <add>, %convert_element_type3A_3691, %reduce_sum3A_3692 [1] : vector<256x64xi32> to vector<256xi32>
    %broadcast_in_dim3A_3694 = vector.shape_cast %reduce_sum3A_3693 : vector<256xi32> to vector<256x1xi32>
    %sub3A_3695 = arith.subi %broadcast_in_dim3A_3688, %broadcast_in_dim3A_3694 : vector<256x1xi32>
    %add3A_3696 = arith.constant 1 : i32
    %add3A_3697 = vector.broadcast %add3A_3696 : i32 to vector<256x1xi32>
    %add3A_3698 = arith.addi %sub3A_3695, %add3A_3697 : vector<256x1xi32>
    %eq3A_3699 = vector.broadcast %broadcast_in_dim3A_3639 : vector<256x1xf32> to vector<256x64xf32>
    %eq3A_3700 = arith.cmpf oeq, %concatenate3A_3680, %eq3A_3699 : vector<256x64xf32>
    %convert_element_type3A_3701 = arith.extui %eq3A_3700 : vector<256x64xi1> to vector<256x64xi32>
    %broadcast_in_dim3A_3702 = arith.constant 0 : i32
    %broadcast_in_dim3A_3703 = vector.broadcast %broadcast_in_dim3A_3702 : i32 to vector<256x1xi32>
    %slice3A_3704 = vector.extract_strided_slice %convert_element_type3A_3701 {offsets = [0, 0], sizes = [256, 63], strides = [1, 1]} : vector<256x64xi32> to vector<256x63xi32>
    %concatenate3A_3705 = tpu.concatenate %broadcast_in_dim3A_3703, %slice3A_3704 in 1 : vector<256x1xi32>, vector<256x63xi32> -> vector<256x64xi32>
    %add3A_3706 = arith.addi %convert_element_type3A_3701, %concatenate3A_3705 : vector<256x64xi32>
    %broadcast_in_dim3A_3707 = arith.constant 0 : i32
    %broadcast_in_dim3A_3708 = vector.broadcast %broadcast_in_dim3A_3707 : i32 to vector<256x2xi32>
    %slice3A_3709 = vector.extract_strided_slice %add3A_3706 {offsets = [0, 0], sizes = [256, 62], strides = [1, 1]} : vector<256x64xi32> to vector<256x62xi32>
    %concatenate3A_3710 = tpu.concatenate %broadcast_in_dim3A_3708, %slice3A_3709 in 1 : vector<256x2xi32>, vector<256x62xi32> -> vector<256x64xi32>
    %add3A_3711 = arith.addi %add3A_3706, %concatenate3A_3710 : vector<256x64xi32>
    %broadcast_in_dim3A_3712 = arith.constant 0 : i32
    %broadcast_in_dim3A_3713 = vector.broadcast %broadcast_in_dim3A_3712 : i32 to vector<256x4xi32>
    %slice3A_3714 = vector.extract_strided_slice %add3A_3711 {offsets = [0, 0], sizes = [256, 60], strides = [1, 1]} : vector<256x64xi32> to vector<256x60xi32>
    %concatenate3A_3715 = tpu.concatenate %broadcast_in_dim3A_3713, %slice3A_3714 in 1 : vector<256x4xi32>, vector<256x60xi32> -> vector<256x64xi32>
    %add3A_3716 = arith.addi %add3A_3711, %concatenate3A_3715 : vector<256x64xi32>
    %broadcast_in_dim3A_3717 = arith.constant 0 : i32
    %broadcast_in_dim3A_3718 = vector.broadcast %broadcast_in_dim3A_3717 : i32 to vector<256x8xi32>
    %slice3A_3719 = vector.extract_strided_slice %add3A_3716 {offsets = [0, 0], sizes = [256, 56], strides = [1, 1]} : vector<256x64xi32> to vector<256x56xi32>
    %concatenate3A_3720 = tpu.concatenate %broadcast_in_dim3A_3718, %slice3A_3719 in 1 : vector<256x8xi32>, vector<256x56xi32> -> vector<256x64xi32>
    %add3A_3721 = arith.addi %add3A_3716, %concatenate3A_3720 : vector<256x64xi32>
    %broadcast_in_dim3A_3722 = arith.constant 0 : i32
    %broadcast_in_dim3A_3723 = vector.broadcast %broadcast_in_dim3A_3722 : i32 to vector<256x16xi32>
    %slice3A_3724 = vector.extract_strided_slice %add3A_3721 {offsets = [0, 0], sizes = [256, 48], strides = [1, 1]} : vector<256x64xi32> to vector<256x48xi32>
    %concatenate3A_3725 = tpu.concatenate %broadcast_in_dim3A_3723, %slice3A_3724 in 1 : vector<256x16xi32>, vector<256x48xi32> -> vector<256x64xi32>
    %add3A_3726 = arith.addi %add3A_3721, %concatenate3A_3725 : vector<256x64xi32>
    %broadcast_in_dim3A_3727 = arith.constant 0 : i32
    %broadcast_in_dim3A_3728 = vector.broadcast %broadcast_in_dim3A_3727 : i32 to vector<256x32xi32>
    %slice3A_3729 = vector.extract_strided_slice %add3A_3726 {offsets = [0, 0], sizes = [256, 32], strides = [1, 1]} : vector<256x64xi32> to vector<256x32xi32>
    %concatenate3A_3730 = tpu.concatenate %broadcast_in_dim3A_3728, %slice3A_3729 in 1 : vector<256x32xi32>, vector<256x32xi32> -> vector<256x64xi32>
    %add3A_3731 = arith.addi %add3A_3726, %concatenate3A_3730 : vector<256x64xi32>
    %eq3A_3732 = vector.broadcast %add3A_3698 : vector<256x1xi32> to vector<256x64xi32>
    %eq3A_3733 = arith.cmpi eq, %add3A_3731, %eq3A_3732 : vector<256x64xi32>
    %and3A_3734 = arith.andi %eq3A_3700, %eq3A_3733 : vector<256x64xi1>
    %jit3A_3735 = arith.constant 64 : i32
    %broadcast_in_dim3A_3736 = vector.broadcast %jit3A_3735 : i32 to vector<256x64xi32>
    %select_n3A_3737 = arith.select %and3A_3734, %iota3A_2671, %broadcast_in_dim3A_3736 : vector<256x64xi1>, vector<256x64xi32>
    %reduce_min3A_3738 = arith.constant dense<2147483647> : vector<256xi32>
    %reduce_min3A_3739 = vector.multi_reduction <minsi>, %select_n3A_3737, %reduce_min3A_3738 [1] : vector<256x64xi32> to vector<256xi32>
    %broadcast_in_dim3A_3740 = vector.shape_cast %reduce_min3A_3739 : vector<256xi32> to vector<256x1xi32>
    %mul3A_3741 = arith.constant 128 : i32
    %mul3A_3742 = vector.broadcast %mul3A_3741 : i32 to vector<256x1xi32>
    %mul3A_3743 = arith.muli %broadcast_in_dim3A_3740, %mul3A_3742 : vector<256x1xi32>
    %add3A_3744 = arith.addi %mul3A_3743, %broadcast_in_dim3A_3647 : vector<256x1xi32>
    %convert_element_type3A_3745 = arith.extui %eq3A_3700 : vector<256x64xi1> to vector<256x64xi32>
    %reduce_sum3A_3746 = arith.constant dense<0> : vector<256xi32>
    %reduce_sum3A_3747 = vector.multi_reduction <add>, %convert_element_type3A_3745, %reduce_sum3A_3746 [1] : vector<256x64xi32> to vector<256xi32>
    %broadcast_in_dim3A_3748 = vector.shape_cast %reduce_sum3A_3747 : vector<256xi32> to vector<256x1xi32>
    %gt3A_3749 = vector.broadcast %broadcast_in_dim3A_3639 : vector<256x1xf32> to vector<256x64xf32>
    %gt3A_3750 = arith.cmpf ogt, %concatenate3A_3680, %gt3A_3749 : vector<256x64xf32>
    %jit3A_3751 = arith.constant 3.400000e+38 : f32
    %broadcast_in_dim3A_3752 = vector.broadcast %jit3A_3751 : f32 to vector<256x64xf32>
    %select_n3A_3753 = arith.select %gt3A_3750, %concatenate3A_3680, %broadcast_in_dim3A_3752 : vector<256x64xi1>, vector<256x64xf32>
    %reduce_min3A_3754 = arith.constant dense<0x7F800000> : vector<256xf32>
    %reduce_min3A_3755 = vector.multi_reduction <minimumf>, %select_n3A_3753, %reduce_min3A_3754 [1] : vector<256x64xf32> to vector<256xf32>
    %broadcast_in_dim3A_3756 = vector.shape_cast %reduce_min3A_3755 : vector<256xf32> to vector<256x1xf32>
    %sub3A_3757 = arith.subi %broadcast_in_dim3A_3748, %add3A_3698 : vector<256x1xi32>
    %gt3A_3758 = arith.constant 0 : i32
    %gt3A_3759 = vector.broadcast %gt3A_3758 : i32 to vector<256x1xi32>
    %gt3A_3760 = arith.cmpi sgt, %sub3A_3757, %gt3A_3759 : vector<256x1xi32>
    %select_n3A_3761 = arith.select %gt3A_3760, %broadcast_in_dim3A_3639, %broadcast_in_dim3A_3756 : vector<256x1xi1>, vector<256x1xf32>
    %eq3A_3762 = vector.broadcast %broadcast_in_dim3A_3647 : vector<256x1xi32> to vector<256x128xi32>
    %eq3A_3763 = arith.cmpi eq, %iota3A_2670, %eq3A_3762 : vector<256x128xi32>
    %broadcast_in_dim3A_3764 = vector.shape_cast %select_n3A_3761 : vector<256x1xf32> to vector<256x1xf32>
    %broadcast_in_dim3A_3765 = vector.broadcast %broadcast_in_dim3A_3764 : vector<256x1xf32> to vector<256x128xf32>
    %select_n3A_3766 = arith.select %eq3A_3763, %broadcast_in_dim3A_3765, %select_n3A_3630 : vector<256x128xi1>, vector<256x128xf32>
    %eq3A_3767 = vector.broadcast %broadcast_in_dim3A_3647 : vector<256x1xi32> to vector<256x128xi32>
    %eq3A_3768 = arith.cmpi eq, %iota3A_2670, %eq3A_3767 : vector<256x128xi32>
    %add3A_3769 = arith.constant 1 : i32
    %add3A_3770 = vector.broadcast %add3A_3769 : i32 to vector<256x128xi32>
    %add3A_3771 = arith.addi %select_n3A_3636, %add3A_3770 : vector<256x128xi32>
    %select_n3A_3772 = arith.select %eq3A_3768, %add3A_3771, %select_n3A_3636 : vector<256x128xi1>, vector<256x128xi32>
    %reduce_min3A_3773 = arith.constant dense<0x7F800000> : vector<256xf32>
    %reduce_min3A_3774 = vector.multi_reduction <minimumf>, %select_n3A_3766, %reduce_min3A_3773 [1] : vector<256x128xf32> to vector<256xf32>
    %broadcast_in_dim3A_3775 = vector.shape_cast %reduce_min3A_3774 : vector<256xf32> to vector<256x1xf32>
    %eq3A_3776 = vector.broadcast %broadcast_in_dim3A_3775 : vector<256x1xf32> to vector<256x128xf32>
    %eq3A_3777 = arith.cmpf oeq, %select_n3A_3766, %eq3A_3776 : vector<256x128xf32>
    %jit3A_3778 = arith.constant 128 : i32
    %broadcast_in_dim3A_3779 = vector.broadcast %jit3A_3778 : i32 to vector<256x128xi32>
    %select_n3A_3780 = arith.select %eq3A_3777, %iota3A_2670, %broadcast_in_dim3A_3779 : vector<256x128xi1>, vector<256x128xi32>
    %reduce_min3A_3781 = arith.constant dense<2147483647> : vector<256xi32>
    %reduce_min3A_3782 = vector.multi_reduction <minsi>, %select_n3A_3780, %reduce_min3A_3781 [1] : vector<256x128xi32> to vector<256xi32>
    %broadcast_in_dim3A_3783 = vector.shape_cast %reduce_min3A_3782 : vector<256xi32> to vector<256x1xi32>
    %eq3A_3784 = vector.broadcast %broadcast_in_dim3A_3783 : vector<256x1xi32> to vector<256x128xi32>
    %eq3A_3785 = arith.cmpi eq, %iota3A_2670, %eq3A_3784 : vector<256x128xi32>
    %slice3A_3786 = vector.extract_strided_slice %eq3A_3785 {offsets = [0, 0], sizes = [128, 128], strides = [1, 1]} : vector<256x128xi1> to vector<128x128xi1>
    %broadcast_in_dim3A_3787 = vector.shape_cast %slice3A_3786 : vector<128x128xi1> to vector<128x1x128xi1>
    %get3A_3788 = arith.constant 0 : index
    %get3A_3789 = arith.constant 0 : index
    %get3A_3790 = arith.constant 0 : index
    %get3A_3791 = arith.constant 0 : index
    %get3A_3792 = vector.load %arg3[%get3A_3788, %get3A_3789, %get3A_3790, %get3A_3791] : memref<2x128x64x128xf32, #tpu.memory_space<vmem>>, vector<1x128x64x128xf32>
    %get3A_3793 = vector.shape_cast %get3A_3792 : vector<1x128x64x128xf32> to vector<128x64x128xf32>
    %jit3A_3794 = arith.constant 3.400000e+38 : f32
    %broadcast_in_dim3A_3795 = vector.shape_cast %broadcast_in_dim3A_3787 : vector<128x1x128xi1> to vector<128x1x128xi1>
    %broadcast_in_dim3A_3796 = vector.broadcast %broadcast_in_dim3A_3795 : vector<128x1x128xi1> to vector<128x64x128xi1>
    %broadcast_in_dim3A_3797 = vector.broadcast %jit3A_3794 : f32 to vector<128x64x128xf32>
    %select_n3A_3798 = arith.select %broadcast_in_dim3A_3796, %get3A_3793, %broadcast_in_dim3A_3797 : vector<128x64x128xi1>, vector<128x64x128xf32>
    %reduce_min3A_3799 = arith.constant dense<0x7F800000> : vector<128x64xf32>
    %reduce_min3A_3800 = vector.multi_reduction <minimumf>, %select_n3A_3798, %reduce_min3A_3799 [2] : vector<128x64x128xf32> to vector<128x64xf32>
    %slice3A_3801 = vector.extract_strided_slice %eq3A_3785 {offsets = [128, 0], sizes = [128, 128], strides = [1, 1]} : vector<256x128xi1> to vector<128x128xi1>
    %broadcast_in_dim3A_3802 = vector.shape_cast %slice3A_3801 : vector<128x128xi1> to vector<128x1x128xi1>
    %get3A_3803 = arith.constant 1 : index
    %get3A_3804 = arith.constant 0 : index
    %get3A_3805 = arith.constant 0 : index
    %get3A_3806 = arith.constant 0 : index
    %get3A_3807 = vector.load %arg3[%get3A_3803, %get3A_3804, %get3A_3805, %get3A_3806] : memref<2x128x64x128xf32, #tpu.memory_space<vmem>>, vector<1x128x64x128xf32>
    %get3A_3808 = vector.shape_cast %get3A_3807 : vector<1x128x64x128xf32> to vector<128x64x128xf32>
    %jit3A_3809 = arith.constant 3.400000e+38 : f32
    %broadcast_in_dim3A_3810 = vector.shape_cast %broadcast_in_dim3A_3802 : vector<128x1x128xi1> to vector<128x1x128xi1>
    %broadcast_in_dim3A_3811 = vector.broadcast %broadcast_in_dim3A_3810 : vector<128x1x128xi1> to vector<128x64x128xi1>
    %broadcast_in_dim3A_3812 = vector.broadcast %jit3A_3809 : f32 to vector<128x64x128xf32>
    %select_n3A_3813 = arith.select %broadcast_in_dim3A_3811, %get3A_3808, %broadcast_in_dim3A_3812 : vector<128x64x128xi1>, vector<128x64x128xf32>
    %reduce_min3A_3814 = arith.constant dense<0x7F800000> : vector<128x64xf32>
    %reduce_min3A_3815 = vector.multi_reduction <minimumf>, %select_n3A_3813, %reduce_min3A_3814 [2] : vector<128x64x128xf32> to vector<128x64xf32>
    %concatenate3A_3816 = tpu.concatenate %reduce_min3A_3800, %reduce_min3A_3815 in 0 : vector<128x64xf32>, vector<128x64xf32> -> vector<256x64xf32>
    %eq3A_3817 = vector.broadcast %broadcast_in_dim3A_3783 : vector<256x1xi32> to vector<256x128xi32>
    %eq3A_3818 = arith.cmpi eq, %iota3A_2670, %eq3A_3817 : vector<256x128xi32>
    %jit3A_3819 = arith.constant 0 : i32
    %broadcast_in_dim3A_3820 = vector.broadcast %jit3A_3819 : i32 to vector<256x128xi32>
    %select_n3A_3821 = arith.select %eq3A_3818, %select_n3A_3772, %broadcast_in_dim3A_3820 : vector<256x128xi1>, vector<256x128xi32>
    %reduce_sum3A_3822 = arith.constant dense<0> : vector<256xi32>
    %reduce_sum3A_3823 = vector.multi_reduction <add>, %select_n3A_3821, %reduce_sum3A_3822 [1] : vector<256x128xi32> to vector<256xi32>
    %broadcast_in_dim3A_3824 = vector.shape_cast %reduce_sum3A_3823 : vector<256xi32> to vector<256x1xi32>
    %lt3A_3825 = vector.broadcast %broadcast_in_dim3A_3775 : vector<256x1xf32> to vector<256x64xf32>
    %lt3A_3826 = arith.cmpf olt, %concatenate3A_3816, %lt3A_3825 : vector<256x64xf32>
    %convert_element_type3A_3827 = arith.extui %lt3A_3826 : vector<256x64xi1> to vector<256x64xi32>
    %reduce_sum3A_3828 = arith.constant dense<0> : vector<256xi32>
    %reduce_sum3A_3829 = vector.multi_reduction <add>, %convert_element_type3A_3827, %reduce_sum3A_3828 [1] : vector<256x64xi32> to vector<256xi32>
    %broadcast_in_dim3A_3830 = vector.shape_cast %reduce_sum3A_3829 : vector<256xi32> to vector<256x1xi32>
    %sub3A_3831 = arith.subi %broadcast_in_dim3A_3824, %broadcast_in_dim3A_3830 : vector<256x1xi32>
    %add3A_3832 = arith.constant 1 : i32
    %add3A_3833 = vector.broadcast %add3A_3832 : i32 to vector<256x1xi32>
    %add3A_3834 = arith.addi %sub3A_3831, %add3A_3833 : vector<256x1xi32>
    %eq3A_3835 = vector.broadcast %broadcast_in_dim3A_3775 : vector<256x1xf32> to vector<256x64xf32>
    %eq3A_3836 = arith.cmpf oeq, %concatenate3A_3816, %eq3A_3835 : vector<256x64xf32>
    %convert_element_type3A_3837 = arith.extui %eq3A_3836 : vector<256x64xi1> to vector<256x64xi32>
    %broadcast_in_dim3A_3838 = arith.constant 0 : i32
    %broadcast_in_dim3A_3839 = vector.broadcast %broadcast_in_dim3A_3838 : i32 to vector<256x1xi32>
    %slice3A_3840 = vector.extract_strided_slice %convert_element_type3A_3837 {offsets = [0, 0], sizes = [256, 63], strides = [1, 1]} : vector<256x64xi32> to vector<256x63xi32>
    %concatenate3A_3841 = tpu.concatenate %broadcast_in_dim3A_3839, %slice3A_3840 in 1 : vector<256x1xi32>, vector<256x63xi32> -> vector<256x64xi32>
    %add3A_3842 = arith.addi %convert_element_type3A_3837, %concatenate3A_3841 : vector<256x64xi32>
    %broadcast_in_dim3A_3843 = arith.constant 0 : i32
    %broadcast_in_dim3A_3844 = vector.broadcast %broadcast_in_dim3A_3843 : i32 to vector<256x2xi32>
    %slice3A_3845 = vector.extract_strided_slice %add3A_3842 {offsets = [0, 0], sizes = [256, 62], strides = [1, 1]} : vector<256x64xi32> to vector<256x62xi32>
    %concatenate3A_3846 = tpu.concatenate %broadcast_in_dim3A_3844, %slice3A_3845 in 1 : vector<256x2xi32>, vector<256x62xi32> -> vector<256x64xi32>
    %add3A_3847 = arith.addi %add3A_3842, %concatenate3A_3846 : vector<256x64xi32>
    %broadcast_in_dim3A_3848 = arith.constant 0 : i32
    %broadcast_in_dim3A_3849 = vector.broadcast %broadcast_in_dim3A_3848 : i32 to vector<256x4xi32>
    %slice3A_3850 = vector.extract_strided_slice %add3A_3847 {offsets = [0, 0], sizes = [256, 60], strides = [1, 1]} : vector<256x64xi32> to vector<256x60xi32>
    %concatenate3A_3851 = tpu.concatenate %broadcast_in_dim3A_3849, %slice3A_3850 in 1 : vector<256x4xi32>, vector<256x60xi32> -> vector<256x64xi32>
    %add3A_3852 = arith.addi %add3A_3847, %concatenate3A_3851 : vector<256x64xi32>
    %broadcast_in_dim3A_3853 = arith.constant 0 : i32
    %broadcast_in_dim3A_3854 = vector.broadcast %broadcast_in_dim3A_3853 : i32 to vector<256x8xi32>
    %slice3A_3855 = vector.extract_strided_slice %add3A_3852 {offsets = [0, 0], sizes = [256, 56], strides = [1, 1]} : vector<256x64xi32> to vector<256x56xi32>
    %concatenate3A_3856 = tpu.concatenate %broadcast_in_dim3A_3854, %slice3A_3855 in 1 : vector<256x8xi32>, vector<256x56xi32> -> vector<256x64xi32>
    %add3A_3857 = arith.addi %add3A_3852, %concatenate3A_3856 : vector<256x64xi32>
    %broadcast_in_dim3A_3858 = arith.constant 0 : i32
    %broadcast_in_dim3A_3859 = vector.broadcast %broadcast_in_dim3A_3858 : i32 to vector<256x16xi32>
    %slice3A_3860 = vector.extract_strided_slice %add3A_3857 {offsets = [0, 0], sizes = [256, 48], strides = [1, 1]} : vector<256x64xi32> to vector<256x48xi32>
    %concatenate3A_3861 = tpu.concatenate %broadcast_in_dim3A_3859, %slice3A_3860 in 1 : vector<256x16xi32>, vector<256x48xi32> -> vector<256x64xi32>
    %add3A_3862 = arith.addi %add3A_3857, %concatenate3A_3861 : vector<256x64xi32>
    %broadcast_in_dim3A_3863 = arith.constant 0 : i32
    %broadcast_in_dim3A_3864 = vector.broadcast %broadcast_in_dim3A_3863 : i32 to vector<256x32xi32>
    %slice3A_3865 = vector.extract_strided_slice %add3A_3862 {offsets = [0, 0], sizes = [256, 32], strides = [1, 1]} : vector<256x64xi32> to vector<256x32xi32>
    %concatenate3A_3866 = tpu.concatenate %broadcast_in_dim3A_3864, %slice3A_3865 in 1 : vector<256x32xi32>, vector<256x32xi32> -> vector<256x64xi32>
    %add3A_3867 = arith.addi %add3A_3862, %concatenate3A_3866 : vector<256x64xi32>
    %eq3A_3868 = vector.broadcast %add3A_3834 : vector<256x1xi32> to vector<256x64xi32>
    %eq3A_3869 = arith.cmpi eq, %add3A_3867, %eq3A_3868 : vector<256x64xi32>
    %and3A_3870 = arith.andi %eq3A_3836, %eq3A_3869 : vector<256x64xi1>
    %jit3A_3871 = arith.constant 64 : i32
    %broadcast_in_dim3A_3872 = vector.broadcast %jit3A_3871 : i32 to vector<256x64xi32>
    %select_n3A_3873 = arith.select %and3A_3870, %iota3A_2671, %broadcast_in_dim3A_3872 : vector<256x64xi1>, vector<256x64xi32>
    %reduce_min3A_3874 = arith.constant dense<2147483647> : vector<256xi32>
    %reduce_min3A_3875 = vector.multi_reduction <minsi>, %select_n3A_3873, %reduce_min3A_3874 [1] : vector<256x64xi32> to vector<256xi32>
    %broadcast_in_dim3A_3876 = vector.shape_cast %reduce_min3A_3875 : vector<256xi32> to vector<256x1xi32>
    %mul3A_3877 = arith.constant 128 : i32
    %mul3A_3878 = vector.broadcast %mul3A_3877 : i32 to vector<256x1xi32>
    %mul3A_3879 = arith.muli %broadcast_in_dim3A_3876, %mul3A_3878 : vector<256x1xi32>
    %add3A_3880 = arith.addi %mul3A_3879, %broadcast_in_dim3A_3783 : vector<256x1xi32>
    %convert_element_type3A_3881 = arith.extui %eq3A_3836 : vector<256x64xi1> to vector<256x64xi32>
    %reduce_sum3A_3882 = arith.constant dense<0> : vector<256xi32>
    %reduce_sum3A_3883 = vector.multi_reduction <add>, %convert_element_type3A_3881, %reduce_sum3A_3882 [1] : vector<256x64xi32> to vector<256xi32>
    %broadcast_in_dim3A_3884 = vector.shape_cast %reduce_sum3A_3883 : vector<256xi32> to vector<256x1xi32>
    %gt3A_3885 = vector.broadcast %broadcast_in_dim3A_3775 : vector<256x1xf32> to vector<256x64xf32>
    %gt3A_3886 = arith.cmpf ogt, %concatenate3A_3816, %gt3A_3885 : vector<256x64xf32>
    %jit3A_3887 = arith.constant 3.400000e+38 : f32
    %broadcast_in_dim3A_3888 = vector.broadcast %jit3A_3887 : f32 to vector<256x64xf32>
    %select_n3A_3889 = arith.select %gt3A_3886, %concatenate3A_3816, %broadcast_in_dim3A_3888 : vector<256x64xi1>, vector<256x64xf32>
    %reduce_min3A_3890 = arith.constant dense<0x7F800000> : vector<256xf32>
    %reduce_min3A_3891 = vector.multi_reduction <minimumf>, %select_n3A_3889, %reduce_min3A_3890 [1] : vector<256x64xf32> to vector<256xf32>
    %broadcast_in_dim3A_3892 = vector.shape_cast %reduce_min3A_3891 : vector<256xf32> to vector<256x1xf32>
    %sub3A_3893 = arith.subi %broadcast_in_dim3A_3884, %add3A_3834 : vector<256x1xi32>
    %gt3A_3894 = arith.constant 0 : i32
    %gt3A_3895 = vector.broadcast %gt3A_3894 : i32 to vector<256x1xi32>
    %gt3A_3896 = arith.cmpi sgt, %sub3A_3893, %gt3A_3895 : vector<256x1xi32>
    %select_n3A_3897 = arith.select %gt3A_3896, %broadcast_in_dim3A_3775, %broadcast_in_dim3A_3892 : vector<256x1xi1>, vector<256x1xf32>
    %eq3A_3898 = vector.broadcast %broadcast_in_dim3A_3783 : vector<256x1xi32> to vector<256x128xi32>
    %eq3A_3899 = arith.cmpi eq, %iota3A_2670, %eq3A_3898 : vector<256x128xi32>
    %broadcast_in_dim3A_3900 = vector.shape_cast %select_n3A_3897 : vector<256x1xf32> to vector<256x1xf32>
    %broadcast_in_dim3A_3901 = vector.broadcast %broadcast_in_dim3A_3900 : vector<256x1xf32> to vector<256x128xf32>
    %select_n3A_3902 = arith.select %eq3A_3899, %broadcast_in_dim3A_3901, %select_n3A_3766 : vector<256x128xi1>, vector<256x128xf32>
    %eq3A_3903 = vector.broadcast %broadcast_in_dim3A_3783 : vector<256x1xi32> to vector<256x128xi32>
    %eq3A_3904 = arith.cmpi eq, %iota3A_2670, %eq3A_3903 : vector<256x128xi32>
    %add3A_3905 = arith.constant 1 : i32
    %add3A_3906 = vector.broadcast %add3A_3905 : i32 to vector<256x128xi32>
    %add3A_3907 = arith.addi %select_n3A_3772, %add3A_3906 : vector<256x128xi32>
    %select_n3A_3908 = arith.select %eq3A_3904, %add3A_3907, %select_n3A_3772 : vector<256x128xi1>, vector<256x128xi32>
    %reduce_min3A_3909 = arith.constant dense<0x7F800000> : vector<256xf32>
    %reduce_min3A_3910 = vector.multi_reduction <minimumf>, %select_n3A_3902, %reduce_min3A_3909 [1] : vector<256x128xf32> to vector<256xf32>
    %broadcast_in_dim3A_3911 = vector.shape_cast %reduce_min3A_3910 : vector<256xf32> to vector<256x1xf32>
    %eq3A_3912 = vector.broadcast %broadcast_in_dim3A_3911 : vector<256x1xf32> to vector<256x128xf32>
    %eq3A_3913 = arith.cmpf oeq, %select_n3A_3902, %eq3A_3912 : vector<256x128xf32>
    %jit3A_3914 = arith.constant 128 : i32
    %broadcast_in_dim3A_3915 = vector.broadcast %jit3A_3914 : i32 to vector<256x128xi32>
    %select_n3A_3916 = arith.select %eq3A_3913, %iota3A_2670, %broadcast_in_dim3A_3915 : vector<256x128xi1>, vector<256x128xi32>
    %reduce_min3A_3917 = arith.constant dense<2147483647> : vector<256xi32>
    %reduce_min3A_3918 = vector.multi_reduction <minsi>, %select_n3A_3916, %reduce_min3A_3917 [1] : vector<256x128xi32> to vector<256xi32>
    %broadcast_in_dim3A_3919 = vector.shape_cast %reduce_min3A_3918 : vector<256xi32> to vector<256x1xi32>
    %eq3A_3920 = vector.broadcast %broadcast_in_dim3A_3919 : vector<256x1xi32> to vector<256x128xi32>
    %eq3A_3921 = arith.cmpi eq, %iota3A_2670, %eq3A_3920 : vector<256x128xi32>
    %slice3A_3922 = vector.extract_strided_slice %eq3A_3921 {offsets = [0, 0], sizes = [128, 128], strides = [1, 1]} : vector<256x128xi1> to vector<128x128xi1>
    %broadcast_in_dim3A_3923 = vector.shape_cast %slice3A_3922 : vector<128x128xi1> to vector<128x1x128xi1>
    %get3A_3924 = arith.constant 0 : index
    %get3A_3925 = arith.constant 0 : index
    %get3A_3926 = arith.constant 0 : index
    %get3A_3927 = arith.constant 0 : index
    %get3A_3928 = vector.load %arg3[%get3A_3924, %get3A_3925, %get3A_3926, %get3A_3927] : memref<2x128x64x128xf32, #tpu.memory_space<vmem>>, vector<1x128x64x128xf32>
    %get3A_3929 = vector.shape_cast %get3A_3928 : vector<1x128x64x128xf32> to vector<128x64x128xf32>
    %jit3A_3930 = arith.constant 3.400000e+38 : f32
    %broadcast_in_dim3A_3931 = vector.shape_cast %broadcast_in_dim3A_3923 : vector<128x1x128xi1> to vector<128x1x128xi1>
    %broadcast_in_dim3A_3932 = vector.broadcast %broadcast_in_dim3A_3931 : vector<128x1x128xi1> to vector<128x64x128xi1>
    %broadcast_in_dim3A_3933 = vector.broadcast %jit3A_3930 : f32 to vector<128x64x128xf32>
    %select_n3A_3934 = arith.select %broadcast_in_dim3A_3932, %get3A_3929, %broadcast_in_dim3A_3933 : vector<128x64x128xi1>, vector<128x64x128xf32>
    %reduce_min3A_3935 = arith.constant dense<0x7F800000> : vector<128x64xf32>
    %reduce_min3A_3936 = vector.multi_reduction <minimumf>, %select_n3A_3934, %reduce_min3A_3935 [2] : vector<128x64x128xf32> to vector<128x64xf32>
    %slice3A_3937 = vector.extract_strided_slice %eq3A_3921 {offsets = [128, 0], sizes = [128, 128], strides = [1, 1]} : vector<256x128xi1> to vector<128x128xi1>
    %broadcast_in_dim3A_3938 = vector.shape_cast %slice3A_3937 : vector<128x128xi1> to vector<128x1x128xi1>
    %get3A_3939 = arith.constant 1 : index
    %get3A_3940 = arith.constant 0 : index
    %get3A_3941 = arith.constant 0 : index
    %get3A_3942 = arith.constant 0 : index
    %get3A_3943 = vector.load %arg3[%get3A_3939, %get3A_3940, %get3A_3941, %get3A_3942] : memref<2x128x64x128xf32, #tpu.memory_space<vmem>>, vector<1x128x64x128xf32>
    %get3A_3944 = vector.shape_cast %get3A_3943 : vector<1x128x64x128xf32> to vector<128x64x128xf32>
    %jit3A_3945 = arith.constant 3.400000e+38 : f32
    %broadcast_in_dim3A_3946 = vector.shape_cast %broadcast_in_dim3A_3938 : vector<128x1x128xi1> to vector<128x1x128xi1>
    %broadcast_in_dim3A_3947 = vector.broadcast %broadcast_in_dim3A_3946 : vector<128x1x128xi1> to vector<128x64x128xi1>
    %broadcast_in_dim3A_3948 = vector.broadcast %jit3A_3945 : f32 to vector<128x64x128xf32>
    %select_n3A_3949 = arith.select %broadcast_in_dim3A_3947, %get3A_3944, %broadcast_in_dim3A_3948 : vector<128x64x128xi1>, vector<128x64x128xf32>
    %reduce_min3A_3950 = arith.constant dense<0x7F800000> : vector<128x64xf32>
    %reduce_min3A_3951 = vector.multi_reduction <minimumf>, %select_n3A_3949, %reduce_min3A_3950 [2] : vector<128x64x128xf32> to vector<128x64xf32>
    %concatenate3A_3952 = tpu.concatenate %reduce_min3A_3936, %reduce_min3A_3951 in 0 : vector<128x64xf32>, vector<128x64xf32> -> vector<256x64xf32>
    %eq3A_3953 = vector.broadcast %broadcast_in_dim3A_3919 : vector<256x1xi32> to vector<256x128xi32>
    %eq3A_3954 = arith.cmpi eq, %iota3A_2670, %eq3A_3953 : vector<256x128xi32>
    %jit3A_3955 = arith.constant 0 : i32
    %broadcast_in_dim3A_3956 = vector.broadcast %jit3A_3955 : i32 to vector<256x128xi32>
    %select_n3A_3957 = arith.select %eq3A_3954, %select_n3A_3908, %broadcast_in_dim3A_3956 : vector<256x128xi1>, vector<256x128xi32>
    %reduce_sum3A_3958 = arith.constant dense<0> : vector<256xi32>
    %reduce_sum3A_3959 = vector.multi_reduction <add>, %select_n3A_3957, %reduce_sum3A_3958 [1] : vector<256x128xi32> to vector<256xi32>
    %broadcast_in_dim3A_3960 = vector.shape_cast %reduce_sum3A_3959 : vector<256xi32> to vector<256x1xi32>
    %lt3A_3961 = vector.broadcast %broadcast_in_dim3A_3911 : vector<256x1xf32> to vector<256x64xf32>
    %lt3A_3962 = arith.cmpf olt, %concatenate3A_3952, %lt3A_3961 : vector<256x64xf32>
    %convert_element_type3A_3963 = arith.extui %lt3A_3962 : vector<256x64xi1> to vector<256x64xi32>
    %reduce_sum3A_3964 = arith.constant dense<0> : vector<256xi32>
    %reduce_sum3A_3965 = vector.multi_reduction <add>, %convert_element_type3A_3963, %reduce_sum3A_3964 [1] : vector<256x64xi32> to vector<256xi32>
    %broadcast_in_dim3A_3966 = vector.shape_cast %reduce_sum3A_3965 : vector<256xi32> to vector<256x1xi32>
    %sub3A_3967 = arith.subi %broadcast_in_dim3A_3960, %broadcast_in_dim3A_3966 : vector<256x1xi32>
    %add3A_3968 = arith.constant 1 : i32
    %add3A_3969 = vector.broadcast %add3A_3968 : i32 to vector<256x1xi32>
    %add3A_3970 = arith.addi %sub3A_3967, %add3A_3969 : vector<256x1xi32>
    %eq3A_3971 = vector.broadcast %broadcast_in_dim3A_3911 : vector<256x1xf32> to vector<256x64xf32>
    %eq3A_3972 = arith.cmpf oeq, %concatenate3A_3952, %eq3A_3971 : vector<256x64xf32>
    %convert_element_type3A_3973 = arith.extui %eq3A_3972 : vector<256x64xi1> to vector<256x64xi32>
    %broadcast_in_dim3A_3974 = arith.constant 0 : i32
    %broadcast_in_dim3A_3975 = vector.broadcast %broadcast_in_dim3A_3974 : i32 to vector<256x1xi32>
    %slice3A_3976 = vector.extract_strided_slice %convert_element_type3A_3973 {offsets = [0, 0], sizes = [256, 63], strides = [1, 1]} : vector<256x64xi32> to vector<256x63xi32>
    %concatenate3A_3977 = tpu.concatenate %broadcast_in_dim3A_3975, %slice3A_3976 in 1 : vector<256x1xi32>, vector<256x63xi32> -> vector<256x64xi32>
    %add3A_3978 = arith.addi %convert_element_type3A_3973, %concatenate3A_3977 : vector<256x64xi32>
    %broadcast_in_dim3A_3979 = arith.constant 0 : i32
    %broadcast_in_dim3A_3980 = vector.broadcast %broadcast_in_dim3A_3979 : i32 to vector<256x2xi32>
    %slice3A_3981 = vector.extract_strided_slice %add3A_3978 {offsets = [0, 0], sizes = [256, 62], strides = [1, 1]} : vector<256x64xi32> to vector<256x62xi32>
    %concatenate3A_3982 = tpu.concatenate %broadcast_in_dim3A_3980, %slice3A_3981 in 1 : vector<256x2xi32>, vector<256x62xi32> -> vector<256x64xi32>
    %add3A_3983 = arith.addi %add3A_3978, %concatenate3A_3982 : vector<256x64xi32>
    %broadcast_in_dim3A_3984 = arith.constant 0 : i32
    %broadcast_in_dim3A_3985 = vector.broadcast %broadcast_in_dim3A_3984 : i32 to vector<256x4xi32>
    %slice3A_3986 = vector.extract_strided_slice %add3A_3983 {offsets = [0, 0], sizes = [256, 60], strides = [1, 1]} : vector<256x64xi32> to vector<256x60xi32>
    %concatenate3A_3987 = tpu.concatenate %broadcast_in_dim3A_3985, %slice3A_3986 in 1 : vector<256x4xi32>, vector<256x60xi32> -> vector<256x64xi32>
    %add3A_3988 = arith.addi %add3A_3983, %concatenate3A_3987 : vector<256x64xi32>
    %broadcast_in_dim3A_3989 = arith.constant 0 : i32
    %broadcast_in_dim3A_3990 = vector.broadcast %broadcast_in_dim3A_3989 : i32 to vector<256x8xi32>
    %slice3A_3991 = vector.extract_strided_slice %add3A_3988 {offsets = [0, 0], sizes = [256, 56], strides = [1, 1]} : vector<256x64xi32> to vector<256x56xi32>
    %concatenate3A_3992 = tpu.concatenate %broadcast_in_dim3A_3990, %slice3A_3991 in 1 : vector<256x8xi32>, vector<256x56xi32> -> vector<256x64xi32>
    %add3A_3993 = arith.addi %add3A_3988, %concatenate3A_3992 : vector<256x64xi32>
    %broadcast_in_dim3A_3994 = arith.constant 0 : i32
    %broadcast_in_dim3A_3995 = vector.broadcast %broadcast_in_dim3A_3994 : i32 to vector<256x16xi32>
    %slice3A_3996 = vector.extract_strided_slice %add3A_3993 {offsets = [0, 0], sizes = [256, 48], strides = [1, 1]} : vector<256x64xi32> to vector<256x48xi32>
    %concatenate3A_3997 = tpu.concatenate %broadcast_in_dim3A_3995, %slice3A_3996 in 1 : vector<256x16xi32>, vector<256x48xi32> -> vector<256x64xi32>
    %add3A_3998 = arith.addi %add3A_3993, %concatenate3A_3997 : vector<256x64xi32>
    %broadcast_in_dim3A_3999 = arith.constant 0 : i32
    %broadcast_in_dim3A_4000 = vector.broadcast %broadcast_in_dim3A_3999 : i32 to vector<256x32xi32>
    %slice3A_4001 = vector.extract_strided_slice %add3A_3998 {offsets = [0, 0], sizes = [256, 32], strides = [1, 1]} : vector<256x64xi32> to vector<256x32xi32>
    %concatenate3A_4002 = tpu.concatenate %broadcast_in_dim3A_4000, %slice3A_4001 in 1 : vector<256x32xi32>, vector<256x32xi32> -> vector<256x64xi32>
    %add3A_4003 = arith.addi %add3A_3998, %concatenate3A_4002 : vector<256x64xi32>
    %eq3A_4004 = vector.broadcast %add3A_3970 : vector<256x1xi32> to vector<256x64xi32>
    %eq3A_4005 = arith.cmpi eq, %add3A_4003, %eq3A_4004 : vector<256x64xi32>
    %and3A_4006 = arith.andi %eq3A_3972, %eq3A_4005 : vector<256x64xi1>
    %jit3A_4007 = arith.constant 64 : i32
    %broadcast_in_dim3A_4008 = vector.broadcast %jit3A_4007 : i32 to vector<256x64xi32>
    %select_n3A_4009 = arith.select %and3A_4006, %iota3A_2671, %broadcast_in_dim3A_4008 : vector<256x64xi1>, vector<256x64xi32>
    %reduce_min3A_4010 = arith.constant dense<2147483647> : vector<256xi32>
    %reduce_min3A_4011 = vector.multi_reduction <minsi>, %select_n3A_4009, %reduce_min3A_4010 [1] : vector<256x64xi32> to vector<256xi32>
    %broadcast_in_dim3A_4012 = vector.shape_cast %reduce_min3A_4011 : vector<256xi32> to vector<256x1xi32>
    %mul3A_4013 = arith.constant 128 : i32
    %mul3A_4014 = vector.broadcast %mul3A_4013 : i32 to vector<256x1xi32>
    %mul3A_4015 = arith.muli %broadcast_in_dim3A_4012, %mul3A_4014 : vector<256x1xi32>
    %add3A_4016 = arith.addi %mul3A_4015, %broadcast_in_dim3A_3919 : vector<256x1xi32>
    %convert_element_type3A_4017 = arith.extui %eq3A_3972 : vector<256x64xi1> to vector<256x64xi32>
    %reduce_sum3A_4018 = arith.constant dense<0> : vector<256xi32>
    %reduce_sum3A_4019 = vector.multi_reduction <add>, %convert_element_type3A_4017, %reduce_sum3A_4018 [1] : vector<256x64xi32> to vector<256xi32>
    %broadcast_in_dim3A_4020 = vector.shape_cast %reduce_sum3A_4019 : vector<256xi32> to vector<256x1xi32>
    %gt3A_4021 = vector.broadcast %broadcast_in_dim3A_3911 : vector<256x1xf32> to vector<256x64xf32>
    %gt3A_4022 = arith.cmpf ogt, %concatenate3A_3952, %gt3A_4021 : vector<256x64xf32>
    %jit3A_4023 = arith.constant 3.400000e+38 : f32
    %broadcast_in_dim3A_4024 = vector.broadcast %jit3A_4023 : f32 to vector<256x64xf32>
    %select_n3A_4025 = arith.select %gt3A_4022, %concatenate3A_3952, %broadcast_in_dim3A_4024 : vector<256x64xi1>, vector<256x64xf32>
    %reduce_min3A_4026 = arith.constant dense<0x7F800000> : vector<256xf32>
    %reduce_min3A_4027 = vector.multi_reduction <minimumf>, %select_n3A_4025, %reduce_min3A_4026 [1] : vector<256x64xf32> to vector<256xf32>
    %broadcast_in_dim3A_4028 = vector.shape_cast %reduce_min3A_4027 : vector<256xf32> to vector<256x1xf32>
    %sub3A_4029 = arith.subi %broadcast_in_dim3A_4020, %add3A_3970 : vector<256x1xi32>
    %gt3A_4030 = arith.constant 0 : i32
    %gt3A_4031 = vector.broadcast %gt3A_4030 : i32 to vector<256x1xi32>
    %gt3A_4032 = arith.cmpi sgt, %sub3A_4029, %gt3A_4031 : vector<256x1xi32>
    %select_n3A_4033 = arith.select %gt3A_4032, %broadcast_in_dim3A_3911, %broadcast_in_dim3A_4028 : vector<256x1xi1>, vector<256x1xf32>
    %eq3A_4034 = vector.broadcast %broadcast_in_dim3A_3919 : vector<256x1xi32> to vector<256x128xi32>
    %eq3A_4035 = arith.cmpi eq, %iota3A_2670, %eq3A_4034 : vector<256x128xi32>
    %broadcast_in_dim3A_4036 = vector.shape_cast %select_n3A_4033 : vector<256x1xf32> to vector<256x1xf32>
    %broadcast_in_dim3A_4037 = vector.broadcast %broadcast_in_dim3A_4036 : vector<256x1xf32> to vector<256x128xf32>
    %select_n3A_4038 = arith.select %eq3A_4035, %broadcast_in_dim3A_4037, %select_n3A_3902 : vector<256x128xi1>, vector<256x128xf32>
    %eq3A_4039 = vector.broadcast %broadcast_in_dim3A_3919 : vector<256x1xi32> to vector<256x128xi32>
    %eq3A_4040 = arith.cmpi eq, %iota3A_2670, %eq3A_4039 : vector<256x128xi32>
    %add3A_4041 = arith.constant 1 : i32
    %add3A_4042 = vector.broadcast %add3A_4041 : i32 to vector<256x128xi32>
    %add3A_4043 = arith.addi %select_n3A_3908, %add3A_4042 : vector<256x128xi32>
    %select_n3A_4044 = arith.select %eq3A_4040, %add3A_4043, %select_n3A_3908 : vector<256x128xi1>, vector<256x128xi32>
    %reduce_min3A_4045 = arith.constant dense<0x7F800000> : vector<256xf32>
    %reduce_min3A_4046 = vector.multi_reduction <minimumf>, %select_n3A_4038, %reduce_min3A_4045 [1] : vector<256x128xf32> to vector<256xf32>
    %broadcast_in_dim3A_4047 = vector.shape_cast %reduce_min3A_4046 : vector<256xf32> to vector<256x1xf32>
    %eq3A_4048 = vector.broadcast %broadcast_in_dim3A_4047 : vector<256x1xf32> to vector<256x128xf32>
    %eq3A_4049 = arith.cmpf oeq, %select_n3A_4038, %eq3A_4048 : vector<256x128xf32>
    %jit3A_4050 = arith.constant 128 : i32
    %broadcast_in_dim3A_4051 = vector.broadcast %jit3A_4050 : i32 to vector<256x128xi32>
    %select_n3A_4052 = arith.select %eq3A_4049, %iota3A_2670, %broadcast_in_dim3A_4051 : vector<256x128xi1>, vector<256x128xi32>
    %reduce_min3A_4053 = arith.constant dense<2147483647> : vector<256xi32>
    %reduce_min3A_4054 = vector.multi_reduction <minsi>, %select_n3A_4052, %reduce_min3A_4053 [1] : vector<256x128xi32> to vector<256xi32>
    %broadcast_in_dim3A_4055 = vector.shape_cast %reduce_min3A_4054 : vector<256xi32> to vector<256x1xi32>
    %eq3A_4056 = vector.broadcast %broadcast_in_dim3A_4055 : vector<256x1xi32> to vector<256x128xi32>
    %eq3A_4057 = arith.cmpi eq, %iota3A_2670, %eq3A_4056 : vector<256x128xi32>
    %slice3A_4058 = vector.extract_strided_slice %eq3A_4057 {offsets = [0, 0], sizes = [128, 128], strides = [1, 1]} : vector<256x128xi1> to vector<128x128xi1>
    %broadcast_in_dim3A_4059 = vector.shape_cast %slice3A_4058 : vector<128x128xi1> to vector<128x1x128xi1>
    %get3A_4060 = arith.constant 0 : index
    %get3A_4061 = arith.constant 0 : index
    %get3A_4062 = arith.constant 0 : index
    %get3A_4063 = arith.constant 0 : index
    %get3A_4064 = vector.load %arg3[%get3A_4060, %get3A_4061, %get3A_4062, %get3A_4063] : memref<2x128x64x128xf32, #tpu.memory_space<vmem>>, vector<1x128x64x128xf32>
    %get3A_4065 = vector.shape_cast %get3A_4064 : vector<1x128x64x128xf32> to vector<128x64x128xf32>
    %jit3A_4066 = arith.constant 3.400000e+38 : f32
    %broadcast_in_dim3A_4067 = vector.shape_cast %broadcast_in_dim3A_4059 : vector<128x1x128xi1> to vector<128x1x128xi1>
    %broadcast_in_dim3A_4068 = vector.broadcast %broadcast_in_dim3A_4067 : vector<128x1x128xi1> to vector<128x64x128xi1>
    %broadcast_in_dim3A_4069 = vector.broadcast %jit3A_4066 : f32 to vector<128x64x128xf32>
    %select_n3A_4070 = arith.select %broadcast_in_dim3A_4068, %get3A_4065, %broadcast_in_dim3A_4069 : vector<128x64x128xi1>, vector<128x64x128xf32>
    %reduce_min3A_4071 = arith.constant dense<0x7F800000> : vector<128x64xf32>
    %reduce_min3A_4072 = vector.multi_reduction <minimumf>, %select_n3A_4070, %reduce_min3A_4071 [2] : vector<128x64x128xf32> to vector<128x64xf32>
    %slice3A_4073 = vector.extract_strided_slice %eq3A_4057 {offsets = [128, 0], sizes = [128, 128], strides = [1, 1]} : vector<256x128xi1> to vector<128x128xi1>
    %broadcast_in_dim3A_4074 = vector.shape_cast %slice3A_4073 : vector<128x128xi1> to vector<128x1x128xi1>
    %get3A_4075 = arith.constant 1 : index
    %get3A_4076 = arith.constant 0 : index
    %get3A_4077 = arith.constant 0 : index
    %get3A_4078 = arith.constant 0 : index
    %get3A_4079 = vector.load %arg3[%get3A_4075, %get3A_4076, %get3A_4077, %get3A_4078] : memref<2x128x64x128xf32, #tpu.memory_space<vmem>>, vector<1x128x64x128xf32>
    %get3A_4080 = vector.shape_cast %get3A_4079 : vector<1x128x64x128xf32> to vector<128x64x128xf32>
    %jit3A_4081 = arith.constant 3.400000e+38 : f32
    %broadcast_in_dim3A_4082 = vector.shape_cast %broadcast_in_dim3A_4074 : vector<128x1x128xi1> to vector<128x1x128xi1>
    %broadcast_in_dim3A_4083 = vector.broadcast %broadcast_in_dim3A_4082 : vector<128x1x128xi1> to vector<128x64x128xi1>
    %broadcast_in_dim3A_4084 = vector.broadcast %jit3A_4081 : f32 to vector<128x64x128xf32>
    %select_n3A_4085 = arith.select %broadcast_in_dim3A_4083, %get3A_4080, %broadcast_in_dim3A_4084 : vector<128x64x128xi1>, vector<128x64x128xf32>
    %reduce_min3A_4086 = arith.constant dense<0x7F800000> : vector<128x64xf32>
    %reduce_min3A_4087 = vector.multi_reduction <minimumf>, %select_n3A_4085, %reduce_min3A_4086 [2] : vector<128x64x128xf32> to vector<128x64xf32>
    %concatenate3A_4088 = tpu.concatenate %reduce_min3A_4072, %reduce_min3A_4087 in 0 : vector<128x64xf32>, vector<128x64xf32> -> vector<256x64xf32>
    %eq3A_4089 = vector.broadcast %broadcast_in_dim3A_4055 : vector<256x1xi32> to vector<256x128xi32>
    %eq3A_4090 = arith.cmpi eq, %iota3A_2670, %eq3A_4089 : vector<256x128xi32>
    %jit3A_4091 = arith.constant 0 : i32
    %broadcast_in_dim3A_4092 = vector.broadcast %jit3A_4091 : i32 to vector<256x128xi32>
    %select_n3A_4093 = arith.select %eq3A_4090, %select_n3A_4044, %broadcast_in_dim3A_4092 : vector<256x128xi1>, vector<256x128xi32>
    %reduce_sum3A_4094 = arith.constant dense<0> : vector<256xi32>
    %reduce_sum3A_4095 = vector.multi_reduction <add>, %select_n3A_4093, %reduce_sum3A_4094 [1] : vector<256x128xi32> to vector<256xi32>
    %broadcast_in_dim3A_4096 = vector.shape_cast %reduce_sum3A_4095 : vector<256xi32> to vector<256x1xi32>
    %lt3A_4097 = vector.broadcast %broadcast_in_dim3A_4047 : vector<256x1xf32> to vector<256x64xf32>
    %lt3A_4098 = arith.cmpf olt, %concatenate3A_4088, %lt3A_4097 : vector<256x64xf32>
    %convert_element_type3A_4099 = arith.extui %lt3A_4098 : vector<256x64xi1> to vector<256x64xi32>
    %reduce_sum3A_4100 = arith.constant dense<0> : vector<256xi32>
    %reduce_sum3A_4101 = vector.multi_reduction <add>, %convert_element_type3A_4099, %reduce_sum3A_4100 [1] : vector<256x64xi32> to vector<256xi32>
    %broadcast_in_dim3A_4102 = vector.shape_cast %reduce_sum3A_4101 : vector<256xi32> to vector<256x1xi32>
    %sub3A_4103 = arith.subi %broadcast_in_dim3A_4096, %broadcast_in_dim3A_4102 : vector<256x1xi32>
    %add3A_4104 = arith.constant 1 : i32
    %add3A_4105 = vector.broadcast %add3A_4104 : i32 to vector<256x1xi32>
    %add3A_4106 = arith.addi %sub3A_4103, %add3A_4105 : vector<256x1xi32>
    %eq3A_4107 = vector.broadcast %broadcast_in_dim3A_4047 : vector<256x1xf32> to vector<256x64xf32>
    %eq3A_4108 = arith.cmpf oeq, %concatenate3A_4088, %eq3A_4107 : vector<256x64xf32>
    %convert_element_type3A_4109 = arith.extui %eq3A_4108 : vector<256x64xi1> to vector<256x64xi32>
    %broadcast_in_dim3A_4110 = arith.constant 0 : i32
    %broadcast_in_dim3A_4111 = vector.broadcast %broadcast_in_dim3A_4110 : i32 to vector<256x1xi32>
    %slice3A_4112 = vector.extract_strided_slice %convert_element_type3A_4109 {offsets = [0, 0], sizes = [256, 63], strides = [1, 1]} : vector<256x64xi32> to vector<256x63xi32>
    %concatenate3A_4113 = tpu.concatenate %broadcast_in_dim3A_4111, %slice3A_4112 in 1 : vector<256x1xi32>, vector<256x63xi32> -> vector<256x64xi32>
    %add3A_4114 = arith.addi %convert_element_type3A_4109, %concatenate3A_4113 : vector<256x64xi32>
    %broadcast_in_dim3A_4115 = arith.constant 0 : i32
    %broadcast_in_dim3A_4116 = vector.broadcast %broadcast_in_dim3A_4115 : i32 to vector<256x2xi32>
    %slice3A_4117 = vector.extract_strided_slice %add3A_4114 {offsets = [0, 0], sizes = [256, 62], strides = [1, 1]} : vector<256x64xi32> to vector<256x62xi32>
    %concatenate3A_4118 = tpu.concatenate %broadcast_in_dim3A_4116, %slice3A_4117 in 1 : vector<256x2xi32>, vector<256x62xi32> -> vector<256x64xi32>
    %add3A_4119 = arith.addi %add3A_4114, %concatenate3A_4118 : vector<256x64xi32>
    %broadcast_in_dim3A_4120 = arith.constant 0 : i32
    %broadcast_in_dim3A_4121 = vector.broadcast %broadcast_in_dim3A_4120 : i32 to vector<256x4xi32>
    %slice3A_4122 = vector.extract_strided_slice %add3A_4119 {offsets = [0, 0], sizes = [256, 60], strides = [1, 1]} : vector<256x64xi32> to vector<256x60xi32>
    %concatenate3A_4123 = tpu.concatenate %broadcast_in_dim3A_4121, %slice3A_4122 in 1 : vector<256x4xi32>, vector<256x60xi32> -> vector<256x64xi32>
    %add3A_4124 = arith.addi %add3A_4119, %concatenate3A_4123 : vector<256x64xi32>
    %broadcast_in_dim3A_4125 = arith.constant 0 : i32
    %broadcast_in_dim3A_4126 = vector.broadcast %broadcast_in_dim3A_4125 : i32 to vector<256x8xi32>
    %slice3A_4127 = vector.extract_strided_slice %add3A_4124 {offsets = [0, 0], sizes = [256, 56], strides = [1, 1]} : vector<256x64xi32> to vector<256x56xi32>
    %concatenate3A_4128 = tpu.concatenate %broadcast_in_dim3A_4126, %slice3A_4127 in 1 : vector<256x8xi32>, vector<256x56xi32> -> vector<256x64xi32>
    %add3A_4129 = arith.addi %add3A_4124, %concatenate3A_4128 : vector<256x64xi32>
    %broadcast_in_dim3A_4130 = arith.constant 0 : i32
    %broadcast_in_dim3A_4131 = vector.broadcast %broadcast_in_dim3A_4130 : i32 to vector<256x16xi32>
    %slice3A_4132 = vector.extract_strided_slice %add3A_4129 {offsets = [0, 0], sizes = [256, 48], strides = [1, 1]} : vector<256x64xi32> to vector<256x48xi32>
    %concatenate3A_4133 = tpu.concatenate %broadcast_in_dim3A_4131, %slice3A_4132 in 1 : vector<256x16xi32>, vector<256x48xi32> -> vector<256x64xi32>
    %add3A_4134 = arith.addi %add3A_4129, %concatenate3A_4133 : vector<256x64xi32>
    %broadcast_in_dim3A_4135 = arith.constant 0 : i32
    %broadcast_in_dim3A_4136 = vector.broadcast %broadcast_in_dim3A_4135 : i32 to vector<256x32xi32>
    %slice3A_4137 = vector.extract_strided_slice %add3A_4134 {offsets = [0, 0], sizes = [256, 32], strides = [1, 1]} : vector<256x64xi32> to vector<256x32xi32>
    %concatenate3A_4138 = tpu.concatenate %broadcast_in_dim3A_4136, %slice3A_4137 in 1 : vector<256x32xi32>, vector<256x32xi32> -> vector<256x64xi32>
    %add3A_4139 = arith.addi %add3A_4134, %concatenate3A_4138 : vector<256x64xi32>
    %eq3A_4140 = vector.broadcast %add3A_4106 : vector<256x1xi32> to vector<256x64xi32>
    %eq3A_4141 = arith.cmpi eq, %add3A_4139, %eq3A_4140 : vector<256x64xi32>
    %and3A_4142 = arith.andi %eq3A_4108, %eq3A_4141 : vector<256x64xi1>
    %jit3A_4143 = arith.constant 64 : i32
    %broadcast_in_dim3A_4144 = vector.broadcast %jit3A_4143 : i32 to vector<256x64xi32>
    %select_n3A_4145 = arith.select %and3A_4142, %iota3A_2671, %broadcast_in_dim3A_4144 : vector<256x64xi1>, vector<256x64xi32>
    %reduce_min3A_4146 = arith.constant dense<2147483647> : vector<256xi32>
    %reduce_min3A_4147 = vector.multi_reduction <minsi>, %select_n3A_4145, %reduce_min3A_4146 [1] : vector<256x64xi32> to vector<256xi32>
    %broadcast_in_dim3A_4148 = vector.shape_cast %reduce_min3A_4147 : vector<256xi32> to vector<256x1xi32>
    %mul3A_4149 = arith.constant 128 : i32
    %mul3A_4150 = vector.broadcast %mul3A_4149 : i32 to vector<256x1xi32>
    %mul3A_4151 = arith.muli %broadcast_in_dim3A_4148, %mul3A_4150 : vector<256x1xi32>
    %add3A_4152 = arith.addi %mul3A_4151, %broadcast_in_dim3A_4055 : vector<256x1xi32>
    %convert_element_type3A_4153 = arith.extui %eq3A_4108 : vector<256x64xi1> to vector<256x64xi32>
    %reduce_sum3A_4154 = arith.constant dense<0> : vector<256xi32>
    %reduce_sum3A_4155 = vector.multi_reduction <add>, %convert_element_type3A_4153, %reduce_sum3A_4154 [1] : vector<256x64xi32> to vector<256xi32>
    %broadcast_in_dim3A_4156 = vector.shape_cast %reduce_sum3A_4155 : vector<256xi32> to vector<256x1xi32>
    %gt3A_4157 = vector.broadcast %broadcast_in_dim3A_4047 : vector<256x1xf32> to vector<256x64xf32>
    %gt3A_4158 = arith.cmpf ogt, %concatenate3A_4088, %gt3A_4157 : vector<256x64xf32>
    %jit3A_4159 = arith.constant 3.400000e+38 : f32
    %broadcast_in_dim3A_4160 = vector.broadcast %jit3A_4159 : f32 to vector<256x64xf32>
    %select_n3A_4161 = arith.select %gt3A_4158, %concatenate3A_4088, %broadcast_in_dim3A_4160 : vector<256x64xi1>, vector<256x64xf32>
    %reduce_min3A_4162 = arith.constant dense<0x7F800000> : vector<256xf32>
    %reduce_min3A_4163 = vector.multi_reduction <minimumf>, %select_n3A_4161, %reduce_min3A_4162 [1] : vector<256x64xf32> to vector<256xf32>
    %broadcast_in_dim3A_4164 = vector.shape_cast %reduce_min3A_4163 : vector<256xf32> to vector<256x1xf32>
    %sub3A_4165 = arith.subi %broadcast_in_dim3A_4156, %add3A_4106 : vector<256x1xi32>
    %gt3A_4166 = arith.constant 0 : i32
    %gt3A_4167 = vector.broadcast %gt3A_4166 : i32 to vector<256x1xi32>
    %gt3A_4168 = arith.cmpi sgt, %sub3A_4165, %gt3A_4167 : vector<256x1xi32>
    %select_n3A_4169 = arith.select %gt3A_4168, %broadcast_in_dim3A_4047, %broadcast_in_dim3A_4164 : vector<256x1xi1>, vector<256x1xf32>
    %eq3A_4170 = vector.broadcast %broadcast_in_dim3A_4055 : vector<256x1xi32> to vector<256x128xi32>
    %eq3A_4171 = arith.cmpi eq, %iota3A_2670, %eq3A_4170 : vector<256x128xi32>
    %broadcast_in_dim3A_4172 = vector.shape_cast %select_n3A_4169 : vector<256x1xf32> to vector<256x1xf32>
    %broadcast_in_dim3A_4173 = vector.broadcast %broadcast_in_dim3A_4172 : vector<256x1xf32> to vector<256x128xf32>
    %select_n3A_4174 = arith.select %eq3A_4171, %broadcast_in_dim3A_4173, %select_n3A_4038 : vector<256x128xi1>, vector<256x128xf32>
    %eq3A_4175 = vector.broadcast %broadcast_in_dim3A_4055 : vector<256x1xi32> to vector<256x128xi32>
    %eq3A_4176 = arith.cmpi eq, %iota3A_2670, %eq3A_4175 : vector<256x128xi32>
    %add3A_4177 = arith.constant 1 : i32
    %add3A_4178 = vector.broadcast %add3A_4177 : i32 to vector<256x128xi32>
    %add3A_4179 = arith.addi %select_n3A_4044, %add3A_4178 : vector<256x128xi32>
    %select_n3A_4180 = arith.select %eq3A_4176, %add3A_4179, %select_n3A_4044 : vector<256x128xi1>, vector<256x128xi32>
    %reduce_min3A_4181 = arith.constant dense<0x7F800000> : vector<256xf32>
    %reduce_min3A_4182 = vector.multi_reduction <minimumf>, %select_n3A_4174, %reduce_min3A_4181 [1] : vector<256x128xf32> to vector<256xf32>
    %broadcast_in_dim3A_4183 = vector.shape_cast %reduce_min3A_4182 : vector<256xf32> to vector<256x1xf32>
    %eq3A_4184 = vector.broadcast %broadcast_in_dim3A_4183 : vector<256x1xf32> to vector<256x128xf32>
    %eq3A_4185 = arith.cmpf oeq, %select_n3A_4174, %eq3A_4184 : vector<256x128xf32>
    %jit3A_4186 = arith.constant 128 : i32
    %broadcast_in_dim3A_4187 = vector.broadcast %jit3A_4186 : i32 to vector<256x128xi32>
    %select_n3A_4188 = arith.select %eq3A_4185, %iota3A_2670, %broadcast_in_dim3A_4187 : vector<256x128xi1>, vector<256x128xi32>
    %reduce_min3A_4189 = arith.constant dense<2147483647> : vector<256xi32>
    %reduce_min3A_4190 = vector.multi_reduction <minsi>, %select_n3A_4188, %reduce_min3A_4189 [1] : vector<256x128xi32> to vector<256xi32>
    %broadcast_in_dim3A_4191 = vector.shape_cast %reduce_min3A_4190 : vector<256xi32> to vector<256x1xi32>
    %eq3A_4192 = vector.broadcast %broadcast_in_dim3A_4191 : vector<256x1xi32> to vector<256x128xi32>
    %eq3A_4193 = arith.cmpi eq, %iota3A_2670, %eq3A_4192 : vector<256x128xi32>
    %slice3A_4194 = vector.extract_strided_slice %eq3A_4193 {offsets = [0, 0], sizes = [128, 128], strides = [1, 1]} : vector<256x128xi1> to vector<128x128xi1>
    %broadcast_in_dim3A_4195 = vector.shape_cast %slice3A_4194 : vector<128x128xi1> to vector<128x1x128xi1>
    %get3A_4196 = arith.constant 0 : index
    %get3A_4197 = arith.constant 0 : index
    %get3A_4198 = arith.constant 0 : index
    %get3A_4199 = arith.constant 0 : index
    %get3A_4200 = vector.load %arg3[%get3A_4196, %get3A_4197, %get3A_4198, %get3A_4199] : memref<2x128x64x128xf32, #tpu.memory_space<vmem>>, vector<1x128x64x128xf32>
    %get3A_4201 = vector.shape_cast %get3A_4200 : vector<1x128x64x128xf32> to vector<128x64x128xf32>
    %jit3A_4202 = arith.constant 3.400000e+38 : f32
    %broadcast_in_dim3A_4203 = vector.shape_cast %broadcast_in_dim3A_4195 : vector<128x1x128xi1> to vector<128x1x128xi1>
    %broadcast_in_dim3A_4204 = vector.broadcast %broadcast_in_dim3A_4203 : vector<128x1x128xi1> to vector<128x64x128xi1>
    %broadcast_in_dim3A_4205 = vector.broadcast %jit3A_4202 : f32 to vector<128x64x128xf32>
    %select_n3A_4206 = arith.select %broadcast_in_dim3A_4204, %get3A_4201, %broadcast_in_dim3A_4205 : vector<128x64x128xi1>, vector<128x64x128xf32>
    %reduce_min3A_4207 = arith.constant dense<0x7F800000> : vector<128x64xf32>
    %reduce_min3A_4208 = vector.multi_reduction <minimumf>, %select_n3A_4206, %reduce_min3A_4207 [2] : vector<128x64x128xf32> to vector<128x64xf32>
    %slice3A_4209 = vector.extract_strided_slice %eq3A_4193 {offsets = [128, 0], sizes = [128, 128], strides = [1, 1]} : vector<256x128xi1> to vector<128x128xi1>
    %broadcast_in_dim3A_4210 = vector.shape_cast %slice3A_4209 : vector<128x128xi1> to vector<128x1x128xi1>
    %get3A_4211 = arith.constant 1 : index
    %get3A_4212 = arith.constant 0 : index
    %get3A_4213 = arith.constant 0 : index
    %get3A_4214 = arith.constant 0 : index
    %get3A_4215 = vector.load %arg3[%get3A_4211, %get3A_4212, %get3A_4213, %get3A_4214] : memref<2x128x64x128xf32, #tpu.memory_space<vmem>>, vector<1x128x64x128xf32>
    %get3A_4216 = vector.shape_cast %get3A_4215 : vector<1x128x64x128xf32> to vector<128x64x128xf32>
    %jit3A_4217 = arith.constant 3.400000e+38 : f32
    %broadcast_in_dim3A_4218 = vector.shape_cast %broadcast_in_dim3A_4210 : vector<128x1x128xi1> to vector<128x1x128xi1>
    %broadcast_in_dim3A_4219 = vector.broadcast %broadcast_in_dim3A_4218 : vector<128x1x128xi1> to vector<128x64x128xi1>
    %broadcast_in_dim3A_4220 = vector.broadcast %jit3A_4217 : f32 to vector<128x64x128xf32>
    %select_n3A_4221 = arith.select %broadcast_in_dim3A_4219, %get3A_4216, %broadcast_in_dim3A_4220 : vector<128x64x128xi1>, vector<128x64x128xf32>
    %reduce_min3A_4222 = arith.constant dense<0x7F800000> : vector<128x64xf32>
    %reduce_min3A_4223 = vector.multi_reduction <minimumf>, %select_n3A_4221, %reduce_min3A_4222 [2] : vector<128x64x128xf32> to vector<128x64xf32>
    %concatenate3A_4224 = tpu.concatenate %reduce_min3A_4208, %reduce_min3A_4223 in 0 : vector<128x64xf32>, vector<128x64xf32> -> vector<256x64xf32>
    %eq3A_4225 = vector.broadcast %broadcast_in_dim3A_4191 : vector<256x1xi32> to vector<256x128xi32>
    %eq3A_4226 = arith.cmpi eq, %iota3A_2670, %eq3A_4225 : vector<256x128xi32>
    %jit3A_4227 = arith.constant 0 : i32
    %broadcast_in_dim3A_4228 = vector.broadcast %jit3A_4227 : i32 to vector<256x128xi32>
    %select_n3A_4229 = arith.select %eq3A_4226, %select_n3A_4180, %broadcast_in_dim3A_4228 : vector<256x128xi1>, vector<256x128xi32>
    %reduce_sum3A_4230 = arith.constant dense<0> : vector<256xi32>
    %reduce_sum3A_4231 = vector.multi_reduction <add>, %select_n3A_4229, %reduce_sum3A_4230 [1] : vector<256x128xi32> to vector<256xi32>
    %broadcast_in_dim3A_4232 = vector.shape_cast %reduce_sum3A_4231 : vector<256xi32> to vector<256x1xi32>
    %lt3A_4233 = vector.broadcast %broadcast_in_dim3A_4183 : vector<256x1xf32> to vector<256x64xf32>
    %lt3A_4234 = arith.cmpf olt, %concatenate3A_4224, %lt3A_4233 : vector<256x64xf32>
    %convert_element_type3A_4235 = arith.extui %lt3A_4234 : vector<256x64xi1> to vector<256x64xi32>
    %reduce_sum3A_4236 = arith.constant dense<0> : vector<256xi32>
    %reduce_sum3A_4237 = vector.multi_reduction <add>, %convert_element_type3A_4235, %reduce_sum3A_4236 [1] : vector<256x64xi32> to vector<256xi32>
    %broadcast_in_dim3A_4238 = vector.shape_cast %reduce_sum3A_4237 : vector<256xi32> to vector<256x1xi32>
    %sub3A_4239 = arith.subi %broadcast_in_dim3A_4232, %broadcast_in_dim3A_4238 : vector<256x1xi32>
    %add3A_4240 = arith.constant 1 : i32
    %add3A_4241 = vector.broadcast %add3A_4240 : i32 to vector<256x1xi32>
    %add3A_4242 = arith.addi %sub3A_4239, %add3A_4241 : vector<256x1xi32>
    %eq3A_4243 = vector.broadcast %broadcast_in_dim3A_4183 : vector<256x1xf32> to vector<256x64xf32>
    %eq3A_4244 = arith.cmpf oeq, %concatenate3A_4224, %eq3A_4243 : vector<256x64xf32>
    %convert_element_type3A_4245 = arith.extui %eq3A_4244 : vector<256x64xi1> to vector<256x64xi32>
    %broadcast_in_dim3A_4246 = arith.constant 0 : i32
    %broadcast_in_dim3A_4247 = vector.broadcast %broadcast_in_dim3A_4246 : i32 to vector<256x1xi32>
    %slice3A_4248 = vector.extract_strided_slice %convert_element_type3A_4245 {offsets = [0, 0], sizes = [256, 63], strides = [1, 1]} : vector<256x64xi32> to vector<256x63xi32>
    %concatenate3A_4249 = tpu.concatenate %broadcast_in_dim3A_4247, %slice3A_4248 in 1 : vector<256x1xi32>, vector<256x63xi32> -> vector<256x64xi32>
    %add3A_4250 = arith.addi %convert_element_type3A_4245, %concatenate3A_4249 : vector<256x64xi32>
    %broadcast_in_dim3A_4251 = arith.constant 0 : i32
    %broadcast_in_dim3A_4252 = vector.broadcast %broadcast_in_dim3A_4251 : i32 to vector<256x2xi32>
    %slice3A_4253 = vector.extract_strided_slice %add3A_4250 {offsets = [0, 0], sizes = [256, 62], strides = [1, 1]} : vector<256x64xi32> to vector<256x62xi32>
    %concatenate3A_4254 = tpu.concatenate %broadcast_in_dim3A_4252, %slice3A_4253 in 1 : vector<256x2xi32>, vector<256x62xi32> -> vector<256x64xi32>
    %add3A_4255 = arith.addi %add3A_4250, %concatenate3A_4254 : vector<256x64xi32>
    %broadcast_in_dim3A_4256 = arith.constant 0 : i32
    %broadcast_in_dim3A_4257 = vector.broadcast %broadcast_in_dim3A_4256 : i32 to vector<256x4xi32>
    %slice3A_4258 = vector.extract_strided_slice %add3A_4255 {offsets = [0, 0], sizes = [256, 60], strides = [1, 1]} : vector<256x64xi32> to vector<256x60xi32>
    %concatenate3A_4259 = tpu.concatenate %broadcast_in_dim3A_4257, %slice3A_4258 in 1 : vector<256x4xi32>, vector<256x60xi32> -> vector<256x64xi32>
    %add3A_4260 = arith.addi %add3A_4255, %concatenate3A_4259 : vector<256x64xi32>
    %broadcast_in_dim3A_4261 = arith.constant 0 : i32
    %broadcast_in_dim3A_4262 = vector.broadcast %broadcast_in_dim3A_4261 : i32 to vector<256x8xi32>
    %slice3A_4263 = vector.extract_strided_slice %add3A_4260 {offsets = [0, 0], sizes = [256, 56], strides = [1, 1]} : vector<256x64xi32> to vector<256x56xi32>
    %concatenate3A_4264 = tpu.concatenate %broadcast_in_dim3A_4262, %slice3A_4263 in 1 : vector<256x8xi32>, vector<256x56xi32> -> vector<256x64xi32>
    %add3A_4265 = arith.addi %add3A_4260, %concatenate3A_4264 : vector<256x64xi32>
    %broadcast_in_dim3A_4266 = arith.constant 0 : i32
    %broadcast_in_dim3A_4267 = vector.broadcast %broadcast_in_dim3A_4266 : i32 to vector<256x16xi32>
    %slice3A_4268 = vector.extract_strided_slice %add3A_4265 {offsets = [0, 0], sizes = [256, 48], strides = [1, 1]} : vector<256x64xi32> to vector<256x48xi32>
    %concatenate3A_4269 = tpu.concatenate %broadcast_in_dim3A_4267, %slice3A_4268 in 1 : vector<256x16xi32>, vector<256x48xi32> -> vector<256x64xi32>
    %add3A_4270 = arith.addi %add3A_4265, %concatenate3A_4269 : vector<256x64xi32>
    %broadcast_in_dim3A_4271 = arith.constant 0 : i32
    %broadcast_in_dim3A_4272 = vector.broadcast %broadcast_in_dim3A_4271 : i32 to vector<256x32xi32>
    %slice3A_4273 = vector.extract_strided_slice %add3A_4270 {offsets = [0, 0], sizes = [256, 32], strides = [1, 1]} : vector<256x64xi32> to vector<256x32xi32>
    %concatenate3A_4274 = tpu.concatenate %broadcast_in_dim3A_4272, %slice3A_4273 in 1 : vector<256x32xi32>, vector<256x32xi32> -> vector<256x64xi32>
    %add3A_4275 = arith.addi %add3A_4270, %concatenate3A_4274 : vector<256x64xi32>
    %eq3A_4276 = vector.broadcast %add3A_4242 : vector<256x1xi32> to vector<256x64xi32>
    %eq3A_4277 = arith.cmpi eq, %add3A_4275, %eq3A_4276 : vector<256x64xi32>
    %and3A_4278 = arith.andi %eq3A_4244, %eq3A_4277 : vector<256x64xi1>
    %jit3A_4279 = arith.constant 64 : i32
    %broadcast_in_dim3A_4280 = vector.broadcast %jit3A_4279 : i32 to vector<256x64xi32>
    %select_n3A_4281 = arith.select %and3A_4278, %iota3A_2671, %broadcast_in_dim3A_4280 : vector<256x64xi1>, vector<256x64xi32>
    %reduce_min3A_4282 = arith.constant dense<2147483647> : vector<256xi32>
    %reduce_min3A_4283 = vector.multi_reduction <minsi>, %select_n3A_4281, %reduce_min3A_4282 [1] : vector<256x64xi32> to vector<256xi32>
    %broadcast_in_dim3A_4284 = vector.shape_cast %reduce_min3A_4283 : vector<256xi32> to vector<256x1xi32>
    %mul3A_4285 = arith.constant 128 : i32
    %mul3A_4286 = vector.broadcast %mul3A_4285 : i32 to vector<256x1xi32>
    %mul3A_4287 = arith.muli %broadcast_in_dim3A_4284, %mul3A_4286 : vector<256x1xi32>
    %add3A_4288 = arith.addi %mul3A_4287, %broadcast_in_dim3A_4191 : vector<256x1xi32>
    %concatenate3A_4289 = tpu.concatenate %add3A_2793, %add3A_2928, %add3A_3064, %add3A_3200, %add3A_3336, %add3A_3472, %add3A_3608, %add3A_3744, %add3A_3880, %add3A_4016, %add3A_4152, %add3A_4288 in 1 : vector<256x1xi32>, vector<256x1xi32>, vector<256x1xi32>, vector<256x1xi32>, vector<256x1xi32>, vector<256x1xi32>, vector<256x1xi32>, vector<256x1xi32>, vector<256x1xi32>, vector<256x1xi32>, vector<256x1xi32>, vector<256x1xi32> -> vector<256x12xi32>
    %iota3A_4290 = tpu.iota {dimensions = array<i32: 0>} : vector<256x12xi32>
    %jit3A_4291 = arith.constant 4 : i32
    %eq3A_4292 = arith.constant 0 : i32
    %eq3A_4293 = arith.cmpi eq, %jit3A_4291, %eq3A_4292 : i32
    %jit3A_4294 = arith.constant 1 : i32
    %select_n3A_4295 = arith.select %eq3A_4293, %jit3A_4294, %jit3A_4291 : i32
    %rem3A = vector.broadcast %select_n3A_4295 : i32 to vector<256x12xi32>
    %rem3A_4296 = arith.remsi %iota3A_4290, %rem3A : vector<256x12xi32>
    %ne3A = arith.constant 0 : i32
    %ne3A_4297 = vector.broadcast %ne3A : i32 to vector<256x12xi32>
    %ne3A_4298 = arith.cmpi ne, %rem3A_4296, %ne3A_4297 : vector<256x12xi32>
    %lt3A_4299 = arith.constant 0 : i32
    %lt3A_4300 = vector.broadcast %lt3A_4299 : i32 to vector<256x12xi32>
    %lt3A_4301 = arith.cmpi slt, %rem3A_4296, %lt3A_4300 : vector<256x12xi32>
    %lt3A_4302 = arith.constant 0 : i32
    %lt3A_4303 = arith.cmpi slt, %select_n3A_4295, %lt3A_4302 : i32
    %ne3A_4304 = vector.broadcast %lt3A_4303 : i1 to vector<256x12xi1>
    %ne3A_4305 = vector.broadcast %ne3A_4304 : vector<256x12xi1> to vector<256x12xi1>
    %ne3A_4306 = arith.xori %lt3A_4301, %ne3A_4305 : vector<256x12xi1>
    %and3A_4307 = arith.andi %ne3A_4306, %ne3A_4298 : vector<256x12xi1>
    %add3A_4308 = vector.broadcast %select_n3A_4295 : i32 to vector<256x12xi32>
    %add3A_4309 = arith.addi %rem3A_4296, %add3A_4308 : vector<256x12xi32>
    %select_n3A_4310 = arith.select %and3A_4307, %add3A_4309, %rem3A_4296 : vector<256x12xi1>, vector<256x12xi32>
    %mul3A_4311 = arith.constant 8192 : i32
    %mul3A_4312 = vector.broadcast %mul3A_4311 : i32 to vector<256x12xi32>
    %mul3A_4313 = arith.muli %select_n3A_4310, %mul3A_4312 : vector<256x12xi32>
    %add3A_4314 = arith.addi %concatenate3A_4289, %mul3A_4313 : vector<256x12xi32>
    %swap3A_4315 = arith.constant 0 : index
    %swap3A_4316 = arith.constant 0 : index
    %swap3A_4317 = vector.load %arg2[%swap3A_4315, %swap3A_4316] : memref<256x12xi32, #tpu.memory_space<vmem>>, vector<256x12xi32>
    tpu.vector_store %arg2[%swap3A_4315, %swap3A_4316], %add3A_4314 {strides = array<i32>} : memref<256x12xi32, #tpu.memory_space<vmem>>, vector<256x12xi32>,
    return
  }
}

</mosaic_0001>

<sc_bundles>
// kernel: kernel.5.cloned.1.call-start
scs
__scs_entry_jumppad:
0x0: {  	(pc) =	sbr.rel $0x88, $3  }
0x1: {  	(tag) =	ssettag $0x0;
	lr =	simm.s32 $0x1  }
0x2: {  	[smem:$0x3F95] =	sst lr;
	_ =	strace $0xD0000000  }
0x3: {  	_ = 	snop  }
0x4: {  	_ = 	snop  }
0x5: {  	_ = 	snop  }
0x6: {  	_ = 	snop  }
0x7: {  	_ = 	snop  }
__scs_overlays_trampoline_lowered:
0x8: {  	[smem:$0x3FA4] =	sst s0  }
0x9: {  	[smem:$0x3FA5] =	sst s1  }
0xa: {  	[smem:$0x3FA6] =	sst s2  }
0xb: {  	[smem:$0x3FA7] =	sst s3  }
0xc: {  	[smem:$0x3FA8] =	sst s4  }
0xd: {  	[smem:$0x3FA9] =	sst s5  }
0xe: {  	[smem:$0x3FAA] =	sst s6  }
0xf: {  	[smem:$0x3FAB] =	sst s7  }
0x10: {  	[smem:$0x3FAC] =	sst s8  }
0x11: {  	[smem:$0x3FAD] =	sst s9;
	s0 =	simm.s32 @!p0 $0x0  }
0x12: {  	s1 =	sld [smem:$0x3F93];
	s0 =	simm.s32 @p0 $0x1  }
0x13: {  	[smem:$0x3FAE] =	sst s0;
	s0 =	simm.s32 @!p1 $0x0  }
0x14: {  	s2 =	sld [smem:$0x3F92];
	s0 =	simm.s32 @p1 $0x1  }
0x15: {  	[smem:$0x3FAF] =	sst s0;
	s0 =	simm.s32 @!p2 $0x0  }
0x16: {  	s3 =	sld [smem:$0x3FDB];
	s0 =	simm.s32 @p2 $0x1  }
0x17: {  	s4 =	simm.s32 $0x1BF5;
	[smem:$0x3FB1] =	sst s0  }
0x18: {  	s0 =	sld [smem:$0x3F94];
	_ =	swait.ge [sflag:s4], $0x0  }
0x19: {  	s7 =	sld [smem:$0x3F95]  }
0x1a: {  	s8 =	sadd.s32 $0xFFFFE003, lr  }
0x1b: {  	s9 =	sadd.s32 $0xFFFFFEF7, lr;
	s5 =	simm.s32 $0xFFFFFFFF;
	p2 =	slt.u32 s8, $0xFFFFF086  }
0x1c: {  	p1 =	slt.u32 s9, $0xF7A;
	s5 =	simm.s32 @!p2 $0x0  }
0x1d: {  	s5 =	simm.s32 @p1 $0x1;
	p0 =	seq.s32 s7, s2  }
0x1e: {  	s7 =	smul.u32 @!p0 $0xF7A, s2;
	p2 =	seq.s32 @!p0 s5, $0x0  }
0x1f: {  	s9 =	smul.u32 $0xF7A, s1;
	s8 =	simm.s32 @!p0 $0x1BF5;
	p2 =	por !p2, p0  }
0x20: {  	[sflag:s8] =	ssyncset.s32 @!p0 $0xFFFFF086;
	s6 =	sadd.s32 @!p0 s3, s7;
	s7 =	simm.s32 @!p0 $0x108  }
0x21: {  	s3 =	sadd.s32 s3, s9;
	s6 =	sadd.s32 @!p0 $0x88, s6;
	s7 =	simm.s32 @p2 $0x1082  }
0x22: {  	[simem:s7], [sflag:s8] =	dma.local @!p0 [hbm:s6], $0xF7A  }
0x23: {  	s9 =	sor.u32 $0xD0000000, s2;
	s6 =	simm.s32 $0x108;
	_ =	swait.ge @!p0 [sflag:s8], $0x0  }
0x24: {  	s3 =	sadd.s32 $0x88, s3;
	s6 =	simm.s32 @!p1 $0x1082;
	[sflag:s4] =	ssyncset.s32 $0xFFFFF086  }
0x25: {  	[simem:s6], [sflag:s4] =	dma.local [hbm:s3], $0xF7A  }
0x26: {  	[smem:$0x3F95] =	sst s1;
	(tag) =	ssettag s2;
	_ =	strace s9  }
0x27: {  	s1 =	sld [smem:$0x3FA5]  }
0x28: {  	s2 =	sld [smem:$0x3FA6]  }
0x29: {  	s4 =	sld [smem:$0x3FA8]  }
0x2a: {  	p0 =	seq.s32 s5, $0x0;
	s5 =	sld [smem:$0x3FA9]  }
0x2b: {  	s6 =	sld [smem:$0x3FAA]  }
0x2c: {  	s7 =	sld [smem:$0x3FAB]  }
0x2d: {  	s3 =	simm.s32 $0x108;
	s8 =	sld [smem:$0x3FAC]  }
0x2e: {  	s3 =	simm.s32 @!p0 $0x1082;
	s9 =	sld [smem:$0x3FAD]  }
0x2f: {  	lr =	sadd.s32 s0, s3;
	s0 =	sld [smem:$0x3FA4]  }
0x30: {  	s3 =	sld [smem:$0x3FA7]  }
0x31: {  	[smem:$0x3FB0] =	sst s10  }
0x32: {  	s10 =	sld [smem:$0x3FAE];
	_ =	sdelay $0x3  }
0x33: {  	p0 =	seq.s32 s10, $0x1;
	s10 =	sld [smem:$0x3FB0];
	_ =	sdelay $0x3  }
0x34: {  	[smem:$0x3FB0] =	sst s10  }
0x35: {  	s10 =	sld [smem:$0x3FAF];
	_ =	sdelay $0x3  }
0x36: {  	p1 =	seq.s32 s10, $0x1;
	s10 =	sld [smem:$0x3FB0];
	_ =	sdelay $0x3  }
0x37: {  	[smem:$0x3FB0] =	sst s10  }
0x38: {  	s10 =	sld [smem:$0x3FB1]  }
0x39: {  	_ = 	snop;
	(pc) =	sbr.ind lr, $3  }
0x3a: {  	_ = 	snop  }
0x3b: {  	_ = 	snop  }
0x3c: {  	p2 =	seq.s32 s10, $0x1;
	s10 =	sld [smem:$0x3FB0]  }
0x3d: {  	_ =	shalt  }
0x3e: {  	_ =	shalt  }
0x3f: {  	_ =	shalt  }
0x40: {  	_ =	shalt  }
0x41: {  	_ =	shalt  }
0x42: {  	_ =	shalt  }
0x43: {  	_ =	shalt  }
0x44: {  	_ =	shalt  }
0x45: {  	_ =	shalt  }
0x46: {  	_ =	shalt  }
0x47: {  	_ =	shalt  }
0x48: {  	_ =	shalt  }
0x49: {  	_ =	shalt  }
0x4a: {  	_ =	shalt  }
0x4b: {  	_ =	shalt  }
0x4c: {  	_ =	shalt  }
0x4d: {  	_ =	shalt  }
0x4e: {  	_ =	shalt  }
0x4f: {  	_ =	shalt  }
0x50: {  	_ =	shalt  }
0x51: {  	_ =	shalt  }
0x52: {  	_ =	shalt  }
0x53: {  	_ =	shalt  }
0x54: {  	_ =	shalt  }
0x55: {  	_ =	shalt  }
0x56: {  	_ =	shalt  }
0x57: {  	_ =	shalt  }
0x58: {  	_ =	shalt  }
0x59: {  	_ =	shalt  }
0x5a: {  	_ =	shalt  }
0x5b: {  	_ =	shalt  }
0x5c: {  	_ =	shalt  }
0x5d: {  	_ =	shalt  }
0x5e: {  	_ =	shalt  }
0x5f: {  	_ =	shalt  }
0x60: {  	_ =	shalt  }
0x61: {  	_ =	shalt  }
0x62: {  	_ =	shalt  }
0x63: {  	_ =	shalt  }
0x64: {  	_ =	shalt  }
0x65: {  	_ =	shalt  }
0x66: {  	_ =	shalt  }
0x67: {  	_ =	shalt  }
0x68: {  	_ =	shalt  }
0x69: {  	_ =	shalt  }
0x6a: {  	_ =	shalt  }
0x6b: {  	_ =	shalt  }
0x6c: {  	_ =	shalt  }
0x6d: {  	_ =	shalt  }
0x6e: {  	_ =	shalt  }
0x6f: {  	_ =	shalt  }
0x70: {  	_ =	shalt  }
0x71: {  	_ =	shalt  }
0x72: {  	_ =	shalt  }
0x73: {  	_ =	shalt  }
0x74: {  	_ =	shalt  }
0x75: {  	_ =	shalt  }
0x76: {  	_ =	shalt  }
0x77: {  	_ =	shalt  }
0x78: {  	_ =	shalt  }
0x79: {  	_ =	shalt  }
0x7a: {  	_ =	shalt  }
0x7b: {  	_ =	shalt  }
0x7c: {  	_ =	shalt  }
0x7d: {  	_ =	shalt  }
0x7e: {  	_ =	shalt  }
0x7f: {  	_ =	shalt  }
0x80: {  	_ =	shalt  }
0x81: {  	_ =	shalt  }
0x82: {  	_ =	shalt  }
0x83: {  	_ =	shalt  }
0x84: {  	_ =	shalt  }
0x85: {  	_ =	shalt  }
0x86: {  	_ =	shalt  }
0x87: {  	_ =	shalt  }
.Lfunc_end0:
.L_simem_size_0:
called_computation_lowered:
.L_overlay_start_0:
0x88: {  	s2 =	sld [smem:$0x3FD9]  }
0x89: {  	s3 =	sld [smem:$0x3FFE];
	_ =	sdelay $0x1  }
0x8a: {  	s1 =	srdreg.scid  }
0x8b: {  	s0 =	sand.u32 $0x1, s1  }
0x8c: {  	s14 =	sshll.u32 s0, $0xA;
	s2 =	sadd.s32 s3, s2  }
0x8d: {  	s2 =	sadd.s32 s2, s14  }
0x8e: {  	[smem:$0x3FBC] =	sst s2  }
0x8f: {  	_ = 	snop  }
0x90: {  	s2 =	sld [smem:$0x3FD0];
	_ =	sdelay $0x1  }
0x91: {  	s15 =	sld [smem:$0x3FC9]  }
0x92: {  	s5 =	simm.s32 $0xA;
	s6 =	simm.s32 $0x10;
	s4 =	sld [smem:$0x3FC7]  }
0x93: {  	[smem:s6], [sflag:s5] =	dma.local [hbm:s2], $0x1  }
0x94: {  	_ =	swait.eq [sflag:s5], $0x1  }
0x95: {  	[sflag:s5] =	ssyncset.done $0x0  }
0x96: {  	s16 =	sld [smem:$0x10];
	[sflag:s5] =	ssyncadd.s32 $0xFFFFFFFF  }
0x97: {  	s17 =	sld [smem:$0x11];
	(tm) =	ssettm $0x1  }
0x98: {  	s18 =	sld [smem:$0x3FFB];
	_ =	sdelay $0x3  }
0x99: {  	_ =	strace s18  }
0x9a: {  	s6 =	sld [smem:$0x3FFC];
	_ =	sdelay $0x3  }
0x9b: {  	_ =	strace s6  }
0x9c: {  	s6 =	sld [smem:$0x3FFD];
	_ =	sdelay $0x3  }
0x9d: {  	_ =	strace s6  }
0x9e: {  	_ =	strace $0x8FFFFFFF  }
0x9f: {  	s19 =	sld [smem:$0x3FDB];
	_ =	sdelay $0x1  }
0xa0: {  	s7 =	simm.s32 $_scs_section_size  }
0xa1: {  	s8 =	simm.s32 $_size__tile_overlayer_lowered;
	s9 =	simm.s32 $_tile_overlayer_lowered  }
0xa2: {  	s22 =	simm.s32 $0x1BFF;
	s21 =	sshll.u32 s9, $0x1;
	s6 =	sadd.s32 s7, s19  }
0xa3: {  	s10 =	simm.s32 $0x0;
	s20 =	sshll.u32 s8, $0x1;
	s8 =	sadd.s32 s21, s6  }
0xa4: {  	[timem:s10], [sflag:s22] =	dma.local [hbm:s8], s20  }
0xa5: {  	_ =	swait.ge [sflag:s22], s20  }
0xa6: {  	s7 =	ssub.s32 $0x0, s20;
	[sflag:s22] =	ssyncset.done $0x0  }
0xa7: {  	[sflag:s22] =	ssyncadd.s32 s7;
	_ =	sdelay $0x1  }
0xa8: {  	s23 =	simm.s32 $0x1B8B  }
0xa9: {  	_ =	swait.ge [sflag:s23], $0x1  }
0xaa: {  	[sflag:s23] =	ssyncset.done $0x0  }
0xab: {  	s25 =	simm.s32 $0x1B8E;
	s24 =	sld [smem:$0x3FFE];
	[sflag:s23] =	ssyncadd.s32 $0xFFFFFFFF  }
0xac: {  	s26 =	simm.s32 $execute0_lowered;
	[smem:$0x3FD2] =	sst s25  }
0xad: {  	s8 =	sshll.u32 s26, $0x1;
	_ =	strace $0x80000046;
	[dreg:$0x1] =	wrdreg $0xFFFFFFFF  }
0xae: {  	s28 =	simm.s32 $_size_execute0_lowered;
	s6 =	sadd.s32 s6, s8;
	[dreg:$0x0] =	wrdreg $0x0  }
0xaf: {  	s8 =	sshll.u32 s28, $0x1;
	[dreg:$0x2] =	wrdreg s6  }
0xb0: {  	[dreg:$0x3] =	wrdreg s8  }
0xb1: {  	[dreg:$0x4] =	wrdreg $0xC0  }
0xb2: {  	_ =	task [dreg:s10], $0x5FFFF  }
0xb3: {  	[dreg:$0x1] =	wrdreg $0xFFFFFFFF  }
0xb4: {  	[dreg:$0x0] =	wrdreg $0x60  }
0xb5: {  	[dreg:$0x2] =	wrdreg s15  }
0xb6: {  	[dreg:$0x3] =	wrdreg s17  }
0xb7: {  	[dreg:$0x4] =	wrdreg s4  }
0xb8: {  	[dreg:$0x5] =	wrdreg s16  }
0xb9: {  	[dreg:$0x6] =	wrdreg s24  }
0xba: {  	[dreg:$0x7] =	wrdreg $0x9  }
0xbb: {  	_ =	task.clear_ibuf [dreg:s10], $0x8FFFF;
	_ =	strace $0x90000046  }
0xbc: {  	s29 =	simm.s32 $0x9;
	_ =	strace $0x80000048  }
0xbd: {  	_ =	swait.ge [sflag:s29], $0x1  }
0xbe: {  	[sflag:s29] =	ssyncadd.s32 $0xFFFFFFFF  }
0xbf: {  	_ =	strace $0x90000048  }
0xc0: {  	_ =	sfence  }
0xc1: {  	s30 =	sld [smem:$0x0];
	_ =	sdelay $0x2  }
0xc2: {  	s31 =	sshll.u32 s1, $0xD;
	s1 =	sshrl.u32 s1, $0x2  }
0xc3: {  	s3 =	sand.u32 $0x4000, s31;
	s1 =	sadd.s32 s1, s30  }
0xc4: {  	s0 =	sor.u32 s3, s0;
	s1 =	sshll.u32 s1, $0x11  }
0xc5: {  	s0 =	sor.u32 s1, s0  }
0xc6: {  	s0 =	sadd.s32 $0x8F2B, s0  }
0xc7: {  	[sflag:s0] =	ssyncadd.remote.s32 $0x1  }
0xc8: {  	_ =	sfence.sel $0xFFFF  }
0xc9: {  	[dreg:$0x0] =	wrdreg $0xFFFFFFFF;
	(pc) =	sbr.abs _section_cstart, $3  }
0xca: {  	[dreg:$0x1] =	wrdreg $0xFFFFFFFF  }
0xcb: {  	_ =	task.clear_ibuf [dreg:s10], $0x2FFFF;
	_ =	strace $0x9FFFFFFF  }
0xcc: {  	(tm) =	ssettm $0x7FFFFFFF  }
0xcd: {  	_ =	shalt  }
tec
execute0_lowered:
.L_overlay_start_1:
0x0: {  	(tag) =	ssettag $0x1  }
0x1: {  	s1 =	rddreg [dreg:$0x0]  }
0x2: {  	s3 =	rddreg [dreg:$0x1]  }
0x3: {  	s2 =	rddreg [dreg:$0x2]  }
0x4: {  	s4 =	srdreg.scid;
	s5 =	rddreg [dreg:$0x3]  }
0x5: {  	s7 =	rddreg [dreg:$0x4];
	s6 =	sand.u32 $0x1, s4;
	s4 =	simm.s32 $0x0  }
0x6: {  	s0 =	stileid.u32;
	s14 =	simm.s32 $0x3080;
	[smem:$0x7FF] =	sst s4  }
0x7: {  	s16 =	simm.s32 $0x880;
	_ =	strace $0x80000047;
	[dreg:$0xa] =	wrdreg s14  }
0x8: {  	s17 =	simm.s32 $0x1080;
	s19 =	simm.s32 $0x1880;
	[dreg:$0xb] =	wrdreg s16  }
0x9: {  	s20 =	simm.s32 $0x2080;
	s21 =	simm.s32 $0x2880;
	[dreg:$0xc] =	wrdreg s17  }
0xa: {  	s22 =	simm.s32 $0x3900;
	s23 =	simm.s32 $0x4100;
	[dreg:$0xd] =	wrdreg s19  }
0xb: {  	s24 =	simm.s32 $0x4900;
	s25 =	simm.s32 $0x5100;
	[dreg:$0xe] =	wrdreg s20  }
0xc: {  	s26 =	simm.s32 $0x5900;
	s28 =	simm.s32 $0xD900;
	[dreg:$0xf] =	wrdreg s21  }
0xd: {  	s29 =	simm.s32 $0xE100;
	s8 =	sshll.u32 s0, $0x1;
	[dreg:$0x10] =	wrdreg s22  }
0xe: {  	s30 =	simm.s32 $0xE900;
	s8 =	sor.u32 s6, s8;
	[dreg:$0x11] =	wrdreg s23  }
0xf: {  	s31 =	simm.s32 $0x1;
	s9 =	smul.u32 $0x6, s8;
	[dreg:$0x12] =	wrdreg s24  }
0x10: {  	s15 =	ssub.s32 $0x2, s6;
	s10 =	smul.u32 $0x600, s8;
	[dreg:$0x13] =	wrdreg s25  }
0x11: {  	s8 =	smul.u32 $0x1800, s8;
	s6 =	sshrl.u32 s15, $0x1;
	[dreg:$0x14] =	wrdreg s26  }
0x12: {  	s14 =	simm.s32 $0x7100;
	s16 =	simm.s32 $0x8100;
	s17 =	simm.s32 $0x8900  }
0x13: {  	s19 =	simm.s32 $0x9900;
	s20 =	simm.s32 $0xA100;
	s21 =	simm.s32 $0xA900  }
0x14: {  	s22 =	simm.s32 $0xB100;
	s23 =	simm.s32 $0xB900;
	s24 =	simm.s32 $0xC100  }
0x15: {  	s25 =	simm.s32 $0xC900;
	s26 =	simm.s32 $0xD100;
	s18 =	ssub.s32 s15, s6  }
0x16: {  	s6 =	sadd.s32 $0x200, s2;
	s15 =	simm.s32 $0x7900;
	s3 =	sadd.s32 s3, s9  }
0x17: {  	s10 =	sadd.s32 s10, s7;
	s9 =	sadd.s32 s5, s9;
	s11 =	sadd.s32 s8, s7  }
0x18: {  	s5 =	sadd.s32 $0x100, s2;
	s7 =	sadd.s32 $0x300, s2;
	[dreg:$0x6] =	wrdreg s3  }
0x19: {  	s8 =	smax.u32 s18, $0x1;
	s18 =	simm.s32 $0x9100;
	[dreg:$0x7] =	wrdreg s9  }
0x1a: {  	v2 =	vlaneseq.u32;
	s12 =	sadd.s32 $0x32200, s10;
	s13 =	sadd.s32 $0x2200, s11;
	s9 =	simm.s32 $0x3  }
0x1b: {  	vm0 =	vmmov $0xffff;
	v1 =	vshrl.u32 v2, $0x3;
	s10 =	simm.s32 $0x80;
	s11 =	simm.s32 $0x3100;
	[dreg:$0x8] =	wrdreg s12  }
0x1c: {  	v0 =	vand.u32 $0x7, v2;
	v2 =	vor.u32 $0x8, v2;
	v1 =	vmul.u32 $0x8, v1;
	s3 =	simm.s32 $0x2;
	[dreg:$0x9] =	wrdreg s13;
	s13 =	simm.s32 $0x6900  }
.LBB2_1:
0x1d: {  	s0 =	rddreg [dreg:$0x6]  }
0x1e: {  	[tilespmem:s4], [sflag:$0x3] =	stream.linear.gather [hbm4b:s0+s4], $0x30, $0x38;
	[tilespmem:$0xF100] =	vst v63  }
0x1f: {  	_ =	swait.ge [sflag:s9], $0x30  }
0x20: {  	s0 =	rddreg [dreg:$0x7];
	[sflag:s9] =	ssyncset.done $0x0  }
0x21: {  	s12 =	rddreg [dreg:$0xa];
	[sflag:s9] =	ssyncadd.s32 $0xFFFFFFD0  }
0x22: {  	[tilespmem:s12], [sflag:$0x3] =	stream.linear.gather [hbm4b:s0+s4], $0x30, $0x38;
	[tilespmem:$0xF100] =	vst v63  }
0x23: {  	_ =	swait.ge [sflag:s9], $0x30  }
0x24: {  	[sflag:s9] =	ssyncset.done $0x0  }
0x25: {  	[sflag:s9] =	ssyncadd.s32 $0xFFFFFFD0  }
0x26: {  	v3 =	vld [tilespmem:$0x0];
	_ =	sdelay $0x4  }
0x27: {  	v4 =	vshll.u32 v3, $0x1  }
0x28: {  	v3 =	vand.u32 $0x7, v3;
	v4 =	vand.u32 $0xFFFFFFF0, v4  }
0x29: {  	v3 =	vor.u32 v3, v4  }
0x2a: {  	v4 =	vperm.xlane v3, v0;
	_ =	sdelay $0x1  }
0x2b: {  	v3 =	vperm.xlane v3, v2;
	v4 =	vadd.s32 v1, v4;
	_ =	sdelay $0x1  }
0x2c: {  	v3 =	vadd.s32 v1, v3;
	_ =	sdelay $0x2  }
0x2d: {  	[tilespmem:s10], [sflag:$0x1] =	stream.indirect_vreg.gather [hbm4b:s1+s4], $0x80, v4, vm0, $0xb8;
	[tilespmem:$0xF100] =	vst v63  }
0x2e: {  	s12 =	rddreg [dreg:$0xb]  }
0x2f: {  	[tilespmem:s12], [sflag:$0x1] =	stream.indirect_vreg.gather [hbm4b:s1+s4], $0x80, v3, vm0, $0xb8;
	[tilespmem:$0xF100] =	vst v63  }
0x30: {  	v3 =	vld [tilespmem:$0x10];
	_ =	sdelay $0x4  }
0x31: {  	v59 =	vshll.u32 v3, $0x1  }
0x32: {  	v3 =	vand.u32 $0x7, v3;
	v4 =	vand.u32 $0xFFFFFFF0, v59  }
0x33: {  	v3 =	vor.u32 v3, v4  }
0x34: {  	v4 =	vperm.xlane v3, v0;
	_ =	sdelay $0x1  }
0x35: {  	v3 =	vperm.xlane v3, v2;
	v4 =	vadd.s32 v1, v4;
	_ =	sdelay $0x1  }
0x36: {  	v3 =	vadd.s32 v1, v3;
	_ =	sdelay $0x1  }
0x37: {  	s0 =	rddreg [dreg:$0xc]  }
0x38: {  	[tilespmem:s0], [sflag:$0x1] =	stream.indirect_vreg.gather [hbm4b:s1+s4], $0x80, v4, vm0, $0xb8;
	[tilespmem:$0xF100] =	vst v63  }
0x39: {  	s12 =	rddreg [dreg:$0xd]  }
0x3a: {  	[tilespmem:s12], [sflag:$0x1] =	stream.indirect_vreg.gather [hbm4b:s1+s4], $0x80, v3, vm0, $0xb8;
	[tilespmem:$0xF100] =	vst v63  }
0x3b: {  	v3 =	vld [tilespmem:$0x20];
	_ =	sdelay $0x4  }
0x3c: {  	v60 =	vshll.u32 v3, $0x1  }
0x3d: {  	v3 =	vand.u32 $0x7, v3;
	v4 =	vand.u32 $0xFFFFFFF0, v60  }
0x3e: {  	v3 =	vor.u32 v3, v4  }
0x3f: {  	v4 =	vperm.xlane v3, v0;
	_ =	sdelay $0x1  }
0x40: {  	v3 =	vperm.xlane v3, v2;
	v4 =	vadd.s32 v1, v4;
	_ =	sdelay $0x1  }
0x41: {  	v3 =	vadd.s32 v1, v3;
	_ =	sdelay $0x1  }
0x42: {  	s0 =	rddreg [dreg:$0xe]  }
0x43: {  	[tilespmem:s0], [sflag:$0x1] =	stream.indirect_vreg.gather [hbm4b:s1+s4], $0x80, v4, vm0, $0xb8;
	[tilespmem:$0xF100] =	vst v63  }
0x44: {  	s12 =	rddreg [dreg:$0xf]  }
0x45: {  	[tilespmem:s12], [sflag:$0x1] =	stream.indirect_vreg.gather [hbm4b:s1+s4], $0x80, v3, vm0, $0xb8;
	[tilespmem:$0xF100] =	vst v63  }
0x46: {  	v3 =	vld [tilespmem:$0x3080];
	_ =	sdelay $0x4  }
0x47: {  	v61 =	vshll.u32 v3, $0x3  }
0x48: {  	v3 =	vand.u32 $0x7, v3;
	v4 =	vand.u32 $0xFFFFFFC0, v61  }
0x49: {  	v3 =	vor.u32 v3, v4  }
0x4a: {  	v4 =	vperm.xlane v3, v0;
	_ =	sdelay $0x1  }
0x4b: {  	v4 =	vadd.s32 v1, v4;
	_ =	sdelay $0x4  }
0x4c: {  	[tilespmem:s11], [sflag:$0x2] =	stream.indirect_vreg.gather [hbm4b:s2+s4], $0x80, v4, vm0, $0xb8;
	[tilespmem:$0xF100] =	vst v63  }
0x4d: {  	s0 =	rddreg [dreg:$0x10];
	v3 =	vperm.xlane v3, v2  }
0x4e: {  	[tilespmem:s0], [sflag:$0x2] =	stream.indirect_vreg.gather [hbm4b:s5+s4], $0x80, v4, vm0, $0xb8;
	[tilespmem:$0xF100] =	vst v63  }
0x4f: {  	s12 =	rddreg [dreg:$0x11];
	v3 =	vadd.s32 v1, v3  }
0x50: {  	[tilespmem:s12], [sflag:$0x2] =	stream.indirect_vreg.gather [hbm4b:s6+s4], $0x80, v4, vm0, $0xb8;
	[tilespmem:$0xF100] =	vst v63  }
0x51: {  	s0 =	rddreg [dreg:$0x12]  }
0x52: {  	[tilespmem:s0], [sflag:$0x2] =	stream.indirect_vreg.gather [hbm4b:s7+s4], $0x80, v4, vm0, $0xb8;
	[tilespmem:$0xF100] =	vst v63  }
0x53: {  	s12 =	rddreg [dreg:$0x13]  }
0x54: {  	[tilespmem:s12], [sflag:$0x2] =	stream.indirect_vreg.gather [hbm4b:s2+s4], $0x80, v3, vm0, $0xb8;
	[tilespmem:$0xF100] =	vst v63  }
0x55: {  	s0 =	rddreg [dreg:$0x14]  }
0x56: {  	[tilespmem:s0], [sflag:$0x2] =	stream.indirect_vreg.gather [hbm4b:s5+s4], $0x80, v3, vm0, $0xb8;
	[tilespmem:$0xF100] =	vst v63  }
0x57: {  	s12 =	simm.s32 $0x6100  }
0x58: {  	[tilespmem:s12], [sflag:$0x2] =	stream.indirect_vreg.gather [hbm4b:s6+s4], $0x80, v3, vm0, $0xb8;
	[tilespmem:$0xF100] =	vst v63  }
0x59: {  	_ = 	snop  }
0x5a: {  	[tilespmem:s13], [sflag:$0x2] =	stream.indirect_vreg.gather [hbm4b:s7+s4], $0x80, v3, vm0, $0xb8;
	[tilespmem:$0xF100] =	vst v63  }
0x5b: {  	v3 =	vld [tilespmem:$0x3090];
	_ =	sdelay $0x4  }
0x5c: {  	v62 =	vshll.u32 v3, $0x3  }
0x5d: {  	v3 =	vand.u32 $0x7, v3;
	v4 =	vand.u32 $0xFFFFFFC0, v62  }
0x5e: {  	v3 =	vor.u32 v3, v4  }
0x5f: {  	v4 =	vperm.xlane v3, v0;
	_ =	sdelay $0x1  }
0x60: {  	v4 =	vadd.s32 v1, v4;
	_ =	sdelay $0x4  }
0x61: {  	[tilespmem:s14], [sflag:$0x2] =	stream.indirect_vreg.gather [hbm4b:s2+s4], $0x80, v4, vm0, $0xb8;
	[tilespmem:$0xF100] =	vst v63  }
0x62: {  	v3 =	vperm.xlane v3, v2  }
0x63: {  	[tilespmem:s15], [sflag:$0x2] =	stream.indirect_vreg.gather [hbm4b:s5+s4], $0x80, v4, vm0, $0xb8;
	[tilespmem:$0xF100] =	vst v63  }
0x64: {  	v3 =	vadd.s32 v1, v3  }
0x65: {  	[tilespmem:s16], [sflag:$0x2] =	stream.indirect_vreg.gather [hbm4b:s6+s4], $0x80, v4, vm0, $0xb8;
	[tilespmem:$0xF100] =	vst v63  }
0x66: {  	_ = 	snop  }
0x67: {  	[tilespmem:s17], [sflag:$0x2] =	stream.indirect_vreg.gather [hbm4b:s7+s4], $0x80, v4, vm0, $0xb8;
	[tilespmem:$0xF100] =	vst v63  }
0x68: {  	_ = 	snop  }
0x69: {  	[tilespmem:s18], [sflag:$0x2] =	stream.indirect_vreg.gather [hbm4b:s2+s4], $0x80, v3, vm0, $0xb8;
	[tilespmem:$0xF100] =	vst v63  }
0x6a: {  	_ = 	snop  }
0x6b: {  	[tilespmem:s19], [sflag:$0x2] =	stream.indirect_vreg.gather [hbm4b:s5+s4], $0x80, v3, vm0, $0xb8;
	[tilespmem:$0xF100] =	vst v63  }
0x6c: {  	_ = 	snop  }
0x6d: {  	[tilespmem:s20], [sflag:$0x2] =	stream.indirect_vreg.gather [hbm4b:s6+s4], $0x80, v3, vm0, $0xb8;
	[tilespmem:$0xF100] =	vst v63  }
0x6e: {  	_ = 	snop  }
0x6f: {  	[tilespmem:s21], [sflag:$0x2] =	stream.indirect_vreg.gather [hbm4b:s7+s4], $0x80, v3, vm0, $0xb8;
	[tilespmem:$0xF100] =	vst v63  }
0x70: {  	v3 =	vld [tilespmem:$0x30A0];
	_ =	sdelay $0x4  }
0x71: {  	v63 =	vshll.u32 v3, $0x3  }
0x72: {  	v3 =	vand.u32 $0x7, v3;
	v4 =	vand.u32 $0xFFFFFFC0, v63  }
0x73: {  	v3 =	vor.u32 v3, v4  }
0x74: {  	v4 =	vperm.xlane v3, v0;
	_ =	sdelay $0x1  }
0x75: {  	v4 =	vadd.s32 v1, v4;
	_ =	sdelay $0x4  }
0x76: {  	[tilespmem:s22], [sflag:$0x2] =	stream.indirect_vreg.gather [hbm4b:s2+s4], $0x80, v4, vm0, $0xb8;
	[tilespmem:$0xF100] =	vst v63  }
0x77: {  	v3 =	vperm.xlane v3, v2  }
0x78: {  	[tilespmem:s23], [sflag:$0x2] =	stream.indirect_vreg.gather [hbm4b:s5+s4], $0x80, v4, vm0, $0xb8;
	[tilespmem:$0xF100] =	vst v63  }
0x79: {  	v3 =	vadd.s32 v1, v3  }
0x7a: {  	[tilespmem:s24], [sflag:$0x2] =	stream.indirect_vreg.gather [hbm4b:s6+s4], $0x80, v4, vm0, $0xb8;
	[tilespmem:$0xF100] =	vst v63  }
0x7b: {  	_ = 	snop  }
0x7c: {  	[tilespmem:s25], [sflag:$0x2] =	stream.indirect_vreg.gather [hbm4b:s7+s4], $0x80, v4, vm0, $0xb8;
	[tilespmem:$0xF100] =	vst v63  }
0x7d: {  	_ = 	snop  }
0x7e: {  	[tilespmem:s26], [sflag:$0x2] =	stream.indirect_vreg.gather [hbm4b:s2+s4], $0x80, v3, vm0, $0xb8;
	[tilespmem:$0xF100] =	vst v63  }
0x7f: {  	_ = 	snop  }
0x80: {  	[tilespmem:s28], [sflag:$0x2] =	stream.indirect_vreg.gather [hbm4b:s5+s4], $0x80, v3, vm0, $0xb8;
	[tilespmem:$0xF100] =	vst v63  }
0x81: {  	_ = 	snop  }
0x82: {  	[tilespmem:s29], [sflag:$0x2] =	stream.indirect_vreg.gather [hbm4b:s6+s4], $0x80, v3, vm0, $0xb8;
	[tilespmem:$0xF100] =	vst v63  }
0x83: {  	_ = 	snop  }
0x84: {  	[tilespmem:s30], [sflag:$0x2] =	stream.indirect_vreg.gather [hbm4b:s7+s4], $0x80, v3, vm0, $0xb8;
	[tilespmem:$0xF100] =	vst v63  }
0x85: {  	_ =	swait.ge [sflag:s31], $0x3000  }
0x86: {  	[sflag:s31] =	ssyncset.done $0x0  }
0x87: {  	s12 =	rddreg [dreg:$0x8];
	[sflag:s31] =	ssyncadd.s32 $0xFFFFD000  }
0x88: {  	[hbm4b:s12+s4] =	stream.linear.scatter [tilespmem:s10], [sflag:$0x3], $0x3000, $0x38;
	[tilespmem:$0xF100] =	vst v63  }
0x89: {  	_ =	swait.ge [sflag:s9], $0x3000  }
0x8a: {  	[sflag:s9] =	ssyncset.done $0x0  }
0x8b: {  	[sflag:s9] =	ssyncadd.s32 $0xFFFFD000  }
0x8c: {  	_ =	swait.ge [sflag:s3], $0xC000  }
0x8d: {  	p0 =	sne.s32 s8, $0x1;
	[sflag:s3] =	ssyncset.done $0x0  }
.Ltmp0:
0x8e: {  	s12 =	rddreg [dreg:$0x9];
	[sflag:s3] =	ssyncadd.s32 $0xFFFF4000;
	(pc) =	sbr.rel @p0 .LBB2_1-.Ltmp0, $4  }
0x8f: {  	[hbm4b:s12+s4] =	stream.linear.scatter [tilespmem:s11], [sflag:$0x3], $0xC000, $0x38;
	[tilespmem:$0xF100] =	vst v63  }
0x90: {  	_ =	swait.ge [sflag:s9], $0xC000  }
0x91: {  	[sflag:s9] =	ssyncset.done $0x0  }
0x92: {  	s8 =	sadd.s32 $0xFFFFFFFF, s8;
	[sflag:s9] =	ssyncadd.s32 $0xFFFF4000  }
0x93: {  	_ =	sfence.sel $0x180000  }
0x94: {  	[bflag:$0x0] =	sbarrier.arrive $0xFFFF  }
0x95: {  	_ =	strace $0x90000047  }
0x96: {  	s0 =	stileid.u32;
	[bflag:$0x2] =	sbarrier.arrive $0xFFFF  }
0x97: {  	p0 =	sne.s32 s0, $0x0;
	s0 =	rddreg [dreg:$0x5]  }
0x98: {  	s0 =	sadd.s32 @!p0 $0x100000, s0  }
0x99: {  	[sflag:s0] =	ssyncadd.tile.s32 @!p0 $0x1;
	_ =	shalt  }
.Lfunc_end2:
_tile_overlayer_lowered:
.L_overlay_start_2:
0x9a: {  	(tag) =	ssettag $0x2  }
0x9b: {  	s0 =	rddreg [dreg:$0x0];
	s2 =	stileid.u32  }
0x9c: {  	s1 =	rddreg [dreg:$0x1];
	p0 =	sne.s32 s2, $0x0  }
0x9d: {  	s3 =	rddreg [dreg:$0x2];
	[bflag:$0x3] =	sbarrier.arrive $0xFFFF;
	s2 =	simm.s32 @!p0 $0x1C03  }
0x9e: {  	[timem:s3], [sflag:s2] =	dma.local @!p0 [hbm:s0], s1  }
0x9f: {  	s0 =	simm.s32 @!p0 $0x3  }
0xa0: {  	_ =	swait.ge @!p0 [sflag:s0], s1  }
0xa1: {  	s1 =	ssub.s32 @!p0 $0x0, s1;
	[sflag:s0] =	ssyncset.done @!p0 $0x0  }
0xa2: {  	[sflag:s0] =	ssyncadd.s32 @!p0 s1  }
0xa3: {  	[bflag:$0x3] =	sbarrier.arrive $0xFFFF  }
0xa4: {  	_ =	shalt  }

</sc_bundles>
